<compile_context>
chip_gen: v7x
topology: tpu7x:2x2x1
jax: 0.10.2.dev20260603
libtpu: 0.0.44.dev20260713+nightly
codegen_flags: <defaults>
</compile_context>

<pallas_src>
import functools

import jax
import jax.numpy as jnp
from jax import lax
from jax.experimental import pallas as pl
from jax.experimental.pallas import tpu as pltpu
from jax.experimental.pallas import tpu_sc as plsc

_N = 10000
_E = 320000
_D = 128
_H = 16
_G = 64
_CLS = 2

_NC = 2
_NS = 16
_L = 16

_N_ACC = 10112
_ACC_PER_SUB = _N_ACC // _NS
_E_CHUNK = 128
_N_CHUNKS = _E // _E_CHUNK
_CHUNK_BASE = _N_CHUNKS // (_NC * _NS)
_CHUNK_EXTRA = _N_CHUNKS - _CHUNK_BASE * _NC * _NS
_MAX_CHUNKS = _CHUNK_BASE + 1
_TRIPS = (_MAX_CHUNKS + 7) // 8

_N_VIEW = _N_ACC // 8
_BRV = 632
_BRL = _BRV * 8
_TC_GRID = _N_VIEW // _BRV

_NBUF = 8
_GLEAD = 4


def _sc_mesh():
    return plsc.VectorSubcoreMesh(core_axis_name="c", subcore_axis_name="s")


def _tile_chunks(gtile):
    n = jnp.where(gtile < _CHUNK_EXTRA, _CHUNK_BASE + 1, _CHUNK_BASE)
    base = gtile * _CHUNK_BASE + jnp.minimum(gtile, _CHUNK_EXTRA)
    return n, base


def _fill(ref, rows, value):
    def body(i, carry):
        ref[i] = jnp.full((_L,), value, jnp.float32)
        return carry

    lax.fori_loop(0, rows, body, 0)


def _acc_writeback(acc, out0, out1, c, s):
    sl = pl.ds(s * _ACC_PER_SUB, _ACC_PER_SUB)

    @pl.when(c == 0)
    def _w0():
        pltpu.sync_copy(acc.at[sl], out0.at[sl])

    @pl.when(c == 1)
    def _w1():
        pltpu.sync_copy(acc.at[sl], out1.at[sl])


def _stage_indices(ei_hbm, row, base, n_chunks, idx_v):
    @pl.when(n_chunks == _CHUNK_BASE)
    def _cp_base():
        pltpu.sync_copy(
            ei_hbm.at[row, pl.ds(base * _E_CHUNK, _CHUNK_BASE * _E_CHUNK)],
            idx_v.at[pl.ds(0, _CHUNK_BASE * _E_CHUNK)],
        )

    @pl.when(n_chunks == _MAX_CHUNKS)
    def _cp_extra():
        pltpu.sync_copy(
            ei_hbm.at[row, pl.ds(base * _E_CHUNK, _MAX_CHUNKS * _E_CHUNK)],
            idx_v.at[pl.ds(0, _MAX_CHUNKS * _E_CHUNK)],
        )


@functools.cache
def _make_deg_kernel():
    @functools.partial(
        pl.kernel,
        out_type=(
            jax.ShapeDtypeStruct((_N_ACC, _L), jnp.float32),
            jax.ShapeDtypeStruct((_N_ACC, _L), jnp.float32),
        ),
        mesh=_sc_mesh(),
        scratch_types=[
            pltpu.VMEM((_MAX_CHUNKS * _E_CHUNK,), jnp.int32),
            pltpu.VMEM((_E_CHUNK, _L), jnp.float32),
            pltpu.VMEM((_ACC_PER_SUB, _L), jnp.float32),
            pltpu.SemaphoreType.DMA,
            pltpu.VMEM_SHARED((_N_ACC, _L), jnp.float32),
        ],
        compiler_params=pltpu.CompilerParams(use_tc_tiling_on_sc=False),
    )
    def deg_kernel(ei_hbm, out0, out1, dst_v, ones_v, zeros_v, sem, acc):
        c = lax.axis_index("c")
        s = lax.axis_index("s")
        gtile = c * _NS + s
        n_chunks, base = _tile_chunks(gtile)
        _stage_indices(ei_hbm, 1, base, n_chunks, dst_v)
        _fill(ones_v, _E_CHUNK, 1.0)
        _fill(zeros_v, _ACC_PER_SUB, 0.0)
        pltpu.sync_copy(zeros_v, acc.at[pl.ds(s * _ACC_PER_SUB, _ACC_PER_SUB)])
        plsc.subcore_barrier()

        def body(j, carry):
            pltpu.async_copy(ones_v, acc.at[dst_v.at[pl.ds(j * _E_CHUNK, _E_CHUNK)]],
                             sem, add=True)
            return carry

        lax.fori_loop(0, n_chunks, body, 0)

        def drain(j, carry):
            pltpu.make_async_copy(ones_v, acc.at[dst_v.at[pl.ds(0, _E_CHUNK)]],
                                  sem).wait()
            return carry

        lax.fori_loop(0, n_chunks, drain, 0)
        plsc.subcore_barrier()
        _acc_writeback(acc, out0, out1, c, s)

    return deg_kernel


def _deg_kernel(edge_index):
    return _make_deg_kernel()(edge_index)


@functools.cache
def _make_edge_kernel():
    @functools.partial(
        pl.kernel,
        out_type=(
            jax.ShapeDtypeStruct((_N_ACC, _L), jnp.float32),
            jax.ShapeDtypeStruct((_N_ACC, _L), jnp.float32),
        ),
        mesh=_sc_mesh(),
        scratch_types=[
            pltpu.VMEM((_MAX_CHUNKS * _E_CHUNK,), jnp.int32),
            pltpu.VMEM((_MAX_CHUNKS * _E_CHUNK,), jnp.int32),
            pltpu.VMEM((_NBUF, _E_CHUNK, _L), jnp.float32),
            pltpu.VMEM((_ACC_PER_SUB, _L), jnp.float32),
        ]
        + [pltpu.SemaphoreType.DMA] * (2 * _NBUF)
        + [
            pltpu.VMEM_SHARED((_N_ACC, _L), jnp.float32),
            pltpu.VMEM_SHARED((_N_ACC, _L), jnp.float32),
        ],
        compiler_params=pltpu.CompilerParams(use_tc_tiling_on_sc=False),
    )
    def edge_kernel(ei_hbm, rows_hbm, out0, out1,
                    src_v, dst_v, rows_v, zeros_v,
                    g0, g1, g2, g3, g4, g5, g6, g7,
                    s0, s1, s2, s3, s4, s5, s6, s7,
                    acc, hn_s):
        gsems = (g0, g1, g2, g3, g4, g5, g6, g7)
        ssems = (s0, s1, s2, s3, s4, s5, s6, s7)
        c = lax.axis_index("c")
        s = lax.axis_index("s")
        gtile = c * _NS + s
        n_chunks, base = _tile_chunks(gtile)
        _stage_indices(ei_hbm, 0, base, n_chunks, src_v)
        _stage_indices(ei_hbm, 1, base, n_chunks, dst_v)
        _fill(zeros_v, _ACC_PER_SUB, 0.0)
        pltpu.sync_copy(zeros_v, acc.at[pl.ds(s * _ACC_PER_SUB, _ACC_PER_SUB)])
        stg = pl.ds(s * _ACC_PER_SUB, _ACC_PER_SUB)
        pltpu.sync_copy(rows_hbm.at[stg], hn_s.at[stg])
        plsc.subcore_barrier()

        def _sidx(j):
            return src_v.at[pl.ds(j * _E_CHUNK, _E_CHUNK)]

        def _didx(j):
            return dst_v.at[pl.ds(j * _E_CHUNK, _E_CHUNK)]

        for b in range(_GLEAD):
            pltpu.async_copy(hn_s.at[_sidx(b)], rows_v.at[b], gsems[b])

        def body(g, carry):
            for u in range(_NBUF):
                j = g * _NBUF + u

                @pl.when(j < n_chunks)
                def _slot():
                    pltpu.make_async_copy(hn_s.at[_sidx(j)], rows_v.at[u],
                                          gsems[u]).wait()
                    pltpu.async_copy(rows_v.at[u], acc.at[_didx(j)], ssems[u],
                                     add=True)
                    tgt = j + _GLEAD
                    tb = (u + _GLEAD) % _NBUF

                    @pl.when(tgt < n_chunks)
                    def _prefetch():
                        @pl.when(tgt >= _NBUF)
                        def _drain_prev():
                            pltpu.make_async_copy(rows_v.at[tb],
                                                  acc.at[_didx(0)],
                                                  ssems[tb]).wait()

                        pltpu.async_copy(hn_s.at[_sidx(tgt)], rows_v.at[tb],
                                         gsems[tb])

            return carry

        lax.fori_loop(0, _TRIPS, body, 0)
        for b in range(_NBUF):
            pltpu.make_async_copy(rows_v.at[b], acc.at[_didx(0)],
                                  ssems[b]).wait()
        plsc.subcore_barrier()
        _acc_writeback(acc, out0, out1, c, s)

    return edge_kernel


def _edge_kernel(edge_index, rows):
    return _make_edge_kernel()(edge_index, rows)


def _dense1_body(xv_ref, w1v_ref, d0_ref, d1_ref, hn_ref, dis_ref):
    hv = jnp.dot(xv_ref[...], w1v_ref[...], preferred_element_type=jnp.float32)
    deg = d0_ref[...] + d1_ref[...] + 1.0
    dis = lax.rsqrt(deg)
    dis_ref[...] = dis
    hn_ref[...] = hv * dis


def _dense1(xv, W1v, d0v, d1v):
    return pl.pallas_call(
        _dense1_body,
        grid=(_TC_GRID,),
        in_specs=[
            pl.BlockSpec((_BRV, 8 * _D), lambda i: (i, 0)),
            pl.BlockSpec((8 * _D, 8 * _H), lambda i: (0, 0)),
            pl.BlockSpec((_BRV, 8 * _L), lambda i: (i, 0)),
            pl.BlockSpec((_BRV, 8 * _L), lambda i: (i, 0)),
        ],
        out_specs=[
            pl.BlockSpec((_BRV, 8 * _H), lambda i: (i, 0)),
            pl.BlockSpec((_BRV, 8 * _L), lambda i: (i, 0)),
        ],
        out_shape=[
            jax.ShapeDtypeStruct((_N_VIEW, 8 * _H), jnp.float32),
            jax.ShapeDtypeStruct((_N_VIEW, 8 * _L), jnp.float32),
        ],
    )(xv, W1v, d0v, d1v)


def _dense2_body(a0_ref, a1_ref, hn1_ref, dis_ref, b1_ref, w2v_ref, hn2_ref):
    pre = (a0_ref[...] + a1_ref[...] + hn1_ref[...]) * dis_ref[...] + b1_ref[...]
    a = jnp.maximum(pre, 0.0)
    h2v = jnp.dot(a, w2v_ref[...], preferred_element_type=jnp.float32)
    hn2_ref[...] = h2v * dis_ref[...]


def _dense2(a0v, a1v, hn1v, disv, b1v, W2v):
    return pl.pallas_call(
        _dense2_body,
        grid=(_TC_GRID,),
        in_specs=[
            pl.BlockSpec((_BRV, 8 * _L), lambda i: (i, 0)),
            pl.BlockSpec((_BRV, 8 * _L), lambda i: (i, 0)),
            pl.BlockSpec((_BRV, 8 * _H), lambda i: (i, 0)),
            pl.BlockSpec((_BRV, 8 * _L), lambda i: (i, 0)),
            pl.BlockSpec((1, 8 * _H), lambda i: (0, 0)),
            pl.BlockSpec((8 * _H, 8 * _H), lambda i: (0, 0)),
        ],
        out_specs=pl.BlockSpec((_BRV, 8 * _H), lambda i: (i, 0)),
        out_shape=jax.ShapeDtypeStruct((_N_VIEW, 8 * _H), jnp.float32),
    )(a0v, a1v, hn1v, disv, b1v, W2v)


def _final_body(a0_ref, a1_ref, hn2_ref, dis_ref, b2_ref, batch_ref, wc_ref,
                bc_ref, out_ref, psum, pcnt):
    i = pl.program_id(0)

    @pl.when(i == 0)
    def _init():
        psum[...] = jnp.zeros_like(psum)
        pcnt[...] = jnp.zeros_like(pcnt)

    out2v = (a0_ref[...] + a1_ref[...] + hn2_ref[...]) * dis_ref[...] + b2_ref[...]
    b = batch_ref[...]
    iota_g = lax.broadcasted_iota(jnp.int32, (1, _G), 1)
    acc_s = psum[...]
    acc_c = pcnt[...]
    ones16 = jnp.ones((_BRV, _H), jnp.float32)
    for k in range(8):
        onehot = (b[:, k:k + 1] == iota_g).astype(jnp.float32)
        sl = out2v[:, k * _H:(k + 1) * _H]
        acc_s += lax.dot_general(onehot, sl, (((0,), (0,)), ((), ())),
                                 preferred_element_type=jnp.float32)
        acc_c += lax.dot_general(onehot, ones16, (((0,), (0,)), ((), ())),
                                 preferred_element_type=jnp.float32)
    psum[...] = acc_s
    pcnt[...] = acc_c

    @pl.when(i == _TC_GRID - 1)
    def _finish():
        pooled = psum[...] / jnp.maximum(pcnt[...], 1.0)
        logits = jnp.dot(pooled, wc_ref[...], preferred_element_type=jnp.float32)
        logits = logits + bc_ref[...]
        m = jnp.max(logits, axis=1, keepdims=True)
        e = jnp.exp(logits - m)
        lse = m + jnp.log(jnp.sum(e, axis=1, keepdims=True))
        out_ref[...] = logits - lse


def _final(a0v, a1v, hn2v, disv, b2v, batchv, Wc, bc):
    return pl.pallas_call(
        _final_body,
        grid=(_TC_GRID,),
        in_specs=[
            pl.BlockSpec((_BRV, 8 * _L), lambda i: (i, 0)),
            pl.BlockSpec((_BRV, 8 * _L), lambda i: (i, 0)),
            pl.BlockSpec((_BRV, 8 * _H), lambda i: (i, 0)),
            pl.BlockSpec((_BRV, 8 * _L), lambda i: (i, 0)),
            pl.BlockSpec((1, 8 * _H), lambda i: (0, 0)),
            pl.BlockSpec((_BRV, 8), lambda i: (i, 0)),
            pl.BlockSpec((_H, _CLS), lambda i: (0, 0)),
            pl.BlockSpec((1, _CLS), lambda i: (0, 0)),
        ],
        out_specs=pl.BlockSpec((_G, _CLS), lambda i: (0, 0)),
        out_shape=jax.ShapeDtypeStruct((_G, _CLS), jnp.float32),
        scratch_shapes=[
            pltpu.VMEM((_G, _H), jnp.float32),
            pltpu.VMEM((_G, _H), jnp.float32),
        ],
    )(a0v, a1v, hn2v, disv, b2v, batchv, Wc, bc)


def _view(p):
    return p.reshape(_N_VIEW, 8 * _L)


def _blockdiag8(W):
    k, m = W.shape
    mask = (jnp.arange(8 * k)[:, None] // k) == (jnp.arange(8 * m)[None, :] // m)
    return jnp.where(mask, jnp.tile(W, (8, 8)), 0.0)


def kernel(x, edge_index, batch, W1, b1, W2, b2, Wc, bc):
    ei = edge_index.astype(jnp.int32)
    d0, d1 = _deg_kernel(ei)

    xv = jnp.concatenate(
        [x, jnp.zeros((_N_ACC - _N, _D), jnp.float32)]).reshape(_N_VIEW, 8 * _D)
    batchv = jnp.concatenate(
        [batch.astype(jnp.int32), jnp.full((_N_ACC - _N,), _G, jnp.int32)]
    ).reshape(_N_VIEW, 8)
    b1v = jnp.tile(b1, 8).reshape(1, 8 * _H)
    b2v = jnp.tile(b2, 8).reshape(1, 8 * _H)
    W1v = _blockdiag8(W1)
    W2v = _blockdiag8(W2)
    hn1v, disv = _dense1(xv, W1v, _view(d0), _view(d1))
    a0, a1 = _edge_kernel(ei, hn1v.reshape(_N_ACC, _L))
    hn2v = _dense2(_view(a0), _view(a1), hn1v, disv, b1v, W2v)
    c0, c1 = _edge_kernel(ei, hn2v.reshape(_N_ACC, _L))
    return _final(_view(c0), _view(c1), hn2v, disv, b2v, batchv, Wc,
                  bc.reshape(1, _CLS))

# --- scband reference (transcript-rebuilt; emitter-appended) ---
"""Pipeline reference for scband-gcn-7078106104105 (READ-ONLY COPY).

The authoritative reference and input builder live on the scoring server;
editing this copy changes nothing except your own understanding.
"""

import jax, jax.numpy as jnp
import numpy as np

N_NODES = 10000
N_EDGES = 320000
D_FEAT = 128
HIDDEN = 16
NUM_CLASSES = 2
NUM_GRAPHS = 64


def glorot(key, shape):
    fan_in, fan_out = shape[0], shape[1]
    limit = float(np.sqrt(6.0 / (fan_in + fan_out)))
    return jax.random.uniform(key, shape, dtype=jnp.float32, minval=-limit, maxval=limit)


def setup_inputs(seed: int = 0) -> dict:
    key = jax.random.key(seed)
    ks = jax.random.split(key, 10)
    x = jax.random.normal(ks[0], (N_NODES, D_FEAT), dtype=jnp.float32)
    edge_index = jax.random.randint(ks[1], (2, N_EDGES), 0, N_NODES, dtype=jnp.int64 if jax.config.jax_enable_x64 else jnp.int32).astype(jnp.int32)
    batch = jnp.sort(jax.random.randint(ks[2], (N_NODES,), 0, NUM_GRAPHS)).astype(jnp.int32)
    W1 = glorot(ks[3], (D_FEAT, HIDDEN))
    b1 = jnp.zeros((HIDDEN,), dtype=jnp.float32)
    W2 = glorot(ks[4], (HIDDEN, HIDDEN))
    b2 = jnp.zeros((HIDDEN,), dtype=jnp.float32)
    Wc = glorot(ks[5], (HIDDEN, NUM_CLASSES))
    bc = jnp.zeros((NUM_CLASSES,), dtype=jnp.float32)
    return {"x": x, "edge_index": edge_index, "batch": batch, "W1": W1, "b1": b1, "W2": W2, "b2": b2, "Wc": Wc, "bc": bc}


def gcn_conv(x, edge_index, W, b, num_nodes):
    # GCNConv: x' = D^{-1/2} (A + I) D^{-1/2} X W + b
    src = edge_index[0]
    dst = edge_index[1]
    loop = jnp.arange(num_nodes, dtype=src.dtype)
    src = jnp.concatenate([src, loop])
    dst = jnp.concatenate([dst, loop])
    deg = jax.ops.segment_sum(jnp.ones_like(dst, dtype=x.dtype), dst, num_segments=num_nodes)
    dis = jnp.where(deg > 0, jax.lax.rsqrt(jnp.maximum(deg, 1e-12)), 0.0)
    norm = dis[src] * dis[dst]
    h = x @ W
    msg = jnp.take(h, src, axis=0) * norm[:, None]
    out = jax.ops.segment_sum(msg, dst, num_segments=num_nodes)
    return out + b


def reference(x, edge_index, batch, W1, b1, W2, b2, Wc, bc):
    n = x.shape[0]
    h = gcn_conv(x, edge_index, W1, b1, n)
    h = jax.nn.relu(h)
    # dropout is identity in eval mode (training=False)
    h = gcn_conv(h, edge_index, W2, b2, n)
    # global_mean_pool over batch assignment
    sums = jax.ops.segment_sum(h, batch, num_segments=NUM_GRAPHS)
    counts = jax.ops.segment_sum(jnp.ones((n,), dtype=h.dtype), batch, num_segments=NUM_GRAPHS)
    pooled = sums / jnp.maximum(counts, 1.0)[:, None]
    logits = pooled @ Wc + bc
    return jax.nn.log_softmax(logits, axis=1)

if __name__ == "__main__":
    import jax
    _d = setup_inputs()
    print(jax.jit(kernel)(*tuple(_d.values())))

</pallas_src>

<mosaic_0001>
#map = affine_map<(d0, d1) -> (0, 0)>
module attributes {stable_mosaic.version = 14 : i64} {
  func.func @edge_kernel(%arg0: i32, %arg1: i32, %arg2: memref<2x320000xi32, #tpu.memory_space<hbm>>, %arg3: memref<10112x16xf32, #tpu.memory_space<hbm>>, %arg4: memref<10112x16xf32, #tpu.memory_space<hbm>>, %arg5: memref<10112x16xf32, #tpu.memory_space<hbm>>, %arg6: memref<10112xi32, #tpu.memory_space<vmem>>, %arg7: memref<10112xi32, #tpu.memory_space<vmem>>, %arg8: memref<8x128x16xf32, #tpu.memory_space<vmem>>, %arg9: memref<632x16xf32, #tpu.memory_space<vmem>>, %arg10: memref<!tpu.dma_semaphore, #tpu.memory_space<semaphore_mem>>, %arg11: memref<!tpu.dma_semaphore, #tpu.memory_space<semaphore_mem>>, %arg12: memref<!tpu.dma_semaphore, #tpu.memory_space<semaphore_mem>>, %arg13: memref<!tpu.dma_semaphore, #tpu.memory_space<semaphore_mem>>, %arg14: memref<!tpu.dma_semaphore, #tpu.memory_space<semaphore_mem>>, %arg15: memref<!tpu.dma_semaphore, #tpu.memory_space<semaphore_mem>>, %arg16: memref<!tpu.dma_semaphore, #tpu.memory_space<semaphore_mem>>, %arg17: memref<!tpu.dma_semaphore, #tpu.memory_space<semaphore_mem>>, %arg18: memref<!tpu.dma_semaphore, #tpu.memory_space<semaphore_mem>>, %arg19: memref<!tpu.dma_semaphore, #tpu.memory_space<semaphore_mem>>, %arg20: memref<!tpu.dma_semaphore, #tpu.memory_space<semaphore_mem>>, %arg21: memref<!tpu.dma_semaphore, #tpu.memory_space<semaphore_mem>>, %arg22: memref<!tpu.dma_semaphore, #tpu.memory_space<semaphore_mem>>, %arg23: memref<!tpu.dma_semaphore, #tpu.memory_space<semaphore_mem>>, %arg24: memref<!tpu.dma_semaphore, #tpu.memory_space<semaphore_mem>>, %arg25: memref<!tpu.dma_semaphore, #tpu.memory_space<semaphore_mem>>, %arg26: memref<10112x16xf32, #tpu.memory_space<vmem_shared>>, %arg27: memref<10112x16xf32, #tpu.memory_space<vmem_shared>>) attributes {dimension_semantics = [#tpu.dimension_semantics<core_parallel>, #tpu.dimension_semantics<subcore_parallel>], iteration_bounds = array<i64: 2, 16>, scalar_prefetch = 0 : i64, scratch_operands = 22 : i64, tpu.core_type = #tpu.core_type<sc_vector_subcore>, window_params = [{transform_indices = #map}, {transform_indices = #map}, {transform_indices = #map}, {transform_indices = #map}]} {
    %mul3A = arith.constant 16 : i32
    %mul3A_0 = arith.muli %arg0, %mul3A : i32
    %add3A = arith.addi %mul3A_0, %arg1 : i32
    %lt3A = arith.constant 4 : i32
    %lt3A_1 = arith.cmpi slt, %add3A, %lt3A : i32
    %jit3A = arith.constant 79 : i32
    %jit3A_2 = arith.constant 78 : i32
    %select_n3A = arith.select %lt3A_1, %jit3A, %jit3A_2 : i32
    %mul3A_3 = arith.constant 78 : i32
    %mul3A_4 = arith.muli %add3A, %mul3A_3 : i32
    %min3A = arith.constant 4 : i32
    %min3A_5 = arith.minsi %add3A, %min3A : i32
    %add3A_6 = arith.addi %mul3A_4, %min3A_5 : i32
    %eq3A = arith.constant 78 : i32
    %eq3A_7 = arith.cmpi eq, %select_n3A, %eq3A : i32
    %convert_element_type3A = arith.extui %eq3A_7 : i1 to i32
    %cond3A = arith.constant 0 : i32
    %cond3A_8 = arith.cmpi ne, %convert_element_type3A, %cond3A : i32
    scf.if %cond3A_8 {
      %mul3A_170 = arith.constant 128 : i32
      %mul3A_171 = arith.muli %add3A_6, %mul3A_170 : i32
      %run_scoped3A = arith.constant 0 : i32
      "tpu.region"() ({
        %run_scoped3A_172 = tpu.sem_alloc : memref<!tpu.dma_semaphore, #tpu.memory_space<semaphore_mem>>
        %dma_start3A_173 = arith.constant 0 : i32
        %dma_start3A_174 = tpu.memref_slice %arg6[%dma_start3A_173] : memref<10112xi32, #tpu.memory_space<vmem>> -> memref<9984xi32, #tpu.memory_space<vmem>>
        %dma_start3A_175 = tpu.memref_slice %arg2[%run_scoped3A, %mul3A_171] : memref<2x320000xi32, #tpu.memory_space<hbm>> -> memref<1x9984xi32, #tpu.memory_space<hbm>>
        %dma_start3A_176 = tpu.memref_squeeze %dma_start3A_175 : memref<1x9984xi32, #tpu.memory_space<hbm>> -> memref<9984xi32, #tpu.memory_space<hbm>>
        %dma_start3A_177 = arith.constant 0 : i32
        %dma_start3A_178 = tpu.memref_slice %arg6[%dma_start3A_177] : memref<10112xi32, #tpu.memory_space<vmem>> -> memref<9984xi32, #tpu.memory_space<vmem>>
        %dma_start3A_179 = tpu.memref_slice %arg2[%run_scoped3A, %mul3A_171] : memref<2x320000xi32, #tpu.memory_space<hbm>> -> memref<1x9984xi32, #tpu.memory_space<hbm>>
        %dma_start3A_180 = tpu.memref_squeeze %dma_start3A_179 : memref<1x9984xi32, #tpu.memory_space<hbm>> -> memref<9984xi32, #tpu.memory_space<hbm>>
        tpu.enqueue_dma source(%dma_start3A_180 : memref<9984xi32, #tpu.memory_space<hbm>>) target(%dma_start3A_178 : memref<9984xi32, #tpu.memory_space<vmem>>) target_semaphore(%run_scoped3A_172 : memref<!tpu.dma_semaphore, #tpu.memory_space<semaphore_mem>>)
        %dma_wait3A_181 = arith.constant 0 : i32
        %dma_wait3A_182 = tpu.memref_slice %arg6[%dma_wait3A_181] : memref<10112xi32, #tpu.memory_space<vmem>> -> memref<9984xi32, #tpu.memory_space<vmem>>
        %dma_wait3A_183 = tpu.memref_slice %arg2[%run_scoped3A, %mul3A_171] : memref<2x320000xi32, #tpu.memory_space<hbm>> -> memref<1x9984xi32, #tpu.memory_space<hbm>>
        %dma_wait3A_184 = tpu.memref_squeeze %dma_wait3A_183 : memref<1x9984xi32, #tpu.memory_space<hbm>> -> memref<9984xi32, #tpu.memory_space<hbm>>
        %dma_wait3A_185 = arith.constant 0 : i32
        %dma_wait3A_186 = tpu.memref_slice %arg6[%dma_wait3A_185] : memref<10112xi32, #tpu.memory_space<vmem>> -> memref<9984xi32, #tpu.memory_space<vmem>>
        %dma_wait3A_187 = tpu.memref_slice %arg2[%run_scoped3A, %mul3A_171] : memref<2x320000xi32, #tpu.memory_space<hbm>> -> memref<1x9984xi32, #tpu.memory_space<hbm>>
        %dma_wait3A_188 = tpu.memref_squeeze %dma_wait3A_187 : memref<1x9984xi32, #tpu.memory_space<hbm>> -> memref<9984xi32, #tpu.memory_space<hbm>>
        tpu.wait_dma2 semaphore(%run_scoped3A_172 : memref<!tpu.dma_semaphore, #tpu.memory_space<semaphore_mem>>) src(%dma_wait3A_188 : memref<9984xi32, #tpu.memory_space<hbm>>) dst(%dma_wait3A_186 : memref<9984xi32, #tpu.memory_space<vmem>>)
        tpu.yield
      }) : () -> ()
    } else {
    }
    %eq3A_9 = arith.constant 79 : i32
    %eq3A_10 = arith.cmpi eq, %select_n3A, %eq3A_9 : i32
    %convert_element_type3A_11 = arith.extui %eq3A_10 : i1 to i32
    %cond3A_12 = arith.constant 0 : i32
    %cond3A_13 = arith.cmpi ne, %convert_element_type3A_11, %cond3A_12 : i32
    scf.if %cond3A_13 {
      %mul3A_170 = arith.constant 128 : i32
      %mul3A_171 = arith.muli %add3A_6, %mul3A_170 : i32
      %run_scoped3A = arith.constant 0 : i32
      "tpu.region"() ({
        %run_scoped3A_172 = tpu.sem_alloc : memref<!tpu.dma_semaphore, #tpu.memory_space<semaphore_mem>>
        %dma_start3A_173 = arith.constant 0 : i32
        %dma_start3A_174 = tpu.memref_slice %arg6[%dma_start3A_173] : memref<10112xi32, #tpu.memory_space<vmem>> -> memref<10112xi32, #tpu.memory_space<vmem>>
        %dma_start3A_175 = tpu.memref_slice %arg2[%run_scoped3A, %mul3A_171] : memref<2x320000xi32, #tpu.memory_space<hbm>> -> memref<1x10112xi32, #tpu.memory_space<hbm>>
        %dma_start3A_176 = tpu.memref_squeeze %dma_start3A_175 : memref<1x10112xi32, #tpu.memory_space<hbm>> -> memref<10112xi32, #tpu.memory_space<hbm>>
        %dma_start3A_177 = arith.constant 0 : i32
        %dma_start3A_178 = tpu.memref_slice %arg6[%dma_start3A_177] : memref<10112xi32, #tpu.memory_space<vmem>> -> memref<10112xi32, #tpu.memory_space<vmem>>
        %dma_start3A_179 = tpu.memref_slice %arg2[%run_scoped3A, %mul3A_171] : memref<2x320000xi32, #tpu.memory_space<hbm>> -> memref<1x10112xi32, #tpu.memory_space<hbm>>
        %dma_start3A_180 = tpu.memref_squeeze %dma_start3A_179 : memref<1x10112xi32, #tpu.memory_space<hbm>> -> memref<10112xi32, #tpu.memory_space<hbm>>
        tpu.enqueue_dma source(%dma_start3A_180 : memref<10112xi32, #tpu.memory_space<hbm>>) target(%dma_start3A_178 : memref<10112xi32, #tpu.memory_space<vmem>>) target_semaphore(%run_scoped3A_172 : memref<!tpu.dma_semaphore, #tpu.memory_space<semaphore_mem>>)
        %dma_wait3A_181 = arith.constant 0 : i32
        %dma_wait3A_182 = tpu.memref_slice %arg6[%dma_wait3A_181] : memref<10112xi32, #tpu.memory_space<vmem>> -> memref<10112xi32, #tpu.memory_space<vmem>>
        %dma_wait3A_183 = tpu.memref_slice %arg2[%run_scoped3A, %mul3A_171] : memref<2x320000xi32, #tpu.memory_space<hbm>> -> memref<1x10112xi32, #tpu.memory_space<hbm>>
        %dma_wait3A_184 = tpu.memref_squeeze %dma_wait3A_183 : memref<1x10112xi32, #tpu.memory_space<hbm>> -> memref<10112xi32, #tpu.memory_space<hbm>>
        %dma_wait3A_185 = arith.constant 0 : i32
        %dma_wait3A_186 = tpu.memref_slice %arg6[%dma_wait3A_185] : memref<10112xi32, #tpu.memory_space<vmem>> -> memref<10112xi32, #tpu.memory_space<vmem>>
        %dma_wait3A_187 = tpu.memref_slice %arg2[%run_scoped3A, %mul3A_171] : memref<2x320000xi32, #tpu.memory_space<hbm>> -> memref<1x10112xi32, #tpu.memory_space<hbm>>
        %dma_wait3A_188 = tpu.memref_squeeze %dma_wait3A_187 : memref<1x10112xi32, #tpu.memory_space<hbm>> -> memref<10112xi32, #tpu.memory_space<hbm>>
        tpu.wait_dma2 semaphore(%run_scoped3A_172 : memref<!tpu.dma_semaphore, #tpu.memory_space<semaphore_mem>>) src(%dma_wait3A_188 : memref<10112xi32, #tpu.memory_space<hbm>>) dst(%dma_wait3A_186 : memref<10112xi32, #tpu.memory_space<vmem>>)
        tpu.yield
      }) : () -> ()
    } else {
    }
    %eq3A_14 = arith.constant 78 : i32
    %eq3A_15 = arith.cmpi eq, %select_n3A, %eq3A_14 : i32
    %convert_element_type3A_16 = arith.extui %eq3A_15 : i1 to i32
    %cond3A_17 = arith.constant 0 : i32
    %cond3A_18 = arith.cmpi ne, %convert_element_type3A_16, %cond3A_17 : i32
    scf.if %cond3A_18 {
      %mul3A_170 = arith.constant 128 : i32
      %mul3A_171 = arith.muli %add3A_6, %mul3A_170 : i32
      %run_scoped3A = arith.constant 1 : i32
      "tpu.region"() ({
        %run_scoped3A_172 = tpu.sem_alloc : memref<!tpu.dma_semaphore, #tpu.memory_space<semaphore_mem>>
        %dma_start3A_173 = arith.constant 0 : i32
        %dma_start3A_174 = tpu.memref_slice %arg7[%dma_start3A_173] : memref<10112xi32, #tpu.memory_space<vmem>> -> memref<9984xi32, #tpu.memory_space<vmem>>
        %dma_start3A_175 = tpu.memref_slice %arg2[%run_scoped3A, %mul3A_171] : memref<2x320000xi32, #tpu.memory_space<hbm>> -> memref<1x9984xi32, #tpu.memory_space<hbm>>
        %dma_start3A_176 = tpu.memref_squeeze %dma_start3A_175 : memref<1x9984xi32, #tpu.memory_space<hbm>> -> memref<9984xi32, #tpu.memory_space<hbm>>
        %dma_start3A_177 = arith.constant 0 : i32
        %dma_start3A_178 = tpu.memref_slice %arg7[%dma_start3A_177] : memref<10112xi32, #tpu.memory_space<vmem>> -> memref<9984xi32, #tpu.memory_space<vmem>>
        %dma_start3A_179 = tpu.memref_slice %arg2[%run_scoped3A, %mul3A_171] : memref<2x320000xi32, #tpu.memory_space<hbm>> -> memref<1x9984xi32, #tpu.memory_space<hbm>>
        %dma_start3A_180 = tpu.memref_squeeze %dma_start3A_179 : memref<1x9984xi32, #tpu.memory_space<hbm>> -> memref<9984xi32, #tpu.memory_space<hbm>>
        tpu.enqueue_dma source(%dma_start3A_180 : memref<9984xi32, #tpu.memory_space<hbm>>) target(%dma_start3A_178 : memref<9984xi32, #tpu.memory_space<vmem>>) target_semaphore(%run_scoped3A_172 : memref<!tpu.dma_semaphore, #tpu.memory_space<semaphore_mem>>)
        %dma_wait3A_181 = arith.constant 0 : i32
        %dma_wait3A_182 = tpu.memref_slice %arg7[%dma_wait3A_181] : memref<10112xi32, #tpu.memory_space<vmem>> -> memref<9984xi32, #tpu.memory_space<vmem>>
        %dma_wait3A_183 = tpu.memref_slice %arg2[%run_scoped3A, %mul3A_171] : memref<2x320000xi32, #tpu.memory_space<hbm>> -> memref<1x9984xi32, #tpu.memory_space<hbm>>
        %dma_wait3A_184 = tpu.memref_squeeze %dma_wait3A_183 : memref<1x9984xi32, #tpu.memory_space<hbm>> -> memref<9984xi32, #tpu.memory_space<hbm>>
        %dma_wait3A_185 = arith.constant 0 : i32
        %dma_wait3A_186 = tpu.memref_slice %arg7[%dma_wait3A_185] : memref<10112xi32, #tpu.memory_space<vmem>> -> memref<9984xi32, #tpu.memory_space<vmem>>
        %dma_wait3A_187 = tpu.memref_slice %arg2[%run_scoped3A, %mul3A_171] : memref<2x320000xi32, #tpu.memory_space<hbm>> -> memref<1x9984xi32, #tpu.memory_space<hbm>>
        %dma_wait3A_188 = tpu.memref_squeeze %dma_wait3A_187 : memref<1x9984xi32, #tpu.memory_space<hbm>> -> memref<9984xi32, #tpu.memory_space<hbm>>
        tpu.wait_dma2 semaphore(%run_scoped3A_172 : memref<!tpu.dma_semaphore, #tpu.memory_space<semaphore_mem>>) src(%dma_wait3A_188 : memref<9984xi32, #tpu.memory_space<hbm>>) dst(%dma_wait3A_186 : memref<9984xi32, #tpu.memory_space<vmem>>)
        tpu.yield
      }) : () -> ()
    } else {
    }
    %eq3A_19 = arith.constant 79 : i32
    %eq3A_20 = arith.cmpi eq, %select_n3A, %eq3A_19 : i32
    %convert_element_type3A_21 = arith.extui %eq3A_20 : i1 to i32
    %cond3A_22 = arith.constant 0 : i32
    %cond3A_23 = arith.cmpi ne, %convert_element_type3A_21, %cond3A_22 : i32
    scf.if %cond3A_23 {
      %mul3A_170 = arith.constant 128 : i32
      %mul3A_171 = arith.muli %add3A_6, %mul3A_170 : i32
      %run_scoped3A = arith.constant 1 : i32
      "tpu.region"() ({
        %run_scoped3A_172 = tpu.sem_alloc : memref<!tpu.dma_semaphore, #tpu.memory_space<semaphore_mem>>
        %dma_start3A_173 = arith.constant 0 : i32
        %dma_start3A_174 = tpu.memref_slice %arg7[%dma_start3A_173] : memref<10112xi32, #tpu.memory_space<vmem>> -> memref<10112xi32, #tpu.memory_space<vmem>>
        %dma_start3A_175 = tpu.memref_slice %arg2[%run_scoped3A, %mul3A_171] : memref<2x320000xi32, #tpu.memory_space<hbm>> -> memref<1x10112xi32, #tpu.memory_space<hbm>>
        %dma_start3A_176 = tpu.memref_squeeze %dma_start3A_175 : memref<1x10112xi32, #tpu.memory_space<hbm>> -> memref<10112xi32, #tpu.memory_space<hbm>>
        %dma_start3A_177 = arith.constant 0 : i32
        %dma_start3A_178 = tpu.memref_slice %arg7[%dma_start3A_177] : memref<10112xi32, #tpu.memory_space<vmem>> -> memref<10112xi32, #tpu.memory_space<vmem>>
        %dma_start3A_179 = tpu.memref_slice %arg2[%run_scoped3A, %mul3A_171] : memref<2x320000xi32, #tpu.memory_space<hbm>> -> memref<1x10112xi32, #tpu.memory_space<hbm>>
        %dma_start3A_180 = tpu.memref_squeeze %dma_start3A_179 : memref<1x10112xi32, #tpu.memory_space<hbm>> -> memref<10112xi32, #tpu.memory_space<hbm>>
        tpu.enqueue_dma source(%dma_start3A_180 : memref<10112xi32, #tpu.memory_space<hbm>>) target(%dma_start3A_178 : memref<10112xi32, #tpu.memory_space<vmem>>) target_semaphore(%run_scoped3A_172 : memref<!tpu.dma_semaphore, #tpu.memory_space<semaphore_mem>>)
        %dma_wait3A_181 = arith.constant 0 : i32
        %dma_wait3A_182 = tpu.memref_slice %arg7[%dma_wait3A_181] : memref<10112xi32, #tpu.memory_space<vmem>> -> memref<10112xi32, #tpu.memory_space<vmem>>
        %dma_wait3A_183 = tpu.memref_slice %arg2[%run_scoped3A, %mul3A_171] : memref<2x320000xi32, #tpu.memory_space<hbm>> -> memref<1x10112xi32, #tpu.memory_space<hbm>>
        %dma_wait3A_184 = tpu.memref_squeeze %dma_wait3A_183 : memref<1x10112xi32, #tpu.memory_space<hbm>> -> memref<10112xi32, #tpu.memory_space<hbm>>
        %dma_wait3A_185 = arith.constant 0 : i32
        %dma_wait3A_186 = tpu.memref_slice %arg7[%dma_wait3A_185] : memref<10112xi32, #tpu.memory_space<vmem>> -> memref<10112xi32, #tpu.memory_space<vmem>>
        %dma_wait3A_187 = tpu.memref_slice %arg2[%run_scoped3A, %mul3A_171] : memref<2x320000xi32, #tpu.memory_space<hbm>> -> memref<1x10112xi32, #tpu.memory_space<hbm>>
        %dma_wait3A_188 = tpu.memref_squeeze %dma_wait3A_187 : memref<1x10112xi32, #tpu.memory_space<hbm>> -> memref<10112xi32, #tpu.memory_space<hbm>>
        tpu.wait_dma2 semaphore(%run_scoped3A_172 : memref<!tpu.dma_semaphore, #tpu.memory_space<semaphore_mem>>) src(%dma_wait3A_188 : memref<10112xi32, #tpu.memory_space<hbm>>) dst(%dma_wait3A_186 : memref<10112xi32, #tpu.memory_space<vmem>>)
        tpu.yield
      }) : () -> ()
    } else {
    }
    %scan3A = arith.constant 0 : i32
    %scan3A_24 = arith.constant 0 : i32
    %scan3A_25 = arith.constant 632 : i32
    %scan3A_26 = arith.addi %scan3A_24, %scan3A_25 : i32
    %scan3A_27 = arith.constant 1 : i32
    scf.for %scan3A_170 = %scan3A_24 to %scan3A_26 step %scan3A_27  : i32 {
      %broadcast_in_dim3A = arith.constant 0.000000e+00 : f32
      %broadcast_in_dim3A_171 = vector.broadcast %broadcast_in_dim3A : f32 to vector<16xf32>
      %swap3A = arith.index_cast %scan3A_170 : i32 to index
      %swap3A_172 = arith.constant 0 : index
      %swap3A_173 = tpu.vector_load %arg9[%swap3A, %swap3A_172] {strides = array<i32>} : memref<632x16xf32, #tpu.memory_space<vmem>>, vector<1x16xf32>,
      %swap3A_174 = vector.shape_cast %swap3A_173 : vector<1x16xf32> to vector<16xf32>
      %swap3A_175 = vector.shape_cast %broadcast_in_dim3A_171 : vector<16xf32> to vector<1x16xf32>
      tpu.vector_store %arg9[%swap3A, %swap3A_172], %swap3A_175 {strides = array<i32>} : memref<632x16xf32, #tpu.memory_space<vmem>>, vector<1x16xf32>,
    }
    %scan3A_28 = arith.constant 632 : i32
    %mul3A_29 = arith.constant 632 : i32
    %mul3A_30 = arith.muli %arg1, %mul3A_29 : i32
    "tpu.region"() ({
      %run_scoped3A = tpu.sem_alloc : memref<!tpu.dma_semaphore, #tpu.memory_space<semaphore_mem>>
      %dma_start3A_170 = arith.constant 0 : i32
      %dma_start3A_171 = tpu.memref_slice %arg26[%mul3A_30, %dma_start3A_170] : memref<10112x16xf32, #tpu.memory_space<vmem_shared>> -> memref<632x16xf32, #tpu.memory_space<vmem_shared>>
      %dma_start3A_172 = arith.constant 0 : i32
      %dma_start3A_173 = tpu.memref_slice %arg26[%mul3A_30, %dma_start3A_172] : memref<10112x16xf32, #tpu.memory_space<vmem_shared>> -> memref<632x16xf32, #tpu.memory_space<vmem_shared>>
      tpu.enqueue_dma source(%arg9 : memref<632x16xf32, #tpu.memory_space<vmem>>) target(%dma_start3A_173 : memref<632x16xf32, #tpu.memory_space<vmem_shared>>) target_semaphore(%run_scoped3A : memref<!tpu.dma_semaphore, #tpu.memory_space<semaphore_mem>>)
      %dma_wait3A_174 = arith.constant 0 : i32
      %dma_wait3A_175 = tpu.memref_slice %arg26[%mul3A_30, %dma_wait3A_174] : memref<10112x16xf32, #tpu.memory_space<vmem_shared>> -> memref<632x16xf32, #tpu.memory_space<vmem_shared>>
      %dma_wait3A_176 = arith.constant 0 : i32
      %dma_wait3A_177 = tpu.memref_slice %arg26[%mul3A_30, %dma_wait3A_176] : memref<10112x16xf32, #tpu.memory_space<vmem_shared>> -> memref<632x16xf32, #tpu.memory_space<vmem_shared>>
      tpu.wait_dma2 semaphore(%run_scoped3A : memref<!tpu.dma_semaphore, #tpu.memory_space<semaphore_mem>>) src(%arg9 : memref<632x16xf32, #tpu.memory_space<vmem>>) dst(%dma_wait3A_177 : memref<632x16xf32, #tpu.memory_space<vmem_shared>>)
      tpu.yield
    }) : () -> ()
    %mul3A_31 = arith.constant 632 : i32
    %mul3A_32 = arith.muli %arg1, %mul3A_31 : i32
    "tpu.region"() ({
      %run_scoped3A = tpu.sem_alloc : memref<!tpu.dma_semaphore, #tpu.memory_space<semaphore_mem>>
      %dma_start3A_170 = arith.constant 0 : i32
      %dma_start3A_171 = tpu.memref_slice %arg27[%mul3A_32, %dma_start3A_170] : memref<10112x16xf32, #tpu.memory_space<vmem_shared>> -> memref<632x16xf32, #tpu.memory_space<vmem_shared>>
      %dma_start3A_172 = arith.constant 0 : i32
      %dma_start3A_173 = tpu.memref_slice %arg3[%mul3A_32, %dma_start3A_172] : memref<10112x16xf32, #tpu.memory_space<hbm>> -> memref<632x16xf32, #tpu.memory_space<hbm>>
      tpu.enqueue_dma source(%dma_start3A_173 : memref<632x16xf32, #tpu.memory_space<hbm>>) target(%dma_start3A_171 : memref<632x16xf32, #tpu.memory_space<vmem_shared>>) target_semaphore(%run_scoped3A : memref<!tpu.dma_semaphore, #tpu.memory_space<semaphore_mem>>)
      %dma_wait3A_174 = arith.constant 0 : i32
      %dma_wait3A_175 = tpu.memref_slice %arg27[%mul3A_32, %dma_wait3A_174] : memref<10112x16xf32, #tpu.memory_space<vmem_shared>> -> memref<632x16xf32, #tpu.memory_space<vmem_shared>>
      %dma_wait3A_176 = arith.constant 0 : i32
      %dma_wait3A_177 = tpu.memref_slice %arg3[%mul3A_32, %dma_wait3A_176] : memref<10112x16xf32, #tpu.memory_space<hbm>> -> memref<632x16xf32, #tpu.memory_space<hbm>>
      tpu.wait_dma2 semaphore(%run_scoped3A : memref<!tpu.dma_semaphore, #tpu.memory_space<semaphore_mem>>) src(%dma_wait3A_177 : memref<632x16xf32, #tpu.memory_space<hbm>>) dst(%dma_wait3A_175 : memref<632x16xf32, #tpu.memory_space<vmem_shared>>)
      tpu.yield
    }) : () -> ()
    %barrier3A = arith.constant 0 : index
    tpu.barrier barrier_id(%barrier3A)
    %dma_start3A = arith.constant 0 : i32
    %dma_start3A_33 = arith.constant 0 : i32
    %dma_start3A_34 = arith.constant 0 : i32
    %dma_start3A_35 = tpu.memref_slice %arg8[%dma_start3A, %dma_start3A_33, %dma_start3A_34] : memref<8x128x16xf32, #tpu.memory_space<vmem>> -> memref<1x128x16xf32, #tpu.memory_space<vmem>>
    %dma_start3A_36 = tpu.memref_squeeze %dma_start3A_35 : memref<1x128x16xf32, #tpu.memory_space<vmem>> -> memref<128x16xf32, #tpu.memory_space<vmem>>
    %dma_start3A_37 = arith.constant 0 : i32
    %dma_start3A_38 = tpu.memref_slice %arg6[%dma_start3A_37] : memref<10112xi32, #tpu.memory_space<vmem>> -> memref<128xi32, #tpu.memory_space<vmem>>
    %dma_start3A_39 = arith.constant 0 : i32
    %dma_start3A_40 = arith.constant 0 : i32
    %dma_start3A_41 = tpu.memref_slice %arg27[%dma_start3A_39, %dma_start3A_40] : memref<10112x16xf32, #tpu.memory_space<vmem_shared>> -> memref<10112x16xf32, #tpu.memory_space<vmem_shared>>
    tpu.enqueue_indirect_dma source(%dma_start3A_41 : memref<10112x16xf32, #tpu.memory_space<vmem_shared>>) target(%dma_start3A_36 : memref<128x16xf32, #tpu.memory_space<vmem>>) offsets(%dma_start3A_38 : memref<128xi32, #tpu.memory_space<vmem>>) semaphore(%arg10 : memref<!tpu.dma_semaphore, #tpu.memory_space<semaphore_mem>>)
    %dma_start3A_42 = arith.constant 1 : i32
    %dma_start3A_43 = arith.constant 0 : i32
    %dma_start3A_44 = arith.constant 0 : i32
    %dma_start3A_45 = tpu.memref_slice %arg8[%dma_start3A_42, %dma_start3A_43, %dma_start3A_44] : memref<8x128x16xf32, #tpu.memory_space<vmem>> -> memref<1x128x16xf32, #tpu.memory_space<vmem>>
    %dma_start3A_46 = tpu.memref_squeeze %dma_start3A_45 : memref<1x128x16xf32, #tpu.memory_space<vmem>> -> memref<128x16xf32, #tpu.memory_space<vmem>>
    %dma_start3A_47 = arith.constant 128 : i32
    %dma_start3A_48 = tpu.memref_slice %arg6[%dma_start3A_47] : memref<10112xi32, #tpu.memory_space<vmem>> -> memref<128xi32, #tpu.memory_space<vmem>>
    %dma_start3A_49 = arith.constant 0 : i32
    %dma_start3A_50 = arith.constant 0 : i32
    %dma_start3A_51 = tpu.memref_slice %arg27[%dma_start3A_49, %dma_start3A_50] : memref<10112x16xf32, #tpu.memory_space<vmem_shared>> -> memref<10112x16xf32, #tpu.memory_space<vmem_shared>>
    tpu.enqueue_indirect_dma source(%dma_start3A_51 : memref<10112x16xf32, #tpu.memory_space<vmem_shared>>) target(%dma_start3A_46 : memref<128x16xf32, #tpu.memory_space<vmem>>) offsets(%dma_start3A_48 : memref<128xi32, #tpu.memory_space<vmem>>) semaphore(%arg11 : memref<!tpu.dma_semaphore, #tpu.memory_space<semaphore_mem>>)
    %dma_start3A_52 = arith.constant 2 : i32
    %dma_start3A_53 = arith.constant 0 : i32
    %dma_start3A_54 = arith.constant 0 : i32
    %dma_start3A_55 = tpu.memref_slice %arg8[%dma_start3A_52, %dma_start3A_53, %dma_start3A_54] : memref<8x128x16xf32, #tpu.memory_space<vmem>> -> memref<1x128x16xf32, #tpu.memory_space<vmem>>
    %dma_start3A_56 = tpu.memref_squeeze %dma_start3A_55 : memref<1x128x16xf32, #tpu.memory_space<vmem>> -> memref<128x16xf32, #tpu.memory_space<vmem>>
    %dma_start3A_57 = arith.constant 256 : i32
    %dma_start3A_58 = tpu.memref_slice %arg6[%dma_start3A_57] : memref<10112xi32, #tpu.memory_space<vmem>> -> memref<128xi32, #tpu.memory_space<vmem>>
    %dma_start3A_59 = arith.constant 0 : i32
    %dma_start3A_60 = arith.constant 0 : i32
    %dma_start3A_61 = tpu.memref_slice %arg27[%dma_start3A_59, %dma_start3A_60] : memref<10112x16xf32, #tpu.memory_space<vmem_shared>> -> memref<10112x16xf32, #tpu.memory_space<vmem_shared>>
    tpu.enqueue_indirect_dma source(%dma_start3A_61 : memref<10112x16xf32, #tpu.memory_space<vmem_shared>>) target(%dma_start3A_56 : memref<128x16xf32, #tpu.memory_space<vmem>>) offsets(%dma_start3A_58 : memref<128xi32, #tpu.memory_space<vmem>>) semaphore(%arg12 : memref<!tpu.dma_semaphore, #tpu.memory_space<semaphore_mem>>)
    %dma_start3A_62 = arith.constant 3 : i32
    %dma_start3A_63 = arith.constant 0 : i32
    %dma_start3A_64 = arith.constant 0 : i32
    %dma_start3A_65 = tpu.memref_slice %arg8[%dma_start3A_62, %dma_start3A_63, %dma_start3A_64] : memref<8x128x16xf32, #tpu.memory_space<vmem>> -> memref<1x128x16xf32, #tpu.memory_space<vmem>>
    %dma_start3A_66 = tpu.memref_squeeze %dma_start3A_65 : memref<1x128x16xf32, #tpu.memory_space<vmem>> -> memref<128x16xf32, #tpu.memory_space<vmem>>
    %dma_start3A_67 = arith.constant 384 : i32
    %dma_start3A_68 = tpu.memref_slice %arg6[%dma_start3A_67] : memref<10112xi32, #tpu.memory_space<vmem>> -> memref<128xi32, #tpu.memory_space<vmem>>
    %dma_start3A_69 = arith.constant 0 : i32
    %dma_start3A_70 = arith.constant 0 : i32
    %dma_start3A_71 = tpu.memref_slice %arg27[%dma_start3A_69, %dma_start3A_70] : memref<10112x16xf32, #tpu.memory_space<vmem_shared>> -> memref<10112x16xf32, #tpu.memory_space<vmem_shared>>
    tpu.enqueue_indirect_dma source(%dma_start3A_71 : memref<10112x16xf32, #tpu.memory_space<vmem_shared>>) target(%dma_start3A_66 : memref<128x16xf32, #tpu.memory_space<vmem>>) offsets(%dma_start3A_68 : memref<128xi32, #tpu.memory_space<vmem>>) semaphore(%arg13 : memref<!tpu.dma_semaphore, #tpu.memory_space<semaphore_mem>>)
    %scan3A_72 = arith.constant 0 : i32
    %scan3A_73 = arith.constant 0 : i32
    %scan3A_74 = arith.constant 10 : i32
    %scan3A_75 = arith.addi %scan3A_73, %scan3A_74 : i32
    %scan3A_76 = arith.constant 1 : i32
    scf.for %scan3A_170 = %scan3A_73 to %scan3A_75 step %scan3A_76  : i32 {
      %mul3A_171 = arith.constant 8 : i32
      %mul3A_172 = arith.muli %scan3A_170, %mul3A_171 : i32
      %add3A_173 = arith.constant 0 : i32
      %add3A_174 = arith.addi %mul3A_172, %add3A_173 : i32
      %lt3A_175 = arith.cmpi slt, %add3A_174, %select_n3A : i32
      %convert_element_type3A_176 = arith.extui %lt3A_175 : i1 to i32
      %cond3A_177 = arith.constant 0 : i32
      %cond3A_178 = arith.cmpi ne, %convert_element_type3A_176, %cond3A_177 : i32
      scf.if %cond3A_178 {
        %mul3A_235 = arith.constant 128 : i32
        %mul3A_236 = arith.muli %add3A_174, %mul3A_235 : i32
        %dma_wait3A_237 = arith.constant 0 : i32
        %dma_wait3A_238 = arith.constant 0 : i32
        %dma_wait3A_239 = arith.constant 0 : i32
        %dma_wait3A_240 = tpu.memref_slice %arg8[%dma_wait3A_237, %dma_wait3A_238, %dma_wait3A_239] : memref<8x128x16xf32, #tpu.memory_space<vmem>> -> memref<1x128x16xf32, #tpu.memory_space<vmem>>
        %dma_wait3A_241 = tpu.memref_squeeze %dma_wait3A_240 : memref<1x128x16xf32, #tpu.memory_space<vmem>> -> memref<128x16xf32, #tpu.memory_space<vmem>>
        %dma_wait3A_242 = tpu.memref_slice %arg6[%mul3A_236] : memref<10112xi32, #tpu.memory_space<vmem>> -> memref<128xi32, #tpu.memory_space<vmem>>
        %dma_wait3A_243 = arith.constant 0 : i32
        %dma_wait3A_244 = arith.constant 0 : i32
        %dma_wait3A_245 = tpu.memref_slice %arg27[%dma_wait3A_243, %dma_wait3A_244] : memref<10112x16xf32, #tpu.memory_space<vmem_shared>> -> memref<10112x16xf32, #tpu.memory_space<vmem_shared>>
        tpu.wait_indirect_dma semaphore(%arg10 : memref<!tpu.dma_semaphore, #tpu.memory_space<semaphore_mem>>) src(%dma_wait3A_245 : memref<10112x16xf32, #tpu.memory_space<vmem_shared>>) dst(%dma_wait3A_241 : memref<128x16xf32, #tpu.memory_space<vmem>>)
        %mul3A_246 = arith.constant 128 : i32
        %mul3A_247 = arith.muli %add3A_174, %mul3A_246 : i32
        %dma_start3A_248 = arith.constant 0 : i32
        %dma_start3A_249 = arith.constant 0 : i32
        %dma_start3A_250 = arith.constant 0 : i32
        %dma_start3A_251 = tpu.memref_slice %arg8[%dma_start3A_248, %dma_start3A_249, %dma_start3A_250] : memref<8x128x16xf32, #tpu.memory_space<vmem>> -> memref<1x128x16xf32, #tpu.memory_space<vmem>>
        %dma_start3A_252 = tpu.memref_squeeze %dma_start3A_251 : memref<1x128x16xf32, #tpu.memory_space<vmem>> -> memref<128x16xf32, #tpu.memory_space<vmem>>
        %dma_start3A_253 = tpu.memref_slice %arg7[%mul3A_247] : memref<10112xi32, #tpu.memory_space<vmem>> -> memref<128xi32, #tpu.memory_space<vmem>>
        %dma_start3A_254 = arith.constant 0 : i32
        %dma_start3A_255 = arith.constant 0 : i32
        %dma_start3A_256 = tpu.memref_slice %arg26[%dma_start3A_254, %dma_start3A_255] : memref<10112x16xf32, #tpu.memory_space<vmem_shared>> -> memref<10112x16xf32, #tpu.memory_space<vmem_shared>>
        tpu.enqueue_indirect_dma source(%dma_start3A_252 : memref<128x16xf32, #tpu.memory_space<vmem>>) target(%dma_start3A_256 : memref<10112x16xf32, #tpu.memory_space<vmem_shared>>) offsets(%dma_start3A_253 : memref<128xi32, #tpu.memory_space<vmem>>) semaphore(%arg18 : memref<!tpu.dma_semaphore, #tpu.memory_space<semaphore_mem>>) {add = true}
        %add3A_257 = arith.constant 4 : i32
        %add3A_258 = arith.addi %add3A_174, %add3A_257 : i32
        %lt3A_259 = arith.cmpi slt, %add3A_258, %select_n3A : i32
        %convert_element_type3A_260 = arith.extui %lt3A_259 : i1 to i32
        %cond3A_261 = arith.constant 0 : i32
        %cond3A_262 = arith.cmpi ne, %convert_element_type3A_260, %cond3A_261 : i32
        scf.if %cond3A_262 {
          %ge3A = arith.constant 8 : i32
          %ge3A_263 = arith.cmpi sge, %add3A_258, %ge3A : i32
          %convert_element_type3A_264 = arith.extui %ge3A_263 : i1 to i32
          %cond3A_265 = arith.constant 0 : i32
          %cond3A_266 = arith.cmpi ne, %convert_element_type3A_264, %cond3A_265 : i32
          scf.if %cond3A_266 {
            %dma_wait3A_278 = arith.constant 4 : i32
            %dma_wait3A_279 = arith.constant 0 : i32
            %dma_wait3A_280 = arith.constant 0 : i32
            %dma_wait3A_281 = tpu.memref_slice %arg8[%dma_wait3A_278, %dma_wait3A_279, %dma_wait3A_280] : memref<8x128x16xf32, #tpu.memory_space<vmem>> -> memref<1x128x16xf32, #tpu.memory_space<vmem>>
            %dma_wait3A_282 = tpu.memref_squeeze %dma_wait3A_281 : memref<1x128x16xf32, #tpu.memory_space<vmem>> -> memref<128x16xf32, #tpu.memory_space<vmem>>
            %dma_wait3A_283 = arith.constant 0 : i32
            %dma_wait3A_284 = tpu.memref_slice %arg7[%dma_wait3A_283] : memref<10112xi32, #tpu.memory_space<vmem>> -> memref<128xi32, #tpu.memory_space<vmem>>
            %dma_wait3A_285 = arith.constant 0 : i32
            %dma_wait3A_286 = arith.constant 0 : i32
            %dma_wait3A_287 = tpu.memref_slice %arg26[%dma_wait3A_285, %dma_wait3A_286] : memref<10112x16xf32, #tpu.memory_space<vmem_shared>> -> memref<10112x16xf32, #tpu.memory_space<vmem_shared>>
            tpu.wait_indirect_dma semaphore(%arg22 : memref<!tpu.dma_semaphore, #tpu.memory_space<semaphore_mem>>) src(%dma_wait3A_282 : memref<128x16xf32, #tpu.memory_space<vmem>>) dst(%dma_wait3A_287 : memref<10112x16xf32, #tpu.memory_space<vmem_shared>>)
          } else {
          }
          %mul3A_267 = arith.constant 128 : i32
          %mul3A_268 = arith.muli %add3A_258, %mul3A_267 : i32
          %dma_start3A_269 = arith.constant 4 : i32
          %dma_start3A_270 = arith.constant 0 : i32
          %dma_start3A_271 = arith.constant 0 : i32
          %dma_start3A_272 = tpu.memref_slice %arg8[%dma_start3A_269, %dma_start3A_270, %dma_start3A_271] : memref<8x128x16xf32, #tpu.memory_space<vmem>> -> memref<1x128x16xf32, #tpu.memory_space<vmem>>
          %dma_start3A_273 = tpu.memref_squeeze %dma_start3A_272 : memref<1x128x16xf32, #tpu.memory_space<vmem>> -> memref<128x16xf32, #tpu.memory_space<vmem>>
          %dma_start3A_274 = tpu.memref_slice %arg6[%mul3A_268] : memref<10112xi32, #tpu.memory_space<vmem>> -> memref<128xi32, #tpu.memory_space<vmem>>
          %dma_start3A_275 = arith.constant 0 : i32
          %dma_start3A_276 = arith.constant 0 : i32
          %dma_start3A_277 = tpu.memref_slice %arg27[%dma_start3A_275, %dma_start3A_276] : memref<10112x16xf32, #tpu.memory_space<vmem_shared>> -> memref<10112x16xf32, #tpu.memory_space<vmem_shared>>
          tpu.enqueue_indirect_dma source(%dma_start3A_277 : memref<10112x16xf32, #tpu.memory_space<vmem_shared>>) target(%dma_start3A_273 : memref<128x16xf32, #tpu.memory_space<vmem>>) offsets(%dma_start3A_274 : memref<128xi32, #tpu.memory_space<vmem>>) semaphore(%arg14 : memref<!tpu.dma_semaphore, #tpu.memory_space<semaphore_mem>>)
        } else {
        }
      } else {
      }
      %mul3A_179 = arith.constant 8 : i32
      %mul3A_180 = arith.muli %scan3A_170, %mul3A_179 : i32
      %add3A_181 = arith.constant 1 : i32
      %add3A_182 = arith.addi %mul3A_180, %add3A_181 : i32
      %lt3A_183 = arith.cmpi slt, %add3A_182, %select_n3A : i32
      %convert_element_type3A_184 = arith.extui %lt3A_183 : i1 to i32
      %cond3A_185 = arith.constant 0 : i32
      %cond3A_186 = arith.cmpi ne, %convert_element_type3A_184, %cond3A_185 : i32
      scf.if %cond3A_186 {
        %mul3A_235 = arith.constant 128 : i32
        %mul3A_236 = arith.muli %add3A_182, %mul3A_235 : i32
        %dma_wait3A_237 = arith.constant 1 : i32
        %dma_wait3A_238 = arith.constant 0 : i32
        %dma_wait3A_239 = arith.constant 0 : i32
        %dma_wait3A_240 = tpu.memref_slice %arg8[%dma_wait3A_237, %dma_wait3A_238, %dma_wait3A_239] : memref<8x128x16xf32, #tpu.memory_space<vmem>> -> memref<1x128x16xf32, #tpu.memory_space<vmem>>
        %dma_wait3A_241 = tpu.memref_squeeze %dma_wait3A_240 : memref<1x128x16xf32, #tpu.memory_space<vmem>> -> memref<128x16xf32, #tpu.memory_space<vmem>>
        %dma_wait3A_242 = tpu.memref_slice %arg6[%mul3A_236] : memref<10112xi32, #tpu.memory_space<vmem>> -> memref<128xi32, #tpu.memory_space<vmem>>
        %dma_wait3A_243 = arith.constant 0 : i32
        %dma_wait3A_244 = arith.constant 0 : i32
        %dma_wait3A_245 = tpu.memref_slice %arg27[%dma_wait3A_243, %dma_wait3A_244] : memref<10112x16xf32, #tpu.memory_space<vmem_shared>> -> memref<10112x16xf32, #tpu.memory_space<vmem_shared>>
        tpu.wait_indirect_dma semaphore(%arg11 : memref<!tpu.dma_semaphore, #tpu.memory_space<semaphore_mem>>) src(%dma_wait3A_245 : memref<10112x16xf32, #tpu.memory_space<vmem_shared>>) dst(%dma_wait3A_241 : memref<128x16xf32, #tpu.memory_space<vmem>>)
        %mul3A_246 = arith.constant 128 : i32
        %mul3A_247 = arith.muli %add3A_182, %mul3A_246 : i32
        %dma_start3A_248 = arith.constant 1 : i32
        %dma_start3A_249 = arith.constant 0 : i32
        %dma_start3A_250 = arith.constant 0 : i32
        %dma_start3A_251 = tpu.memref_slice %arg8[%dma_start3A_248, %dma_start3A_249, %dma_start3A_250] : memref<8x128x16xf32, #tpu.memory_space<vmem>> -> memref<1x128x16xf32, #tpu.memory_space<vmem>>
        %dma_start3A_252 = tpu.memref_squeeze %dma_start3A_251 : memref<1x128x16xf32, #tpu.memory_space<vmem>> -> memref<128x16xf32, #tpu.memory_space<vmem>>
        %dma_start3A_253 = tpu.memref_slice %arg7[%mul3A_247] : memref<10112xi32, #tpu.memory_space<vmem>> -> memref<128xi32, #tpu.memory_space<vmem>>
        %dma_start3A_254 = arith.constant 0 : i32
        %dma_start3A_255 = arith.constant 0 : i32
        %dma_start3A_256 = tpu.memref_slice %arg26[%dma_start3A_254, %dma_start3A_255] : memref<10112x16xf32, #tpu.memory_space<vmem_shared>> -> memref<10112x16xf32, #tpu.memory_space<vmem_shared>>
        tpu.enqueue_indirect_dma source(%dma_start3A_252 : memref<128x16xf32, #tpu.memory_space<vmem>>) target(%dma_start3A_256 : memref<10112x16xf32, #tpu.memory_space<vmem_shared>>) offsets(%dma_start3A_253 : memref<128xi32, #tpu.memory_space<vmem>>) semaphore(%arg19 : memref<!tpu.dma_semaphore, #tpu.memory_space<semaphore_mem>>) {add = true}
        %add3A_257 = arith.constant 4 : i32
        %add3A_258 = arith.addi %add3A_182, %add3A_257 : i32
        %lt3A_259 = arith.cmpi slt, %add3A_258, %select_n3A : i32
        %convert_element_type3A_260 = arith.extui %lt3A_259 : i1 to i32
        %cond3A_261 = arith.constant 0 : i32
        %cond3A_262 = arith.cmpi ne, %convert_element_type3A_260, %cond3A_261 : i32
        scf.if %cond3A_262 {
          %ge3A = arith.constant 8 : i32
          %ge3A_263 = arith.cmpi sge, %add3A_258, %ge3A : i32
          %convert_element_type3A_264 = arith.extui %ge3A_263 : i1 to i32
          %cond3A_265 = arith.constant 0 : i32
          %cond3A_266 = arith.cmpi ne, %convert_element_type3A_264, %cond3A_265 : i32
          scf.if %cond3A_266 {
            %dma_wait3A_278 = arith.constant 5 : i32
            %dma_wait3A_279 = arith.constant 0 : i32
            %dma_wait3A_280 = arith.constant 0 : i32
            %dma_wait3A_281 = tpu.memref_slice %arg8[%dma_wait3A_278, %dma_wait3A_279, %dma_wait3A_280] : memref<8x128x16xf32, #tpu.memory_space<vmem>> -> memref<1x128x16xf32, #tpu.memory_space<vmem>>
            %dma_wait3A_282 = tpu.memref_squeeze %dma_wait3A_281 : memref<1x128x16xf32, #tpu.memory_space<vmem>> -> memref<128x16xf32, #tpu.memory_space<vmem>>
            %dma_wait3A_283 = arith.constant 0 : i32
            %dma_wait3A_284 = tpu.memref_slice %arg7[%dma_wait3A_283] : memref<10112xi32, #tpu.memory_space<vmem>> -> memref<128xi32, #tpu.memory_space<vmem>>
            %dma_wait3A_285 = arith.constant 0 : i32
            %dma_wait3A_286 = arith.constant 0 : i32
            %dma_wait3A_287 = tpu.memref_slice %arg26[%dma_wait3A_285, %dma_wait3A_286] : memref<10112x16xf32, #tpu.memory_space<vmem_shared>> -> memref<10112x16xf32, #tpu.memory_space<vmem_shared>>
            tpu.wait_indirect_dma semaphore(%arg23 : memref<!tpu.dma_semaphore, #tpu.memory_space<semaphore_mem>>) src(%dma_wait3A_282 : memref<128x16xf32, #tpu.memory_space<vmem>>) dst(%dma_wait3A_287 : memref<10112x16xf32, #tpu.memory_space<vmem_shared>>)
          } else {
          }
          %mul3A_267 = arith.constant 128 : i32
          %mul3A_268 = arith.muli %add3A_258, %mul3A_267 : i32
          %dma_start3A_269 = arith.constant 5 : i32
          %dma_start3A_270 = arith.constant 0 : i32
          %dma_start3A_271 = arith.constant 0 : i32
          %dma_start3A_272 = tpu.memref_slice %arg8[%dma_start3A_269, %dma_start3A_270, %dma_start3A_271] : memref<8x128x16xf32, #tpu.memory_space<vmem>> -> memref<1x128x16xf32, #tpu.memory_space<vmem>>
          %dma_start3A_273 = tpu.memref_squeeze %dma_start3A_272 : memref<1x128x16xf32, #tpu.memory_space<vmem>> -> memref<128x16xf32, #tpu.memory_space<vmem>>
          %dma_start3A_274 = tpu.memref_slice %arg6[%mul3A_268] : memref<10112xi32, #tpu.memory_space<vmem>> -> memref<128xi32, #tpu.memory_space<vmem>>
          %dma_start3A_275 = arith.constant 0 : i32
          %dma_start3A_276 = arith.constant 0 : i32
          %dma_start3A_277 = tpu.memref_slice %arg27[%dma_start3A_275, %dma_start3A_276] : memref<10112x16xf32, #tpu.memory_space<vmem_shared>> -> memref<10112x16xf32, #tpu.memory_space<vmem_shared>>
          tpu.enqueue_indirect_dma source(%dma_start3A_277 : memref<10112x16xf32, #tpu.memory_space<vmem_shared>>) target(%dma_start3A_273 : memref<128x16xf32, #tpu.memory_space<vmem>>) offsets(%dma_start3A_274 : memref<128xi32, #tpu.memory_space<vmem>>) semaphore(%arg15 : memref<!tpu.dma_semaphore, #tpu.memory_space<semaphore_mem>>)
        } else {
        }
      } else {
      }
      %mul3A_187 = arith.constant 8 : i32
      %mul3A_188 = arith.muli %scan3A_170, %mul3A_187 : i32
      %add3A_189 = arith.constant 2 : i32
      %add3A_190 = arith.addi %mul3A_188, %add3A_189 : i32
      %lt3A_191 = arith.cmpi slt, %add3A_190, %select_n3A : i32
      %convert_element_type3A_192 = arith.extui %lt3A_191 : i1 to i32
      %cond3A_193 = arith.constant 0 : i32
      %cond3A_194 = arith.cmpi ne, %convert_element_type3A_192, %cond3A_193 : i32
      scf.if %cond3A_194 {
        %mul3A_235 = arith.constant 128 : i32
        %mul3A_236 = arith.muli %add3A_190, %mul3A_235 : i32
        %dma_wait3A_237 = arith.constant 2 : i32
        %dma_wait3A_238 = arith.constant 0 : i32
        %dma_wait3A_239 = arith.constant 0 : i32
        %dma_wait3A_240 = tpu.memref_slice %arg8[%dma_wait3A_237, %dma_wait3A_238, %dma_wait3A_239] : memref<8x128x16xf32, #tpu.memory_space<vmem>> -> memref<1x128x16xf32, #tpu.memory_space<vmem>>
        %dma_wait3A_241 = tpu.memref_squeeze %dma_wait3A_240 : memref<1x128x16xf32, #tpu.memory_space<vmem>> -> memref<128x16xf32, #tpu.memory_space<vmem>>
        %dma_wait3A_242 = tpu.memref_slice %arg6[%mul3A_236] : memref<10112xi32, #tpu.memory_space<vmem>> -> memref<128xi32, #tpu.memory_space<vmem>>
        %dma_wait3A_243 = arith.constant 0 : i32
        %dma_wait3A_244 = arith.constant 0 : i32
        %dma_wait3A_245 = tpu.memref_slice %arg27[%dma_wait3A_243, %dma_wait3A_244] : memref<10112x16xf32, #tpu.memory_space<vmem_shared>> -> memref<10112x16xf32, #tpu.memory_space<vmem_shared>>
        tpu.wait_indirect_dma semaphore(%arg12 : memref<!tpu.dma_semaphore, #tpu.memory_space<semaphore_mem>>) src(%dma_wait3A_245 : memref<10112x16xf32, #tpu.memory_space<vmem_shared>>) dst(%dma_wait3A_241 : memref<128x16xf32, #tpu.memory_space<vmem>>)
        %mul3A_246 = arith.constant 128 : i32
        %mul3A_247 = arith.muli %add3A_190, %mul3A_246 : i32
        %dma_start3A_248 = arith.constant 2 : i32
        %dma_start3A_249 = arith.constant 0 : i32
        %dma_start3A_250 = arith.constant 0 : i32
        %dma_start3A_251 = tpu.memref_slice %arg8[%dma_start3A_248, %dma_start3A_249, %dma_start3A_250] : memref<8x128x16xf32, #tpu.memory_space<vmem>> -> memref<1x128x16xf32, #tpu.memory_space<vmem>>
        %dma_start3A_252 = tpu.memref_squeeze %dma_start3A_251 : memref<1x128x16xf32, #tpu.memory_space<vmem>> -> memref<128x16xf32, #tpu.memory_space<vmem>>
        %dma_start3A_253 = tpu.memref_slice %arg7[%mul3A_247] : memref<10112xi32, #tpu.memory_space<vmem>> -> memref<128xi32, #tpu.memory_space<vmem>>
        %dma_start3A_254 = arith.constant 0 : i32
        %dma_start3A_255 = arith.constant 0 : i32
        %dma_start3A_256 = tpu.memref_slice %arg26[%dma_start3A_254, %dma_start3A_255] : memref<10112x16xf32, #tpu.memory_space<vmem_shared>> -> memref<10112x16xf32, #tpu.memory_space<vmem_shared>>
        tpu.enqueue_indirect_dma source(%dma_start3A_252 : memref<128x16xf32, #tpu.memory_space<vmem>>) target(%dma_start3A_256 : memref<10112x16xf32, #tpu.memory_space<vmem_shared>>) offsets(%dma_start3A_253 : memref<128xi32, #tpu.memory_space<vmem>>) semaphore(%arg20 : memref<!tpu.dma_semaphore, #tpu.memory_space<semaphore_mem>>) {add = true}
        %add3A_257 = arith.constant 4 : i32
        %add3A_258 = arith.addi %add3A_190, %add3A_257 : i32
        %lt3A_259 = arith.cmpi slt, %add3A_258, %select_n3A : i32
        %convert_element_type3A_260 = arith.extui %lt3A_259 : i1 to i32
        %cond3A_261 = arith.constant 0 : i32
        %cond3A_262 = arith.cmpi ne, %convert_element_type3A_260, %cond3A_261 : i32
        scf.if %cond3A_262 {
          %ge3A = arith.constant 8 : i32
          %ge3A_263 = arith.cmpi sge, %add3A_258, %ge3A : i32
          %convert_element_type3A_264 = arith.extui %ge3A_263 : i1 to i32
          %cond3A_265 = arith.constant 0 : i32
          %cond3A_266 = arith.cmpi ne, %convert_element_type3A_264, %cond3A_265 : i32
          scf.if %cond3A_266 {
            %dma_wait3A_278 = arith.constant 6 : i32
            %dma_wait3A_279 = arith.constant 0 : i32
            %dma_wait3A_280 = arith.constant 0 : i32
            %dma_wait3A_281 = tpu.memref_slice %arg8[%dma_wait3A_278, %dma_wait3A_279, %dma_wait3A_280] : memref<8x128x16xf32, #tpu.memory_space<vmem>> -> memref<1x128x16xf32, #tpu.memory_space<vmem>>
            %dma_wait3A_282 = tpu.memref_squeeze %dma_wait3A_281 : memref<1x128x16xf32, #tpu.memory_space<vmem>> -> memref<128x16xf32, #tpu.memory_space<vmem>>
            %dma_wait3A_283 = arith.constant 0 : i32
            %dma_wait3A_284 = tpu.memref_slice %arg7[%dma_wait3A_283] : memref<10112xi32, #tpu.memory_space<vmem>> -> memref<128xi32, #tpu.memory_space<vmem>>
            %dma_wait3A_285 = arith.constant 0 : i32
            %dma_wait3A_286 = arith.constant 0 : i32
            %dma_wait3A_287 = tpu.memref_slice %arg26[%dma_wait3A_285, %dma_wait3A_286] : memref<10112x16xf32, #tpu.memory_space<vmem_shared>> -> memref<10112x16xf32, #tpu.memory_space<vmem_shared>>
            tpu.wait_indirect_dma semaphore(%arg24 : memref<!tpu.dma_semaphore, #tpu.memory_space<semaphore_mem>>) src(%dma_wait3A_282 : memref<128x16xf32, #tpu.memory_space<vmem>>) dst(%dma_wait3A_287 : memref<10112x16xf32, #tpu.memory_space<vmem_shared>>)
          } else {
          }
          %mul3A_267 = arith.constant 128 : i32
          %mul3A_268 = arith.muli %add3A_258, %mul3A_267 : i32
          %dma_start3A_269 = arith.constant 6 : i32
          %dma_start3A_270 = arith.constant 0 : i32
          %dma_start3A_271 = arith.constant 0 : i32
          %dma_start3A_272 = tpu.memref_slice %arg8[%dma_start3A_269, %dma_start3A_270, %dma_start3A_271] : memref<8x128x16xf32, #tpu.memory_space<vmem>> -> memref<1x128x16xf32, #tpu.memory_space<vmem>>
          %dma_start3A_273 = tpu.memref_squeeze %dma_start3A_272 : memref<1x128x16xf32, #tpu.memory_space<vmem>> -> memref<128x16xf32, #tpu.memory_space<vmem>>
          %dma_start3A_274 = tpu.memref_slice %arg6[%mul3A_268] : memref<10112xi32, #tpu.memory_space<vmem>> -> memref<128xi32, #tpu.memory_space<vmem>>
          %dma_start3A_275 = arith.constant 0 : i32
          %dma_start3A_276 = arith.constant 0 : i32
          %dma_start3A_277 = tpu.memref_slice %arg27[%dma_start3A_275, %dma_start3A_276] : memref<10112x16xf32, #tpu.memory_space<vmem_shared>> -> memref<10112x16xf32, #tpu.memory_space<vmem_shared>>
          tpu.enqueue_indirect_dma source(%dma_start3A_277 : memref<10112x16xf32, #tpu.memory_space<vmem_shared>>) target(%dma_start3A_273 : memref<128x16xf32, #tpu.memory_space<vmem>>) offsets(%dma_start3A_274 : memref<128xi32, #tpu.memory_space<vmem>>) semaphore(%arg16 : memref<!tpu.dma_semaphore, #tpu.memory_space<semaphore_mem>>)
        } else {
        }
      } else {
      }
      %mul3A_195 = arith.constant 8 : i32
      %mul3A_196 = arith.muli %scan3A_170, %mul3A_195 : i32
      %add3A_197 = arith.constant 3 : i32
      %add3A_198 = arith.addi %mul3A_196, %add3A_197 : i32
      %lt3A_199 = arith.cmpi slt, %add3A_198, %select_n3A : i32
      %convert_element_type3A_200 = arith.extui %lt3A_199 : i1 to i32
      %cond3A_201 = arith.constant 0 : i32
      %cond3A_202 = arith.cmpi ne, %convert_element_type3A_200, %cond3A_201 : i32
      scf.if %cond3A_202 {
        %mul3A_235 = arith.constant 128 : i32
        %mul3A_236 = arith.muli %add3A_198, %mul3A_235 : i32
        %dma_wait3A_237 = arith.constant 3 : i32
        %dma_wait3A_238 = arith.constant 0 : i32
        %dma_wait3A_239 = arith.constant 0 : i32
        %dma_wait3A_240 = tpu.memref_slice %arg8[%dma_wait3A_237, %dma_wait3A_238, %dma_wait3A_239] : memref<8x128x16xf32, #tpu.memory_space<vmem>> -> memref<1x128x16xf32, #tpu.memory_space<vmem>>
        %dma_wait3A_241 = tpu.memref_squeeze %dma_wait3A_240 : memref<1x128x16xf32, #tpu.memory_space<vmem>> -> memref<128x16xf32, #tpu.memory_space<vmem>>
        %dma_wait3A_242 = tpu.memref_slice %arg6[%mul3A_236] : memref<10112xi32, #tpu.memory_space<vmem>> -> memref<128xi32, #tpu.memory_space<vmem>>
        %dma_wait3A_243 = arith.constant 0 : i32
        %dma_wait3A_244 = arith.constant 0 : i32
        %dma_wait3A_245 = tpu.memref_slice %arg27[%dma_wait3A_243, %dma_wait3A_244] : memref<10112x16xf32, #tpu.memory_space<vmem_shared>> -> memref<10112x16xf32, #tpu.memory_space<vmem_shared>>
        tpu.wait_indirect_dma semaphore(%arg13 : memref<!tpu.dma_semaphore, #tpu.memory_space<semaphore_mem>>) src(%dma_wait3A_245 : memref<10112x16xf32, #tpu.memory_space<vmem_shared>>) dst(%dma_wait3A_241 : memref<128x16xf32, #tpu.memory_space<vmem>>)
        %mul3A_246 = arith.constant 128 : i32
        %mul3A_247 = arith.muli %add3A_198, %mul3A_246 : i32
        %dma_start3A_248 = arith.constant 3 : i32
        %dma_start3A_249 = arith.constant 0 : i32
        %dma_start3A_250 = arith.constant 0 : i32
        %dma_start3A_251 = tpu.memref_slice %arg8[%dma_start3A_248, %dma_start3A_249, %dma_start3A_250] : memref<8x128x16xf32, #tpu.memory_space<vmem>> -> memref<1x128x16xf32, #tpu.memory_space<vmem>>
        %dma_start3A_252 = tpu.memref_squeeze %dma_start3A_251 : memref<1x128x16xf32, #tpu.memory_space<vmem>> -> memref<128x16xf32, #tpu.memory_space<vmem>>
        %dma_start3A_253 = tpu.memref_slice %arg7[%mul3A_247] : memref<10112xi32, #tpu.memory_space<vmem>> -> memref<128xi32, #tpu.memory_space<vmem>>
        %dma_start3A_254 = arith.constant 0 : i32
        %dma_start3A_255 = arith.constant 0 : i32
        %dma_start3A_256 = tpu.memref_slice %arg26[%dma_start3A_254, %dma_start3A_255] : memref<10112x16xf32, #tpu.memory_space<vmem_shared>> -> memref<10112x16xf32, #tpu.memory_space<vmem_shared>>
        tpu.enqueue_indirect_dma source(%dma_start3A_252 : memref<128x16xf32, #tpu.memory_space<vmem>>) target(%dma_start3A_256 : memref<10112x16xf32, #tpu.memory_space<vmem_shared>>) offsets(%dma_start3A_253 : memref<128xi32, #tpu.memory_space<vmem>>) semaphore(%arg21 : memref<!tpu.dma_semaphore, #tpu.memory_space<semaphore_mem>>) {add = true}
        %add3A_257 = arith.constant 4 : i32
        %add3A_258 = arith.addi %add3A_198, %add3A_257 : i32
        %lt3A_259 = arith.cmpi slt, %add3A_258, %select_n3A : i32
        %convert_element_type3A_260 = arith.extui %lt3A_259 : i1 to i32
        %cond3A_261 = arith.constant 0 : i32
        %cond3A_262 = arith.cmpi ne, %convert_element_type3A_260, %cond3A_261 : i32
        scf.if %cond3A_262 {
          %ge3A = arith.constant 8 : i32
          %ge3A_263 = arith.cmpi sge, %add3A_258, %ge3A : i32
          %convert_element_type3A_264 = arith.extui %ge3A_263 : i1 to i32
          %cond3A_265 = arith.constant 0 : i32
          %cond3A_266 = arith.cmpi ne, %convert_element_type3A_264, %cond3A_265 : i32
          scf.if %cond3A_266 {
            %dma_wait3A_278 = arith.constant 7 : i32
            %dma_wait3A_279 = arith.constant 0 : i32
            %dma_wait3A_280 = arith.constant 0 : i32
            %dma_wait3A_281 = tpu.memref_slice %arg8[%dma_wait3A_278, %dma_wait3A_279, %dma_wait3A_280] : memref<8x128x16xf32, #tpu.memory_space<vmem>> -> memref<1x128x16xf32, #tpu.memory_space<vmem>>
            %dma_wait3A_282 = tpu.memref_squeeze %dma_wait3A_281 : memref<1x128x16xf32, #tpu.memory_space<vmem>> -> memref<128x16xf32, #tpu.memory_space<vmem>>
            %dma_wait3A_283 = arith.constant 0 : i32
            %dma_wait3A_284 = tpu.memref_slice %arg7[%dma_wait3A_283] : memref<10112xi32, #tpu.memory_space<vmem>> -> memref<128xi32, #tpu.memory_space<vmem>>
            %dma_wait3A_285 = arith.constant 0 : i32
            %dma_wait3A_286 = arith.constant 0 : i32
            %dma_wait3A_287 = tpu.memref_slice %arg26[%dma_wait3A_285, %dma_wait3A_286] : memref<10112x16xf32, #tpu.memory_space<vmem_shared>> -> memref<10112x16xf32, #tpu.memory_space<vmem_shared>>
            tpu.wait_indirect_dma semaphore(%arg25 : memref<!tpu.dma_semaphore, #tpu.memory_space<semaphore_mem>>) src(%dma_wait3A_282 : memref<128x16xf32, #tpu.memory_space<vmem>>) dst(%dma_wait3A_287 : memref<10112x16xf32, #tpu.memory_space<vmem_shared>>)
          } else {
          }
          %mul3A_267 = arith.constant 128 : i32
          %mul3A_268 = arith.muli %add3A_258, %mul3A_267 : i32
          %dma_start3A_269 = arith.constant 7 : i32
          %dma_start3A_270 = arith.constant 0 : i32
          %dma_start3A_271 = arith.constant 0 : i32
          %dma_start3A_272 = tpu.memref_slice %arg8[%dma_start3A_269, %dma_start3A_270, %dma_start3A_271] : memref<8x128x16xf32, #tpu.memory_space<vmem>> -> memref<1x128x16xf32, #tpu.memory_space<vmem>>
          %dma_start3A_273 = tpu.memref_squeeze %dma_start3A_272 : memref<1x128x16xf32, #tpu.memory_space<vmem>> -> memref<128x16xf32, #tpu.memory_space<vmem>>
          %dma_start3A_274 = tpu.memref_slice %arg6[%mul3A_268] : memref<10112xi32, #tpu.memory_space<vmem>> -> memref<128xi32, #tpu.memory_space<vmem>>
          %dma_start3A_275 = arith.constant 0 : i32
          %dma_start3A_276 = arith.constant 0 : i32
          %dma_start3A_277 = tpu.memref_slice %arg27[%dma_start3A_275, %dma_start3A_276] : memref<10112x16xf32, #tpu.memory_space<vmem_shared>> -> memref<10112x16xf32, #tpu.memory_space<vmem_shared>>
          tpu.enqueue_indirect_dma source(%dma_start3A_277 : memref<10112x16xf32, #tpu.memory_space<vmem_shared>>) target(%dma_start3A_273 : memref<128x16xf32, #tpu.memory_space<vmem>>) offsets(%dma_start3A_274 : memref<128xi32, #tpu.memory_space<vmem>>) semaphore(%arg17 : memref<!tpu.dma_semaphore, #tpu.memory_space<semaphore_mem>>)
        } else {
        }
      } else {
      }
      %mul3A_203 = arith.constant 8 : i32
      %mul3A_204 = arith.muli %scan3A_170, %mul3A_203 : i32
      %add3A_205 = arith.constant 4 : i32
      %add3A_206 = arith.addi %mul3A_204, %add3A_205 : i32
      %lt3A_207 = arith.cmpi slt, %add3A_206, %select_n3A : i32
      %convert_element_type3A_208 = arith.extui %lt3A_207 : i1 to i32
      %cond3A_209 = arith.constant 0 : i32
      %cond3A_210 = arith.cmpi ne, %convert_element_type3A_208, %cond3A_209 : i32
      scf.if %cond3A_210 {
        %mul3A_235 = arith.constant 128 : i32
        %mul3A_236 = arith.muli %add3A_206, %mul3A_235 : i32
        %dma_wait3A_237 = arith.constant 4 : i32
        %dma_wait3A_238 = arith.constant 0 : i32
        %dma_wait3A_239 = arith.constant 0 : i32
        %dma_wait3A_240 = tpu.memref_slice %arg8[%dma_wait3A_237, %dma_wait3A_238, %dma_wait3A_239] : memref<8x128x16xf32, #tpu.memory_space<vmem>> -> memref<1x128x16xf32, #tpu.memory_space<vmem>>
        %dma_wait3A_241 = tpu.memref_squeeze %dma_wait3A_240 : memref<1x128x16xf32, #tpu.memory_space<vmem>> -> memref<128x16xf32, #tpu.memory_space<vmem>>
        %dma_wait3A_242 = tpu.memref_slice %arg6[%mul3A_236] : memref<10112xi32, #tpu.memory_space<vmem>> -> memref<128xi32, #tpu.memory_space<vmem>>
        %dma_wait3A_243 = arith.constant 0 : i32
        %dma_wait3A_244 = arith.constant 0 : i32
        %dma_wait3A_245 = tpu.memref_slice %arg27[%dma_wait3A_243, %dma_wait3A_244] : memref<10112x16xf32, #tpu.memory_space<vmem_shared>> -> memref<10112x16xf32, #tpu.memory_space<vmem_shared>>
        tpu.wait_indirect_dma semaphore(%arg14 : memref<!tpu.dma_semaphore, #tpu.memory_space<semaphore_mem>>) src(%dma_wait3A_245 : memref<10112x16xf32, #tpu.memory_space<vmem_shared>>) dst(%dma_wait3A_241 : memref<128x16xf32, #tpu.memory_space<vmem>>)
        %mul3A_246 = arith.constant 128 : i32
        %mul3A_247 = arith.muli %add3A_206, %mul3A_246 : i32
        %dma_start3A_248 = arith.constant 4 : i32
        %dma_start3A_249 = arith.constant 0 : i32
        %dma_start3A_250 = arith.constant 0 : i32
        %dma_start3A_251 = tpu.memref_slice %arg8[%dma_start3A_248, %dma_start3A_249, %dma_start3A_250] : memref<8x128x16xf32, #tpu.memory_space<vmem>> -> memref<1x128x16xf32, #tpu.memory_space<vmem>>
        %dma_start3A_252 = tpu.memref_squeeze %dma_start3A_251 : memref<1x128x16xf32, #tpu.memory_space<vmem>> -> memref<128x16xf32, #tpu.memory_space<vmem>>
        %dma_start3A_253 = tpu.memref_slice %arg7[%mul3A_247] : memref<10112xi32, #tpu.memory_space<vmem>> -> memref<128xi32, #tpu.memory_space<vmem>>
        %dma_start3A_254 = arith.constant 0 : i32
        %dma_start3A_255 = arith.constant 0 : i32
        %dma_start3A_256 = tpu.memref_slice %arg26[%dma_start3A_254, %dma_start3A_255] : memref<10112x16xf32, #tpu.memory_space<vmem_shared>> -> memref<10112x16xf32, #tpu.memory_space<vmem_shared>>
        tpu.enqueue_indirect_dma source(%dma_start3A_252 : memref<128x16xf32, #tpu.memory_space<vmem>>) target(%dma_start3A_256 : memref<10112x16xf32, #tpu.memory_space<vmem_shared>>) offsets(%dma_start3A_253 : memref<128xi32, #tpu.memory_space<vmem>>) semaphore(%arg22 : memref<!tpu.dma_semaphore, #tpu.memory_space<semaphore_mem>>) {add = true}
        %add3A_257 = arith.constant 4 : i32
        %add3A_258 = arith.addi %add3A_206, %add3A_257 : i32
        %lt3A_259 = arith.cmpi slt, %add3A_258, %select_n3A : i32
        %convert_element_type3A_260 = arith.extui %lt3A_259 : i1 to i32
        %cond3A_261 = arith.constant 0 : i32
        %cond3A_262 = arith.cmpi ne, %convert_element_type3A_260, %cond3A_261 : i32
        scf.if %cond3A_262 {
          %ge3A = arith.constant 8 : i32
          %ge3A_263 = arith.cmpi sge, %add3A_258, %ge3A : i32
          %convert_element_type3A_264 = arith.extui %ge3A_263 : i1 to i32
          %cond3A_265 = arith.constant 0 : i32
          %cond3A_266 = arith.cmpi ne, %convert_element_type3A_264, %cond3A_265 : i32
          scf.if %cond3A_266 {
            %dma_wait3A_278 = arith.constant 0 : i32
            %dma_wait3A_279 = arith.constant 0 : i32
            %dma_wait3A_280 = arith.constant 0 : i32
            %dma_wait3A_281 = tpu.memref_slice %arg8[%dma_wait3A_278, %dma_wait3A_279, %dma_wait3A_280] : memref<8x128x16xf32, #tpu.memory_space<vmem>> -> memref<1x128x16xf32, #tpu.memory_space<vmem>>
            %dma_wait3A_282 = tpu.memref_squeeze %dma_wait3A_281 : memref<1x128x16xf32, #tpu.memory_space<vmem>> -> memref<128x16xf32, #tpu.memory_space<vmem>>
            %dma_wait3A_283 = arith.constant 0 : i32
            %dma_wait3A_284 = tpu.memref_slice %arg7[%dma_wait3A_283] : memref<10112xi32, #tpu.memory_space<vmem>> -> memref<128xi32, #tpu.memory_space<vmem>>
            %dma_wait3A_285 = arith.constant 0 : i32
            %dma_wait3A_286 = arith.constant 0 : i32
            %dma_wait3A_287 = tpu.memref_slice %arg26[%dma_wait3A_285, %dma_wait3A_286] : memref<10112x16xf32, #tpu.memory_space<vmem_shared>> -> memref<10112x16xf32, #tpu.memory_space<vmem_shared>>
            tpu.wait_indirect_dma semaphore(%arg18 : memref<!tpu.dma_semaphore, #tpu.memory_space<semaphore_mem>>) src(%dma_wait3A_282 : memref<128x16xf32, #tpu.memory_space<vmem>>) dst(%dma_wait3A_287 : memref<10112x16xf32, #tpu.memory_space<vmem_shared>>)
          } else {
          }
          %mul3A_267 = arith.constant 128 : i32
          %mul3A_268 = arith.muli %add3A_258, %mul3A_267 : i32
          %dma_start3A_269 = arith.constant 0 : i32
          %dma_start3A_270 = arith.constant 0 : i32
          %dma_start3A_271 = arith.constant 0 : i32
          %dma_start3A_272 = tpu.memref_slice %arg8[%dma_start3A_269, %dma_start3A_270, %dma_start3A_271] : memref<8x128x16xf32, #tpu.memory_space<vmem>> -> memref<1x128x16xf32, #tpu.memory_space<vmem>>
          %dma_start3A_273 = tpu.memref_squeeze %dma_start3A_272 : memref<1x128x16xf32, #tpu.memory_space<vmem>> -> memref<128x16xf32, #tpu.memory_space<vmem>>
          %dma_start3A_274 = tpu.memref_slice %arg6[%mul3A_268] : memref<10112xi32, #tpu.memory_space<vmem>> -> memref<128xi32, #tpu.memory_space<vmem>>
          %dma_start3A_275 = arith.constant 0 : i32
          %dma_start3A_276 = arith.constant 0 : i32
          %dma_start3A_277 = tpu.memref_slice %arg27[%dma_start3A_275, %dma_start3A_276] : memref<10112x16xf32, #tpu.memory_space<vmem_shared>> -> memref<10112x16xf32, #tpu.memory_space<vmem_shared>>
          tpu.enqueue_indirect_dma source(%dma_start3A_277 : memref<10112x16xf32, #tpu.memory_space<vmem_shared>>) target(%dma_start3A_273 : memref<128x16xf32, #tpu.memory_space<vmem>>) offsets(%dma_start3A_274 : memref<128xi32, #tpu.memory_space<vmem>>) semaphore(%arg10 : memref<!tpu.dma_semaphore, #tpu.memory_space<semaphore_mem>>)
        } else {
        }
      } else {
      }
      %mul3A_211 = arith.constant 8 : i32
      %mul3A_212 = arith.muli %scan3A_170, %mul3A_211 : i32
      %add3A_213 = arith.constant 5 : i32
      %add3A_214 = arith.addi %mul3A_212, %add3A_213 : i32
      %lt3A_215 = arith.cmpi slt, %add3A_214, %select_n3A : i32
      %convert_element_type3A_216 = arith.extui %lt3A_215 : i1 to i32
      %cond3A_217 = arith.constant 0 : i32
      %cond3A_218 = arith.cmpi ne, %convert_element_type3A_216, %cond3A_217 : i32
      scf.if %cond3A_218 {
        %mul3A_235 = arith.constant 128 : i32
        %mul3A_236 = arith.muli %add3A_214, %mul3A_235 : i32
        %dma_wait3A_237 = arith.constant 5 : i32
        %dma_wait3A_238 = arith.constant 0 : i32
        %dma_wait3A_239 = arith.constant 0 : i32
        %dma_wait3A_240 = tpu.memref_slice %arg8[%dma_wait3A_237, %dma_wait3A_238, %dma_wait3A_239] : memref<8x128x16xf32, #tpu.memory_space<vmem>> -> memref<1x128x16xf32, #tpu.memory_space<vmem>>
        %dma_wait3A_241 = tpu.memref_squeeze %dma_wait3A_240 : memref<1x128x16xf32, #tpu.memory_space<vmem>> -> memref<128x16xf32, #tpu.memory_space<vmem>>
        %dma_wait3A_242 = tpu.memref_slice %arg6[%mul3A_236] : memref<10112xi32, #tpu.memory_space<vmem>> -> memref<128xi32, #tpu.memory_space<vmem>>
        %dma_wait3A_243 = arith.constant 0 : i32
        %dma_wait3A_244 = arith.constant 0 : i32
        %dma_wait3A_245 = tpu.memref_slice %arg27[%dma_wait3A_243, %dma_wait3A_244] : memref<10112x16xf32, #tpu.memory_space<vmem_shared>> -> memref<10112x16xf32, #tpu.memory_space<vmem_shared>>
        tpu.wait_indirect_dma semaphore(%arg15 : memref<!tpu.dma_semaphore, #tpu.memory_space<semaphore_mem>>) src(%dma_wait3A_245 : memref<10112x16xf32, #tpu.memory_space<vmem_shared>>) dst(%dma_wait3A_241 : memref<128x16xf32, #tpu.memory_space<vmem>>)
        %mul3A_246 = arith.constant 128 : i32
        %mul3A_247 = arith.muli %add3A_214, %mul3A_246 : i32
        %dma_start3A_248 = arith.constant 5 : i32
        %dma_start3A_249 = arith.constant 0 : i32
        %dma_start3A_250 = arith.constant 0 : i32
        %dma_start3A_251 = tpu.memref_slice %arg8[%dma_start3A_248, %dma_start3A_249, %dma_start3A_250] : memref<8x128x16xf32, #tpu.memory_space<vmem>> -> memref<1x128x16xf32, #tpu.memory_space<vmem>>
        %dma_start3A_252 = tpu.memref_squeeze %dma_start3A_251 : memref<1x128x16xf32, #tpu.memory_space<vmem>> -> memref<128x16xf32, #tpu.memory_space<vmem>>
        %dma_start3A_253 = tpu.memref_slice %arg7[%mul3A_247] : memref<10112xi32, #tpu.memory_space<vmem>> -> memref<128xi32, #tpu.memory_space<vmem>>
        %dma_start3A_254 = arith.constant 0 : i32
        %dma_start3A_255 = arith.constant 0 : i32
        %dma_start3A_256 = tpu.memref_slice %arg26[%dma_start3A_254, %dma_start3A_255] : memref<10112x16xf32, #tpu.memory_space<vmem_shared>> -> memref<10112x16xf32, #tpu.memory_space<vmem_shared>>
        tpu.enqueue_indirect_dma source(%dma_start3A_252 : memref<128x16xf32, #tpu.memory_space<vmem>>) target(%dma_start3A_256 : memref<10112x16xf32, #tpu.memory_space<vmem_shared>>) offsets(%dma_start3A_253 : memref<128xi32, #tpu.memory_space<vmem>>) semaphore(%arg23 : memref<!tpu.dma_semaphore, #tpu.memory_space<semaphore_mem>>) {add = true}
        %add3A_257 = arith.constant 4 : i32
        %add3A_258 = arith.addi %add3A_214, %add3A_257 : i32
        %lt3A_259 = arith.cmpi slt, %add3A_258, %select_n3A : i32
        %convert_element_type3A_260 = arith.extui %lt3A_259 : i1 to i32
        %cond3A_261 = arith.constant 0 : i32
        %cond3A_262 = arith.cmpi ne, %convert_element_type3A_260, %cond3A_261 : i32
        scf.if %cond3A_262 {
          %ge3A = arith.constant 8 : i32
          %ge3A_263 = arith.cmpi sge, %add3A_258, %ge3A : i32
          %convert_element_type3A_264 = arith.extui %ge3A_263 : i1 to i32
          %cond3A_265 = arith.constant 0 : i32
          %cond3A_266 = arith.cmpi ne, %convert_element_type3A_264, %cond3A_265 : i32
          scf.if %cond3A_266 {
            %dma_wait3A_278 = arith.constant 1 : i32
            %dma_wait3A_279 = arith.constant 0 : i32
            %dma_wait3A_280 = arith.constant 0 : i32
            %dma_wait3A_281 = tpu.memref_slice %arg8[%dma_wait3A_278, %dma_wait3A_279, %dma_wait3A_280] : memref<8x128x16xf32, #tpu.memory_space<vmem>> -> memref<1x128x16xf32, #tpu.memory_space<vmem>>
            %dma_wait3A_282 = tpu.memref_squeeze %dma_wait3A_281 : memref<1x128x16xf32, #tpu.memory_space<vmem>> -> memref<128x16xf32, #tpu.memory_space<vmem>>
            %dma_wait3A_283 = arith.constant 0 : i32
            %dma_wait3A_284 = tpu.memref_slice %arg7[%dma_wait3A_283] : memref<10112xi32, #tpu.memory_space<vmem>> -> memref<128xi32, #tpu.memory_space<vmem>>
            %dma_wait3A_285 = arith.constant 0 : i32
            %dma_wait3A_286 = arith.constant 0 : i32
            %dma_wait3A_287 = tpu.memref_slice %arg26[%dma_wait3A_285, %dma_wait3A_286] : memref<10112x16xf32, #tpu.memory_space<vmem_shared>> -> memref<10112x16xf32, #tpu.memory_space<vmem_shared>>
            tpu.wait_indirect_dma semaphore(%arg19 : memref<!tpu.dma_semaphore, #tpu.memory_space<semaphore_mem>>) src(%dma_wait3A_282 : memref<128x16xf32, #tpu.memory_space<vmem>>) dst(%dma_wait3A_287 : memref<10112x16xf32, #tpu.memory_space<vmem_shared>>)
          } else {
          }
          %mul3A_267 = arith.constant 128 : i32
          %mul3A_268 = arith.muli %add3A_258, %mul3A_267 : i32
          %dma_start3A_269 = arith.constant 1 : i32
          %dma_start3A_270 = arith.constant 0 : i32
          %dma_start3A_271 = arith.constant 0 : i32
          %dma_start3A_272 = tpu.memref_slice %arg8[%dma_start3A_269, %dma_start3A_270, %dma_start3A_271] : memref<8x128x16xf32, #tpu.memory_space<vmem>> -> memref<1x128x16xf32, #tpu.memory_space<vmem>>
          %dma_start3A_273 = tpu.memref_squeeze %dma_start3A_272 : memref<1x128x16xf32, #tpu.memory_space<vmem>> -> memref<128x16xf32, #tpu.memory_space<vmem>>
          %dma_start3A_274 = tpu.memref_slice %arg6[%mul3A_268] : memref<10112xi32, #tpu.memory_space<vmem>> -> memref<128xi32, #tpu.memory_space<vmem>>
          %dma_start3A_275 = arith.constant 0 : i32
          %dma_start3A_276 = arith.constant 0 : i32
          %dma_start3A_277 = tpu.memref_slice %arg27[%dma_start3A_275, %dma_start3A_276] : memref<10112x16xf32, #tpu.memory_space<vmem_shared>> -> memref<10112x16xf32, #tpu.memory_space<vmem_shared>>
          tpu.enqueue_indirect_dma source(%dma_start3A_277 : memref<10112x16xf32, #tpu.memory_space<vmem_shared>>) target(%dma_start3A_273 : memref<128x16xf32, #tpu.memory_space<vmem>>) offsets(%dma_start3A_274 : memref<128xi32, #tpu.memory_space<vmem>>) semaphore(%arg11 : memref<!tpu.dma_semaphore, #tpu.memory_space<semaphore_mem>>)
        } else {
        }
      } else {
      }
      %mul3A_219 = arith.constant 8 : i32
      %mul3A_220 = arith.muli %scan3A_170, %mul3A_219 : i32
      %add3A_221 = arith.constant 6 : i32
      %add3A_222 = arith.addi %mul3A_220, %add3A_221 : i32
      %lt3A_223 = arith.cmpi slt, %add3A_222, %select_n3A : i32
      %convert_element_type3A_224 = arith.extui %lt3A_223 : i1 to i32
      %cond3A_225 = arith.constant 0 : i32
      %cond3A_226 = arith.cmpi ne, %convert_element_type3A_224, %cond3A_225 : i32
      scf.if %cond3A_226 {
        %mul3A_235 = arith.constant 128 : i32
        %mul3A_236 = arith.muli %add3A_222, %mul3A_235 : i32
        %dma_wait3A_237 = arith.constant 6 : i32
        %dma_wait3A_238 = arith.constant 0 : i32
        %dma_wait3A_239 = arith.constant 0 : i32
        %dma_wait3A_240 = tpu.memref_slice %arg8[%dma_wait3A_237, %dma_wait3A_238, %dma_wait3A_239] : memref<8x128x16xf32, #tpu.memory_space<vmem>> -> memref<1x128x16xf32, #tpu.memory_space<vmem>>
        %dma_wait3A_241 = tpu.memref_squeeze %dma_wait3A_240 : memref<1x128x16xf32, #tpu.memory_space<vmem>> -> memref<128x16xf32, #tpu.memory_space<vmem>>
        %dma_wait3A_242 = tpu.memref_slice %arg6[%mul3A_236] : memref<10112xi32, #tpu.memory_space<vmem>> -> memref<128xi32, #tpu.memory_space<vmem>>
        %dma_wait3A_243 = arith.constant 0 : i32
        %dma_wait3A_244 = arith.constant 0 : i32
        %dma_wait3A_245 = tpu.memref_slice %arg27[%dma_wait3A_243, %dma_wait3A_244] : memref<10112x16xf32, #tpu.memory_space<vmem_shared>> -> memref<10112x16xf32, #tpu.memory_space<vmem_shared>>
        tpu.wait_indirect_dma semaphore(%arg16 : memref<!tpu.dma_semaphore, #tpu.memory_space<semaphore_mem>>) src(%dma_wait3A_245 : memref<10112x16xf32, #tpu.memory_space<vmem_shared>>) dst(%dma_wait3A_241 : memref<128x16xf32, #tpu.memory_space<vmem>>)
        %mul3A_246 = arith.constant 128 : i32
        %mul3A_247 = arith.muli %add3A_222, %mul3A_246 : i32
        %dma_start3A_248 = arith.constant 6 : i32
        %dma_start3A_249 = arith.constant 0 : i32
        %dma_start3A_250 = arith.constant 0 : i32
        %dma_start3A_251 = tpu.memref_slice %arg8[%dma_start3A_248, %dma_start3A_249, %dma_start3A_250] : memref<8x128x16xf32, #tpu.memory_space<vmem>> -> memref<1x128x16xf32, #tpu.memory_space<vmem>>
        %dma_start3A_252 = tpu.memref_squeeze %dma_start3A_251 : memref<1x128x16xf32, #tpu.memory_space<vmem>> -> memref<128x16xf32, #tpu.memory_space<vmem>>
        %dma_start3A_253 = tpu.memref_slice %arg7[%mul3A_247] : memref<10112xi32, #tpu.memory_space<vmem>> -> memref<128xi32, #tpu.memory_space<vmem>>
        %dma_start3A_254 = arith.constant 0 : i32
        %dma_start3A_255 = arith.constant 0 : i32
        %dma_start3A_256 = tpu.memref_slice %arg26[%dma_start3A_254, %dma_start3A_255] : memref<10112x16xf32, #tpu.memory_space<vmem_shared>> -> memref<10112x16xf32, #tpu.memory_space<vmem_shared>>
        tpu.enqueue_indirect_dma source(%dma_start3A_252 : memref<128x16xf32, #tpu.memory_space<vmem>>) target(%dma_start3A_256 : memref<10112x16xf32, #tpu.memory_space<vmem_shared>>) offsets(%dma_start3A_253 : memref<128xi32, #tpu.memory_space<vmem>>) semaphore(%arg24 : memref<!tpu.dma_semaphore, #tpu.memory_space<semaphore_mem>>) {add = true}
        %add3A_257 = arith.constant 4 : i32
        %add3A_258 = arith.addi %add3A_222, %add3A_257 : i32
        %lt3A_259 = arith.cmpi slt, %add3A_258, %select_n3A : i32
        %convert_element_type3A_260 = arith.extui %lt3A_259 : i1 to i32
        %cond3A_261 = arith.constant 0 : i32
        %cond3A_262 = arith.cmpi ne, %convert_element_type3A_260, %cond3A_261 : i32
        scf.if %cond3A_262 {
          %ge3A = arith.constant 8 : i32
          %ge3A_263 = arith.cmpi sge, %add3A_258, %ge3A : i32
          %convert_element_type3A_264 = arith.extui %ge3A_263 : i1 to i32
          %cond3A_265 = arith.constant 0 : i32
          %cond3A_266 = arith.cmpi ne, %convert_element_type3A_264, %cond3A_265 : i32
          scf.if %cond3A_266 {
            %dma_wait3A_278 = arith.constant 2 : i32
            %dma_wait3A_279 = arith.constant 0 : i32
            %dma_wait3A_280 = arith.constant 0 : i32
            %dma_wait3A_281 = tpu.memref_slice %arg8[%dma_wait3A_278, %dma_wait3A_279, %dma_wait3A_280] : memref<8x128x16xf32, #tpu.memory_space<vmem>> -> memref<1x128x16xf32, #tpu.memory_space<vmem>>
            %dma_wait3A_282 = tpu.memref_squeeze %dma_wait3A_281 : memref<1x128x16xf32, #tpu.memory_space<vmem>> -> memref<128x16xf32, #tpu.memory_space<vmem>>
            %dma_wait3A_283 = arith.constant 0 : i32
            %dma_wait3A_284 = tpu.memref_slice %arg7[%dma_wait3A_283] : memref<10112xi32, #tpu.memory_space<vmem>> -> memref<128xi32, #tpu.memory_space<vmem>>
            %dma_wait3A_285 = arith.constant 0 : i32
            %dma_wait3A_286 = arith.constant 0 : i32
            %dma_wait3A_287 = tpu.memref_slice %arg26[%dma_wait3A_285, %dma_wait3A_286] : memref<10112x16xf32, #tpu.memory_space<vmem_shared>> -> memref<10112x16xf32, #tpu.memory_space<vmem_shared>>
            tpu.wait_indirect_dma semaphore(%arg20 : memref<!tpu.dma_semaphore, #tpu.memory_space<semaphore_mem>>) src(%dma_wait3A_282 : memref<128x16xf32, #tpu.memory_space<vmem>>) dst(%dma_wait3A_287 : memref<10112x16xf32, #tpu.memory_space<vmem_shared>>)
          } else {
          }
          %mul3A_267 = arith.constant 128 : i32
          %mul3A_268 = arith.muli %add3A_258, %mul3A_267 : i32
          %dma_start3A_269 = arith.constant 2 : i32
          %dma_start3A_270 = arith.constant 0 : i32
          %dma_start3A_271 = arith.constant 0 : i32
          %dma_start3A_272 = tpu.memref_slice %arg8[%dma_start3A_269, %dma_start3A_270, %dma_start3A_271] : memref<8x128x16xf32, #tpu.memory_space<vmem>> -> memref<1x128x16xf32, #tpu.memory_space<vmem>>
          %dma_start3A_273 = tpu.memref_squeeze %dma_start3A_272 : memref<1x128x16xf32, #tpu.memory_space<vmem>> -> memref<128x16xf32, #tpu.memory_space<vmem>>
          %dma_start3A_274 = tpu.memref_slice %arg6[%mul3A_268] : memref<10112xi32, #tpu.memory_space<vmem>> -> memref<128xi32, #tpu.memory_space<vmem>>
          %dma_start3A_275 = arith.constant 0 : i32
          %dma_start3A_276 = arith.constant 0 : i32
          %dma_start3A_277 = tpu.memref_slice %arg27[%dma_start3A_275, %dma_start3A_276] : memref<10112x16xf32, #tpu.memory_space<vmem_shared>> -> memref<10112x16xf32, #tpu.memory_space<vmem_shared>>
          tpu.enqueue_indirect_dma source(%dma_start3A_277 : memref<10112x16xf32, #tpu.memory_space<vmem_shared>>) target(%dma_start3A_273 : memref<128x16xf32, #tpu.memory_space<vmem>>) offsets(%dma_start3A_274 : memref<128xi32, #tpu.memory_space<vmem>>) semaphore(%arg12 : memref<!tpu.dma_semaphore, #tpu.memory_space<semaphore_mem>>)
        } else {
        }
      } else {
      }
      %mul3A_227 = arith.constant 8 : i32
      %mul3A_228 = arith.muli %scan3A_170, %mul3A_227 : i32
      %add3A_229 = arith.constant 7 : i32
      %add3A_230 = arith.addi %mul3A_228, %add3A_229 : i32
      %lt3A_231 = arith.cmpi slt, %add3A_230, %select_n3A : i32
      %convert_element_type3A_232 = arith.extui %lt3A_231 : i1 to i32
      %cond3A_233 = arith.constant 0 : i32
      %cond3A_234 = arith.cmpi ne, %convert_element_type3A_232, %cond3A_233 : i32
      scf.if %cond3A_234 {
        %mul3A_235 = arith.constant 128 : i32
        %mul3A_236 = arith.muli %add3A_230, %mul3A_235 : i32
        %dma_wait3A_237 = arith.constant 7 : i32
        %dma_wait3A_238 = arith.constant 0 : i32
        %dma_wait3A_239 = arith.constant 0 : i32
        %dma_wait3A_240 = tpu.memref_slice %arg8[%dma_wait3A_237, %dma_wait3A_238, %dma_wait3A_239] : memref<8x128x16xf32, #tpu.memory_space<vmem>> -> memref<1x128x16xf32, #tpu.memory_space<vmem>>
        %dma_wait3A_241 = tpu.memref_squeeze %dma_wait3A_240 : memref<1x128x16xf32, #tpu.memory_space<vmem>> -> memref<128x16xf32, #tpu.memory_space<vmem>>
        %dma_wait3A_242 = tpu.memref_slice %arg6[%mul3A_236] : memref<10112xi32, #tpu.memory_space<vmem>> -> memref<128xi32, #tpu.memory_space<vmem>>
        %dma_wait3A_243 = arith.constant 0 : i32
        %dma_wait3A_244 = arith.constant 0 : i32
        %dma_wait3A_245 = tpu.memref_slice %arg27[%dma_wait3A_243, %dma_wait3A_244] : memref<10112x16xf32, #tpu.memory_space<vmem_shared>> -> memref<10112x16xf32, #tpu.memory_space<vmem_shared>>
        tpu.wait_indirect_dma semaphore(%arg17 : memref<!tpu.dma_semaphore, #tpu.memory_space<semaphore_mem>>) src(%dma_wait3A_245 : memref<10112x16xf32, #tpu.memory_space<vmem_shared>>) dst(%dma_wait3A_241 : memref<128x16xf32, #tpu.memory_space<vmem>>)
        %mul3A_246 = arith.constant 128 : i32
        %mul3A_247 = arith.muli %add3A_230, %mul3A_246 : i32
        %dma_start3A_248 = arith.constant 7 : i32
        %dma_start3A_249 = arith.constant 0 : i32
        %dma_start3A_250 = arith.constant 0 : i32
        %dma_start3A_251 = tpu.memref_slice %arg8[%dma_start3A_248, %dma_start3A_249, %dma_start3A_250] : memref<8x128x16xf32, #tpu.memory_space<vmem>> -> memref<1x128x16xf32, #tpu.memory_space<vmem>>
        %dma_start3A_252 = tpu.memref_squeeze %dma_start3A_251 : memref<1x128x16xf32, #tpu.memory_space<vmem>> -> memref<128x16xf32, #tpu.memory_space<vmem>>
        %dma_start3A_253 = tpu.memref_slice %arg7[%mul3A_247] : memref<10112xi32, #tpu.memory_space<vmem>> -> memref<128xi32, #tpu.memory_space<vmem>>
        %dma_start3A_254 = arith.constant 0 : i32
        %dma_start3A_255 = arith.constant 0 : i32
        %dma_start3A_256 = tpu.memref_slice %arg26[%dma_start3A_254, %dma_start3A_255] : memref<10112x16xf32, #tpu.memory_space<vmem_shared>> -> memref<10112x16xf32, #tpu.memory_space<vmem_shared>>
        tpu.enqueue_indirect_dma source(%dma_start3A_252 : memref<128x16xf32, #tpu.memory_space<vmem>>) target(%dma_start3A_256 : memref<10112x16xf32, #tpu.memory_space<vmem_shared>>) offsets(%dma_start3A_253 : memref<128xi32, #tpu.memory_space<vmem>>) semaphore(%arg25 : memref<!tpu.dma_semaphore, #tpu.memory_space<semaphore_mem>>) {add = true}
        %add3A_257 = arith.constant 4 : i32
        %add3A_258 = arith.addi %add3A_230, %add3A_257 : i32
        %lt3A_259 = arith.cmpi slt, %add3A_258, %select_n3A : i32
        %convert_element_type3A_260 = arith.extui %lt3A_259 : i1 to i32
        %cond3A_261 = arith.constant 0 : i32
        %cond3A_262 = arith.cmpi ne, %convert_element_type3A_260, %cond3A_261 : i32
        scf.if %cond3A_262 {
          %ge3A = arith.constant 8 : i32
          %ge3A_263 = arith.cmpi sge, %add3A_258, %ge3A : i32
          %convert_element_type3A_264 = arith.extui %ge3A_263 : i1 to i32
          %cond3A_265 = arith.constant 0 : i32
          %cond3A_266 = arith.cmpi ne, %convert_element_type3A_264, %cond3A_265 : i32
          scf.if %cond3A_266 {
            %dma_wait3A_278 = arith.constant 3 : i32
            %dma_wait3A_279 = arith.constant 0 : i32
            %dma_wait3A_280 = arith.constant 0 : i32
            %dma_wait3A_281 = tpu.memref_slice %arg8[%dma_wait3A_278, %dma_wait3A_279, %dma_wait3A_280] : memref<8x128x16xf32, #tpu.memory_space<vmem>> -> memref<1x128x16xf32, #tpu.memory_space<vmem>>
            %dma_wait3A_282 = tpu.memref_squeeze %dma_wait3A_281 : memref<1x128x16xf32, #tpu.memory_space<vmem>> -> memref<128x16xf32, #tpu.memory_space<vmem>>
            %dma_wait3A_283 = arith.constant 0 : i32
            %dma_wait3A_284 = tpu.memref_slice %arg7[%dma_wait3A_283] : memref<10112xi32, #tpu.memory_space<vmem>> -> memref<128xi32, #tpu.memory_space<vmem>>
            %dma_wait3A_285 = arith.constant 0 : i32
            %dma_wait3A_286 = arith.constant 0 : i32
            %dma_wait3A_287 = tpu.memref_slice %arg26[%dma_wait3A_285, %dma_wait3A_286] : memref<10112x16xf32, #tpu.memory_space<vmem_shared>> -> memref<10112x16xf32, #tpu.memory_space<vmem_shared>>
            tpu.wait_indirect_dma semaphore(%arg21 : memref<!tpu.dma_semaphore, #tpu.memory_space<semaphore_mem>>) src(%dma_wait3A_282 : memref<128x16xf32, #tpu.memory_space<vmem>>) dst(%dma_wait3A_287 : memref<10112x16xf32, #tpu.memory_space<vmem_shared>>)
          } else {
          }
          %mul3A_267 = arith.constant 128 : i32
          %mul3A_268 = arith.muli %add3A_258, %mul3A_267 : i32
          %dma_start3A_269 = arith.constant 3 : i32
          %dma_start3A_270 = arith.constant 0 : i32
          %dma_start3A_271 = arith.constant 0 : i32
          %dma_start3A_272 = tpu.memref_slice %arg8[%dma_start3A_269, %dma_start3A_270, %dma_start3A_271] : memref<8x128x16xf32, #tpu.memory_space<vmem>> -> memref<1x128x16xf32, #tpu.memory_space<vmem>>
          %dma_start3A_273 = tpu.memref_squeeze %dma_start3A_272 : memref<1x128x16xf32, #tpu.memory_space<vmem>> -> memref<128x16xf32, #tpu.memory_space<vmem>>
          %dma_start3A_274 = tpu.memref_slice %arg6[%mul3A_268] : memref<10112xi32, #tpu.memory_space<vmem>> -> memref<128xi32, #tpu.memory_space<vmem>>
          %dma_start3A_275 = arith.constant 0 : i32
          %dma_start3A_276 = arith.constant 0 : i32
          %dma_start3A_277 = tpu.memref_slice %arg27[%dma_start3A_275, %dma_start3A_276] : memref<10112x16xf32, #tpu.memory_space<vmem_shared>> -> memref<10112x16xf32, #tpu.memory_space<vmem_shared>>
          tpu.enqueue_indirect_dma source(%dma_start3A_277 : memref<10112x16xf32, #tpu.memory_space<vmem_shared>>) target(%dma_start3A_273 : memref<128x16xf32, #tpu.memory_space<vmem>>) offsets(%dma_start3A_274 : memref<128xi32, #tpu.memory_space<vmem>>) semaphore(%arg13 : memref<!tpu.dma_semaphore, #tpu.memory_space<semaphore_mem>>)
        } else {
        }
      } else {
      }
    }
    %scan3A_77 = arith.constant 10 : i32
    %dma_wait3A = arith.constant 0 : i32
    %dma_wait3A_78 = arith.constant 0 : i32
    %dma_wait3A_79 = arith.constant 0 : i32
    %dma_wait3A_80 = tpu.memref_slice %arg8[%dma_wait3A, %dma_wait3A_78, %dma_wait3A_79] : memref<8x128x16xf32, #tpu.memory_space<vmem>> -> memref<1x128x16xf32, #tpu.memory_space<vmem>>
    %dma_wait3A_81 = tpu.memref_squeeze %dma_wait3A_80 : memref<1x128x16xf32, #tpu.memory_space<vmem>> -> memref<128x16xf32, #tpu.memory_space<vmem>>
    %dma_wait3A_82 = arith.constant 0 : i32
    %dma_wait3A_83 = tpu.memref_slice %arg7[%dma_wait3A_82] : memref<10112xi32, #tpu.memory_space<vmem>> -> memref<128xi32, #tpu.memory_space<vmem>>
    %dma_wait3A_84 = arith.constant 0 : i32
    %dma_wait3A_85 = arith.constant 0 : i32
    %dma_wait3A_86 = tpu.memref_slice %arg26[%dma_wait3A_84, %dma_wait3A_85] : memref<10112x16xf32, #tpu.memory_space<vmem_shared>> -> memref<10112x16xf32, #tpu.memory_space<vmem_shared>>
    tpu.wait_indirect_dma semaphore(%arg18 : memref<!tpu.dma_semaphore, #tpu.memory_space<semaphore_mem>>) src(%dma_wait3A_81 : memref<128x16xf32, #tpu.memory_space<vmem>>) dst(%dma_wait3A_86 : memref<10112x16xf32, #tpu.memory_space<vmem_shared>>)
    %dma_wait3A_87 = arith.constant 1 : i32
    %dma_wait3A_88 = arith.constant 0 : i32
    %dma_wait3A_89 = arith.constant 0 : i32
    %dma_wait3A_90 = tpu.memref_slice %arg8[%dma_wait3A_87, %dma_wait3A_88, %dma_wait3A_89] : memref<8x128x16xf32, #tpu.memory_space<vmem>> -> memref<1x128x16xf32, #tpu.memory_space<vmem>>
    %dma_wait3A_91 = tpu.memref_squeeze %dma_wait3A_90 : memref<1x128x16xf32, #tpu.memory_space<vmem>> -> memref<128x16xf32, #tpu.memory_space<vmem>>
    %dma_wait3A_92 = arith.constant 0 : i32
    %dma_wait3A_93 = tpu.memref_slice %arg7[%dma_wait3A_92] : memref<10112xi32, #tpu.memory_space<vmem>> -> memref<128xi32, #tpu.memory_space<vmem>>
    %dma_wait3A_94 = arith.constant 0 : i32
    %dma_wait3A_95 = arith.constant 0 : i32
    %dma_wait3A_96 = tpu.memref_slice %arg26[%dma_wait3A_94, %dma_wait3A_95] : memref<10112x16xf32, #tpu.memory_space<vmem_shared>> -> memref<10112x16xf32, #tpu.memory_space<vmem_shared>>
    tpu.wait_indirect_dma semaphore(%arg19 : memref<!tpu.dma_semaphore, #tpu.memory_space<semaphore_mem>>) src(%dma_wait3A_91 : memref<128x16xf32, #tpu.memory_space<vmem>>) dst(%dma_wait3A_96 : memref<10112x16xf32, #tpu.memory_space<vmem_shared>>)
    %dma_wait3A_97 = arith.constant 2 : i32
    %dma_wait3A_98 = arith.constant 0 : i32
    %dma_wait3A_99 = arith.constant 0 : i32
    %dma_wait3A_100 = tpu.memref_slice %arg8[%dma_wait3A_97, %dma_wait3A_98, %dma_wait3A_99] : memref<8x128x16xf32, #tpu.memory_space<vmem>> -> memref<1x128x16xf32, #tpu.memory_space<vmem>>
    %dma_wait3A_101 = tpu.memref_squeeze %dma_wait3A_100 : memref<1x128x16xf32, #tpu.memory_space<vmem>> -> memref<128x16xf32, #tpu.memory_space<vmem>>
    %dma_wait3A_102 = arith.constant 0 : i32
    %dma_wait3A_103 = tpu.memref_slice %arg7[%dma_wait3A_102] : memref<10112xi32, #tpu.memory_space<vmem>> -> memref<128xi32, #tpu.memory_space<vmem>>
    %dma_wait3A_104 = arith.constant 0 : i32
    %dma_wait3A_105 = arith.constant 0 : i32
    %dma_wait3A_106 = tpu.memref_slice %arg26[%dma_wait3A_104, %dma_wait3A_105] : memref<10112x16xf32, #tpu.memory_space<vmem_shared>> -> memref<10112x16xf32, #tpu.memory_space<vmem_shared>>
    tpu.wait_indirect_dma semaphore(%arg20 : memref<!tpu.dma_semaphore, #tpu.memory_space<semaphore_mem>>) src(%dma_wait3A_101 : memref<128x16xf32, #tpu.memory_space<vmem>>) dst(%dma_wait3A_106 : memref<10112x16xf32, #tpu.memory_space<vmem_shared>>)
    %dma_wait3A_107 = arith.constant 3 : i32
    %dma_wait3A_108 = arith.constant 0 : i32
    %dma_wait3A_109 = arith.constant 0 : i32
    %dma_wait3A_110 = tpu.memref_slice %arg8[%dma_wait3A_107, %dma_wait3A_108, %dma_wait3A_109] : memref<8x128x16xf32, #tpu.memory_space<vmem>> -> memref<1x128x16xf32, #tpu.memory_space<vmem>>
    %dma_wait3A_111 = tpu.memref_squeeze %dma_wait3A_110 : memref<1x128x16xf32, #tpu.memory_space<vmem>> -> memref<128x16xf32, #tpu.memory_space<vmem>>
    %dma_wait3A_112 = arith.constant 0 : i32
    %dma_wait3A_113 = tpu.memref_slice %arg7[%dma_wait3A_112] : memref<10112xi32, #tpu.memory_space<vmem>> -> memref<128xi32, #tpu.memory_space<vmem>>
    %dma_wait3A_114 = arith.constant 0 : i32
    %dma_wait3A_115 = arith.constant 0 : i32
    %dma_wait3A_116 = tpu.memref_slice %arg26[%dma_wait3A_114, %dma_wait3A_115] : memref<10112x16xf32, #tpu.memory_space<vmem_shared>> -> memref<10112x16xf32, #tpu.memory_space<vmem_shared>>
    tpu.wait_indirect_dma semaphore(%arg21 : memref<!tpu.dma_semaphore, #tpu.memory_space<semaphore_mem>>) src(%dma_wait3A_111 : memref<128x16xf32, #tpu.memory_space<vmem>>) dst(%dma_wait3A_116 : memref<10112x16xf32, #tpu.memory_space<vmem_shared>>)
    %dma_wait3A_117 = arith.constant 4 : i32
    %dma_wait3A_118 = arith.constant 0 : i32
    %dma_wait3A_119 = arith.constant 0 : i32
    %dma_wait3A_120 = tpu.memref_slice %arg8[%dma_wait3A_117, %dma_wait3A_118, %dma_wait3A_119] : memref<8x128x16xf32, #tpu.memory_space<vmem>> -> memref<1x128x16xf32, #tpu.memory_space<vmem>>
    %dma_wait3A_121 = tpu.memref_squeeze %dma_wait3A_120 : memref<1x128x16xf32, #tpu.memory_space<vmem>> -> memref<128x16xf32, #tpu.memory_space<vmem>>
    %dma_wait3A_122 = arith.constant 0 : i32
    %dma_wait3A_123 = tpu.memref_slice %arg7[%dma_wait3A_122] : memref<10112xi32, #tpu.memory_space<vmem>> -> memref<128xi32, #tpu.memory_space<vmem>>
    %dma_wait3A_124 = arith.constant 0 : i32
    %dma_wait3A_125 = arith.constant 0 : i32
    %dma_wait3A_126 = tpu.memref_slice %arg26[%dma_wait3A_124, %dma_wait3A_125] : memref<10112x16xf32, #tpu.memory_space<vmem_shared>> -> memref<10112x16xf32, #tpu.memory_space<vmem_shared>>
    tpu.wait_indirect_dma semaphore(%arg22 : memref<!tpu.dma_semaphore, #tpu.memory_space<semaphore_mem>>) src(%dma_wait3A_121 : memref<128x16xf32, #tpu.memory_space<vmem>>) dst(%dma_wait3A_126 : memref<10112x16xf32, #tpu.memory_space<vmem_shared>>)
    %dma_wait3A_127 = arith.constant 5 : i32
    %dma_wait3A_128 = arith.constant 0 : i32
    %dma_wait3A_129 = arith.constant 0 : i32
    %dma_wait3A_130 = tpu.memref_slice %arg8[%dma_wait3A_127, %dma_wait3A_128, %dma_wait3A_129] : memref<8x128x16xf32, #tpu.memory_space<vmem>> -> memref<1x128x16xf32, #tpu.memory_space<vmem>>
    %dma_wait3A_131 = tpu.memref_squeeze %dma_wait3A_130 : memref<1x128x16xf32, #tpu.memory_space<vmem>> -> memref<128x16xf32, #tpu.memory_space<vmem>>
    %dma_wait3A_132 = arith.constant 0 : i32
    %dma_wait3A_133 = tpu.memref_slice %arg7[%dma_wait3A_132] : memref<10112xi32, #tpu.memory_space<vmem>> -> memref<128xi32, #tpu.memory_space<vmem>>
    %dma_wait3A_134 = arith.constant 0 : i32
    %dma_wait3A_135 = arith.constant 0 : i32
    %dma_wait3A_136 = tpu.memref_slice %arg26[%dma_wait3A_134, %dma_wait3A_135] : memref<10112x16xf32, #tpu.memory_space<vmem_shared>> -> memref<10112x16xf32, #tpu.memory_space<vmem_shared>>
    tpu.wait_indirect_dma semaphore(%arg23 : memref<!tpu.dma_semaphore, #tpu.memory_space<semaphore_mem>>) src(%dma_wait3A_131 : memref<128x16xf32, #tpu.memory_space<vmem>>) dst(%dma_wait3A_136 : memref<10112x16xf32, #tpu.memory_space<vmem_shared>>)
    %dma_wait3A_137 = arith.constant 6 : i32
    %dma_wait3A_138 = arith.constant 0 : i32
    %dma_wait3A_139 = arith.constant 0 : i32
    %dma_wait3A_140 = tpu.memref_slice %arg8[%dma_wait3A_137, %dma_wait3A_138, %dma_wait3A_139] : memref<8x128x16xf32, #tpu.memory_space<vmem>> -> memref<1x128x16xf32, #tpu.memory_space<vmem>>
    %dma_wait3A_141 = tpu.memref_squeeze %dma_wait3A_140 : memref<1x128x16xf32, #tpu.memory_space<vmem>> -> memref<128x16xf32, #tpu.memory_space<vmem>>
    %dma_wait3A_142 = arith.constant 0 : i32
    %dma_wait3A_143 = tpu.memref_slice %arg7[%dma_wait3A_142] : memref<10112xi32, #tpu.memory_space<vmem>> -> memref<128xi32, #tpu.memory_space<vmem>>
    %dma_wait3A_144 = arith.constant 0 : i32
    %dma_wait3A_145 = arith.constant 0 : i32
    %dma_wait3A_146 = tpu.memref_slice %arg26[%dma_wait3A_144, %dma_wait3A_145] : memref<10112x16xf32, #tpu.memory_space<vmem_shared>> -> memref<10112x16xf32, #tpu.memory_space<vmem_shared>>
    tpu.wait_indirect_dma semaphore(%arg24 : memref<!tpu.dma_semaphore, #tpu.memory_space<semaphore_mem>>) src(%dma_wait3A_141 : memref<128x16xf32, #tpu.memory_space<vmem>>) dst(%dma_wait3A_146 : memref<10112x16xf32, #tpu.memory_space<vmem_shared>>)
    %dma_wait3A_147 = arith.constant 7 : i32
    %dma_wait3A_148 = arith.constant 0 : i32
    %dma_wait3A_149 = arith.constant 0 : i32
    %dma_wait3A_150 = tpu.memref_slice %arg8[%dma_wait3A_147, %dma_wait3A_148, %dma_wait3A_149] : memref<8x128x16xf32, #tpu.memory_space<vmem>> -> memref<1x128x16xf32, #tpu.memory_space<vmem>>
    %dma_wait3A_151 = tpu.memref_squeeze %dma_wait3A_150 : memref<1x128x16xf32, #tpu.memory_space<vmem>> -> memref<128x16xf32, #tpu.memory_space<vmem>>
    %dma_wait3A_152 = arith.constant 0 : i32
    %dma_wait3A_153 = tpu.memref_slice %arg7[%dma_wait3A_152] : memref<10112xi32, #tpu.memory_space<vmem>> -> memref<128xi32, #tpu.memory_space<vmem>>
    %dma_wait3A_154 = arith.constant 0 : i32
    %dma_wait3A_155 = arith.constant 0 : i32
    %dma_wait3A_156 = tpu.memref_slice %arg26[%dma_wait3A_154, %dma_wait3A_155] : memref<10112x16xf32, #tpu.memory_space<vmem_shared>> -> memref<10112x16xf32, #tpu.memory_space<vmem_shared>>
    tpu.wait_indirect_dma semaphore(%arg25 : memref<!tpu.dma_semaphore, #tpu.memory_space<semaphore_mem>>) src(%dma_wait3A_151 : memref<128x16xf32, #tpu.memory_space<vmem>>) dst(%dma_wait3A_156 : memref<10112x16xf32, #tpu.memory_space<vmem_shared>>)
    %barrier3A_157 = arith.constant 0 : index
    tpu.barrier barrier_id(%barrier3A_157)
    %mul3A_158 = arith.constant 632 : i32
    %mul3A_159 = arith.muli %arg1, %mul3A_158 : i32
    %eq3A_160 = arith.constant 0 : i32
    %eq3A_161 = arith.cmpi eq, %arg0, %eq3A_160 : i32
    %convert_element_type3A_162 = arith.extui %eq3A_161 : i1 to i32
    %cond3A_163 = arith.constant 0 : i32
    %cond3A_164 = arith.cmpi ne, %convert_element_type3A_162, %cond3A_163 : i32
    scf.if %cond3A_164 {
      "tpu.region"() ({
        %run_scoped3A = tpu.sem_alloc : memref<!tpu.dma_semaphore, #tpu.memory_space<semaphore_mem>>
        %dma_start3A_170 = arith.constant 0 : i32
        %dma_start3A_171 = tpu.memref_slice %arg4[%mul3A_159, %dma_start3A_170] : memref<10112x16xf32, #tpu.memory_space<hbm>> -> memref<632x16xf32, #tpu.memory_space<hbm>>
        %dma_start3A_172 = arith.constant 0 : i32
        %dma_start3A_173 = tpu.memref_slice %arg26[%mul3A_159, %dma_start3A_172] : memref<10112x16xf32, #tpu.memory_space<vmem_shared>> -> memref<632x16xf32, #tpu.memory_space<vmem_shared>>
        tpu.enqueue_dma source(%dma_start3A_173 : memref<632x16xf32, #tpu.memory_space<vmem_shared>>) target(%dma_start3A_171 : memref<632x16xf32, #tpu.memory_space<hbm>>) target_semaphore(%run_scoped3A : memref<!tpu.dma_semaphore, #tpu.memory_space<semaphore_mem>>)
        %dma_wait3A_174 = arith.constant 0 : i32
        %dma_wait3A_175 = tpu.memref_slice %arg4[%mul3A_159, %dma_wait3A_174] : memref<10112x16xf32, #tpu.memory_space<hbm>> -> memref<632x16xf32, #tpu.memory_space<hbm>>
        %dma_wait3A_176 = arith.constant 0 : i32
        %dma_wait3A_177 = tpu.memref_slice %arg26[%mul3A_159, %dma_wait3A_176] : memref<10112x16xf32, #tpu.memory_space<vmem_shared>> -> memref<632x16xf32, #tpu.memory_space<vmem_shared>>
        tpu.wait_dma2 semaphore(%run_scoped3A : memref<!tpu.dma_semaphore, #tpu.memory_space<semaphore_mem>>) src(%dma_wait3A_177 : memref<632x16xf32, #tpu.memory_space<vmem_shared>>) dst(%dma_wait3A_175 : memref<632x16xf32, #tpu.memory_space<hbm>>)
        tpu.yield
      }) : () -> ()
    } else {
    }
    %eq3A_165 = arith.constant 1 : i32
    %eq3A_166 = arith.cmpi eq, %arg0, %eq3A_165 : i32
    %convert_element_type3A_167 = arith.extui %eq3A_166 : i1 to i32
    %cond3A_168 = arith.constant 0 : i32
    %cond3A_169 = arith.cmpi ne, %convert_element_type3A_167, %cond3A_168 : i32
    scf.if %cond3A_169 {
      "tpu.region"() ({
        %run_scoped3A = tpu.sem_alloc : memref<!tpu.dma_semaphore, #tpu.memory_space<semaphore_mem>>
        %dma_start3A_170 = arith.constant 0 : i32
        %dma_start3A_171 = tpu.memref_slice %arg5[%mul3A_159, %dma_start3A_170] : memref<10112x16xf32, #tpu.memory_space<hbm>> -> memref<632x16xf32, #tpu.memory_space<hbm>>
        %dma_start3A_172 = arith.constant 0 : i32
        %dma_start3A_173 = tpu.memref_slice %arg26[%mul3A_159, %dma_start3A_172] : memref<10112x16xf32, #tpu.memory_space<vmem_shared>> -> memref<632x16xf32, #tpu.memory_space<vmem_shared>>
        tpu.enqueue_dma source(%dma_start3A_173 : memref<632x16xf32, #tpu.memory_space<vmem_shared>>) target(%dma_start3A_171 : memref<632x16xf32, #tpu.memory_space<hbm>>) target_semaphore(%run_scoped3A : memref<!tpu.dma_semaphore, #tpu.memory_space<semaphore_mem>>)
        %dma_wait3A_174 = arith.constant 0 : i32
        %dma_wait3A_175 = tpu.memref_slice %arg5[%mul3A_159, %dma_wait3A_174] : memref<10112x16xf32, #tpu.memory_space<hbm>> -> memref<632x16xf32, #tpu.memory_space<hbm>>
        %dma_wait3A_176 = arith.constant 0 : i32
        %dma_wait3A_177 = tpu.memref_slice %arg26[%mul3A_159, %dma_wait3A_176] : memref<10112x16xf32, #tpu.memory_space<vmem_shared>> -> memref<632x16xf32, #tpu.memory_space<vmem_shared>>
        tpu.wait_dma2 semaphore(%run_scoped3A : memref<!tpu.dma_semaphore, #tpu.memory_space<semaphore_mem>>) src(%dma_wait3A_177 : memref<632x16xf32, #tpu.memory_space<vmem_shared>>) dst(%dma_wait3A_175 : memref<632x16xf32, #tpu.memory_space<hbm>>)
        tpu.yield
      }) : () -> ()
    } else {
    }
    return
  }
}

#map = affine_map<(d0, d1) -> (0, 0)>
module attributes {stable_mosaic.version = 14 : i64} {
  func.func @deg_kernel(%arg0: i32, %arg1: i32, %arg2: memref<2x320000xi32, #tpu.memory_space<hbm>>, %arg3: memref<10112x16xf32, #tpu.memory_space<hbm>>, %arg4: memref<10112x16xf32, #tpu.memory_space<hbm>>, %arg5: memref<10112xi32, #tpu.memory_space<vmem>>, %arg6: memref<128x16xf32, #tpu.memory_space<vmem>>, %arg7: memref<632x16xf32, #tpu.memory_space<vmem>>, %arg8: memref<!tpu.dma_semaphore, #tpu.memory_space<semaphore_mem>>, %arg9: memref<10112x16xf32, #tpu.memory_space<vmem_shared>>) attributes {dimension_semantics = [#tpu.dimension_semantics<core_parallel>, #tpu.dimension_semantics<subcore_parallel>], iteration_bounds = array<i64: 2, 16>, scalar_prefetch = 0 : i64, scratch_operands = 5 : i64, tpu.core_type = #tpu.core_type<sc_vector_subcore>, window_params = [{transform_indices = #map}, {transform_indices = #map}, {transform_indices = #map}]} {
    %mul3A = arith.constant 16 : i32
    %mul3A_0 = arith.muli %arg0, %mul3A : i32
    %add3A = arith.addi %mul3A_0, %arg1 : i32
    %lt3A = arith.constant 4 : i32
    %lt3A_1 = arith.cmpi slt, %add3A, %lt3A : i32
    %jit3A = arith.constant 79 : i32
    %jit3A_2 = arith.constant 78 : i32
    %select_n3A = arith.select %lt3A_1, %jit3A, %jit3A_2 : i32
    %mul3A_3 = arith.constant 78 : i32
    %mul3A_4 = arith.muli %add3A, %mul3A_3 : i32
    %min3A = arith.constant 4 : i32
    %min3A_5 = arith.minsi %add3A, %min3A : i32
    %add3A_6 = arith.addi %mul3A_4, %min3A_5 : i32
    %eq3A = arith.constant 78 : i32
    %eq3A_7 = arith.cmpi eq, %select_n3A, %eq3A : i32
    %convert_element_type3A = arith.extui %eq3A_7 : i1 to i32
    %cond3A = arith.constant 0 : i32
    %cond3A_8 = arith.cmpi ne, %convert_element_type3A, %cond3A : i32
    scf.if %cond3A_8 {
      %mul3A_59 = arith.constant 128 : i32
      %mul3A_60 = arith.muli %add3A_6, %mul3A_59 : i32
      %run_scoped3A = arith.constant 1 : i32
      "tpu.region"() ({
        %run_scoped3A_61 = tpu.sem_alloc : memref<!tpu.dma_semaphore, #tpu.memory_space<semaphore_mem>>
        %dma_start3A = arith.constant 0 : i32
        %dma_start3A_62 = tpu.memref_slice %arg5[%dma_start3A] : memref<10112xi32, #tpu.memory_space<vmem>> -> memref<9984xi32, #tpu.memory_space<vmem>>
        %dma_start3A_63 = tpu.memref_slice %arg2[%run_scoped3A, %mul3A_60] : memref<2x320000xi32, #tpu.memory_space<hbm>> -> memref<1x9984xi32, #tpu.memory_space<hbm>>
        %dma_start3A_64 = tpu.memref_squeeze %dma_start3A_63 : memref<1x9984xi32, #tpu.memory_space<hbm>> -> memref<9984xi32, #tpu.memory_space<hbm>>
        %dma_start3A_65 = arith.constant 0 : i32
        %dma_start3A_66 = tpu.memref_slice %arg5[%dma_start3A_65] : memref<10112xi32, #tpu.memory_space<vmem>> -> memref<9984xi32, #tpu.memory_space<vmem>>
        %dma_start3A_67 = tpu.memref_slice %arg2[%run_scoped3A, %mul3A_60] : memref<2x320000xi32, #tpu.memory_space<hbm>> -> memref<1x9984xi32, #tpu.memory_space<hbm>>
        %dma_start3A_68 = tpu.memref_squeeze %dma_start3A_67 : memref<1x9984xi32, #tpu.memory_space<hbm>> -> memref<9984xi32, #tpu.memory_space<hbm>>
        tpu.enqueue_dma source(%dma_start3A_68 : memref<9984xi32, #tpu.memory_space<hbm>>) target(%dma_start3A_66 : memref<9984xi32, #tpu.memory_space<vmem>>) target_semaphore(%run_scoped3A_61 : memref<!tpu.dma_semaphore, #tpu.memory_space<semaphore_mem>>)
        %dma_wait3A = arith.constant 0 : i32
        %dma_wait3A_69 = tpu.memref_slice %arg5[%dma_wait3A] : memref<10112xi32, #tpu.memory_space<vmem>> -> memref<9984xi32, #tpu.memory_space<vmem>>
        %dma_wait3A_70 = tpu.memref_slice %arg2[%run_scoped3A, %mul3A_60] : memref<2x320000xi32, #tpu.memory_space<hbm>> -> memref<1x9984xi32, #tpu.memory_space<hbm>>
        %dma_wait3A_71 = tpu.memref_squeeze %dma_wait3A_70 : memref<1x9984xi32, #tpu.memory_space<hbm>> -> memref<9984xi32, #tpu.memory_space<hbm>>
        %dma_wait3A_72 = arith.constant 0 : i32
        %dma_wait3A_73 = tpu.memref_slice %arg5[%dma_wait3A_72] : memref<10112xi32, #tpu.memory_space<vmem>> -> memref<9984xi32, #tpu.memory_space<vmem>>
        %dma_wait3A_74 = tpu.memref_slice %arg2[%run_scoped3A, %mul3A_60] : memref<2x320000xi32, #tpu.memory_space<hbm>> -> memref<1x9984xi32, #tpu.memory_space<hbm>>
        %dma_wait3A_75 = tpu.memref_squeeze %dma_wait3A_74 : memref<1x9984xi32, #tpu.memory_space<hbm>> -> memref<9984xi32, #tpu.memory_space<hbm>>
        tpu.wait_dma2 semaphore(%run_scoped3A_61 : memref<!tpu.dma_semaphore, #tpu.memory_space<semaphore_mem>>) src(%dma_wait3A_75 : memref<9984xi32, #tpu.memory_space<hbm>>) dst(%dma_wait3A_73 : memref<9984xi32, #tpu.memory_space<vmem>>)
        tpu.yield
      }) : () -> ()
    } else {
    }
    %eq3A_9 = arith.constant 79 : i32
    %eq3A_10 = arith.cmpi eq, %select_n3A, %eq3A_9 : i32
    %convert_element_type3A_11 = arith.extui %eq3A_10 : i1 to i32
    %cond3A_12 = arith.constant 0 : i32
    %cond3A_13 = arith.cmpi ne, %convert_element_type3A_11, %cond3A_12 : i32
    scf.if %cond3A_13 {
      %mul3A_59 = arith.constant 128 : i32
      %mul3A_60 = arith.muli %add3A_6, %mul3A_59 : i32
      %run_scoped3A = arith.constant 1 : i32
      "tpu.region"() ({
        %run_scoped3A_61 = tpu.sem_alloc : memref<!tpu.dma_semaphore, #tpu.memory_space<semaphore_mem>>
        %dma_start3A = arith.constant 0 : i32
        %dma_start3A_62 = tpu.memref_slice %arg5[%dma_start3A] : memref<10112xi32, #tpu.memory_space<vmem>> -> memref<10112xi32, #tpu.memory_space<vmem>>
        %dma_start3A_63 = tpu.memref_slice %arg2[%run_scoped3A, %mul3A_60] : memref<2x320000xi32, #tpu.memory_space<hbm>> -> memref<1x10112xi32, #tpu.memory_space<hbm>>
        %dma_start3A_64 = tpu.memref_squeeze %dma_start3A_63 : memref<1x10112xi32, #tpu.memory_space<hbm>> -> memref<10112xi32, #tpu.memory_space<hbm>>
        %dma_start3A_65 = arith.constant 0 : i32
        %dma_start3A_66 = tpu.memref_slice %arg5[%dma_start3A_65] : memref<10112xi32, #tpu.memory_space<vmem>> -> memref<10112xi32, #tpu.memory_space<vmem>>
        %dma_start3A_67 = tpu.memref_slice %arg2[%run_scoped3A, %mul3A_60] : memref<2x320000xi32, #tpu.memory_space<hbm>> -> memref<1x10112xi32, #tpu.memory_space<hbm>>
        %dma_start3A_68 = tpu.memref_squeeze %dma_start3A_67 : memref<1x10112xi32, #tpu.memory_space<hbm>> -> memref<10112xi32, #tpu.memory_space<hbm>>
        tpu.enqueue_dma source(%dma_start3A_68 : memref<10112xi32, #tpu.memory_space<hbm>>) target(%dma_start3A_66 : memref<10112xi32, #tpu.memory_space<vmem>>) target_semaphore(%run_scoped3A_61 : memref<!tpu.dma_semaphore, #tpu.memory_space<semaphore_mem>>)
        %dma_wait3A = arith.constant 0 : i32
        %dma_wait3A_69 = tpu.memref_slice %arg5[%dma_wait3A] : memref<10112xi32, #tpu.memory_space<vmem>> -> memref<10112xi32, #tpu.memory_space<vmem>>
        %dma_wait3A_70 = tpu.memref_slice %arg2[%run_scoped3A, %mul3A_60] : memref<2x320000xi32, #tpu.memory_space<hbm>> -> memref<1x10112xi32, #tpu.memory_space<hbm>>
        %dma_wait3A_71 = tpu.memref_squeeze %dma_wait3A_70 : memref<1x10112xi32, #tpu.memory_space<hbm>> -> memref<10112xi32, #tpu.memory_space<hbm>>
        %dma_wait3A_72 = arith.constant 0 : i32
        %dma_wait3A_73 = tpu.memref_slice %arg5[%dma_wait3A_72] : memref<10112xi32, #tpu.memory_space<vmem>> -> memref<10112xi32, #tpu.memory_space<vmem>>
        %dma_wait3A_74 = tpu.memref_slice %arg2[%run_scoped3A, %mul3A_60] : memref<2x320000xi32, #tpu.memory_space<hbm>> -> memref<1x10112xi32, #tpu.memory_space<hbm>>
        %dma_wait3A_75 = tpu.memref_squeeze %dma_wait3A_74 : memref<1x10112xi32, #tpu.memory_space<hbm>> -> memref<10112xi32, #tpu.memory_space<hbm>>
        tpu.wait_dma2 semaphore(%run_scoped3A_61 : memref<!tpu.dma_semaphore, #tpu.memory_space<semaphore_mem>>) src(%dma_wait3A_75 : memref<10112xi32, #tpu.memory_space<hbm>>) dst(%dma_wait3A_73 : memref<10112xi32, #tpu.memory_space<vmem>>)
        tpu.yield
      }) : () -> ()
    } else {
    }
    %scan3A = arith.constant 0 : i32
    %scan3A_14 = arith.constant 0 : i32
    %scan3A_15 = arith.constant 128 : i32
    %scan3A_16 = arith.addi %scan3A_14, %scan3A_15 : i32
    %scan3A_17 = arith.constant 1 : i32
    scf.for %scan3A_59 = %scan3A_14 to %scan3A_16 step %scan3A_17  : i32 {
      %broadcast_in_dim3A = arith.constant 1.000000e+00 : f32
      %broadcast_in_dim3A_60 = vector.broadcast %broadcast_in_dim3A : f32 to vector<16xf32>
      %swap3A = arith.index_cast %scan3A_59 : i32 to index
      %swap3A_61 = arith.constant 0 : index
      %swap3A_62 = tpu.vector_load %arg6[%swap3A, %swap3A_61] {strides = array<i32>} : memref<128x16xf32, #tpu.memory_space<vmem>>, vector<1x16xf32>,
      %swap3A_63 = vector.shape_cast %swap3A_62 : vector<1x16xf32> to vector<16xf32>
      %swap3A_64 = vector.shape_cast %broadcast_in_dim3A_60 : vector<16xf32> to vector<1x16xf32>
      tpu.vector_store %arg6[%swap3A, %swap3A_61], %swap3A_64 {strides = array<i32>} : memref<128x16xf32, #tpu.memory_space<vmem>>, vector<1x16xf32>,
    }
    %scan3A_18 = arith.constant 128 : i32
    %scan3A_19 = arith.constant 0 : i32
    %scan3A_20 = arith.constant 0 : i32
    %scan3A_21 = arith.constant 632 : i32
    %scan3A_22 = arith.addi %scan3A_20, %scan3A_21 : i32
    %scan3A_23 = arith.constant 1 : i32
    scf.for %scan3A_59 = %scan3A_20 to %scan3A_22 step %scan3A_23  : i32 {
      %broadcast_in_dim3A = arith.constant 0.000000e+00 : f32
      %broadcast_in_dim3A_60 = vector.broadcast %broadcast_in_dim3A : f32 to vector<16xf32>
      %swap3A = arith.index_cast %scan3A_59 : i32 to index
      %swap3A_61 = arith.constant 0 : index
      %swap3A_62 = tpu.vector_load %arg7[%swap3A, %swap3A_61] {strides = array<i32>} : memref<632x16xf32, #tpu.memory_space<vmem>>, vector<1x16xf32>,
      %swap3A_63 = vector.shape_cast %swap3A_62 : vector<1x16xf32> to vector<16xf32>
      %swap3A_64 = vector.shape_cast %broadcast_in_dim3A_60 : vector<16xf32> to vector<1x16xf32>
      tpu.vector_store %arg7[%swap3A, %swap3A_61], %swap3A_64 {strides = array<i32>} : memref<632x16xf32, #tpu.memory_space<vmem>>, vector<1x16xf32>,
    }
    %scan3A_24 = arith.constant 632 : i32
    %mul3A_25 = arith.constant 632 : i32
    %mul3A_26 = arith.muli %arg1, %mul3A_25 : i32
    "tpu.region"() ({
      %run_scoped3A = tpu.sem_alloc : memref<!tpu.dma_semaphore, #tpu.memory_space<semaphore_mem>>
      %dma_start3A = arith.constant 0 : i32
      %dma_start3A_59 = tpu.memref_slice %arg9[%mul3A_26, %dma_start3A] : memref<10112x16xf32, #tpu.memory_space<vmem_shared>> -> memref<632x16xf32, #tpu.memory_space<vmem_shared>>
      %dma_start3A_60 = arith.constant 0 : i32
      %dma_start3A_61 = tpu.memref_slice %arg9[%mul3A_26, %dma_start3A_60] : memref<10112x16xf32, #tpu.memory_space<vmem_shared>> -> memref<632x16xf32, #tpu.memory_space<vmem_shared>>
      tpu.enqueue_dma source(%arg7 : memref<632x16xf32, #tpu.memory_space<vmem>>) target(%dma_start3A_61 : memref<632x16xf32, #tpu.memory_space<vmem_shared>>) target_semaphore(%run_scoped3A : memref<!tpu.dma_semaphore, #tpu.memory_space<semaphore_mem>>)
      %dma_wait3A = arith.constant 0 : i32
      %dma_wait3A_62 = tpu.memref_slice %arg9[%mul3A_26, %dma_wait3A] : memref<10112x16xf32, #tpu.memory_space<vmem_shared>> -> memref<632x16xf32, #tpu.memory_space<vmem_shared>>
      %dma_wait3A_63 = arith.constant 0 : i32
      %dma_wait3A_64 = tpu.memref_slice %arg9[%mul3A_26, %dma_wait3A_63] : memref<10112x16xf32, #tpu.memory_space<vmem_shared>> -> memref<632x16xf32, #tpu.memory_space<vmem_shared>>
      tpu.wait_dma2 semaphore(%run_scoped3A : memref<!tpu.dma_semaphore, #tpu.memory_space<semaphore_mem>>) src(%arg7 : memref<632x16xf32, #tpu.memory_space<vmem>>) dst(%dma_wait3A_64 : memref<632x16xf32, #tpu.memory_space<vmem_shared>>)
      tpu.yield
    }) : () -> ()
    %barrier3A = arith.constant 0 : index
    tpu.barrier barrier_id(%barrier3A)
    %while3A = arith.constant 0 : i32
    %while3A_27 = arith.constant 0 : i32
    %while3A_28 = arith.subi %select_n3A, %while3A_27 : i32
    %while3A_29 = arith.addi %while3A_27, %while3A_28 : i32
    %while3A_30 = arith.constant 1 : i32
    %while3A_31 = arith.divsi %while3A_28, %while3A_30 : i32
    %while3A_32 = arith.muli %while3A_31, %while3A_30 : i32
    %while3A_33 = arith.addi %while3A_27, %while3A_32 : i32
    %while3A_34 = arith.constant 1 : i32
    scf.for %while3A_59 = %while3A_27 to %while3A_33 step %while3A_34  : i32 {
      %mul3A_60 = arith.constant 128 : i32
      %mul3A_61 = arith.muli %while3A_59, %mul3A_60 : i32
      %dma_start3A = tpu.memref_slice %arg5[%mul3A_61] : memref<10112xi32, #tpu.memory_space<vmem>> -> memref<128xi32, #tpu.memory_space<vmem>>
      %dma_start3A_62 = arith.constant 0 : i32
      %dma_start3A_63 = arith.constant 0 : i32
      %dma_start3A_64 = tpu.memref_slice %arg9[%dma_start3A_62, %dma_start3A_63] : memref<10112x16xf32, #tpu.memory_space<vmem_shared>> -> memref<10112x16xf32, #tpu.memory_space<vmem_shared>>
      tpu.enqueue_indirect_dma source(%arg6 : memref<128x16xf32, #tpu.memory_space<vmem>>) target(%dma_start3A_64 : memref<10112x16xf32, #tpu.memory_space<vmem_shared>>) offsets(%dma_start3A : memref<128xi32, #tpu.memory_space<vmem>>) semaphore(%arg8 : memref<!tpu.dma_semaphore, #tpu.memory_space<semaphore_mem>>) {add = true}
    }
    %while3A_35 = arith.constant 1 : i32
    scf.for %while3A_59 = %while3A_33 to %while3A_29 step %while3A_35  : i32 {
      %mul3A_60 = arith.constant 128 : i32
      %mul3A_61 = arith.muli %while3A_59, %mul3A_60 : i32
      %dma_start3A = tpu.memref_slice %arg5[%mul3A_61] : memref<10112xi32, #tpu.memory_space<vmem>> -> memref<128xi32, #tpu.memory_space<vmem>>
      %dma_start3A_62 = arith.constant 0 : i32
      %dma_start3A_63 = arith.constant 0 : i32
      %dma_start3A_64 = tpu.memref_slice %arg9[%dma_start3A_62, %dma_start3A_63] : memref<10112x16xf32, #tpu.memory_space<vmem_shared>> -> memref<10112x16xf32, #tpu.memory_space<vmem_shared>>
      tpu.enqueue_indirect_dma source(%arg6 : memref<128x16xf32, #tpu.memory_space<vmem>>) target(%dma_start3A_64 : memref<10112x16xf32, #tpu.memory_space<vmem_shared>>) offsets(%dma_start3A : memref<128xi32, #tpu.memory_space<vmem>>) semaphore(%arg8 : memref<!tpu.dma_semaphore, #tpu.memory_space<semaphore_mem>>) {add = true}
    }
    %while3A_36 = arith.constant 0 : i32
    %while3A_37 = arith.constant 0 : i32
    %while3A_38 = arith.subi %select_n3A, %while3A_37 : i32
    %while3A_39 = arith.addi %while3A_37, %while3A_38 : i32
    %while3A_40 = arith.constant 1 : i32
    %while3A_41 = arith.divsi %while3A_38, %while3A_40 : i32
    %while3A_42 = arith.muli %while3A_41, %while3A_40 : i32
    %while3A_43 = arith.addi %while3A_37, %while3A_42 : i32
    %while3A_44 = arith.constant 1 : i32
    scf.for %while3A_59 = %while3A_37 to %while3A_43 step %while3A_44  : i32 {
      %dma_wait3A = arith.constant 0 : i32
      %dma_wait3A_60 = tpu.memref_slice %arg5[%dma_wait3A] : memref<10112xi32, #tpu.memory_space<vmem>> -> memref<128xi32, #tpu.memory_space<vmem>>
      %dma_wait3A_61 = arith.constant 0 : i32
      %dma_wait3A_62 = arith.constant 0 : i32
      %dma_wait3A_63 = tpu.memref_slice %arg9[%dma_wait3A_61, %dma_wait3A_62] : memref<10112x16xf32, #tpu.memory_space<vmem_shared>> -> memref<10112x16xf32, #tpu.memory_space<vmem_shared>>
      tpu.wait_indirect_dma semaphore(%arg8 : memref<!tpu.dma_semaphore, #tpu.memory_space<semaphore_mem>>) src(%arg6 : memref<128x16xf32, #tpu.memory_space<vmem>>) dst(%dma_wait3A_63 : memref<10112x16xf32, #tpu.memory_space<vmem_shared>>)
    }
    %while3A_45 = arith.constant 1 : i32
    scf.for %while3A_59 = %while3A_43 to %while3A_39 step %while3A_45  : i32 {
      %dma_wait3A = arith.constant 0 : i32
      %dma_wait3A_60 = tpu.memref_slice %arg5[%dma_wait3A] : memref<10112xi32, #tpu.memory_space<vmem>> -> memref<128xi32, #tpu.memory_space<vmem>>
      %dma_wait3A_61 = arith.constant 0 : i32
      %dma_wait3A_62 = arith.constant 0 : i32
      %dma_wait3A_63 = tpu.memref_slice %arg9[%dma_wait3A_61, %dma_wait3A_62] : memref<10112x16xf32, #tpu.memory_space<vmem_shared>> -> memref<10112x16xf32, #tpu.memory_space<vmem_shared>>
      tpu.wait_indirect_dma semaphore(%arg8 : memref<!tpu.dma_semaphore, #tpu.memory_space<semaphore_mem>>) src(%arg6 : memref<128x16xf32, #tpu.memory_space<vmem>>) dst(%dma_wait3A_63 : memref<10112x16xf32, #tpu.memory_space<vmem_shared>>)
    }
    %barrier3A_46 = arith.constant 0 : index
    tpu.barrier barrier_id(%barrier3A_46)
    %mul3A_47 = arith.constant 632 : i32
    %mul3A_48 = arith.muli %arg1, %mul3A_47 : i32
    %eq3A_49 = arith.constant 0 : i32
    %eq3A_50 = arith.cmpi eq, %arg0, %eq3A_49 : i32
    %convert_element_type3A_51 = arith.extui %eq3A_50 : i1 to i32
    %cond3A_52 = arith.constant 0 : i32
    %cond3A_53 = arith.cmpi ne, %convert_element_type3A_51, %cond3A_52 : i32
    scf.if %cond3A_53 {
      "tpu.region"() ({
        %run_scoped3A = tpu.sem_alloc : memref<!tpu.dma_semaphore, #tpu.memory_space<semaphore_mem>>
        %dma_start3A = arith.constant 0 : i32
        %dma_start3A_59 = tpu.memref_slice %arg3[%mul3A_48, %dma_start3A] : memref<10112x16xf32, #tpu.memory_space<hbm>> -> memref<632x16xf32, #tpu.memory_space<hbm>>
        %dma_start3A_60 = arith.constant 0 : i32
        %dma_start3A_61 = tpu.memref_slice %arg9[%mul3A_48, %dma_start3A_60] : memref<10112x16xf32, #tpu.memory_space<vmem_shared>> -> memref<632x16xf32, #tpu.memory_space<vmem_shared>>
        tpu.enqueue_dma source(%dma_start3A_61 : memref<632x16xf32, #tpu.memory_space<vmem_shared>>) target(%dma_start3A_59 : memref<632x16xf32, #tpu.memory_space<hbm>>) target_semaphore(%run_scoped3A : memref<!tpu.dma_semaphore, #tpu.memory_space<semaphore_mem>>)
        %dma_wait3A = arith.constant 0 : i32
        %dma_wait3A_62 = tpu.memref_slice %arg3[%mul3A_48, %dma_wait3A] : memref<10112x16xf32, #tpu.memory_space<hbm>> -> memref<632x16xf32, #tpu.memory_space<hbm>>
        %dma_wait3A_63 = arith.constant 0 : i32
        %dma_wait3A_64 = tpu.memref_slice %arg9[%mul3A_48, %dma_wait3A_63] : memref<10112x16xf32, #tpu.memory_space<vmem_shared>> -> memref<632x16xf32, #tpu.memory_space<vmem_shared>>
        tpu.wait_dma2 semaphore(%run_scoped3A : memref<!tpu.dma_semaphore, #tpu.memory_space<semaphore_mem>>) src(%dma_wait3A_64 : memref<632x16xf32, #tpu.memory_space<vmem_shared>>) dst(%dma_wait3A_62 : memref<632x16xf32, #tpu.memory_space<hbm>>)
        tpu.yield
      }) : () -> ()
    } else {
    }
    %eq3A_54 = arith.constant 1 : i32
    %eq3A_55 = arith.cmpi eq, %arg0, %eq3A_54 : i32
    %convert_element_type3A_56 = arith.extui %eq3A_55 : i1 to i32
    %cond3A_57 = arith.constant 0 : i32
    %cond3A_58 = arith.cmpi ne, %convert_element_type3A_56, %cond3A_57 : i32
    scf.if %cond3A_58 {
      "tpu.region"() ({
        %run_scoped3A = tpu.sem_alloc : memref<!tpu.dma_semaphore, #tpu.memory_space<semaphore_mem>>
        %dma_start3A = arith.constant 0 : i32
        %dma_start3A_59 = tpu.memref_slice %arg4[%mul3A_48, %dma_start3A] : memref<10112x16xf32, #tpu.memory_space<hbm>> -> memref<632x16xf32, #tpu.memory_space<hbm>>
        %dma_start3A_60 = arith.constant 0 : i32
        %dma_start3A_61 = tpu.memref_slice %arg9[%mul3A_48, %dma_start3A_60] : memref<10112x16xf32, #tpu.memory_space<vmem_shared>> -> memref<632x16xf32, #tpu.memory_space<vmem_shared>>
        tpu.enqueue_dma source(%dma_start3A_61 : memref<632x16xf32, #tpu.memory_space<vmem_shared>>) target(%dma_start3A_59 : memref<632x16xf32, #tpu.memory_space<hbm>>) target_semaphore(%run_scoped3A : memref<!tpu.dma_semaphore, #tpu.memory_space<semaphore_mem>>)
        %dma_wait3A = arith.constant 0 : i32
        %dma_wait3A_62 = tpu.memref_slice %arg4[%mul3A_48, %dma_wait3A] : memref<10112x16xf32, #tpu.memory_space<hbm>> -> memref<632x16xf32, #tpu.memory_space<hbm>>
        %dma_wait3A_63 = arith.constant 0 : i32
        %dma_wait3A_64 = tpu.memref_slice %arg9[%mul3A_48, %dma_wait3A_63] : memref<10112x16xf32, #tpu.memory_space<vmem_shared>> -> memref<632x16xf32, #tpu.memory_space<vmem_shared>>
        tpu.wait_dma2 semaphore(%run_scoped3A : memref<!tpu.dma_semaphore, #tpu.memory_space<semaphore_mem>>) src(%dma_wait3A_64 : memref<632x16xf32, #tpu.memory_space<vmem_shared>>) dst(%dma_wait3A_62 : memref<632x16xf32, #tpu.memory_space<hbm>>)
        tpu.yield
      }) : () -> ()
    } else {
    }
    return
  }
}

#map = affine_map<(d0, d1) -> (0, 0)>
module attributes {stable_mosaic.version = 14 : i64} {
  func.func @edge_kernel(%arg0: i32, %arg1: i32, %arg2: memref<2x320000xi32, #tpu.memory_space<hbm>>, %arg3: memref<10112x16xf32, #tpu.memory_space<hbm>>, %arg4: memref<10112x16xf32, #tpu.memory_space<hbm>>, %arg5: memref<10112x16xf32, #tpu.memory_space<hbm>>, %arg6: memref<10112xi32, #tpu.memory_space<vmem>>, %arg7: memref<10112xi32, #tpu.memory_space<vmem>>, %arg8: memref<8x128x16xf32, #tpu.memory_space<vmem>>, %arg9: memref<632x16xf32, #tpu.memory_space<vmem>>, %arg10: memref<!tpu.dma_semaphore, #tpu.memory_space<semaphore_mem>>, %arg11: memref<!tpu.dma_semaphore, #tpu.memory_space<semaphore_mem>>, %arg12: memref<!tpu.dma_semaphore, #tpu.memory_space<semaphore_mem>>, %arg13: memref<!tpu.dma_semaphore, #tpu.memory_space<semaphore_mem>>, %arg14: memref<!tpu.dma_semaphore, #tpu.memory_space<semaphore_mem>>, %arg15: memref<!tpu.dma_semaphore, #tpu.memory_space<semaphore_mem>>, %arg16: memref<!tpu.dma_semaphore, #tpu.memory_space<semaphore_mem>>, %arg17: memref<!tpu.dma_semaphore, #tpu.memory_space<semaphore_mem>>, %arg18: memref<!tpu.dma_semaphore, #tpu.memory_space<semaphore_mem>>, %arg19: memref<!tpu.dma_semaphore, #tpu.memory_space<semaphore_mem>>, %arg20: memref<!tpu.dma_semaphore, #tpu.memory_space<semaphore_mem>>, %arg21: memref<!tpu.dma_semaphore, #tpu.memory_space<semaphore_mem>>, %arg22: memref<!tpu.dma_semaphore, #tpu.memory_space<semaphore_mem>>, %arg23: memref<!tpu.dma_semaphore, #tpu.memory_space<semaphore_mem>>, %arg24: memref<!tpu.dma_semaphore, #tpu.memory_space<semaphore_mem>>, %arg25: memref<!tpu.dma_semaphore, #tpu.memory_space<semaphore_mem>>, %arg26: memref<10112x16xf32, #tpu.memory_space<vmem_shared>>, %arg27: memref<10112x16xf32, #tpu.memory_space<vmem_shared>>) attributes {dimension_semantics = [#tpu.dimension_semantics<core_parallel>, #tpu.dimension_semantics<subcore_parallel>], iteration_bounds = array<i64: 2, 16>, scalar_prefetch = 0 : i64, scratch_operands = 22 : i64, tpu.core_type = #tpu.core_type<sc_vector_subcore>, window_params = [{transform_indices = #map}, {transform_indices = #map}, {transform_indices = #map}, {transform_indices = #map}]} {
    %mul3A = arith.constant 16 : i32
    %mul3A_0 = arith.muli %arg0, %mul3A : i32
    %add3A = arith.addi %mul3A_0, %arg1 : i32
    %lt3A = arith.constant 4 : i32
    %lt3A_1 = arith.cmpi slt, %add3A, %lt3A : i32
    %jit3A = arith.constant 79 : i32
    %jit3A_2 = arith.constant 78 : i32
    %select_n3A = arith.select %lt3A_1, %jit3A, %jit3A_2 : i32
    %mul3A_3 = arith.constant 78 : i32
    %mul3A_4 = arith.muli %add3A, %mul3A_3 : i32
    %min3A = arith.constant 4 : i32
    %min3A_5 = arith.minsi %add3A, %min3A : i32
    %add3A_6 = arith.addi %mul3A_4, %min3A_5 : i32
    %eq3A = arith.constant 78 : i32
    %eq3A_7 = arith.cmpi eq, %select_n3A, %eq3A : i32
    %convert_element_type3A = arith.extui %eq3A_7 : i1 to i32
    %cond3A = arith.constant 0 : i32
    %cond3A_8 = arith.cmpi ne, %convert_element_type3A, %cond3A : i32
    scf.if %cond3A_8 {
      %mul3A_170 = arith.constant 128 : i32
      %mul3A_171 = arith.muli %add3A_6, %mul3A_170 : i32
      %run_scoped3A = arith.constant 0 : i32
      "tpu.region"() ({
        %run_scoped3A_172 = tpu.sem_alloc : memref<!tpu.dma_semaphore, #tpu.memory_space<semaphore_mem>>
        %dma_start3A_173 = arith.constant 0 : i32
        %dma_start3A_174 = tpu.memref_slice %arg6[%dma_start3A_173] : memref<10112xi32, #tpu.memory_space<vmem>> -> memref<9984xi32, #tpu.memory_space<vmem>>
        %dma_start3A_175 = tpu.memref_slice %arg2[%run_scoped3A, %mul3A_171] : memref<2x320000xi32, #tpu.memory_space<hbm>> -> memref<1x9984xi32, #tpu.memory_space<hbm>>
        %dma_start3A_176 = tpu.memref_squeeze %dma_start3A_175 : memref<1x9984xi32, #tpu.memory_space<hbm>> -> memref<9984xi32, #tpu.memory_space<hbm>>
        %dma_start3A_177 = arith.constant 0 : i32
        %dma_start3A_178 = tpu.memref_slice %arg6[%dma_start3A_177] : memref<10112xi32, #tpu.memory_space<vmem>> -> memref<9984xi32, #tpu.memory_space<vmem>>
        %dma_start3A_179 = tpu.memref_slice %arg2[%run_scoped3A, %mul3A_171] : memref<2x320000xi32, #tpu.memory_space<hbm>> -> memref<1x9984xi32, #tpu.memory_space<hbm>>
        %dma_start3A_180 = tpu.memref_squeeze %dma_start3A_179 : memref<1x9984xi32, #tpu.memory_space<hbm>> -> memref<9984xi32, #tpu.memory_space<hbm>>
        tpu.enqueue_dma source(%dma_start3A_180 : memref<9984xi32, #tpu.memory_space<hbm>>) target(%dma_start3A_178 : memref<9984xi32, #tpu.memory_space<vmem>>) target_semaphore(%run_scoped3A_172 : memref<!tpu.dma_semaphore, #tpu.memory_space<semaphore_mem>>)
        %dma_wait3A_181 = arith.constant 0 : i32
        %dma_wait3A_182 = tpu.memref_slice %arg6[%dma_wait3A_181] : memref<10112xi32, #tpu.memory_space<vmem>> -> memref<9984xi32, #tpu.memory_space<vmem>>
        %dma_wait3A_183 = tpu.memref_slice %arg2[%run_scoped3A, %mul3A_171] : memref<2x320000xi32, #tpu.memory_space<hbm>> -> memref<1x9984xi32, #tpu.memory_space<hbm>>
        %dma_wait3A_184 = tpu.memref_squeeze %dma_wait3A_183 : memref<1x9984xi32, #tpu.memory_space<hbm>> -> memref<9984xi32, #tpu.memory_space<hbm>>
        %dma_wait3A_185 = arith.constant 0 : i32
        %dma_wait3A_186 = tpu.memref_slice %arg6[%dma_wait3A_185] : memref<10112xi32, #tpu.memory_space<vmem>> -> memref<9984xi32, #tpu.memory_space<vmem>>
        %dma_wait3A_187 = tpu.memref_slice %arg2[%run_scoped3A, %mul3A_171] : memref<2x320000xi32, #tpu.memory_space<hbm>> -> memref<1x9984xi32, #tpu.memory_space<hbm>>
        %dma_wait3A_188 = tpu.memref_squeeze %dma_wait3A_187 : memref<1x9984xi32, #tpu.memory_space<hbm>> -> memref<9984xi32, #tpu.memory_space<hbm>>
        tpu.wait_dma2 semaphore(%run_scoped3A_172 : memref<!tpu.dma_semaphore, #tpu.memory_space<semaphore_mem>>) src(%dma_wait3A_188 : memref<9984xi32, #tpu.memory_space<hbm>>) dst(%dma_wait3A_186 : memref<9984xi32, #tpu.memory_space<vmem>>)
        tpu.yield
      }) : () -> ()
    } else {
    }
    %eq3A_9 = arith.constant 79 : i32
    %eq3A_10 = arith.cmpi eq, %select_n3A, %eq3A_9 : i32
    %convert_element_type3A_11 = arith.extui %eq3A_10 : i1 to i32
    %cond3A_12 = arith.constant 0 : i32
    %cond3A_13 = arith.cmpi ne, %convert_element_type3A_11, %cond3A_12 : i32
    scf.if %cond3A_13 {
      %mul3A_170 = arith.constant 128 : i32
      %mul3A_171 = arith.muli %add3A_6, %mul3A_170 : i32
      %run_scoped3A = arith.constant 0 : i32
      "tpu.region"() ({
        %run_scoped3A_172 = tpu.sem_alloc : memref<!tpu.dma_semaphore, #tpu.memory_space<semaphore_mem>>
        %dma_start3A_173 = arith.constant 0 : i32
        %dma_start3A_174 = tpu.memref_slice %arg6[%dma_start3A_173] : memref<10112xi32, #tpu.memory_space<vmem>> -> memref<10112xi32, #tpu.memory_space<vmem>>
        %dma_start3A_175 = tpu.memref_slice %arg2[%run_scoped3A, %mul3A_171] : memref<2x320000xi32, #tpu.memory_space<hbm>> -> memref<1x10112xi32, #tpu.memory_space<hbm>>
        %dma_start3A_176 = tpu.memref_squeeze %dma_start3A_175 : memref<1x10112xi32, #tpu.memory_space<hbm>> -> memref<10112xi32, #tpu.memory_space<hbm>>
        %dma_start3A_177 = arith.constant 0 : i32
        %dma_start3A_178 = tpu.memref_slice %arg6[%dma_start3A_177] : memref<10112xi32, #tpu.memory_space<vmem>> -> memref<10112xi32, #tpu.memory_space<vmem>>
        %dma_start3A_179 = tpu.memref_slice %arg2[%run_scoped3A, %mul3A_171] : memref<2x320000xi32, #tpu.memory_space<hbm>> -> memref<1x10112xi32, #tpu.memory_space<hbm>>
        %dma_start3A_180 = tpu.memref_squeeze %dma_start3A_179 : memref<1x10112xi32, #tpu.memory_space<hbm>> -> memref<10112xi32, #tpu.memory_space<hbm>>
        tpu.enqueue_dma source(%dma_start3A_180 : memref<10112xi32, #tpu.memory_space<hbm>>) target(%dma_start3A_178 : memref<10112xi32, #tpu.memory_space<vmem>>) target_semaphore(%run_scoped3A_172 : memref<!tpu.dma_semaphore, #tpu.memory_space<semaphore_mem>>)
        %dma_wait3A_181 = arith.constant 0 : i32
        %dma_wait3A_182 = tpu.memref_slice %arg6[%dma_wait3A_181] : memref<10112xi32, #tpu.memory_space<vmem>> -> memref<10112xi32, #tpu.memory_space<vmem>>
        %dma_wait3A_183 = tpu.memref_slice %arg2[%run_scoped3A, %mul3A_171] : memref<2x320000xi32, #tpu.memory_space<hbm>> -> memref<1x10112xi32, #tpu.memory_space<hbm>>
        %dma_wait3A_184 = tpu.memref_squeeze %dma_wait3A_183 : memref<1x10112xi32, #tpu.memory_space<hbm>> -> memref<10112xi32, #tpu.memory_space<hbm>>
        %dma_wait3A_185 = arith.constant 0 : i32
        %dma_wait3A_186 = tpu.memref_slice %arg6[%dma_wait3A_185] : memref<10112xi32, #tpu.memory_space<vmem>> -> memref<10112xi32, #tpu.memory_space<vmem>>
        %dma_wait3A_187 = tpu.memref_slice %arg2[%run_scoped3A, %mul3A_171] : memref<2x320000xi32, #tpu.memory_space<hbm>> -> memref<1x10112xi32, #tpu.memory_space<hbm>>
        %dma_wait3A_188 = tpu.memref_squeeze %dma_wait3A_187 : memref<1x10112xi32, #tpu.memory_space<hbm>> -> memref<10112xi32, #tpu.memory_space<hbm>>
        tpu.wait_dma2 semaphore(%run_scoped3A_172 : memref<!tpu.dma_semaphore, #tpu.memory_space<semaphore_mem>>) src(%dma_wait3A_188 : memref<10112xi32, #tpu.memory_space<hbm>>) dst(%dma_wait3A_186 : memref<10112xi32, #tpu.memory_space<vmem>>)
        tpu.yield
      }) : () -> ()
    } else {
    }
    %eq3A_14 = arith.constant 78 : i32
    %eq3A_15 = arith.cmpi eq, %select_n3A, %eq3A_14 : i32
    %convert_element_type3A_16 = arith.extui %eq3A_15 : i1 to i32
    %cond3A_17 = arith.constant 0 : i32
    %cond3A_18 = arith.cmpi ne, %convert_element_type3A_16, %cond3A_17 : i32
    scf.if %cond3A_18 {
      %mul3A_170 = arith.constant 128 : i32
      %mul3A_171 = arith.muli %add3A_6, %mul3A_170 : i32
      %run_scoped3A = arith.constant 1 : i32
      "tpu.region"() ({
        %run_scoped3A_172 = tpu.sem_alloc : memref<!tpu.dma_semaphore, #tpu.memory_space<semaphore_mem>>
        %dma_start3A_173 = arith.constant 0 : i32
        %dma_start3A_174 = tpu.memref_slice %arg7[%dma_start3A_173] : memref<10112xi32, #tpu.memory_space<vmem>> -> memref<9984xi32, #tpu.memory_space<vmem>>
        %dma_start3A_175 = tpu.memref_slice %arg2[%run_scoped3A, %mul3A_171] : memref<2x320000xi32, #tpu.memory_space<hbm>> -> memref<1x9984xi32, #tpu.memory_space<hbm>>
        %dma_start3A_176 = tpu.memref_squeeze %dma_start3A_175 : memref<1x9984xi32, #tpu.memory_space<hbm>> -> memref<9984xi32, #tpu.memory_space<hbm>>
        %dma_start3A_177 = arith.constant 0 : i32
        %dma_start3A_178 = tpu.memref_slice %arg7[%dma_start3A_177] : memref<10112xi32, #tpu.memory_space<vmem>> -> memref<9984xi32, #tpu.memory_space<vmem>>
        %dma_start3A_179 = tpu.memref_slice %arg2[%run_scoped3A, %mul3A_171] : memref<2x320000xi32, #tpu.memory_space<hbm>> -> memref<1x9984xi32, #tpu.memory_space<hbm>>
        %dma_start3A_180 = tpu.memref_squeeze %dma_start3A_179 : memref<1x9984xi32, #tpu.memory_space<hbm>> -> memref<9984xi32, #tpu.memory_space<hbm>>
        tpu.enqueue_dma source(%dma_start3A_180 : memref<9984xi32, #tpu.memory_space<hbm>>) target(%dma_start3A_178 : memref<9984xi32, #tpu.memory_space<vmem>>) target_semaphore(%run_scoped3A_172 : memref<!tpu.dma_semaphore, #tpu.memory_space<semaphore_mem>>)
        %dma_wait3A_181 = arith.constant 0 : i32
        %dma_wait3A_182 = tpu.memref_slice %arg7[%dma_wait3A_181] : memref<10112xi32, #tpu.memory_space<vmem>> -> memref<9984xi32, #tpu.memory_space<vmem>>
        %dma_wait3A_183 = tpu.memref_slice %arg2[%run_scoped3A, %mul3A_171] : memref<2x320000xi32, #tpu.memory_space<hbm>> -> memref<1x9984xi32, #tpu.memory_space<hbm>>
        %dma_wait3A_184 = tpu.memref_squeeze %dma_wait3A_183 : memref<1x9984xi32, #tpu.memory_space<hbm>> -> memref<9984xi32, #tpu.memory_space<hbm>>
        %dma_wait3A_185 = arith.constant 0 : i32
        %dma_wait3A_186 = tpu.memref_slice %arg7[%dma_wait3A_185] : memref<10112xi32, #tpu.memory_space<vmem>> -> memref<9984xi32, #tpu.memory_space<vmem>>
        %dma_wait3A_187 = tpu.memref_slice %arg2[%run_scoped3A, %mul3A_171] : memref<2x320000xi32, #tpu.memory_space<hbm>> -> memref<1x9984xi32, #tpu.memory_space<hbm>>
        %dma_wait3A_188 = tpu.memref_squeeze %dma_wait3A_187 : memref<1x9984xi32, #tpu.memory_space<hbm>> -> memref<9984xi32, #tpu.memory_space<hbm>>
        tpu.wait_dma2 semaphore(%run_scoped3A_172 : memref<!tpu.dma_semaphore, #tpu.memory_space<semaphore_mem>>) src(%dma_wait3A_188 : memref<9984xi32, #tpu.memory_space<hbm>>) dst(%dma_wait3A_186 : memref<9984xi32, #tpu.memory_space<vmem>>)
        tpu.yield
      }) : () -> ()
    } else {
    }
    %eq3A_19 = arith.constant 79 : i32
    %eq3A_20 = arith.cmpi eq, %select_n3A, %eq3A_19 : i32
    %convert_element_type3A_21 = arith.extui %eq3A_20 : i1 to i32
    %cond3A_22 = arith.constant 0 : i32
    %cond3A_23 = arith.cmpi ne, %convert_element_type3A_21, %cond3A_22 : i32
    scf.if %cond3A_23 {
      %mul3A_170 = arith.constant 128 : i32
      %mul3A_171 = arith.muli %add3A_6, %mul3A_170 : i32
      %run_scoped3A = arith.constant 1 : i32
      "tpu.region"() ({
        %run_scoped3A_172 = tpu.sem_alloc : memref<!tpu.dma_semaphore, #tpu.memory_space<semaphore_mem>>
        %dma_start3A_173 = arith.constant 0 : i32
        %dma_start3A_174 = tpu.memref_slice %arg7[%dma_start3A_173] : memref<10112xi32, #tpu.memory_space<vmem>> -> memref<10112xi32, #tpu.memory_space<vmem>>
        %dma_start3A_175 = tpu.memref_slice %arg2[%run_scoped3A, %mul3A_171] : memref<2x320000xi32, #tpu.memory_space<hbm>> -> memref<1x10112xi32, #tpu.memory_space<hbm>>
        %dma_start3A_176 = tpu.memref_squeeze %dma_start3A_175 : memref<1x10112xi32, #tpu.memory_space<hbm>> -> memref<10112xi32, #tpu.memory_space<hbm>>
        %dma_start3A_177 = arith.constant 0 : i32
        %dma_start3A_178 = tpu.memref_slice %arg7[%dma_start3A_177] : memref<10112xi32, #tpu.memory_space<vmem>> -> memref<10112xi32, #tpu.memory_space<vmem>>
        %dma_start3A_179 = tpu.memref_slice %arg2[%run_scoped3A, %mul3A_171] : memref<2x320000xi32, #tpu.memory_space<hbm>> -> memref<1x10112xi32, #tpu.memory_space<hbm>>
        %dma_start3A_180 = tpu.memref_squeeze %dma_start3A_179 : memref<1x10112xi32, #tpu.memory_space<hbm>> -> memref<10112xi32, #tpu.memory_space<hbm>>
        tpu.enqueue_dma source(%dma_start3A_180 : memref<10112xi32, #tpu.memory_space<hbm>>) target(%dma_start3A_178 : memref<10112xi32, #tpu.memory_space<vmem>>) target_semaphore(%run_scoped3A_172 : memref<!tpu.dma_semaphore, #tpu.memory_space<semaphore_mem>>)
        %dma_wait3A_181 = arith.constant 0 : i32
        %dma_wait3A_182 = tpu.memref_slice %arg7[%dma_wait3A_181] : memref<10112xi32, #tpu.memory_space<vmem>> -> memref<10112xi32, #tpu.memory_space<vmem>>
        %dma_wait3A_183 = tpu.memref_slice %arg2[%run_scoped3A, %mul3A_171] : memref<2x320000xi32, #tpu.memory_space<hbm>> -> memref<1x10112xi32, #tpu.memory_space<hbm>>
        %dma_wait3A_184 = tpu.memref_squeeze %dma_wait3A_183 : memref<1x10112xi32, #tpu.memory_space<hbm>> -> memref<10112xi32, #tpu.memory_space<hbm>>
        %dma_wait3A_185 = arith.constant 0 : i32
        %dma_wait3A_186 = tpu.memref_slice %arg7[%dma_wait3A_185] : memref<10112xi32, #tpu.memory_space<vmem>> -> memref<10112xi32, #tpu.memory_space<vmem>>
        %dma_wait3A_187 = tpu.memref_slice %arg2[%run_scoped3A, %mul3A_171] : memref<2x320000xi32, #tpu.memory_space<hbm>> -> memref<1x10112xi32, #tpu.memory_space<hbm>>
        %dma_wait3A_188 = tpu.memref_squeeze %dma_wait3A_187 : memref<1x10112xi32, #tpu.memory_space<hbm>> -> memref<10112xi32, #tpu.memory_space<hbm>>
        tpu.wait_dma2 semaphore(%run_scoped3A_172 : memref<!tpu.dma_semaphore, #tpu.memory_space<semaphore_mem>>) src(%dma_wait3A_188 : memref<10112xi32, #tpu.memory_space<hbm>>) dst(%dma_wait3A_186 : memref<10112xi32, #tpu.memory_space<vmem>>)
        tpu.yield
      }) : () -> ()
    } else {
    }
    %scan3A = arith.constant 0 : i32
    %scan3A_24 = arith.constant 0 : i32
    %scan3A_25 = arith.constant 632 : i32
    %scan3A_26 = arith.addi %scan3A_24, %scan3A_25 : i32
    %scan3A_27 = arith.constant 1 : i32
    scf.for %scan3A_170 = %scan3A_24 to %scan3A_26 step %scan3A_27  : i32 {
      %broadcast_in_dim3A = arith.constant 0.000000e+00 : f32
      %broadcast_in_dim3A_171 = vector.broadcast %broadcast_in_dim3A : f32 to vector<16xf32>
      %swap3A = arith.index_cast %scan3A_170 : i32 to index
      %swap3A_172 = arith.constant 0 : index
      %swap3A_173 = tpu.vector_load %arg9[%swap3A, %swap3A_172] {strides = array<i32>} : memref<632x16xf32, #tpu.memory_space<vmem>>, vector<1x16xf32>,
      %swap3A_174 = vector.shape_cast %swap3A_173 : vector<1x16xf32> to vector<16xf32>
      %swap3A_175 = vector.shape_cast %broadcast_in_dim3A_171 : vector<16xf32> to vector<1x16xf32>
      tpu.vector_store %arg9[%swap3A, %swap3A_172], %swap3A_175 {strides = array<i32>} : memref<632x16xf32, #tpu.memory_space<vmem>>, vector<1x16xf32>,
    }
    %scan3A_28 = arith.constant 632 : i32
    %mul3A_29 = arith.constant 632 : i32
    %mul3A_30 = arith.muli %arg1, %mul3A_29 : i32
    "tpu.region"() ({
      %run_scoped3A = tpu.sem_alloc : memref<!tpu.dma_semaphore, #tpu.memory_space<semaphore_mem>>
      %dma_start3A_170 = arith.constant 0 : i32
      %dma_start3A_171 = tpu.memref_slice %arg26[%mul3A_30, %dma_start3A_170] : memref<10112x16xf32, #tpu.memory_space<vmem_shared>> -> memref<632x16xf32, #tpu.memory_space<vmem_shared>>
      %dma_start3A_172 = arith.constant 0 : i32
      %dma_start3A_173 = tpu.memref_slice %arg26[%mul3A_30, %dma_start3A_172] : memref<10112x16xf32, #tpu.memory_space<vmem_shared>> -> memref<632x16xf32, #tpu.memory_space<vmem_shared>>
      tpu.enqueue_dma source(%arg9 : memref<632x16xf32, #tpu.memory_space<vmem>>) target(%dma_start3A_173 : memref<632x16xf32, #tpu.memory_space<vmem_shared>>) target_semaphore(%run_scoped3A : memref<!tpu.dma_semaphore, #tpu.memory_space<semaphore_mem>>)
      %dma_wait3A_174 = arith.constant 0 : i32
      %dma_wait3A_175 = tpu.memref_slice %arg26[%mul3A_30, %dma_wait3A_174] : memref<10112x16xf32, #tpu.memory_space<vmem_shared>> -> memref<632x16xf32, #tpu.memory_space<vmem_shared>>
      %dma_wait3A_176 = arith.constant 0 : i32
      %dma_wait3A_177 = tpu.memref_slice %arg26[%mul3A_30, %dma_wait3A_176] : memref<10112x16xf32, #tpu.memory_space<vmem_shared>> -> memref<632x16xf32, #tpu.memory_space<vmem_shared>>
      tpu.wait_dma2 semaphore(%run_scoped3A : memref<!tpu.dma_semaphore, #tpu.memory_space<semaphore_mem>>) src(%arg9 : memref<632x16xf32, #tpu.memory_space<vmem>>) dst(%dma_wait3A_177 : memref<632x16xf32, #tpu.memory_space<vmem_shared>>)
      tpu.yield
    }) : () -> ()
    %mul3A_31 = arith.constant 632 : i32
    %mul3A_32 = arith.muli %arg1, %mul3A_31 : i32
    "tpu.region"() ({
      %run_scoped3A = tpu.sem_alloc : memref<!tpu.dma_semaphore, #tpu.memory_space<semaphore_mem>>
      %dma_start3A_170 = arith.constant 0 : i32
      %dma_start3A_171 = tpu.memref_slice %arg27[%mul3A_32, %dma_start3A_170] : memref<10112x16xf32, #tpu.memory_space<vmem_shared>> -> memref<632x16xf32, #tpu.memory_space<vmem_shared>>
      %dma_start3A_172 = arith.constant 0 : i32
      %dma_start3A_173 = tpu.memref_slice %arg3[%mul3A_32, %dma_start3A_172] : memref<10112x16xf32, #tpu.memory_space<hbm>> -> memref<632x16xf32, #tpu.memory_space<hbm>>
      tpu.enqueue_dma source(%dma_start3A_173 : memref<632x16xf32, #tpu.memory_space<hbm>>) target(%dma_start3A_171 : memref<632x16xf32, #tpu.memory_space<vmem_shared>>) target_semaphore(%run_scoped3A : memref<!tpu.dma_semaphore, #tpu.memory_space<semaphore_mem>>)
      %dma_wait3A_174 = arith.constant 0 : i32
      %dma_wait3A_175 = tpu.memref_slice %arg27[%mul3A_32, %dma_wait3A_174] : memref<10112x16xf32, #tpu.memory_space<vmem_shared>> -> memref<632x16xf32, #tpu.memory_space<vmem_shared>>
      %dma_wait3A_176 = arith.constant 0 : i32
      %dma_wait3A_177 = tpu.memref_slice %arg3[%mul3A_32, %dma_wait3A_176] : memref<10112x16xf32, #tpu.memory_space<hbm>> -> memref<632x16xf32, #tpu.memory_space<hbm>>
      tpu.wait_dma2 semaphore(%run_scoped3A : memref<!tpu.dma_semaphore, #tpu.memory_space<semaphore_mem>>) src(%dma_wait3A_177 : memref<632x16xf32, #tpu.memory_space<hbm>>) dst(%dma_wait3A_175 : memref<632x16xf32, #tpu.memory_space<vmem_shared>>)
      tpu.yield
    }) : () -> ()
    %barrier3A = arith.constant 0 : index
    tpu.barrier barrier_id(%barrier3A)
    %dma_start3A = arith.constant 0 : i32
    %dma_start3A_33 = arith.constant 0 : i32
    %dma_start3A_34 = arith.constant 0 : i32
    %dma_start3A_35 = tpu.memref_slice %arg8[%dma_start3A, %dma_start3A_33, %dma_start3A_34] : memref<8x128x16xf32, #tpu.memory_space<vmem>> -> memref<1x128x16xf32, #tpu.memory_space<vmem>>
    %dma_start3A_36 = tpu.memref_squeeze %dma_start3A_35 : memref<1x128x16xf32, #tpu.memory_space<vmem>> -> memref<128x16xf32, #tpu.memory_space<vmem>>
    %dma_start3A_37 = arith.constant 0 : i32
    %dma_start3A_38 = tpu.memref_slice %arg6[%dma_start3A_37] : memref<10112xi32, #tpu.memory_space<vmem>> -> memref<128xi32, #tpu.memory_space<vmem>>
    %dma_start3A_39 = arith.constant 0 : i32
    %dma_start3A_40 = arith.constant 0 : i32
    %dma_start3A_41 = tpu.memref_slice %arg27[%dma_start3A_39, %dma_start3A_40] : memref<10112x16xf32, #tpu.memory_space<vmem_shared>> -> memref<10112x16xf32, #tpu.memory_space<vmem_shared>>
    tpu.enqueue_indirect_dma source(%dma_start3A_41 : memref<10112x16xf32, #tpu.memory_space<vmem_shared>>) target(%dma_start3A_36 : memref<128x16xf32, #tpu.memory_space<vmem>>) offsets(%dma_start3A_38 : memref<128xi32, #tpu.memory_space<vmem>>) semaphore(%arg10 : memref<!tpu.dma_semaphore, #tpu.memory_space<semaphore_mem>>)
    %dma_start3A_42 = arith.constant 1 : i32
    %dma_start3A_43 = arith.constant 0 : i32
    %dma_start3A_44 = arith.constant 0 : i32
    %dma_start3A_45 = tpu.memref_slice %arg8[%dma_start3A_42, %dma_start3A_43, %dma_start3A_44] : memref<8x128x16xf32, #tpu.memory_space<vmem>> -> memref<1x128x16xf32, #tpu.memory_space<vmem>>
    %dma_start3A_46 = tpu.memref_squeeze %dma_start3A_45 : memref<1x128x16xf32, #tpu.memory_space<vmem>> -> memref<128x16xf32, #tpu.memory_space<vmem>>
    %dma_start3A_47 = arith.constant 128 : i32
    %dma_start3A_48 = tpu.memref_slice %arg6[%dma_start3A_47] : memref<10112xi32, #tpu.memory_space<vmem>> -> memref<128xi32, #tpu.memory_space<vmem>>
    %dma_start3A_49 = arith.constant 0 : i32
    %dma_start3A_50 = arith.constant 0 : i32
    %dma_start3A_51 = tpu.memref_slice %arg27[%dma_start3A_49, %dma_start3A_50] : memref<10112x16xf32, #tpu.memory_space<vmem_shared>> -> memref<10112x16xf32, #tpu.memory_space<vmem_shared>>
    tpu.enqueue_indirect_dma source(%dma_start3A_51 : memref<10112x16xf32, #tpu.memory_space<vmem_shared>>) target(%dma_start3A_46 : memref<128x16xf32, #tpu.memory_space<vmem>>) offsets(%dma_start3A_48 : memref<128xi32, #tpu.memory_space<vmem>>) semaphore(%arg11 : memref<!tpu.dma_semaphore, #tpu.memory_space<semaphore_mem>>)
    %dma_start3A_52 = arith.constant 2 : i32
    %dma_start3A_53 = arith.constant 0 : i32
    %dma_start3A_54 = arith.constant 0 : i32
    %dma_start3A_55 = tpu.memref_slice %arg8[%dma_start3A_52, %dma_start3A_53, %dma_start3A_54] : memref<8x128x16xf32, #tpu.memory_space<vmem>> -> memref<1x128x16xf32, #tpu.memory_space<vmem>>
    %dma_start3A_56 = tpu.memref_squeeze %dma_start3A_55 : memref<1x128x16xf32, #tpu.memory_space<vmem>> -> memref<128x16xf32, #tpu.memory_space<vmem>>
    %dma_start3A_57 = arith.constant 256 : i32
    %dma_start3A_58 = tpu.memref_slice %arg6[%dma_start3A_57] : memref<10112xi32, #tpu.memory_space<vmem>> -> memref<128xi32, #tpu.memory_space<vmem>>
    %dma_start3A_59 = arith.constant 0 : i32
    %dma_start3A_60 = arith.constant 0 : i32
    %dma_start3A_61 = tpu.memref_slice %arg27[%dma_start3A_59, %dma_start3A_60] : memref<10112x16xf32, #tpu.memory_space<vmem_shared>> -> memref<10112x16xf32, #tpu.memory_space<vmem_shared>>
    tpu.enqueue_indirect_dma source(%dma_start3A_61 : memref<10112x16xf32, #tpu.memory_space<vmem_shared>>) target(%dma_start3A_56 : memref<128x16xf32, #tpu.memory_space<vmem>>) offsets(%dma_start3A_58 : memref<128xi32, #tpu.memory_space<vmem>>) semaphore(%arg12 : memref<!tpu.dma_semaphore, #tpu.memory_space<semaphore_mem>>)
    %dma_start3A_62 = arith.constant 3 : i32
    %dma_start3A_63 = arith.constant 0 : i32
    %dma_start3A_64 = arith.constant 0 : i32
    %dma_start3A_65 = tpu.memref_slice %arg8[%dma_start3A_62, %dma_start3A_63, %dma_start3A_64] : memref<8x128x16xf32, #tpu.memory_space<vmem>> -> memref<1x128x16xf32, #tpu.memory_space<vmem>>
    %dma_start3A_66 = tpu.memref_squeeze %dma_start3A_65 : memref<1x128x16xf32, #tpu.memory_space<vmem>> -> memref<128x16xf32, #tpu.memory_space<vmem>>
    %dma_start3A_67 = arith.constant 384 : i32
    %dma_start3A_68 = tpu.memref_slice %arg6[%dma_start3A_67] : memref<10112xi32, #tpu.memory_space<vmem>> -> memref<128xi32, #tpu.memory_space<vmem>>
    %dma_start3A_69 = arith.constant 0 : i32
    %dma_start3A_70 = arith.constant 0 : i32
    %dma_start3A_71 = tpu.memref_slice %arg27[%dma_start3A_69, %dma_start3A_70] : memref<10112x16xf32, #tpu.memory_space<vmem_shared>> -> memref<10112x16xf32, #tpu.memory_space<vmem_shared>>
    tpu.enqueue_indirect_dma source(%dma_start3A_71 : memref<10112x16xf32, #tpu.memory_space<vmem_shared>>) target(%dma_start3A_66 : memref<128x16xf32, #tpu.memory_space<vmem>>) offsets(%dma_start3A_68 : memref<128xi32, #tpu.memory_space<vmem>>) semaphore(%arg13 : memref<!tpu.dma_semaphore, #tpu.memory_space<semaphore_mem>>)
    %scan3A_72 = arith.constant 0 : i32
    %scan3A_73 = arith.constant 0 : i32
    %scan3A_74 = arith.constant 10 : i32
    %scan3A_75 = arith.addi %scan3A_73, %scan3A_74 : i32
    %scan3A_76 = arith.constant 1 : i32
    scf.for %scan3A_170 = %scan3A_73 to %scan3A_75 step %scan3A_76  : i32 {
      %mul3A_171 = arith.constant 8 : i32
      %mul3A_172 = arith.muli %scan3A_170, %mul3A_171 : i32
      %add3A_173 = arith.constant 0 : i32
      %add3A_174 = arith.addi %mul3A_172, %add3A_173 : i32
      %lt3A_175 = arith.cmpi slt, %add3A_174, %select_n3A : i32
      %convert_element_type3A_176 = arith.extui %lt3A_175 : i1 to i32
      %cond3A_177 = arith.constant 0 : i32
      %cond3A_178 = arith.cmpi ne, %convert_element_type3A_176, %cond3A_177 : i32
      scf.if %cond3A_178 {
        %mul3A_235 = arith.constant 128 : i32
        %mul3A_236 = arith.muli %add3A_174, %mul3A_235 : i32
        %dma_wait3A_237 = arith.constant 0 : i32
        %dma_wait3A_238 = arith.constant 0 : i32
        %dma_wait3A_239 = arith.constant 0 : i32
        %dma_wait3A_240 = tpu.memref_slice %arg8[%dma_wait3A_237, %dma_wait3A_238, %dma_wait3A_239] : memref<8x128x16xf32, #tpu.memory_space<vmem>> -> memref<1x128x16xf32, #tpu.memory_space<vmem>>
        %dma_wait3A_241 = tpu.memref_squeeze %dma_wait3A_240 : memref<1x128x16xf32, #tpu.memory_space<vmem>> -> memref<128x16xf32, #tpu.memory_space<vmem>>
        %dma_wait3A_242 = tpu.memref_slice %arg6[%mul3A_236] : memref<10112xi32, #tpu.memory_space<vmem>> -> memref<128xi32, #tpu.memory_space<vmem>>
        %dma_wait3A_243 = arith.constant 0 : i32
        %dma_wait3A_244 = arith.constant 0 : i32
        %dma_wait3A_245 = tpu.memref_slice %arg27[%dma_wait3A_243, %dma_wait3A_244] : memref<10112x16xf32, #tpu.memory_space<vmem_shared>> -> memref<10112x16xf32, #tpu.memory_space<vmem_shared>>
        tpu.wait_indirect_dma semaphore(%arg10 : memref<!tpu.dma_semaphore, #tpu.memory_space<semaphore_mem>>) src(%dma_wait3A_245 : memref<10112x16xf32, #tpu.memory_space<vmem_shared>>) dst(%dma_wait3A_241 : memref<128x16xf32, #tpu.memory_space<vmem>>)
        %mul3A_246 = arith.constant 128 : i32
        %mul3A_247 = arith.muli %add3A_174, %mul3A_246 : i32
        %dma_start3A_248 = arith.constant 0 : i32
        %dma_start3A_249 = arith.constant 0 : i32
        %dma_start3A_250 = arith.constant 0 : i32
        %dma_start3A_251 = tpu.memref_slice %arg8[%dma_start3A_248, %dma_start3A_249, %dma_start3A_250] : memref<8x128x16xf32, #tpu.memory_space<vmem>> -> memref<1x128x16xf32, #tpu.memory_space<vmem>>
        %dma_start3A_252 = tpu.memref_squeeze %dma_start3A_251 : memref<1x128x16xf32, #tpu.memory_space<vmem>> -> memref<128x16xf32, #tpu.memory_space<vmem>>
        %dma_start3A_253 = tpu.memref_slice %arg7[%mul3A_247] : memref<10112xi32, #tpu.memory_space<vmem>> -> memref<128xi32, #tpu.memory_space<vmem>>
        %dma_start3A_254 = arith.constant 0 : i32
        %dma_start3A_255 = arith.constant 0 : i32
        %dma_start3A_256 = tpu.memref_slice %arg26[%dma_start3A_254, %dma_start3A_255] : memref<10112x16xf32, #tpu.memory_space<vmem_shared>> -> memref<10112x16xf32, #tpu.memory_space<vmem_shared>>
        tpu.enqueue_indirect_dma source(%dma_start3A_252 : memref<128x16xf32, #tpu.memory_space<vmem>>) target(%dma_start3A_256 : memref<10112x16xf32, #tpu.memory_space<vmem_shared>>) offsets(%dma_start3A_253 : memref<128xi32, #tpu.memory_space<vmem>>) semaphore(%arg18 : memref<!tpu.dma_semaphore, #tpu.memory_space<semaphore_mem>>) {add = true}
        %add3A_257 = arith.constant 4 : i32
        %add3A_258 = arith.addi %add3A_174, %add3A_257 : i32
        %lt3A_259 = arith.cmpi slt, %add3A_258, %select_n3A : i32
        %convert_element_type3A_260 = arith.extui %lt3A_259 : i1 to i32
        %cond3A_261 = arith.constant 0 : i32
        %cond3A_262 = arith.cmpi ne, %convert_element_type3A_260, %cond3A_261 : i32
        scf.if %cond3A_262 {
          %ge3A = arith.constant 8 : i32
          %ge3A_263 = arith.cmpi sge, %add3A_258, %ge3A : i32
          %convert_element_type3A_264 = arith.extui %ge3A_263 : i1 to i32
          %cond3A_265 = arith.constant 0 : i32
          %cond3A_266 = arith.cmpi ne, %convert_element_type3A_264, %cond3A_265 : i32
          scf.if %cond3A_266 {
            %dma_wait3A_278 = arith.constant 4 : i32
            %dma_wait3A_279 = arith.constant 0 : i32
            %dma_wait3A_280 = arith.constant 0 : i32
            %dma_wait3A_281 = tpu.memref_slice %arg8[%dma_wait3A_278, %dma_wait3A_279, %dma_wait3A_280] : memref<8x128x16xf32, #tpu.memory_space<vmem>> -> memref<1x128x16xf32, #tpu.memory_space<vmem>>
            %dma_wait3A_282 = tpu.memref_squeeze %dma_wait3A_281 : memref<1x128x16xf32, #tpu.memory_space<vmem>> -> memref<128x16xf32, #tpu.memory_space<vmem>>
            %dma_wait3A_283 = arith.constant 0 : i32
            %dma_wait3A_284 = tpu.memref_slice %arg7[%dma_wait3A_283] : memref<10112xi32, #tpu.memory_space<vmem>> -> memref<128xi32, #tpu.memory_space<vmem>>
            %dma_wait3A_285 = arith.constant 0 : i32
            %dma_wait3A_286 = arith.constant 0 : i32
            %dma_wait3A_287 = tpu.memref_slice %arg26[%dma_wait3A_285, %dma_wait3A_286] : memref<10112x16xf32, #tpu.memory_space<vmem_shared>> -> memref<10112x16xf32, #tpu.memory_space<vmem_shared>>
            tpu.wait_indirect_dma semaphore(%arg22 : memref<!tpu.dma_semaphore, #tpu.memory_space<semaphore_mem>>) src(%dma_wait3A_282 : memref<128x16xf32, #tpu.memory_space<vmem>>) dst(%dma_wait3A_287 : memref<10112x16xf32, #tpu.memory_space<vmem_shared>>)
          } else {
          }
          %mul3A_267 = arith.constant 128 : i32
          %mul3A_268 = arith.muli %add3A_258, %mul3A_267 : i32
          %dma_start3A_269 = arith.constant 4 : i32
          %dma_start3A_270 = arith.constant 0 : i32
          %dma_start3A_271 = arith.constant 0 : i32
          %dma_start3A_272 = tpu.memref_slice %arg8[%dma_start3A_269, %dma_start3A_270, %dma_start3A_271] : memref<8x128x16xf32, #tpu.memory_space<vmem>> -> memref<1x128x16xf32, #tpu.memory_space<vmem>>
          %dma_start3A_273 = tpu.memref_squeeze %dma_start3A_272 : memref<1x128x16xf32, #tpu.memory_space<vmem>> -> memref<128x16xf32, #tpu.memory_space<vmem>>
          %dma_start3A_274 = tpu.memref_slice %arg6[%mul3A_268] : memref<10112xi32, #tpu.memory_space<vmem>> -> memref<128xi32, #tpu.memory_space<vmem>>
          %dma_start3A_275 = arith.constant 0 : i32
          %dma_start3A_276 = arith.constant 0 : i32
          %dma_start3A_277 = tpu.memref_slice %arg27[%dma_start3A_275, %dma_start3A_276] : memref<10112x16xf32, #tpu.memory_space<vmem_shared>> -> memref<10112x16xf32, #tpu.memory_space<vmem_shared>>
          tpu.enqueue_indirect_dma source(%dma_start3A_277 : memref<10112x16xf32, #tpu.memory_space<vmem_shared>>) target(%dma_start3A_273 : memref<128x16xf32, #tpu.memory_space<vmem>>) offsets(%dma_start3A_274 : memref<128xi32, #tpu.memory_space<vmem>>) semaphore(%arg14 : memref<!tpu.dma_semaphore, #tpu.memory_space<semaphore_mem>>)
        } else {
        }
      } else {
      }
      %mul3A_179 = arith.constant 8 : i32
      %mul3A_180 = arith.muli %scan3A_170, %mul3A_179 : i32
      %add3A_181 = arith.constant 1 : i32
      %add3A_182 = arith.addi %mul3A_180, %add3A_181 : i32
      %lt3A_183 = arith.cmpi slt, %add3A_182, %select_n3A : i32
      %convert_element_type3A_184 = arith.extui %lt3A_183 : i1 to i32
      %cond3A_185 = arith.constant 0 : i32
      %cond3A_186 = arith.cmpi ne, %convert_element_type3A_184, %cond3A_185 : i32
      scf.if %cond3A_186 {
        %mul3A_235 = arith.constant 128 : i32
        %mul3A_236 = arith.muli %add3A_182, %mul3A_235 : i32
        %dma_wait3A_237 = arith.constant 1 : i32
        %dma_wait3A_238 = arith.constant 0 : i32
        %dma_wait3A_239 = arith.constant 0 : i32
        %dma_wait3A_240 = tpu.memref_slice %arg8[%dma_wait3A_237, %dma_wait3A_238, %dma_wait3A_239] : memref<8x128x16xf32, #tpu.memory_space<vmem>> -> memref<1x128x16xf32, #tpu.memory_space<vmem>>
        %dma_wait3A_241 = tpu.memref_squeeze %dma_wait3A_240 : memref<1x128x16xf32, #tpu.memory_space<vmem>> -> memref<128x16xf32, #tpu.memory_space<vmem>>
        %dma_wait3A_242 = tpu.memref_slice %arg6[%mul3A_236] : memref<10112xi32, #tpu.memory_space<vmem>> -> memref<128xi32, #tpu.memory_space<vmem>>
        %dma_wait3A_243 = arith.constant 0 : i32
        %dma_wait3A_244 = arith.constant 0 : i32
        %dma_wait3A_245 = tpu.memref_slice %arg27[%dma_wait3A_243, %dma_wait3A_244] : memref<10112x16xf32, #tpu.memory_space<vmem_shared>> -> memref<10112x16xf32, #tpu.memory_space<vmem_shared>>
        tpu.wait_indirect_dma semaphore(%arg11 : memref<!tpu.dma_semaphore, #tpu.memory_space<semaphore_mem>>) src(%dma_wait3A_245 : memref<10112x16xf32, #tpu.memory_space<vmem_shared>>) dst(%dma_wait3A_241 : memref<128x16xf32, #tpu.memory_space<vmem>>)
        %mul3A_246 = arith.constant 128 : i32
        %mul3A_247 = arith.muli %add3A_182, %mul3A_246 : i32
        %dma_start3A_248 = arith.constant 1 : i32
        %dma_start3A_249 = arith.constant 0 : i32
        %dma_start3A_250 = arith.constant 0 : i32
        %dma_start3A_251 = tpu.memref_slice %arg8[%dma_start3A_248, %dma_start3A_249, %dma_start3A_250] : memref<8x128x16xf32, #tpu.memory_space<vmem>> -> memref<1x128x16xf32, #tpu.memory_space<vmem>>
        %dma_start3A_252 = tpu.memref_squeeze %dma_start3A_251 : memref<1x128x16xf32, #tpu.memory_space<vmem>> -> memref<128x16xf32, #tpu.memory_space<vmem>>
        %dma_start3A_253 = tpu.memref_slice %arg7[%mul3A_247] : memref<10112xi32, #tpu.memory_space<vmem>> -> memref<128xi32, #tpu.memory_space<vmem>>
        %dma_start3A_254 = arith.constant 0 : i32
        %dma_start3A_255 = arith.constant 0 : i32
        %dma_start3A_256 = tpu.memref_slice %arg26[%dma_start3A_254, %dma_start3A_255] : memref<10112x16xf32, #tpu.memory_space<vmem_shared>> -> memref<10112x16xf32, #tpu.memory_space<vmem_shared>>
        tpu.enqueue_indirect_dma source(%dma_start3A_252 : memref<128x16xf32, #tpu.memory_space<vmem>>) target(%dma_start3A_256 : memref<10112x16xf32, #tpu.memory_space<vmem_shared>>) offsets(%dma_start3A_253 : memref<128xi32, #tpu.memory_space<vmem>>) semaphore(%arg19 : memref<!tpu.dma_semaphore, #tpu.memory_space<semaphore_mem>>) {add = true}
        %add3A_257 = arith.constant 4 : i32
        %add3A_258 = arith.addi %add3A_182, %add3A_257 : i32
        %lt3A_259 = arith.cmpi slt, %add3A_258, %select_n3A : i32
        %convert_element_type3A_260 = arith.extui %lt3A_259 : i1 to i32
        %cond3A_261 = arith.constant 0 : i32
        %cond3A_262 = arith.cmpi ne, %convert_element_type3A_260, %cond3A_261 : i32
        scf.if %cond3A_262 {
          %ge3A = arith.constant 8 : i32
          %ge3A_263 = arith.cmpi sge, %add3A_258, %ge3A : i32
          %convert_element_type3A_264 = arith.extui %ge3A_263 : i1 to i32
          %cond3A_265 = arith.constant 0 : i32
          %cond3A_266 = arith.cmpi ne, %convert_element_type3A_264, %cond3A_265 : i32
          scf.if %cond3A_266 {
            %dma_wait3A_278 = arith.constant 5 : i32
            %dma_wait3A_279 = arith.constant 0 : i32
            %dma_wait3A_280 = arith.constant 0 : i32
            %dma_wait3A_281 = tpu.memref_slice %arg8[%dma_wait3A_278, %dma_wait3A_279, %dma_wait3A_280] : memref<8x128x16xf32, #tpu.memory_space<vmem>> -> memref<1x128x16xf32, #tpu.memory_space<vmem>>
            %dma_wait3A_282 = tpu.memref_squeeze %dma_wait3A_281 : memref<1x128x16xf32, #tpu.memory_space<vmem>> -> memref<128x16xf32, #tpu.memory_space<vmem>>
            %dma_wait3A_283 = arith.constant 0 : i32
            %dma_wait3A_284 = tpu.memref_slice %arg7[%dma_wait3A_283] : memref<10112xi32, #tpu.memory_space<vmem>> -> memref<128xi32, #tpu.memory_space<vmem>>
            %dma_wait3A_285 = arith.constant 0 : i32
            %dma_wait3A_286 = arith.constant 0 : i32
            %dma_wait3A_287 = tpu.memref_slice %arg26[%dma_wait3A_285, %dma_wait3A_286] : memref<10112x16xf32, #tpu.memory_space<vmem_shared>> -> memref<10112x16xf32, #tpu.memory_space<vmem_shared>>
            tpu.wait_indirect_dma semaphore(%arg23 : memref<!tpu.dma_semaphore, #tpu.memory_space<semaphore_mem>>) src(%dma_wait3A_282 : memref<128x16xf32, #tpu.memory_space<vmem>>) dst(%dma_wait3A_287 : memref<10112x16xf32, #tpu.memory_space<vmem_shared>>)
          } else {
          }
          %mul3A_267 = arith.constant 128 : i32
          %mul3A_268 = arith.muli %add3A_258, %mul3A_267 : i32
          %dma_start3A_269 = arith.constant 5 : i32
          %dma_start3A_270 = arith.constant 0 : i32
          %dma_start3A_271 = arith.constant 0 : i32
          %dma_start3A_272 = tpu.memref_slice %arg8[%dma_start3A_269, %dma_start3A_270, %dma_start3A_271] : memref<8x128x16xf32, #tpu.memory_space<vmem>> -> memref<1x128x16xf32, #tpu.memory_space<vmem>>
          %dma_start3A_273 = tpu.memref_squeeze %dma_start3A_272 : memref<1x128x16xf32, #tpu.memory_space<vmem>> -> memref<128x16xf32, #tpu.memory_space<vmem>>
          %dma_start3A_274 = tpu.memref_slice %arg6[%mul3A_268] : memref<10112xi32, #tpu.memory_space<vmem>> -> memref<128xi32, #tpu.memory_space<vmem>>
          %dma_start3A_275 = arith.constant 0 : i32
          %dma_start3A_276 = arith.constant 0 : i32
          %dma_start3A_277 = tpu.memref_slice %arg27[%dma_start3A_275, %dma_start3A_276] : memref<10112x16xf32, #tpu.memory_space<vmem_shared>> -> memref<10112x16xf32, #tpu.memory_space<vmem_shared>>
          tpu.enqueue_indirect_dma source(%dma_start3A_277 : memref<10112x16xf32, #tpu.memory_space<vmem_shared>>) target(%dma_start3A_273 : memref<128x16xf32, #tpu.memory_space<vmem>>) offsets(%dma_start3A_274 : memref<128xi32, #tpu.memory_space<vmem>>) semaphore(%arg15 : memref<!tpu.dma_semaphore, #tpu.memory_space<semaphore_mem>>)
        } else {
        }
      } else {
      }
      %mul3A_187 = arith.constant 8 : i32
      %mul3A_188 = arith.muli %scan3A_170, %mul3A_187 : i32
      %add3A_189 = arith.constant 2 : i32
      %add3A_190 = arith.addi %mul3A_188, %add3A_189 : i32
      %lt3A_191 = arith.cmpi slt, %add3A_190, %select_n3A : i32
      %convert_element_type3A_192 = arith.extui %lt3A_191 : i1 to i32
      %cond3A_193 = arith.constant 0 : i32
      %cond3A_194 = arith.cmpi ne, %convert_element_type3A_192, %cond3A_193 : i32
      scf.if %cond3A_194 {
        %mul3A_235 = arith.constant 128 : i32
        %mul3A_236 = arith.muli %add3A_190, %mul3A_235 : i32
        %dma_wait3A_237 = arith.constant 2 : i32
        %dma_wait3A_238 = arith.constant 0 : i32
        %dma_wait3A_239 = arith.constant 0 : i32
        %dma_wait3A_240 = tpu.memref_slice %arg8[%dma_wait3A_237, %dma_wait3A_238, %dma_wait3A_239] : memref<8x128x16xf32, #tpu.memory_space<vmem>> -> memref<1x128x16xf32, #tpu.memory_space<vmem>>
        %dma_wait3A_241 = tpu.memref_squeeze %dma_wait3A_240 : memref<1x128x16xf32, #tpu.memory_space<vmem>> -> memref<128x16xf32, #tpu.memory_space<vmem>>
        %dma_wait3A_242 = tpu.memref_slice %arg6[%mul3A_236] : memref<10112xi32, #tpu.memory_space<vmem>> -> memref<128xi32, #tpu.memory_space<vmem>>
        %dma_wait3A_243 = arith.constant 0 : i32
        %dma_wait3A_244 = arith.constant 0 : i32
        %dma_wait3A_245 = tpu.memref_slice %arg27[%dma_wait3A_243, %dma_wait3A_244] : memref<10112x16xf32, #tpu.memory_space<vmem_shared>> -> memref<10112x16xf32, #tpu.memory_space<vmem_shared>>
        tpu.wait_indirect_dma semaphore(%arg12 : memref<!tpu.dma_semaphore, #tpu.memory_space<semaphore_mem>>) src(%dma_wait3A_245 : memref<10112x16xf32, #tpu.memory_space<vmem_shared>>) dst(%dma_wait3A_241 : memref<128x16xf32, #tpu.memory_space<vmem>>)
        %mul3A_246 = arith.constant 128 : i32
        %mul3A_247 = arith.muli %add3A_190, %mul3A_246 : i32
        %dma_start3A_248 = arith.constant 2 : i32
        %dma_start3A_249 = arith.constant 0 : i32
        %dma_start3A_250 = arith.constant 0 : i32
        %dma_start3A_251 = tpu.memref_slice %arg8[%dma_start3A_248, %dma_start3A_249, %dma_start3A_250] : memref<8x128x16xf32, #tpu.memory_space<vmem>> -> memref<1x128x16xf32, #tpu.memory_space<vmem>>
        %dma_start3A_252 = tpu.memref_squeeze %dma_start3A_251 : memref<1x128x16xf32, #tpu.memory_space<vmem>> -> memref<128x16xf32, #tpu.memory_space<vmem>>
        %dma_start3A_253 = tpu.memref_slice %arg7[%mul3A_247] : memref<10112xi32, #tpu.memory_space<vmem>> -> memref<128xi32, #tpu.memory_space<vmem>>
        %dma_start3A_254 = arith.constant 0 : i32
        %dma_start3A_255 = arith.constant 0 : i32
        %dma_start3A_256 = tpu.memref_slice %arg26[%dma_start3A_254, %dma_start3A_255] : memref<10112x16xf32, #tpu.memory_space<vmem_shared>> -> memref<10112x16xf32, #tpu.memory_space<vmem_shared>>
        tpu.enqueue_indirect_dma source(%dma_start3A_252 : memref<128x16xf32, #tpu.memory_space<vmem>>) target(%dma_start3A_256 : memref<10112x16xf32, #tpu.memory_space<vmem_shared>>) offsets(%dma_start3A_253 : memref<128xi32, #tpu.memory_space<vmem>>) semaphore(%arg20 : memref<!tpu.dma_semaphore, #tpu.memory_space<semaphore_mem>>) {add = true}
        %add3A_257 = arith.constant 4 : i32
        %add3A_258 = arith.addi %add3A_190, %add3A_257 : i32
        %lt3A_259 = arith.cmpi slt, %add3A_258, %select_n3A : i32
        %convert_element_type3A_260 = arith.extui %lt3A_259 : i1 to i32
        %cond3A_261 = arith.constant 0 : i32
        %cond3A_262 = arith.cmpi ne, %convert_element_type3A_260, %cond3A_261 : i32
        scf.if %cond3A_262 {
          %ge3A = arith.constant 8 : i32
          %ge3A_263 = arith.cmpi sge, %add3A_258, %ge3A : i32
          %convert_element_type3A_264 = arith.extui %ge3A_263 : i1 to i32
          %cond3A_265 = arith.constant 0 : i32
          %cond3A_266 = arith.cmpi ne, %convert_element_type3A_264, %cond3A_265 : i32
          scf.if %cond3A_266 {
            %dma_wait3A_278 = arith.constant 6 : i32
            %dma_wait3A_279 = arith.constant 0 : i32
            %dma_wait3A_280 = arith.constant 0 : i32
            %dma_wait3A_281 = tpu.memref_slice %arg8[%dma_wait3A_278, %dma_wait3A_279, %dma_wait3A_280] : memref<8x128x16xf32, #tpu.memory_space<vmem>> -> memref<1x128x16xf32, #tpu.memory_space<vmem>>
            %dma_wait3A_282 = tpu.memref_squeeze %dma_wait3A_281 : memref<1x128x16xf32, #tpu.memory_space<vmem>> -> memref<128x16xf32, #tpu.memory_space<vmem>>
            %dma_wait3A_283 = arith.constant 0 : i32
            %dma_wait3A_284 = tpu.memref_slice %arg7[%dma_wait3A_283] : memref<10112xi32, #tpu.memory_space<vmem>> -> memref<128xi32, #tpu.memory_space<vmem>>
            %dma_wait3A_285 = arith.constant 0 : i32
            %dma_wait3A_286 = arith.constant 0 : i32
            %dma_wait3A_287 = tpu.memref_slice %arg26[%dma_wait3A_285, %dma_wait3A_286] : memref<10112x16xf32, #tpu.memory_space<vmem_shared>> -> memref<10112x16xf32, #tpu.memory_space<vmem_shared>>
            tpu.wait_indirect_dma semaphore(%arg24 : memref<!tpu.dma_semaphore, #tpu.memory_space<semaphore_mem>>) src(%dma_wait3A_282 : memref<128x16xf32, #tpu.memory_space<vmem>>) dst(%dma_wait3A_287 : memref<10112x16xf32, #tpu.memory_space<vmem_shared>>)
          } else {
          }
          %mul3A_267 = arith.constant 128 : i32
          %mul3A_268 = arith.muli %add3A_258, %mul3A_267 : i32
          %dma_start3A_269 = arith.constant 6 : i32
          %dma_start3A_270 = arith.constant 0 : i32
          %dma_start3A_271 = arith.constant 0 : i32
          %dma_start3A_272 = tpu.memref_slice %arg8[%dma_start3A_269, %dma_start3A_270, %dma_start3A_271] : memref<8x128x16xf32, #tpu.memory_space<vmem>> -> memref<1x128x16xf32, #tpu.memory_space<vmem>>
          %dma_start3A_273 = tpu.memref_squeeze %dma_start3A_272 : memref<1x128x16xf32, #tpu.memory_space<vmem>> -> memref<128x16xf32, #tpu.memory_space<vmem>>
          %dma_start3A_274 = tpu.memref_slice %arg6[%mul3A_268] : memref<10112xi32, #tpu.memory_space<vmem>> -> memref<128xi32, #tpu.memory_space<vmem>>
          %dma_start3A_275 = arith.constant 0 : i32
          %dma_start3A_276 = arith.constant 0 : i32
          %dma_start3A_277 = tpu.memref_slice %arg27[%dma_start3A_275, %dma_start3A_276] : memref<10112x16xf32, #tpu.memory_space<vmem_shared>> -> memref<10112x16xf32, #tpu.memory_space<vmem_shared>>
          tpu.enqueue_indirect_dma source(%dma_start3A_277 : memref<10112x16xf32, #tpu.memory_space<vmem_shared>>) target(%dma_start3A_273 : memref<128x16xf32, #tpu.memory_space<vmem>>) offsets(%dma_start3A_274 : memref<128xi32, #tpu.memory_space<vmem>>) semaphore(%arg16 : memref<!tpu.dma_semaphore, #tpu.memory_space<semaphore_mem>>)
        } else {
        }
      } else {
      }
      %mul3A_195 = arith.constant 8 : i32
      %mul3A_196 = arith.muli %scan3A_170, %mul3A_195 : i32
      %add3A_197 = arith.constant 3 : i32
      %add3A_198 = arith.addi %mul3A_196, %add3A_197 : i32
      %lt3A_199 = arith.cmpi slt, %add3A_198, %select_n3A : i32
      %convert_element_type3A_200 = arith.extui %lt3A_199 : i1 to i32
      %cond3A_201 = arith.constant 0 : i32
      %cond3A_202 = arith.cmpi ne, %convert_element_type3A_200, %cond3A_201 : i32
      scf.if %cond3A_202 {
        %mul3A_235 = arith.constant 128 : i32
        %mul3A_236 = arith.muli %add3A_198, %mul3A_235 : i32
        %dma_wait3A_237 = arith.constant 3 : i32
        %dma_wait3A_238 = arith.constant 0 : i32
        %dma_wait3A_239 = arith.constant 0 : i32
        %dma_wait3A_240 = tpu.memref_slice %arg8[%dma_wait3A_237, %dma_wait3A_238, %dma_wait3A_239] : memref<8x128x16xf32, #tpu.memory_space<vmem>> -> memref<1x128x16xf32, #tpu.memory_space<vmem>>
        %dma_wait3A_241 = tpu.memref_squeeze %dma_wait3A_240 : memref<1x128x16xf32, #tpu.memory_space<vmem>> -> memref<128x16xf32, #tpu.memory_space<vmem>>
        %dma_wait3A_242 = tpu.memref_slice %arg6[%mul3A_236] : memref<10112xi32, #tpu.memory_space<vmem>> -> memref<128xi32, #tpu.memory_space<vmem>>
        %dma_wait3A_243 = arith.constant 0 : i32
        %dma_wait3A_244 = arith.constant 0 : i32
        %dma_wait3A_245 = tpu.memref_slice %arg27[%dma_wait3A_243, %dma_wait3A_244] : memref<10112x16xf32, #tpu.memory_space<vmem_shared>> -> memref<10112x16xf32, #tpu.memory_space<vmem_shared>>
        tpu.wait_indirect_dma semaphore(%arg13 : memref<!tpu.dma_semaphore, #tpu.memory_space<semaphore_mem>>) src(%dma_wait3A_245 : memref<10112x16xf32, #tpu.memory_space<vmem_shared>>) dst(%dma_wait3A_241 : memref<128x16xf32, #tpu.memory_space<vmem>>)
        %mul3A_246 = arith.constant 128 : i32
        %mul3A_247 = arith.muli %add3A_198, %mul3A_246 : i32
        %dma_start3A_248 = arith.constant 3 : i32
        %dma_start3A_249 = arith.constant 0 : i32
        %dma_start3A_250 = arith.constant 0 : i32
        %dma_start3A_251 = tpu.memref_slice %arg8[%dma_start3A_248, %dma_start3A_249, %dma_start3A_250] : memref<8x128x16xf32, #tpu.memory_space<vmem>> -> memref<1x128x16xf32, #tpu.memory_space<vmem>>
        %dma_start3A_252 = tpu.memref_squeeze %dma_start3A_251 : memref<1x128x16xf32, #tpu.memory_space<vmem>> -> memref<128x16xf32, #tpu.memory_space<vmem>>
        %dma_start3A_253 = tpu.memref_slice %arg7[%mul3A_247] : memref<10112xi32, #tpu.memory_space<vmem>> -> memref<128xi32, #tpu.memory_space<vmem>>
        %dma_start3A_254 = arith.constant 0 : i32
        %dma_start3A_255 = arith.constant 0 : i32
        %dma_start3A_256 = tpu.memref_slice %arg26[%dma_start3A_254, %dma_start3A_255] : memref<10112x16xf32, #tpu.memory_space<vmem_shared>> -> memref<10112x16xf32, #tpu.memory_space<vmem_shared>>
        tpu.enqueue_indirect_dma source(%dma_start3A_252 : memref<128x16xf32, #tpu.memory_space<vmem>>) target(%dma_start3A_256 : memref<10112x16xf32, #tpu.memory_space<vmem_shared>>) offsets(%dma_start3A_253 : memref<128xi32, #tpu.memory_space<vmem>>) semaphore(%arg21 : memref<!tpu.dma_semaphore, #tpu.memory_space<semaphore_mem>>) {add = true}
        %add3A_257 = arith.constant 4 : i32
        %add3A_258 = arith.addi %add3A_198, %add3A_257 : i32
        %lt3A_259 = arith.cmpi slt, %add3A_258, %select_n3A : i32
        %convert_element_type3A_260 = arith.extui %lt3A_259 : i1 to i32
        %cond3A_261 = arith.constant 0 : i32
        %cond3A_262 = arith.cmpi ne, %convert_element_type3A_260, %cond3A_261 : i32
        scf.if %cond3A_262 {
          %ge3A = arith.constant 8 : i32
          %ge3A_263 = arith.cmpi sge, %add3A_258, %ge3A : i32
          %convert_element_type3A_264 = arith.extui %ge3A_263 : i1 to i32
          %cond3A_265 = arith.constant 0 : i32
          %cond3A_266 = arith.cmpi ne, %convert_element_type3A_264, %cond3A_265 : i32
          scf.if %cond3A_266 {
            %dma_wait3A_278 = arith.constant 7 : i32
            %dma_wait3A_279 = arith.constant 0 : i32
            %dma_wait3A_280 = arith.constant 0 : i32
            %dma_wait3A_281 = tpu.memref_slice %arg8[%dma_wait3A_278, %dma_wait3A_279, %dma_wait3A_280] : memref<8x128x16xf32, #tpu.memory_space<vmem>> -> memref<1x128x16xf32, #tpu.memory_space<vmem>>
            %dma_wait3A_282 = tpu.memref_squeeze %dma_wait3A_281 : memref<1x128x16xf32, #tpu.memory_space<vmem>> -> memref<128x16xf32, #tpu.memory_space<vmem>>
            %dma_wait3A_283 = arith.constant 0 : i32
            %dma_wait3A_284 = tpu.memref_slice %arg7[%dma_wait3A_283] : memref<10112xi32, #tpu.memory_space<vmem>> -> memref<128xi32, #tpu.memory_space<vmem>>
            %dma_wait3A_285 = arith.constant 0 : i32
            %dma_wait3A_286 = arith.constant 0 : i32
            %dma_wait3A_287 = tpu.memref_slice %arg26[%dma_wait3A_285, %dma_wait3A_286] : memref<10112x16xf32, #tpu.memory_space<vmem_shared>> -> memref<10112x16xf32, #tpu.memory_space<vmem_shared>>
            tpu.wait_indirect_dma semaphore(%arg25 : memref<!tpu.dma_semaphore, #tpu.memory_space<semaphore_mem>>) src(%dma_wait3A_282 : memref<128x16xf32, #tpu.memory_space<vmem>>) dst(%dma_wait3A_287 : memref<10112x16xf32, #tpu.memory_space<vmem_shared>>)
          } else {
          }
          %mul3A_267 = arith.constant 128 : i32
          %mul3A_268 = arith.muli %add3A_258, %mul3A_267 : i32
          %dma_start3A_269 = arith.constant 7 : i32
          %dma_start3A_270 = arith.constant 0 : i32
          %dma_start3A_271 = arith.constant 0 : i32
          %dma_start3A_272 = tpu.memref_slice %arg8[%dma_start3A_269, %dma_start3A_270, %dma_start3A_271] : memref<8x128x16xf32, #tpu.memory_space<vmem>> -> memref<1x128x16xf32, #tpu.memory_space<vmem>>
          %dma_start3A_273 = tpu.memref_squeeze %dma_start3A_272 : memref<1x128x16xf32, #tpu.memory_space<vmem>> -> memref<128x16xf32, #tpu.memory_space<vmem>>
          %dma_start3A_274 = tpu.memref_slice %arg6[%mul3A_268] : memref<10112xi32, #tpu.memory_space<vmem>> -> memref<128xi32, #tpu.memory_space<vmem>>
          %dma_start3A_275 = arith.constant 0 : i32
          %dma_start3A_276 = arith.constant 0 : i32
          %dma_start3A_277 = tpu.memref_slice %arg27[%dma_start3A_275, %dma_start3A_276] : memref<10112x16xf32, #tpu.memory_space<vmem_shared>> -> memref<10112x16xf32, #tpu.memory_space<vmem_shared>>
          tpu.enqueue_indirect_dma source(%dma_start3A_277 : memref<10112x16xf32, #tpu.memory_space<vmem_shared>>) target(%dma_start3A_273 : memref<128x16xf32, #tpu.memory_space<vmem>>) offsets(%dma_start3A_274 : memref<128xi32, #tpu.memory_space<vmem>>) semaphore(%arg17 : memref<!tpu.dma_semaphore, #tpu.memory_space<semaphore_mem>>)
        } else {
        }
      } else {
      }
      %mul3A_203 = arith.constant 8 : i32
      %mul3A_204 = arith.muli %scan3A_170, %mul3A_203 : i32
      %add3A_205 = arith.constant 4 : i32
      %add3A_206 = arith.addi %mul3A_204, %add3A_205 : i32
      %lt3A_207 = arith.cmpi slt, %add3A_206, %select_n3A : i32
      %convert_element_type3A_208 = arith.extui %lt3A_207 : i1 to i32
      %cond3A_209 = arith.constant 0 : i32
      %cond3A_210 = arith.cmpi ne, %convert_element_type3A_208, %cond3A_209 : i32
      scf.if %cond3A_210 {
        %mul3A_235 = arith.constant 128 : i32
        %mul3A_236 = arith.muli %add3A_206, %mul3A_235 : i32
        %dma_wait3A_237 = arith.constant 4 : i32
        %dma_wait3A_238 = arith.constant 0 : i32
        %dma_wait3A_239 = arith.constant 0 : i32
        %dma_wait3A_240 = tpu.memref_slice %arg8[%dma_wait3A_237, %dma_wait3A_238, %dma_wait3A_239] : memref<8x128x16xf32, #tpu.memory_space<vmem>> -> memref<1x128x16xf32, #tpu.memory_space<vmem>>
        %dma_wait3A_241 = tpu.memref_squeeze %dma_wait3A_240 : memref<1x128x16xf32, #tpu.memory_space<vmem>> -> memref<128x16xf32, #tpu.memory_space<vmem>>
        %dma_wait3A_242 = tpu.memref_slice %arg6[%mul3A_236] : memref<10112xi32, #tpu.memory_space<vmem>> -> memref<128xi32, #tpu.memory_space<vmem>>
        %dma_wait3A_243 = arith.constant 0 : i32
        %dma_wait3A_244 = arith.constant 0 : i32
        %dma_wait3A_245 = tpu.memref_slice %arg27[%dma_wait3A_243, %dma_wait3A_244] : memref<10112x16xf32, #tpu.memory_space<vmem_shared>> -> memref<10112x16xf32, #tpu.memory_space<vmem_shared>>
        tpu.wait_indirect_dma semaphore(%arg14 : memref<!tpu.dma_semaphore, #tpu.memory_space<semaphore_mem>>) src(%dma_wait3A_245 : memref<10112x16xf32, #tpu.memory_space<vmem_shared>>) dst(%dma_wait3A_241 : memref<128x16xf32, #tpu.memory_space<vmem>>)
        %mul3A_246 = arith.constant 128 : i32
        %mul3A_247 = arith.muli %add3A_206, %mul3A_246 : i32
        %dma_start3A_248 = arith.constant 4 : i32
        %dma_start3A_249 = arith.constant 0 : i32
        %dma_start3A_250 = arith.constant 0 : i32
        %dma_start3A_251 = tpu.memref_slice %arg8[%dma_start3A_248, %dma_start3A_249, %dma_start3A_250] : memref<8x128x16xf32, #tpu.memory_space<vmem>> -> memref<1x128x16xf32, #tpu.memory_space<vmem>>
        %dma_start3A_252 = tpu.memref_squeeze %dma_start3A_251 : memref<1x128x16xf32, #tpu.memory_space<vmem>> -> memref<128x16xf32, #tpu.memory_space<vmem>>
        %dma_start3A_253 = tpu.memref_slice %arg7[%mul3A_247] : memref<10112xi32, #tpu.memory_space<vmem>> -> memref<128xi32, #tpu.memory_space<vmem>>
        %dma_start3A_254 = arith.constant 0 : i32
        %dma_start3A_255 = arith.constant 0 : i32
        %dma_start3A_256 = tpu.memref_slice %arg26[%dma_start3A_254, %dma_start3A_255] : memref<10112x16xf32, #tpu.memory_space<vmem_shared>> -> memref<10112x16xf32, #tpu.memory_space<vmem_shared>>
        tpu.enqueue_indirect_dma source(%dma_start3A_252 : memref<128x16xf32, #tpu.memory_space<vmem>>) target(%dma_start3A_256 : memref<10112x16xf32, #tpu.memory_space<vmem_shared>>) offsets(%dma_start3A_253 : memref<128xi32, #tpu.memory_space<vmem>>) semaphore(%arg22 : memref<!tpu.dma_semaphore, #tpu.memory_space<semaphore_mem>>) {add = true}
        %add3A_257 = arith.constant 4 : i32
        %add3A_258 = arith.addi %add3A_206, %add3A_257 : i32
        %lt3A_259 = arith.cmpi slt, %add3A_258, %select_n3A : i32
        %convert_element_type3A_260 = arith.extui %lt3A_259 : i1 to i32
        %cond3A_261 = arith.constant 0 : i32
        %cond3A_262 = arith.cmpi ne, %convert_element_type3A_260, %cond3A_261 : i32
        scf.if %cond3A_262 {
          %ge3A = arith.constant 8 : i32
          %ge3A_263 = arith.cmpi sge, %add3A_258, %ge3A : i32
          %convert_element_type3A_264 = arith.extui %ge3A_263 : i1 to i32
          %cond3A_265 = arith.constant 0 : i32
          %cond3A_266 = arith.cmpi ne, %convert_element_type3A_264, %cond3A_265 : i32
          scf.if %cond3A_266 {
            %dma_wait3A_278 = arith.constant 0 : i32
            %dma_wait3A_279 = arith.constant 0 : i32
            %dma_wait3A_280 = arith.constant 0 : i32
            %dma_wait3A_281 = tpu.memref_slice %arg8[%dma_wait3A_278, %dma_wait3A_279, %dma_wait3A_280] : memref<8x128x16xf32, #tpu.memory_space<vmem>> -> memref<1x128x16xf32, #tpu.memory_space<vmem>>
            %dma_wait3A_282 = tpu.memref_squeeze %dma_wait3A_281 : memref<1x128x16xf32, #tpu.memory_space<vmem>> -> memref<128x16xf32, #tpu.memory_space<vmem>>
            %dma_wait3A_283 = arith.constant 0 : i32
            %dma_wait3A_284 = tpu.memref_slice %arg7[%dma_wait3A_283] : memref<10112xi32, #tpu.memory_space<vmem>> -> memref<128xi32, #tpu.memory_space<vmem>>
            %dma_wait3A_285 = arith.constant 0 : i32
            %dma_wait3A_286 = arith.constant 0 : i32
            %dma_wait3A_287 = tpu.memref_slice %arg26[%dma_wait3A_285, %dma_wait3A_286] : memref<10112x16xf32, #tpu.memory_space<vmem_shared>> -> memref<10112x16xf32, #tpu.memory_space<vmem_shared>>
            tpu.wait_indirect_dma semaphore(%arg18 : memref<!tpu.dma_semaphore, #tpu.memory_space<semaphore_mem>>) src(%dma_wait3A_282 : memref<128x16xf32, #tpu.memory_space<vmem>>) dst(%dma_wait3A_287 : memref<10112x16xf32, #tpu.memory_space<vmem_shared>>)
          } else {
          }
          %mul3A_267 = arith.constant 128 : i32
          %mul3A_268 = arith.muli %add3A_258, %mul3A_267 : i32
          %dma_start3A_269 = arith.constant 0 : i32
          %dma_start3A_270 = arith.constant 0 : i32
          %dma_start3A_271 = arith.constant 0 : i32
          %dma_start3A_272 = tpu.memref_slice %arg8[%dma_start3A_269, %dma_start3A_270, %dma_start3A_271] : memref<8x128x16xf32, #tpu.memory_space<vmem>> -> memref<1x128x16xf32, #tpu.memory_space<vmem>>
          %dma_start3A_273 = tpu.memref_squeeze %dma_start3A_272 : memref<1x128x16xf32, #tpu.memory_space<vmem>> -> memref<128x16xf32, #tpu.memory_space<vmem>>
          %dma_start3A_274 = tpu.memref_slice %arg6[%mul3A_268] : memref<10112xi32, #tpu.memory_space<vmem>> -> memref<128xi32, #tpu.memory_space<vmem>>
          %dma_start3A_275 = arith.constant 0 : i32
          %dma_start3A_276 = arith.constant 0 : i32
          %dma_start3A_277 = tpu.memref_slice %arg27[%dma_start3A_275, %dma_start3A_276] : memref<10112x16xf32, #tpu.memory_space<vmem_shared>> -> memref<10112x16xf32, #tpu.memory_space<vmem_shared>>
          tpu.enqueue_indirect_dma source(%dma_start3A_277 : memref<10112x16xf32, #tpu.memory_space<vmem_shared>>) target(%dma_start3A_273 : memref<128x16xf32, #tpu.memory_space<vmem>>) offsets(%dma_start3A_274 : memref<128xi32, #tpu.memory_space<vmem>>) semaphore(%arg10 : memref<!tpu.dma_semaphore, #tpu.memory_space<semaphore_mem>>)
        } else {
        }
      } else {
      }
      %mul3A_211 = arith.constant 8 : i32
      %mul3A_212 = arith.muli %scan3A_170, %mul3A_211 : i32
      %add3A_213 = arith.constant 5 : i32
      %add3A_214 = arith.addi %mul3A_212, %add3A_213 : i32
      %lt3A_215 = arith.cmpi slt, %add3A_214, %select_n3A : i32
      %convert_element_type3A_216 = arith.extui %lt3A_215 : i1 to i32
      %cond3A_217 = arith.constant 0 : i32
      %cond3A_218 = arith.cmpi ne, %convert_element_type3A_216, %cond3A_217 : i32
      scf.if %cond3A_218 {
        %mul3A_235 = arith.constant 128 : i32
        %mul3A_236 = arith.muli %add3A_214, %mul3A_235 : i32
        %dma_wait3A_237 = arith.constant 5 : i32
        %dma_wait3A_238 = arith.constant 0 : i32
        %dma_wait3A_239 = arith.constant 0 : i32
        %dma_wait3A_240 = tpu.memref_slice %arg8[%dma_wait3A_237, %dma_wait3A_238, %dma_wait3A_239] : memref<8x128x16xf32, #tpu.memory_space<vmem>> -> memref<1x128x16xf32, #tpu.memory_space<vmem>>
        %dma_wait3A_241 = tpu.memref_squeeze %dma_wait3A_240 : memref<1x128x16xf32, #tpu.memory_space<vmem>> -> memref<128x16xf32, #tpu.memory_space<vmem>>
        %dma_wait3A_242 = tpu.memref_slice %arg6[%mul3A_236] : memref<10112xi32, #tpu.memory_space<vmem>> -> memref<128xi32, #tpu.memory_space<vmem>>
        %dma_wait3A_243 = arith.constant 0 : i32
        %dma_wait3A_244 = arith.constant 0 : i32
        %dma_wait3A_245 = tpu.memref_slice %arg27[%dma_wait3A_243, %dma_wait3A_244] : memref<10112x16xf32, #tpu.memory_space<vmem_shared>> -> memref<10112x16xf32, #tpu.memory_space<vmem_shared>>
        tpu.wait_indirect_dma semaphore(%arg15 : memref<!tpu.dma_semaphore, #tpu.memory_space<semaphore_mem>>) src(%dma_wait3A_245 : memref<10112x16xf32, #tpu.memory_space<vmem_shared>>) dst(%dma_wait3A_241 : memref<128x16xf32, #tpu.memory_space<vmem>>)
        %mul3A_246 = arith.constant 128 : i32
        %mul3A_247 = arith.muli %add3A_214, %mul3A_246 : i32
        %dma_start3A_248 = arith.constant 5 : i32
        %dma_start3A_249 = arith.constant 0 : i32
        %dma_start3A_250 = arith.constant 0 : i32
        %dma_start3A_251 = tpu.memref_slice %arg8[%dma_start3A_248, %dma_start3A_249, %dma_start3A_250] : memref<8x128x16xf32, #tpu.memory_space<vmem>> -> memref<1x128x16xf32, #tpu.memory_space<vmem>>
        %dma_start3A_252 = tpu.memref_squeeze %dma_start3A_251 : memref<1x128x16xf32, #tpu.memory_space<vmem>> -> memref<128x16xf32, #tpu.memory_space<vmem>>
        %dma_start3A_253 = tpu.memref_slice %arg7[%mul3A_247] : memref<10112xi32, #tpu.memory_space<vmem>> -> memref<128xi32, #tpu.memory_space<vmem>>
        %dma_start3A_254 = arith.constant 0 : i32
        %dma_start3A_255 = arith.constant 0 : i32
        %dma_start3A_256 = tpu.memref_slice %arg26[%dma_start3A_254, %dma_start3A_255] : memref<10112x16xf32, #tpu.memory_space<vmem_shared>> -> memref<10112x16xf32, #tpu.memory_space<vmem_shared>>
        tpu.enqueue_indirect_dma source(%dma_start3A_252 : memref<128x16xf32, #tpu.memory_space<vmem>>) target(%dma_start3A_256 : memref<10112x16xf32, #tpu.memory_space<vmem_shared>>) offsets(%dma_start3A_253 : memref<128xi32, #tpu.memory_space<vmem>>) semaphore(%arg23 : memref<!tpu.dma_semaphore, #tpu.memory_space<semaphore_mem>>) {add = true}
        %add3A_257 = arith.constant 4 : i32
        %add3A_258 = arith.addi %add3A_214, %add3A_257 : i32
        %lt3A_259 = arith.cmpi slt, %add3A_258, %select_n3A : i32
        %convert_element_type3A_260 = arith.extui %lt3A_259 : i1 to i32
        %cond3A_261 = arith.constant 0 : i32
        %cond3A_262 = arith.cmpi ne, %convert_element_type3A_260, %cond3A_261 : i32
        scf.if %cond3A_262 {
          %ge3A = arith.constant 8 : i32
          %ge3A_263 = arith.cmpi sge, %add3A_258, %ge3A : i32
          %convert_element_type3A_264 = arith.extui %ge3A_263 : i1 to i32
          %cond3A_265 = arith.constant 0 : i32
          %cond3A_266 = arith.cmpi ne, %convert_element_type3A_264, %cond3A_265 : i32
          scf.if %cond3A_266 {
            %dma_wait3A_278 = arith.constant 1 : i32
            %dma_wait3A_279 = arith.constant 0 : i32
            %dma_wait3A_280 = arith.constant 0 : i32
            %dma_wait3A_281 = tpu.memref_slice %arg8[%dma_wait3A_278, %dma_wait3A_279, %dma_wait3A_280] : memref<8x128x16xf32, #tpu.memory_space<vmem>> -> memref<1x128x16xf32, #tpu.memory_space<vmem>>
            %dma_wait3A_282 = tpu.memref_squeeze %dma_wait3A_281 : memref<1x128x16xf32, #tpu.memory_space<vmem>> -> memref<128x16xf32, #tpu.memory_space<vmem>>
            %dma_wait3A_283 = arith.constant 0 : i32
            %dma_wait3A_284 = tpu.memref_slice %arg7[%dma_wait3A_283] : memref<10112xi32, #tpu.memory_space<vmem>> -> memref<128xi32, #tpu.memory_space<vmem>>
            %dma_wait3A_285 = arith.constant 0 : i32
            %dma_wait3A_286 = arith.constant 0 : i32
            %dma_wait3A_287 = tpu.memref_slice %arg26[%dma_wait3A_285, %dma_wait3A_286] : memref<10112x16xf32, #tpu.memory_space<vmem_shared>> -> memref<10112x16xf32, #tpu.memory_space<vmem_shared>>
            tpu.wait_indirect_dma semaphore(%arg19 : memref<!tpu.dma_semaphore, #tpu.memory_space<semaphore_mem>>) src(%dma_wait3A_282 : memref<128x16xf32, #tpu.memory_space<vmem>>) dst(%dma_wait3A_287 : memref<10112x16xf32, #tpu.memory_space<vmem_shared>>)
          } else {
          }
          %mul3A_267 = arith.constant 128 : i32
          %mul3A_268 = arith.muli %add3A_258, %mul3A_267 : i32
          %dma_start3A_269 = arith.constant 1 : i32
          %dma_start3A_270 = arith.constant 0 : i32
          %dma_start3A_271 = arith.constant 0 : i32
          %dma_start3A_272 = tpu.memref_slice %arg8[%dma_start3A_269, %dma_start3A_270, %dma_start3A_271] : memref<8x128x16xf32, #tpu.memory_space<vmem>> -> memref<1x128x16xf32, #tpu.memory_space<vmem>>
          %dma_start3A_273 = tpu.memref_squeeze %dma_start3A_272 : memref<1x128x16xf32, #tpu.memory_space<vmem>> -> memref<128x16xf32, #tpu.memory_space<vmem>>
          %dma_start3A_274 = tpu.memref_slice %arg6[%mul3A_268] : memref<10112xi32, #tpu.memory_space<vmem>> -> memref<128xi32, #tpu.memory_space<vmem>>
          %dma_start3A_275 = arith.constant 0 : i32
          %dma_start3A_276 = arith.constant 0 : i32
          %dma_start3A_277 = tpu.memref_slice %arg27[%dma_start3A_275, %dma_start3A_276] : memref<10112x16xf32, #tpu.memory_space<vmem_shared>> -> memref<10112x16xf32, #tpu.memory_space<vmem_shared>>
          tpu.enqueue_indirect_dma source(%dma_start3A_277 : memref<10112x16xf32, #tpu.memory_space<vmem_shared>>) target(%dma_start3A_273 : memref<128x16xf32, #tpu.memory_space<vmem>>) offsets(%dma_start3A_274 : memref<128xi32, #tpu.memory_space<vmem>>) semaphore(%arg11 : memref<!tpu.dma_semaphore, #tpu.memory_space<semaphore_mem>>)
        } else {
        }
      } else {
      }
      %mul3A_219 = arith.constant 8 : i32
      %mul3A_220 = arith.muli %scan3A_170, %mul3A_219 : i32
      %add3A_221 = arith.constant 6 : i32
      %add3A_222 = arith.addi %mul3A_220, %add3A_221 : i32
      %lt3A_223 = arith.cmpi slt, %add3A_222, %select_n3A : i32
      %convert_element_type3A_224 = arith.extui %lt3A_223 : i1 to i32
      %cond3A_225 = arith.constant 0 : i32
      %cond3A_226 = arith.cmpi ne, %convert_element_type3A_224, %cond3A_225 : i32
      scf.if %cond3A_226 {
        %mul3A_235 = arith.constant 128 : i32
        %mul3A_236 = arith.muli %add3A_222, %mul3A_235 : i32
        %dma_wait3A_237 = arith.constant 6 : i32
        %dma_wait3A_238 = arith.constant 0 : i32
        %dma_wait3A_239 = arith.constant 0 : i32
        %dma_wait3A_240 = tpu.memref_slice %arg8[%dma_wait3A_237, %dma_wait3A_238, %dma_wait3A_239] : memref<8x128x16xf32, #tpu.memory_space<vmem>> -> memref<1x128x16xf32, #tpu.memory_space<vmem>>
        %dma_wait3A_241 = tpu.memref_squeeze %dma_wait3A_240 : memref<1x128x16xf32, #tpu.memory_space<vmem>> -> memref<128x16xf32, #tpu.memory_space<vmem>>
        %dma_wait3A_242 = tpu.memref_slice %arg6[%mul3A_236] : memref<10112xi32, #tpu.memory_space<vmem>> -> memref<128xi32, #tpu.memory_space<vmem>>
        %dma_wait3A_243 = arith.constant 0 : i32
        %dma_wait3A_244 = arith.constant 0 : i32
        %dma_wait3A_245 = tpu.memref_slice %arg27[%dma_wait3A_243, %dma_wait3A_244] : memref<10112x16xf32, #tpu.memory_space<vmem_shared>> -> memref<10112x16xf32, #tpu.memory_space<vmem_shared>>
        tpu.wait_indirect_dma semaphore(%arg16 : memref<!tpu.dma_semaphore, #tpu.memory_space<semaphore_mem>>) src(%dma_wait3A_245 : memref<10112x16xf32, #tpu.memory_space<vmem_shared>>) dst(%dma_wait3A_241 : memref<128x16xf32, #tpu.memory_space<vmem>>)
        %mul3A_246 = arith.constant 128 : i32
        %mul3A_247 = arith.muli %add3A_222, %mul3A_246 : i32
        %dma_start3A_248 = arith.constant 6 : i32
        %dma_start3A_249 = arith.constant 0 : i32
        %dma_start3A_250 = arith.constant 0 : i32
        %dma_start3A_251 = tpu.memref_slice %arg8[%dma_start3A_248, %dma_start3A_249, %dma_start3A_250] : memref<8x128x16xf32, #tpu.memory_space<vmem>> -> memref<1x128x16xf32, #tpu.memory_space<vmem>>
        %dma_start3A_252 = tpu.memref_squeeze %dma_start3A_251 : memref<1x128x16xf32, #tpu.memory_space<vmem>> -> memref<128x16xf32, #tpu.memory_space<vmem>>
        %dma_start3A_253 = tpu.memref_slice %arg7[%mul3A_247] : memref<10112xi32, #tpu.memory_space<vmem>> -> memref<128xi32, #tpu.memory_space<vmem>>
        %dma_start3A_254 = arith.constant 0 : i32
        %dma_start3A_255 = arith.constant 0 : i32
        %dma_start3A_256 = tpu.memref_slice %arg26[%dma_start3A_254, %dma_start3A_255] : memref<10112x16xf32, #tpu.memory_space<vmem_shared>> -> memref<10112x16xf32, #tpu.memory_space<vmem_shared>>
        tpu.enqueue_indirect_dma source(%dma_start3A_252 : memref<128x16xf32, #tpu.memory_space<vmem>>) target(%dma_start3A_256 : memref<10112x16xf32, #tpu.memory_space<vmem_shared>>) offsets(%dma_start3A_253 : memref<128xi32, #tpu.memory_space<vmem>>) semaphore(%arg24 : memref<!tpu.dma_semaphore, #tpu.memory_space<semaphore_mem>>) {add = true}
        %add3A_257 = arith.constant 4 : i32
        %add3A_258 = arith.addi %add3A_222, %add3A_257 : i32
        %lt3A_259 = arith.cmpi slt, %add3A_258, %select_n3A : i32
        %convert_element_type3A_260 = arith.extui %lt3A_259 : i1 to i32
        %cond3A_261 = arith.constant 0 : i32
        %cond3A_262 = arith.cmpi ne, %convert_element_type3A_260, %cond3A_261 : i32
        scf.if %cond3A_262 {
          %ge3A = arith.constant 8 : i32
          %ge3A_263 = arith.cmpi sge, %add3A_258, %ge3A : i32
          %convert_element_type3A_264 = arith.extui %ge3A_263 : i1 to i32
          %cond3A_265 = arith.constant 0 : i32
          %cond3A_266 = arith.cmpi ne, %convert_element_type3A_264, %cond3A_265 : i32
          scf.if %cond3A_266 {
            %dma_wait3A_278 = arith.constant 2 : i32
            %dma_wait3A_279 = arith.constant 0 : i32
            %dma_wait3A_280 = arith.constant 0 : i32
            %dma_wait3A_281 = tpu.memref_slice %arg8[%dma_wait3A_278, %dma_wait3A_279, %dma_wait3A_280] : memref<8x128x16xf32, #tpu.memory_space<vmem>> -> memref<1x128x16xf32, #tpu.memory_space<vmem>>
            %dma_wait3A_282 = tpu.memref_squeeze %dma_wait3A_281 : memref<1x128x16xf32, #tpu.memory_space<vmem>> -> memref<128x16xf32, #tpu.memory_space<vmem>>
            %dma_wait3A_283 = arith.constant 0 : i32
            %dma_wait3A_284 = tpu.memref_slice %arg7[%dma_wait3A_283] : memref<10112xi32, #tpu.memory_space<vmem>> -> memref<128xi32, #tpu.memory_space<vmem>>
            %dma_wait3A_285 = arith.constant 0 : i32
            %dma_wait3A_286 = arith.constant 0 : i32
            %dma_wait3A_287 = tpu.memref_slice %arg26[%dma_wait3A_285, %dma_wait3A_286] : memref<10112x16xf32, #tpu.memory_space<vmem_shared>> -> memref<10112x16xf32, #tpu.memory_space<vmem_shared>>
            tpu.wait_indirect_dma semaphore(%arg20 : memref<!tpu.dma_semaphore, #tpu.memory_space<semaphore_mem>>) src(%dma_wait3A_282 : memref<128x16xf32, #tpu.memory_space<vmem>>) dst(%dma_wait3A_287 : memref<10112x16xf32, #tpu.memory_space<vmem_shared>>)
          } else {
          }
          %mul3A_267 = arith.constant 128 : i32
          %mul3A_268 = arith.muli %add3A_258, %mul3A_267 : i32
          %dma_start3A_269 = arith.constant 2 : i32
          %dma_start3A_270 = arith.constant 0 : i32
          %dma_start3A_271 = arith.constant 0 : i32
          %dma_start3A_272 = tpu.memref_slice %arg8[%dma_start3A_269, %dma_start3A_270, %dma_start3A_271] : memref<8x128x16xf32, #tpu.memory_space<vmem>> -> memref<1x128x16xf32, #tpu.memory_space<vmem>>
          %dma_start3A_273 = tpu.memref_squeeze %dma_start3A_272 : memref<1x128x16xf32, #tpu.memory_space<vmem>> -> memref<128x16xf32, #tpu.memory_space<vmem>>
          %dma_start3A_274 = tpu.memref_slice %arg6[%mul3A_268] : memref<10112xi32, #tpu.memory_space<vmem>> -> memref<128xi32, #tpu.memory_space<vmem>>
          %dma_start3A_275 = arith.constant 0 : i32
          %dma_start3A_276 = arith.constant 0 : i32
          %dma_start3A_277 = tpu.memref_slice %arg27[%dma_start3A_275, %dma_start3A_276] : memref<10112x16xf32, #tpu.memory_space<vmem_shared>> -> memref<10112x16xf32, #tpu.memory_space<vmem_shared>>
          tpu.enqueue_indirect_dma source(%dma_start3A_277 : memref<10112x16xf32, #tpu.memory_space<vmem_shared>>) target(%dma_start3A_273 : memref<128x16xf32, #tpu.memory_space<vmem>>) offsets(%dma_start3A_274 : memref<128xi32, #tpu.memory_space<vmem>>) semaphore(%arg12 : memref<!tpu.dma_semaphore, #tpu.memory_space<semaphore_mem>>)
        } else {
        }
      } else {
      }
      %mul3A_227 = arith.constant 8 : i32
      %mul3A_228 = arith.muli %scan3A_170, %mul3A_227 : i32
      %add3A_229 = arith.constant 7 : i32
      %add3A_230 = arith.addi %mul3A_228, %add3A_229 : i32
      %lt3A_231 = arith.cmpi slt, %add3A_230, %select_n3A : i32
      %convert_element_type3A_232 = arith.extui %lt3A_231 : i1 to i32
      %cond3A_233 = arith.constant 0 : i32
      %cond3A_234 = arith.cmpi ne, %convert_element_type3A_232, %cond3A_233 : i32
      scf.if %cond3A_234 {
        %mul3A_235 = arith.constant 128 : i32
        %mul3A_236 = arith.muli %add3A_230, %mul3A_235 : i32
        %dma_wait3A_237 = arith.constant 7 : i32
        %dma_wait3A_238 = arith.constant 0 : i32
        %dma_wait3A_239 = arith.constant 0 : i32
        %dma_wait3A_240 = tpu.memref_slice %arg8[%dma_wait3A_237, %dma_wait3A_238, %dma_wait3A_239] : memref<8x128x16xf32, #tpu.memory_space<vmem>> -> memref<1x128x16xf32, #tpu.memory_space<vmem>>
        %dma_wait3A_241 = tpu.memref_squeeze %dma_wait3A_240 : memref<1x128x16xf32, #tpu.memory_space<vmem>> -> memref<128x16xf32, #tpu.memory_space<vmem>>
        %dma_wait3A_242 = tpu.memref_slice %arg6[%mul3A_236] : memref<10112xi32, #tpu.memory_space<vmem>> -> memref<128xi32, #tpu.memory_space<vmem>>
        %dma_wait3A_243 = arith.constant 0 : i32
        %dma_wait3A_244 = arith.constant 0 : i32
        %dma_wait3A_245 = tpu.memref_slice %arg27[%dma_wait3A_243, %dma_wait3A_244] : memref<10112x16xf32, #tpu.memory_space<vmem_shared>> -> memref<10112x16xf32, #tpu.memory_space<vmem_shared>>
        tpu.wait_indirect_dma semaphore(%arg17 : memref<!tpu.dma_semaphore, #tpu.memory_space<semaphore_mem>>) src(%dma_wait3A_245 : memref<10112x16xf32, #tpu.memory_space<vmem_shared>>) dst(%dma_wait3A_241 : memref<128x16xf32, #tpu.memory_space<vmem>>)
        %mul3A_246 = arith.constant 128 : i32
        %mul3A_247 = arith.muli %add3A_230, %mul3A_246 : i32
        %dma_start3A_248 = arith.constant 7 : i32
        %dma_start3A_249 = arith.constant 0 : i32
        %dma_start3A_250 = arith.constant 0 : i32
        %dma_start3A_251 = tpu.memref_slice %arg8[%dma_start3A_248, %dma_start3A_249, %dma_start3A_250] : memref<8x128x16xf32, #tpu.memory_space<vmem>> -> memref<1x128x16xf32, #tpu.memory_space<vmem>>
        %dma_start3A_252 = tpu.memref_squeeze %dma_start3A_251 : memref<1x128x16xf32, #tpu.memory_space<vmem>> -> memref<128x16xf32, #tpu.memory_space<vmem>>
        %dma_start3A_253 = tpu.memref_slice %arg7[%mul3A_247] : memref<10112xi32, #tpu.memory_space<vmem>> -> memref<128xi32, #tpu.memory_space<vmem>>
        %dma_start3A_254 = arith.constant 0 : i32
        %dma_start3A_255 = arith.constant 0 : i32
        %dma_start3A_256 = tpu.memref_slice %arg26[%dma_start3A_254, %dma_start3A_255] : memref<10112x16xf32, #tpu.memory_space<vmem_shared>> -> memref<10112x16xf32, #tpu.memory_space<vmem_shared>>
        tpu.enqueue_indirect_dma source(%dma_start3A_252 : memref<128x16xf32, #tpu.memory_space<vmem>>) target(%dma_start3A_256 : memref<10112x16xf32, #tpu.memory_space<vmem_shared>>) offsets(%dma_start3A_253 : memref<128xi32, #tpu.memory_space<vmem>>) semaphore(%arg25 : memref<!tpu.dma_semaphore, #tpu.memory_space<semaphore_mem>>) {add = true}
        %add3A_257 = arith.constant 4 : i32
        %add3A_258 = arith.addi %add3A_230, %add3A_257 : i32
        %lt3A_259 = arith.cmpi slt, %add3A_258, %select_n3A : i32
        %convert_element_type3A_260 = arith.extui %lt3A_259 : i1 to i32
        %cond3A_261 = arith.constant 0 : i32
        %cond3A_262 = arith.cmpi ne, %convert_element_type3A_260, %cond3A_261 : i32
        scf.if %cond3A_262 {
          %ge3A = arith.constant 8 : i32
          %ge3A_263 = arith.cmpi sge, %add3A_258, %ge3A : i32
          %convert_element_type3A_264 = arith.extui %ge3A_263 : i1 to i32
          %cond3A_265 = arith.constant 0 : i32
          %cond3A_266 = arith.cmpi ne, %convert_element_type3A_264, %cond3A_265 : i32
          scf.if %cond3A_266 {
            %dma_wait3A_278 = arith.constant 3 : i32
            %dma_wait3A_279 = arith.constant 0 : i32
            %dma_wait3A_280 = arith.constant 0 : i32
            %dma_wait3A_281 = tpu.memref_slice %arg8[%dma_wait3A_278, %dma_wait3A_279, %dma_wait3A_280] : memref<8x128x16xf32, #tpu.memory_space<vmem>> -> memref<1x128x16xf32, #tpu.memory_space<vmem>>
            %dma_wait3A_282 = tpu.memref_squeeze %dma_wait3A_281 : memref<1x128x16xf32, #tpu.memory_space<vmem>> -> memref<128x16xf32, #tpu.memory_space<vmem>>
            %dma_wait3A_283 = arith.constant 0 : i32
            %dma_wait3A_284 = tpu.memref_slice %arg7[%dma_wait3A_283] : memref<10112xi32, #tpu.memory_space<vmem>> -> memref<128xi32, #tpu.memory_space<vmem>>
            %dma_wait3A_285 = arith.constant 0 : i32
            %dma_wait3A_286 = arith.constant 0 : i32
            %dma_wait3A_287 = tpu.memref_slice %arg26[%dma_wait3A_285, %dma_wait3A_286] : memref<10112x16xf32, #tpu.memory_space<vmem_shared>> -> memref<10112x16xf32, #tpu.memory_space<vmem_shared>>
            tpu.wait_indirect_dma semaphore(%arg21 : memref<!tpu.dma_semaphore, #tpu.memory_space<semaphore_mem>>) src(%dma_wait3A_282 : memref<128x16xf32, #tpu.memory_space<vmem>>) dst(%dma_wait3A_287 : memref<10112x16xf32, #tpu.memory_space<vmem_shared>>)
          } else {
          }
          %mul3A_267 = arith.constant 128 : i32
          %mul3A_268 = arith.muli %add3A_258, %mul3A_267 : i32
          %dma_start3A_269 = arith.constant 3 : i32
          %dma_start3A_270 = arith.constant 0 : i32
          %dma_start3A_271 = arith.constant 0 : i32
          %dma_start3A_272 = tpu.memref_slice %arg8[%dma_start3A_269, %dma_start3A_270, %dma_start3A_271] : memref<8x128x16xf32, #tpu.memory_space<vmem>> -> memref<1x128x16xf32, #tpu.memory_space<vmem>>
          %dma_start3A_273 = tpu.memref_squeeze %dma_start3A_272 : memref<1x128x16xf32, #tpu.memory_space<vmem>> -> memref<128x16xf32, #tpu.memory_space<vmem>>
          %dma_start3A_274 = tpu.memref_slice %arg6[%mul3A_268] : memref<10112xi32, #tpu.memory_space<vmem>> -> memref<128xi32, #tpu.memory_space<vmem>>
          %dma_start3A_275 = arith.constant 0 : i32
          %dma_start3A_276 = arith.constant 0 : i32
          %dma_start3A_277 = tpu.memref_slice %arg27[%dma_start3A_275, %dma_start3A_276] : memref<10112x16xf32, #tpu.memory_space<vmem_shared>> -> memref<10112x16xf32, #tpu.memory_space<vmem_shared>>
          tpu.enqueue_indirect_dma source(%dma_start3A_277 : memref<10112x16xf32, #tpu.memory_space<vmem_shared>>) target(%dma_start3A_273 : memref<128x16xf32, #tpu.memory_space<vmem>>) offsets(%dma_start3A_274 : memref<128xi32, #tpu.memory_space<vmem>>) semaphore(%arg13 : memref<!tpu.dma_semaphore, #tpu.memory_space<semaphore_mem>>)
        } else {
        }
      } else {
      }
    }
    %scan3A_77 = arith.constant 10 : i32
    %dma_wait3A = arith.constant 0 : i32
    %dma_wait3A_78 = arith.constant 0 : i32
    %dma_wait3A_79 = arith.constant 0 : i32
    %dma_wait3A_80 = tpu.memref_slice %arg8[%dma_wait3A, %dma_wait3A_78, %dma_wait3A_79] : memref<8x128x16xf32, #tpu.memory_space<vmem>> -> memref<1x128x16xf32, #tpu.memory_space<vmem>>
    %dma_wait3A_81 = tpu.memref_squeeze %dma_wait3A_80 : memref<1x128x16xf32, #tpu.memory_space<vmem>> -> memref<128x16xf32, #tpu.memory_space<vmem>>
    %dma_wait3A_82 = arith.constant 0 : i32
    %dma_wait3A_83 = tpu.memref_slice %arg7[%dma_wait3A_82] : memref<10112xi32, #tpu.memory_space<vmem>> -> memref<128xi32, #tpu.memory_space<vmem>>
    %dma_wait3A_84 = arith.constant 0 : i32
    %dma_wait3A_85 = arith.constant 0 : i32
    %dma_wait3A_86 = tpu.memref_slice %arg26[%dma_wait3A_84, %dma_wait3A_85] : memref<10112x16xf32, #tpu.memory_space<vmem_shared>> -> memref<10112x16xf32, #tpu.memory_space<vmem_shared>>
    tpu.wait_indirect_dma semaphore(%arg18 : memref<!tpu.dma_semaphore, #tpu.memory_space<semaphore_mem>>) src(%dma_wait3A_81 : memref<128x16xf32, #tpu.memory_space<vmem>>) dst(%dma_wait3A_86 : memref<10112x16xf32, #tpu.memory_space<vmem_shared>>)
    %dma_wait3A_87 = arith.constant 1 : i32
    %dma_wait3A_88 = arith.constant 0 : i32
    %dma_wait3A_89 = arith.constant 0 : i32
    %dma_wait3A_90 = tpu.memref_slice %arg8[%dma_wait3A_87, %dma_wait3A_88, %dma_wait3A_89] : memref<8x128x16xf32, #tpu.memory_space<vmem>> -> memref<1x128x16xf32, #tpu.memory_space<vmem>>
    %dma_wait3A_91 = tpu.memref_squeeze %dma_wait3A_90 : memref<1x128x16xf32, #tpu.memory_space<vmem>> -> memref<128x16xf32, #tpu.memory_space<vmem>>
    %dma_wait3A_92 = arith.constant 0 : i32
    %dma_wait3A_93 = tpu.memref_slice %arg7[%dma_wait3A_92] : memref<10112xi32, #tpu.memory_space<vmem>> -> memref<128xi32, #tpu.memory_space<vmem>>
    %dma_wait3A_94 = arith.constant 0 : i32
    %dma_wait3A_95 = arith.constant 0 : i32
    %dma_wait3A_96 = tpu.memref_slice %arg26[%dma_wait3A_94, %dma_wait3A_95] : memref<10112x16xf32, #tpu.memory_space<vmem_shared>> -> memref<10112x16xf32, #tpu.memory_space<vmem_shared>>
    tpu.wait_indirect_dma semaphore(%arg19 : memref<!tpu.dma_semaphore, #tpu.memory_space<semaphore_mem>>) src(%dma_wait3A_91 : memref<128x16xf32, #tpu.memory_space<vmem>>) dst(%dma_wait3A_96 : memref<10112x16xf32, #tpu.memory_space<vmem_shared>>)
    %dma_wait3A_97 = arith.constant 2 : i32
    %dma_wait3A_98 = arith.constant 0 : i32
    %dma_wait3A_99 = arith.constant 0 : i32
    %dma_wait3A_100 = tpu.memref_slice %arg8[%dma_wait3A_97, %dma_wait3A_98, %dma_wait3A_99] : memref<8x128x16xf32, #tpu.memory_space<vmem>> -> memref<1x128x16xf32, #tpu.memory_space<vmem>>
    %dma_wait3A_101 = tpu.memref_squeeze %dma_wait3A_100 : memref<1x128x16xf32, #tpu.memory_space<vmem>> -> memref<128x16xf32, #tpu.memory_space<vmem>>
    %dma_wait3A_102 = arith.constant 0 : i32
    %dma_wait3A_103 = tpu.memref_slice %arg7[%dma_wait3A_102] : memref<10112xi32, #tpu.memory_space<vmem>> -> memref<128xi32, #tpu.memory_space<vmem>>
    %dma_wait3A_104 = arith.constant 0 : i32
    %dma_wait3A_105 = arith.constant 0 : i32
    %dma_wait3A_106 = tpu.memref_slice %arg26[%dma_wait3A_104, %dma_wait3A_105] : memref<10112x16xf32, #tpu.memory_space<vmem_shared>> -> memref<10112x16xf32, #tpu.memory_space<vmem_shared>>
    tpu.wait_indirect_dma semaphore(%arg20 : memref<!tpu.dma_semaphore, #tpu.memory_space<semaphore_mem>>) src(%dma_wait3A_101 : memref<128x16xf32, #tpu.memory_space<vmem>>) dst(%dma_wait3A_106 : memref<10112x16xf32, #tpu.memory_space<vmem_shared>>)
    %dma_wait3A_107 = arith.constant 3 : i32
    %dma_wait3A_108 = arith.constant 0 : i32
    %dma_wait3A_109 = arith.constant 0 : i32
    %dma_wait3A_110 = tpu.memref_slice %arg8[%dma_wait3A_107, %dma_wait3A_108, %dma_wait3A_109] : memref<8x128x16xf32, #tpu.memory_space<vmem>> -> memref<1x128x16xf32, #tpu.memory_space<vmem>>
    %dma_wait3A_111 = tpu.memref_squeeze %dma_wait3A_110 : memref<1x128x16xf32, #tpu.memory_space<vmem>> -> memref<128x16xf32, #tpu.memory_space<vmem>>
    %dma_wait3A_112 = arith.constant 0 : i32
    %dma_wait3A_113 = tpu.memref_slice %arg7[%dma_wait3A_112] : memref<10112xi32, #tpu.memory_space<vmem>> -> memref<128xi32, #tpu.memory_space<vmem>>
    %dma_wait3A_114 = arith.constant 0 : i32
    %dma_wait3A_115 = arith.constant 0 : i32
    %dma_wait3A_116 = tpu.memref_slice %arg26[%dma_wait3A_114, %dma_wait3A_115] : memref<10112x16xf32, #tpu.memory_space<vmem_shared>> -> memref<10112x16xf32, #tpu.memory_space<vmem_shared>>
    tpu.wait_indirect_dma semaphore(%arg21 : memref<!tpu.dma_semaphore, #tpu.memory_space<semaphore_mem>>) src(%dma_wait3A_111 : memref<128x16xf32, #tpu.memory_space<vmem>>) dst(%dma_wait3A_116 : memref<10112x16xf32, #tpu.memory_space<vmem_shared>>)
    %dma_wait3A_117 = arith.constant 4 : i32
    %dma_wait3A_118 = arith.constant 0 : i32
    %dma_wait3A_119 = arith.constant 0 : i32
    %dma_wait3A_120 = tpu.memref_slice %arg8[%dma_wait3A_117, %dma_wait3A_118, %dma_wait3A_119] : memref<8x128x16xf32, #tpu.memory_space<vmem>> -> memref<1x128x16xf32, #tpu.memory_space<vmem>>
    %dma_wait3A_121 = tpu.memref_squeeze %dma_wait3A_120 : memref<1x128x16xf32, #tpu.memory_space<vmem>> -> memref<128x16xf32, #tpu.memory_space<vmem>>
    %dma_wait3A_122 = arith.constant 0 : i32
    %dma_wait3A_123 = tpu.memref_slice %arg7[%dma_wait3A_122] : memref<10112xi32, #tpu.memory_space<vmem>> -> memref<128xi32, #tpu.memory_space<vmem>>
    %dma_wait3A_124 = arith.constant 0 : i32
    %dma_wait3A_125 = arith.constant 0 : i32
    %dma_wait3A_126 = tpu.memref_slice %arg26[%dma_wait3A_124, %dma_wait3A_125] : memref<10112x16xf32, #tpu.memory_space<vmem_shared>> -> memref<10112x16xf32, #tpu.memory_space<vmem_shared>>
    tpu.wait_indirect_dma semaphore(%arg22 : memref<!tpu.dma_semaphore, #tpu.memory_space<semaphore_mem>>) src(%dma_wait3A_121 : memref<128x16xf32, #tpu.memory_space<vmem>>) dst(%dma_wait3A_126 : memref<10112x16xf32, #tpu.memory_space<vmem_shared>>)
    %dma_wait3A_127 = arith.constant 5 : i32
    %dma_wait3A_128 = arith.constant 0 : i32
    %dma_wait3A_129 = arith.constant 0 : i32
    %dma_wait3A_130 = tpu.memref_slice %arg8[%dma_wait3A_127, %dma_wait3A_128, %dma_wait3A_129] : memref<8x128x16xf32, #tpu.memory_space<vmem>> -> memref<1x128x16xf32, #tpu.memory_space<vmem>>
    %dma_wait3A_131 = tpu.memref_squeeze %dma_wait3A_130 : memref<1x128x16xf32, #tpu.memory_space<vmem>> -> memref<128x16xf32, #tpu.memory_space<vmem>>
    %dma_wait3A_132 = arith.constant 0 : i32
    %dma_wait3A_133 = tpu.memref_slice %arg7[%dma_wait3A_132] : memref<10112xi32, #tpu.memory_space<vmem>> -> memref<128xi32, #tpu.memory_space<vmem>>
    %dma_wait3A_134 = arith.constant 0 : i32
    %dma_wait3A_135 = arith.constant 0 : i32
    %dma_wait3A_136 = tpu.memref_slice %arg26[%dma_wait3A_134, %dma_wait3A_135] : memref<10112x16xf32, #tpu.memory_space<vmem_shared>> -> memref<10112x16xf32, #tpu.memory_space<vmem_shared>>
    tpu.wait_indirect_dma semaphore(%arg23 : memref<!tpu.dma_semaphore, #tpu.memory_space<semaphore_mem>>) src(%dma_wait3A_131 : memref<128x16xf32, #tpu.memory_space<vmem>>) dst(%dma_wait3A_136 : memref<10112x16xf32, #tpu.memory_space<vmem_shared>>)
    %dma_wait3A_137 = arith.constant 6 : i32
    %dma_wait3A_138 = arith.constant 0 : i32
    %dma_wait3A_139 = arith.constant 0 : i32
    %dma_wait3A_140 = tpu.memref_slice %arg8[%dma_wait3A_137, %dma_wait3A_138, %dma_wait3A_139] : memref<8x128x16xf32, #tpu.memory_space<vmem>> -> memref<1x128x16xf32, #tpu.memory_space<vmem>>
    %dma_wait3A_141 = tpu.memref_squeeze %dma_wait3A_140 : memref<1x128x16xf32, #tpu.memory_space<vmem>> -> memref<128x16xf32, #tpu.memory_space<vmem>>
    %dma_wait3A_142 = arith.constant 0 : i32
    %dma_wait3A_143 = tpu.memref_slice %arg7[%dma_wait3A_142] : memref<10112xi32, #tpu.memory_space<vmem>> -> memref<128xi32, #tpu.memory_space<vmem>>
    %dma_wait3A_144 = arith.constant 0 : i32
    %dma_wait3A_145 = arith.constant 0 : i32
    %dma_wait3A_146 = tpu.memref_slice %arg26[%dma_wait3A_144, %dma_wait3A_145] : memref<10112x16xf32, #tpu.memory_space<vmem_shared>> -> memref<10112x16xf32, #tpu.memory_space<vmem_shared>>
    tpu.wait_indirect_dma semaphore(%arg24 : memref<!tpu.dma_semaphore, #tpu.memory_space<semaphore_mem>>) src(%dma_wait3A_141 : memref<128x16xf32, #tpu.memory_space<vmem>>) dst(%dma_wait3A_146 : memref<10112x16xf32, #tpu.memory_space<vmem_shared>>)
    %dma_wait3A_147 = arith.constant 7 : i32
    %dma_wait3A_148 = arith.constant 0 : i32
    %dma_wait3A_149 = arith.constant 0 : i32
    %dma_wait3A_150 = tpu.memref_slice %arg8[%dma_wait3A_147, %dma_wait3A_148, %dma_wait3A_149] : memref<8x128x16xf32, #tpu.memory_space<vmem>> -> memref<1x128x16xf32, #tpu.memory_space<vmem>>
    %dma_wait3A_151 = tpu.memref_squeeze %dma_wait3A_150 : memref<1x128x16xf32, #tpu.memory_space<vmem>> -> memref<128x16xf32, #tpu.memory_space<vmem>>
    %dma_wait3A_152 = arith.constant 0 : i32
    %dma_wait3A_153 = tpu.memref_slice %arg7[%dma_wait3A_152] : memref<10112xi32, #tpu.memory_space<vmem>> -> memref<128xi32, #tpu.memory_space<vmem>>
    %dma_wait3A_154 = arith.constant 0 : i32
    %dma_wait3A_155 = arith.constant 0 : i32
    %dma_wait3A_156 = tpu.memref_slice %arg26[%dma_wait3A_154, %dma_wait3A_155] : memref<10112x16xf32, #tpu.memory_space<vmem_shared>> -> memref<10112x16xf32, #tpu.memory_space<vmem_shared>>
    tpu.wait_indirect_dma semaphore(%arg25 : memref<!tpu.dma_semaphore, #tpu.memory_space<semaphore_mem>>) src(%dma_wait3A_151 : memref<128x16xf32, #tpu.memory_space<vmem>>) dst(%dma_wait3A_156 : memref<10112x16xf32, #tpu.memory_space<vmem_shared>>)
    %barrier3A_157 = arith.constant 0 : index
    tpu.barrier barrier_id(%barrier3A_157)
    %mul3A_158 = arith.constant 632 : i32
    %mul3A_159 = arith.muli %arg1, %mul3A_158 : i32
    %eq3A_160 = arith.constant 0 : i32
    %eq3A_161 = arith.cmpi eq, %arg0, %eq3A_160 : i32
    %convert_element_type3A_162 = arith.extui %eq3A_161 : i1 to i32
    %cond3A_163 = arith.constant 0 : i32
    %cond3A_164 = arith.cmpi ne, %convert_element_type3A_162, %cond3A_163 : i32
    scf.if %cond3A_164 {
      "tpu.region"() ({
        %run_scoped3A = tpu.sem_alloc : memref<!tpu.dma_semaphore, #tpu.memory_space<semaphore_mem>>
        %dma_start3A_170 = arith.constant 0 : i32
        %dma_start3A_171 = tpu.memref_slice %arg4[%mul3A_159, %dma_start3A_170] : memref<10112x16xf32, #tpu.memory_space<hbm>> -> memref<632x16xf32, #tpu.memory_space<hbm>>
        %dma_start3A_172 = arith.constant 0 : i32
        %dma_start3A_173 = tpu.memref_slice %arg26[%mul3A_159, %dma_start3A_172] : memref<10112x16xf32, #tpu.memory_space<vmem_shared>> -> memref<632x16xf32, #tpu.memory_space<vmem_shared>>
        tpu.enqueue_dma source(%dma_start3A_173 : memref<632x16xf32, #tpu.memory_space<vmem_shared>>) target(%dma_start3A_171 : memref<632x16xf32, #tpu.memory_space<hbm>>) target_semaphore(%run_scoped3A : memref<!tpu.dma_semaphore, #tpu.memory_space<semaphore_mem>>)
        %dma_wait3A_174 = arith.constant 0 : i32
        %dma_wait3A_175 = tpu.memref_slice %arg4[%mul3A_159, %dma_wait3A_174] : memref<10112x16xf32, #tpu.memory_space<hbm>> -> memref<632x16xf32, #tpu.memory_space<hbm>>
        %dma_wait3A_176 = arith.constant 0 : i32
        %dma_wait3A_177 = tpu.memref_slice %arg26[%mul3A_159, %dma_wait3A_176] : memref<10112x16xf32, #tpu.memory_space<vmem_shared>> -> memref<632x16xf32, #tpu.memory_space<vmem_shared>>
        tpu.wait_dma2 semaphore(%run_scoped3A : memref<!tpu.dma_semaphore, #tpu.memory_space<semaphore_mem>>) src(%dma_wait3A_177 : memref<632x16xf32, #tpu.memory_space<vmem_shared>>) dst(%dma_wait3A_175 : memref<632x16xf32, #tpu.memory_space<hbm>>)
        tpu.yield
      }) : () -> ()
    } else {
    }
    %eq3A_165 = arith.constant 1 : i32
    %eq3A_166 = arith.cmpi eq, %arg0, %eq3A_165 : i32
    %convert_element_type3A_167 = arith.extui %eq3A_166 : i1 to i32
    %cond3A_168 = arith.constant 0 : i32
    %cond3A_169 = arith.cmpi ne, %convert_element_type3A_167, %cond3A_168 : i32
    scf.if %cond3A_169 {
      "tpu.region"() ({
        %run_scoped3A = tpu.sem_alloc : memref<!tpu.dma_semaphore, #tpu.memory_space<semaphore_mem>>
        %dma_start3A_170 = arith.constant 0 : i32
        %dma_start3A_171 = tpu.memref_slice %arg5[%mul3A_159, %dma_start3A_170] : memref<10112x16xf32, #tpu.memory_space<hbm>> -> memref<632x16xf32, #tpu.memory_space<hbm>>
        %dma_start3A_172 = arith.constant 0 : i32
        %dma_start3A_173 = tpu.memref_slice %arg26[%mul3A_159, %dma_start3A_172] : memref<10112x16xf32, #tpu.memory_space<vmem_shared>> -> memref<632x16xf32, #tpu.memory_space<vmem_shared>>
        tpu.enqueue_dma source(%dma_start3A_173 : memref<632x16xf32, #tpu.memory_space<vmem_shared>>) target(%dma_start3A_171 : memref<632x16xf32, #tpu.memory_space<hbm>>) target_semaphore(%run_scoped3A : memref<!tpu.dma_semaphore, #tpu.memory_space<semaphore_mem>>)
        %dma_wait3A_174 = arith.constant 0 : i32
        %dma_wait3A_175 = tpu.memref_slice %arg5[%mul3A_159, %dma_wait3A_174] : memref<10112x16xf32, #tpu.memory_space<hbm>> -> memref<632x16xf32, #tpu.memory_space<hbm>>
        %dma_wait3A_176 = arith.constant 0 : i32
        %dma_wait3A_177 = tpu.memref_slice %arg26[%mul3A_159, %dma_wait3A_176] : memref<10112x16xf32, #tpu.memory_space<vmem_shared>> -> memref<632x16xf32, #tpu.memory_space<vmem_shared>>
        tpu.wait_dma2 semaphore(%run_scoped3A : memref<!tpu.dma_semaphore, #tpu.memory_space<semaphore_mem>>) src(%dma_wait3A_177 : memref<632x16xf32, #tpu.memory_space<vmem_shared>>) dst(%dma_wait3A_175 : memref<632x16xf32, #tpu.memory_space<hbm>>)
        tpu.yield
      }) : () -> ()
    } else {
    }
    return
  }
}

module attributes {stable_mosaic.version = 14 : i64} {
  func.func @_dense1_body(%arg0: i32, %arg1: memref<632x1024xf32, #tpu.memory_space<vmem>>, %arg2: memref<1024x128xf32, #tpu.memory_space<vmem>>, %arg3: memref<632x128xf32, #tpu.memory_space<vmem>>, %arg4: memref<632x128xf32, #tpu.memory_space<vmem>>, %arg5: memref<632x128xf32, #tpu.memory_space<vmem>>, %arg6: memref<632x128xf32, #tpu.memory_space<vmem>>) attributes {dimension_semantics = [#tpu.dimension_semantics<arbitrary>], iteration_bounds = array<i64: 2>, scalar_prefetch = 0 : i64, scratch_operands = 0 : i64, tpu.core_type = #tpu.core_type<tc>, window_params = [{transform_indices = @transform_0, window_bounds = array<i64: 632, 1024>}, {pipeline_mode = #tpu.pipeline_mode<synchronous>, transform_indices = @transform_1, window_bounds = array<i64: 1024, 128>}, {transform_indices = @transform_2, window_bounds = array<i64: 632, 128>}, {transform_indices = @transform_3, window_bounds = array<i64: 632, 128>}, {transform_indices = @transform_4, window_bounds = array<i64: 632, 128>}, {transform_indices = @transform_5, window_bounds = array<i64: 632, 128>}]} {
    %get3A = arith.constant 0 : index
    %get3A_0 = arith.constant 0 : index
    %get3A_1 = vector.load %arg1[%get3A, %get3A_0] : memref<632x1024xf32, #tpu.memory_space<vmem>>, vector<632x1024xf32>
    %get3A_2 = arith.constant 0 : index
    %get3A_3 = arith.constant 0 : index
    %get3A_4 = vector.load %arg2[%get3A_2, %get3A_3] : memref<1024x128xf32, #tpu.memory_space<vmem>>, vector<1024x128xf32>
    %dot_general3A = arith.constant dense<0.000000e+00> : vector<632x128xf32>
    %dot_general3A_5 = tpu.matmul %get3A_1, %get3A_4, %dot_general3A {dimension_numbers = #tpu.dot_dimension_numbers<[1], [0], [0], [1], [0, 0, 1, 1], [], []>, transpose_lhs_hint = false} : vector<632x1024xf32>, vector<1024x128xf32>, vector<632x128xf32> -> vector<632x128xf32>
    %get3A_6 = arith.constant 0 : index
    %get3A_7 = arith.constant 0 : index
    %get3A_8 = vector.load %arg3[%get3A_6, %get3A_7] : memref<632x128xf32, #tpu.memory_space<vmem>>, vector<632x128xf32>
    %get3A_9 = arith.constant 0 : index
    %get3A_10 = arith.constant 0 : index
    %get3A_11 = vector.load %arg4[%get3A_9, %get3A_10] : memref<632x128xf32, #tpu.memory_space<vmem>>, vector<632x128xf32>
    %add3A = arith.addf %get3A_8, %get3A_11 : vector<632x128xf32>
    %add3A_12 = arith.constant 1.000000e+00 : f32
    %add3A_13 = vector.broadcast %add3A_12 : f32 to vector<632x128xf32>
    %add3A_14 = arith.addf %add3A, %add3A_13 : vector<632x128xf32>
    %rsqrt3A = math.rsqrt %add3A_14 : vector<632x128xf32>
    %swap3A = arith.constant 0 : index
    %swap3A_15 = arith.constant 0 : index
    %swap3A_16 = vector.load %arg6[%swap3A, %swap3A_15] : memref<632x128xf32, #tpu.memory_space<vmem>>, vector<632x128xf32>
    tpu.vector_store %arg6[%swap3A, %swap3A_15], %rsqrt3A {strides = array<i32>} : memref<632x128xf32, #tpu.memory_space<vmem>>, vector<632x128xf32>,
    %mul3A = arith.mulf %dot_general3A_5, %rsqrt3A : vector<632x128xf32>
    %swap3A_17 = arith.constant 0 : index
    %swap3A_18 = arith.constant 0 : index
    %swap3A_19 = vector.load %arg5[%swap3A_17, %swap3A_18] : memref<632x128xf32, #tpu.memory_space<vmem>>, vector<632x128xf32>
    tpu.vector_store %arg5[%swap3A_17, %swap3A_18], %mul3A {strides = array<i32>} : memref<632x128xf32, #tpu.memory_space<vmem>>, vector<632x128xf32>,
    return
  }
  func.func @transform_0(%arg0: i32) -> (i32, i32) {
    %c0_i32 = arith.constant 0 : i32
    %c0_i32_0 = arith.constant 0 : i32
    return %arg0, %c0_i32 : i32, i32
  }
  func.func @transform_1(%arg0: i32) -> (i32, i32) {
    %c0_i32 = arith.constant 0 : i32
    %c0_i32_0 = arith.constant 0 : i32
    %c0_i32_1 = arith.constant 0 : i32
    return %c0_i32, %c0_i32_0 : i32, i32
  }
  func.func @transform_2(%arg0: i32) -> (i32, i32) {
    %c0_i32 = arith.constant 0 : i32
    %c0_i32_0 = arith.constant 0 : i32
    return %arg0, %c0_i32 : i32, i32
  }
  func.func @transform_3(%arg0: i32) -> (i32, i32) {
    %c0_i32 = arith.constant 0 : i32
    %c0_i32_0 = arith.constant 0 : i32
    return %arg0, %c0_i32 : i32, i32
  }
  func.func @transform_4(%arg0: i32) -> (i32, i32) {
    %c0_i32 = arith.constant 0 : i32
    %c0_i32_0 = arith.constant 0 : i32
    return %arg0, %c0_i32 : i32, i32
  }
  func.func @transform_5(%arg0: i32) -> (i32, i32) {
    %c0_i32 = arith.constant 0 : i32
    %c0_i32_0 = arith.constant 0 : i32
    return %arg0, %c0_i32 : i32, i32
  }
}

module attributes {stable_mosaic.version = 14 : i64} {
  func.func @_dense2_body(%arg0: i32, %arg1: memref<632x128xf32, #tpu.memory_space<vmem>>, %arg2: memref<632x128xf32, #tpu.memory_space<vmem>>, %arg3: memref<632x128xf32, #tpu.memory_space<vmem>>, %arg4: memref<632x128xf32, #tpu.memory_space<vmem>>, %arg5: memref<1x128xf32, #tpu.memory_space<vmem>>, %arg6: memref<128x128xf32, #tpu.memory_space<vmem>>, %arg7: memref<632x128xf32, #tpu.memory_space<vmem>>) attributes {dimension_semantics = [#tpu.dimension_semantics<arbitrary>], iteration_bounds = array<i64: 2>, scalar_prefetch = 0 : i64, scratch_operands = 0 : i64, tpu.core_type = #tpu.core_type<tc>, window_params = [{transform_indices = @transform_0, window_bounds = array<i64: 632, 128>}, {transform_indices = @transform_1, window_bounds = array<i64: 632, 128>}, {transform_indices = @transform_2, window_bounds = array<i64: 632, 128>}, {transform_indices = @transform_3, window_bounds = array<i64: 632, 128>}, {pipeline_mode = #tpu.pipeline_mode<synchronous>, transform_indices = @transform_4, window_bounds = array<i64: 1, 128>}, {pipeline_mode = #tpu.pipeline_mode<synchronous>, transform_indices = @transform_5, window_bounds = array<i64: 128, 128>}, {transform_indices = @transform_6, window_bounds = array<i64: 632, 128>}]} {
    %get3A = arith.constant 0 : index
    %get3A_0 = arith.constant 0 : index
    %get3A_1 = vector.load %arg1[%get3A, %get3A_0] : memref<632x128xf32, #tpu.memory_space<vmem>>, vector<632x128xf32>
    %get3A_2 = arith.constant 0 : index
    %get3A_3 = arith.constant 0 : index
    %get3A_4 = vector.load %arg2[%get3A_2, %get3A_3] : memref<632x128xf32, #tpu.memory_space<vmem>>, vector<632x128xf32>
    %add3A = arith.addf %get3A_1, %get3A_4 : vector<632x128xf32>
    %get3A_5 = arith.constant 0 : index
    %get3A_6 = arith.constant 0 : index
    %get3A_7 = vector.load %arg3[%get3A_5, %get3A_6] : memref<632x128xf32, #tpu.memory_space<vmem>>, vector<632x128xf32>
    %add3A_8 = arith.addf %add3A, %get3A_7 : vector<632x128xf32>
    %get3A_9 = arith.constant 0 : index
    %get3A_10 = arith.constant 0 : index
    %get3A_11 = vector.load %arg4[%get3A_9, %get3A_10] : memref<632x128xf32, #tpu.memory_space<vmem>>, vector<632x128xf32>
    %mul3A = arith.mulf %add3A_8, %get3A_11 : vector<632x128xf32>
    %get3A_12 = arith.constant 0 : index
    %get3A_13 = arith.constant 0 : index
    %get3A_14 = vector.load %arg5[%get3A_12, %get3A_13] : memref<1x128xf32, #tpu.memory_space<vmem>>, vector<1x128xf32>
    %add3A_15 = vector.broadcast %get3A_14 : vector<1x128xf32> to vector<632x128xf32>
    %add3A_16 = arith.addf %mul3A, %add3A_15 : vector<632x128xf32>
    %max3A = arith.constant 0.000000e+00 : f32
    %max3A_17 = vector.broadcast %max3A : f32 to vector<632x128xf32>
    %max3A_18 = arith.maximumf %add3A_16, %max3A_17 : vector<632x128xf32>
    %get3A_19 = arith.constant 0 : index
    %get3A_20 = arith.constant 0 : index
    %get3A_21 = vector.load %arg6[%get3A_19, %get3A_20] : memref<128x128xf32, #tpu.memory_space<vmem>>, vector<128x128xf32>
    %dot_general3A = arith.constant dense<0.000000e+00> : vector<632x128xf32>
    %dot_general3A_22 = tpu.matmul %max3A_18, %get3A_21, %dot_general3A {dimension_numbers = #tpu.dot_dimension_numbers<[1], [0], [0], [1], [0, 0, 1, 1], [], []>, transpose_lhs_hint = false} : vector<632x128xf32>, vector<128x128xf32>, vector<632x128xf32> -> vector<632x128xf32>
    %get3A_23 = arith.constant 0 : index
    %get3A_24 = arith.constant 0 : index
    %get3A_25 = vector.load %arg4[%get3A_23, %get3A_24] : memref<632x128xf32, #tpu.memory_space<vmem>>, vector<632x128xf32>
    %mul3A_26 = arith.mulf %dot_general3A_22, %get3A_25 : vector<632x128xf32>
    %swap3A = arith.constant 0 : index
    %swap3A_27 = arith.constant 0 : index
    %swap3A_28 = vector.load %arg7[%swap3A, %swap3A_27] : memref<632x128xf32, #tpu.memory_space<vmem>>, vector<632x128xf32>
    tpu.vector_store %arg7[%swap3A, %swap3A_27], %mul3A_26 {strides = array<i32>} : memref<632x128xf32, #tpu.memory_space<vmem>>, vector<632x128xf32>,
    return
  }
  func.func @transform_0(%arg0: i32) -> (i32, i32) {
    %c0_i32 = arith.constant 0 : i32
    %c0_i32_0 = arith.constant 0 : i32
    return %arg0, %c0_i32 : i32, i32
  }
  func.func @transform_1(%arg0: i32) -> (i32, i32) {
    %c0_i32 = arith.constant 0 : i32
    %c0_i32_0 = arith.constant 0 : i32
    return %arg0, %c0_i32 : i32, i32
  }
  func.func @transform_2(%arg0: i32) -> (i32, i32) {
    %c0_i32 = arith.constant 0 : i32
    %c0_i32_0 = arith.constant 0 : i32
    return %arg0, %c0_i32 : i32, i32
  }
  func.func @transform_3(%arg0: i32) -> (i32, i32) {
    %c0_i32 = arith.constant 0 : i32
    %c0_i32_0 = arith.constant 0 : i32
    return %arg0, %c0_i32 : i32, i32
  }
  func.func @transform_4(%arg0: i32) -> (i32, i32) {
    %c0_i32 = arith.constant 0 : i32
    %c0_i32_0 = arith.constant 0 : i32
    %c0_i32_1 = arith.constant 0 : i32
    return %c0_i32, %c0_i32_0 : i32, i32
  }
  func.func @transform_5(%arg0: i32) -> (i32, i32) {
    %c0_i32 = arith.constant 0 : i32
    %c0_i32_0 = arith.constant 0 : i32
    %c0_i32_1 = arith.constant 0 : i32
    return %c0_i32, %c0_i32_0 : i32, i32
  }
  func.func @transform_6(%arg0: i32) -> (i32, i32) {
    %c0_i32 = arith.constant 0 : i32
    %c0_i32_0 = arith.constant 0 : i32
    return %arg0, %c0_i32 : i32, i32
  }
}

module attributes {stable_mosaic.version = 14 : i64} {
  func.func @_final_body(%arg0: i32, %arg1: memref<632x128xf32, #tpu.memory_space<vmem>>, %arg2: memref<632x128xf32, #tpu.memory_space<vmem>>, %arg3: memref<632x128xf32, #tpu.memory_space<vmem>>, %arg4: memref<632x128xf32, #tpu.memory_space<vmem>>, %arg5: memref<1x128xf32, #tpu.memory_space<vmem>>, %arg6: memref<632x8xi32, #tpu.memory_space<vmem>>, %arg7: memref<16x2xf32, #tpu.memory_space<vmem>>, %arg8: memref<1x2xf32, #tpu.memory_space<vmem>>, %arg9: memref<64x2xf32, #tpu.memory_space<vmem>>, %arg10: memref<64x16xf32, #tpu.memory_space<vmem>>, %arg11: memref<64x16xf32, #tpu.memory_space<vmem>>) attributes {dimension_semantics = [#tpu.dimension_semantics<arbitrary>], iteration_bounds = array<i64: 2>, scalar_prefetch = 0 : i64, scratch_operands = 2 : i64, tpu.core_type = #tpu.core_type<tc>, window_params = [{transform_indices = @transform_0, window_bounds = array<i64: 632, 128>}, {transform_indices = @transform_1, window_bounds = array<i64: 632, 128>}, {transform_indices = @transform_2, window_bounds = array<i64: 632, 128>}, {transform_indices = @transform_3, window_bounds = array<i64: 632, 128>}, {pipeline_mode = #tpu.pipeline_mode<synchronous>, transform_indices = @transform_4, window_bounds = array<i64: 1, 128>}, {transform_indices = @transform_5, window_bounds = array<i64: 632, 8>}, {pipeline_mode = #tpu.pipeline_mode<synchronous>, transform_indices = @transform_6, window_bounds = array<i64: 16, 2>}, {pipeline_mode = #tpu.pipeline_mode<synchronous>, transform_indices = @transform_7, window_bounds = array<i64: 1, 2>}, {pipeline_mode = #tpu.pipeline_mode<synchronous>, transform_indices = @transform_8, window_bounds = array<i64: 64, 2>}]} {
    %eq3A = arith.constant 0 : i32
    %eq3A_0 = arith.cmpi eq, %arg0, %eq3A : i32
    %convert_element_type3A = arith.extui %eq3A_0 : i1 to i32
    %cond3A = arith.constant 0 : i32
    %cond3A_1 = arith.cmpi ne, %convert_element_type3A, %cond3A : i32
    scf.if %cond3A_1 {
      %broadcast_in_dim3A_141 = arith.constant 0.000000e+00 : f32
      %broadcast_in_dim3A_142 = vector.broadcast %broadcast_in_dim3A_141 : f32 to vector<64x16xf32>
      %swap3A_143 = arith.constant 0 : index
      %swap3A_144 = arith.constant 0 : index
      %swap3A_145 = vector.load %arg10[%swap3A_143, %swap3A_144] : memref<64x16xf32, #tpu.memory_space<vmem>>, vector<64x16xf32>
      tpu.vector_store %arg10[%swap3A_143, %swap3A_144], %broadcast_in_dim3A_142 {strides = array<i32>} : memref<64x16xf32, #tpu.memory_space<vmem>>, vector<64x16xf32>,
      %broadcast_in_dim3A_146 = arith.constant 0.000000e+00 : f32
      %broadcast_in_dim3A_147 = vector.broadcast %broadcast_in_dim3A_146 : f32 to vector<64x16xf32>
      %swap3A_148 = arith.constant 0 : index
      %swap3A_149 = arith.constant 0 : index
      %swap3A_150 = vector.load %arg11[%swap3A_148, %swap3A_149] : memref<64x16xf32, #tpu.memory_space<vmem>>, vector<64x16xf32>
      tpu.vector_store %arg11[%swap3A_148, %swap3A_149], %broadcast_in_dim3A_147 {strides = array<i32>} : memref<64x16xf32, #tpu.memory_space<vmem>>, vector<64x16xf32>,
    } else {
    }
    %get3A = arith.constant 0 : index
    %get3A_2 = arith.constant 0 : index
    %get3A_3 = vector.load %arg1[%get3A, %get3A_2] : memref<632x128xf32, #tpu.memory_space<vmem>>, vector<632x128xf32>
    %get3A_4 = arith.constant 0 : index
    %get3A_5 = arith.constant 0 : index
    %get3A_6 = vector.load %arg2[%get3A_4, %get3A_5] : memref<632x128xf32, #tpu.memory_space<vmem>>, vector<632x128xf32>
    %add3A = arith.addf %get3A_3, %get3A_6 : vector<632x128xf32>
    %get3A_7 = arith.constant 0 : index
    %get3A_8 = arith.constant 0 : index
    %get3A_9 = vector.load %arg3[%get3A_7, %get3A_8] : memref<632x128xf32, #tpu.memory_space<vmem>>, vector<632x128xf32>
    %add3A_10 = arith.addf %add3A, %get3A_9 : vector<632x128xf32>
    %get3A_11 = arith.constant 0 : index
    %get3A_12 = arith.constant 0 : index
    %get3A_13 = vector.load %arg4[%get3A_11, %get3A_12] : memref<632x128xf32, #tpu.memory_space<vmem>>, vector<632x128xf32>
    %mul3A = arith.mulf %add3A_10, %get3A_13 : vector<632x128xf32>
    %get3A_14 = arith.constant 0 : index
    %get3A_15 = arith.constant 0 : index
    %get3A_16 = vector.load %arg5[%get3A_14, %get3A_15] : memref<1x128xf32, #tpu.memory_space<vmem>>, vector<1x128xf32>
    %add3A_17 = vector.broadcast %get3A_16 : vector<1x128xf32> to vector<632x128xf32>
    %add3A_18 = arith.addf %mul3A, %add3A_17 : vector<632x128xf32>
    %get3A_19 = arith.constant 0 : index
    %get3A_20 = arith.constant 0 : index
    %get3A_21 = vector.load %arg6[%get3A_19, %get3A_20] : memref<632x8xi32, #tpu.memory_space<vmem>>, vector<632x8xi32>
    %iota3A = tpu.iota {dimensions = array<i32: 1>} : vector<1x64xi32>
    %get3A_22 = arith.constant 0 : index
    %get3A_23 = arith.constant 0 : index
    %get3A_24 = vector.load %arg10[%get3A_22, %get3A_23] : memref<64x16xf32, #tpu.memory_space<vmem>>, vector<64x16xf32>
    %get3A_25 = arith.constant 0 : index
    %get3A_26 = arith.constant 0 : index
    %get3A_27 = vector.load %arg11[%get3A_25, %get3A_26] : memref<64x16xf32, #tpu.memory_space<vmem>>, vector<64x16xf32>
    %broadcast_in_dim3A = arith.constant 1.000000e+00 : f32
    %broadcast_in_dim3A_28 = vector.broadcast %broadcast_in_dim3A : f32 to vector<632x16xf32>
    %slice3A = vector.extract_strided_slice %get3A_21 {offsets = [0, 0], sizes = [632, 1], strides = [1, 1]} : vector<632x8xi32> to vector<632x1xi32>
    %eq3A_29 = vector.broadcast %slice3A : vector<632x1xi32> to vector<632x64xi32>
    %eq3A_30 = vector.broadcast %iota3A : vector<1x64xi32> to vector<632x64xi32>
    %eq3A_31 = arith.cmpi eq, %eq3A_29, %eq3A_30 : vector<632x64xi32>
    %convert_element_type3A_32 = arith.extui %eq3A_31 : vector<632x64xi1> to vector<632x64xi32>
    %convert_element_type3A_33 = arith.sitofp %convert_element_type3A_32 : vector<632x64xi32> to vector<632x64xf32>
    %slice3A_34 = vector.extract_strided_slice %add3A_18 {offsets = [0, 0], sizes = [632, 16], strides = [1, 1]} : vector<632x128xf32> to vector<632x16xf32>
    %dot_general3A = arith.constant dense<0.000000e+00> : vector<64x16xf32>
    %dot_general3A_35 = tpu.matmul %convert_element_type3A_33, %slice3A_34, %dot_general3A {dimension_numbers = #tpu.dot_dimension_numbers<[0], [0], [1], [1], [0, 1, 1, 1], [], []>, transpose_lhs_hint = false} : vector<632x64xf32>, vector<632x16xf32>, vector<64x16xf32> -> vector<64x16xf32>
    %add3A_36 = arith.addf %get3A_24, %dot_general3A_35 : vector<64x16xf32>
    %dot_general3A_37 = arith.constant dense<0.000000e+00> : vector<64x16xf32>
    %dot_general3A_38 = tpu.matmul %convert_element_type3A_33, %broadcast_in_dim3A_28, %dot_general3A_37 {dimension_numbers = #tpu.dot_dimension_numbers<[0], [0], [1], [1], [0, 1, 1, 1], [], []>, transpose_lhs_hint = false} : vector<632x64xf32>, vector<632x16xf32>, vector<64x16xf32> -> vector<64x16xf32>
    %add3A_39 = arith.addf %get3A_27, %dot_general3A_38 : vector<64x16xf32>
    %slice3A_40 = vector.extract_strided_slice %get3A_21 {offsets = [0, 1], sizes = [632, 1], strides = [1, 1]} : vector<632x8xi32> to vector<632x1xi32>
    %eq3A_41 = vector.broadcast %slice3A_40 : vector<632x1xi32> to vector<632x64xi32>
    %eq3A_42 = vector.broadcast %iota3A : vector<1x64xi32> to vector<632x64xi32>
    %eq3A_43 = arith.cmpi eq, %eq3A_41, %eq3A_42 : vector<632x64xi32>
    %convert_element_type3A_44 = arith.extui %eq3A_43 : vector<632x64xi1> to vector<632x64xi32>
    %convert_element_type3A_45 = arith.sitofp %convert_element_type3A_44 : vector<632x64xi32> to vector<632x64xf32>
    %slice3A_46 = vector.extract_strided_slice %add3A_18 {offsets = [0, 16], sizes = [632, 16], strides = [1, 1]} : vector<632x128xf32> to vector<632x16xf32>
    %dot_general3A_47 = arith.constant dense<0.000000e+00> : vector<64x16xf32>
    %dot_general3A_48 = tpu.matmul %convert_element_type3A_45, %slice3A_46, %dot_general3A_47 {dimension_numbers = #tpu.dot_dimension_numbers<[0], [0], [1], [1], [0, 1, 1, 1], [], []>, transpose_lhs_hint = false} : vector<632x64xf32>, vector<632x16xf32>, vector<64x16xf32> -> vector<64x16xf32>
    %add3A_49 = arith.addf %add3A_36, %dot_general3A_48 : vector<64x16xf32>
    %dot_general3A_50 = arith.constant dense<0.000000e+00> : vector<64x16xf32>
    %dot_general3A_51 = tpu.matmul %convert_element_type3A_45, %broadcast_in_dim3A_28, %dot_general3A_50 {dimension_numbers = #tpu.dot_dimension_numbers<[0], [0], [1], [1], [0, 1, 1, 1], [], []>, transpose_lhs_hint = false} : vector<632x64xf32>, vector<632x16xf32>, vector<64x16xf32> -> vector<64x16xf32>
    %add3A_52 = arith.addf %add3A_39, %dot_general3A_51 : vector<64x16xf32>
    %slice3A_53 = vector.extract_strided_slice %get3A_21 {offsets = [0, 2], sizes = [632, 1], strides = [1, 1]} : vector<632x8xi32> to vector<632x1xi32>
    %eq3A_54 = vector.broadcast %slice3A_53 : vector<632x1xi32> to vector<632x64xi32>
    %eq3A_55 = vector.broadcast %iota3A : vector<1x64xi32> to vector<632x64xi32>
    %eq3A_56 = arith.cmpi eq, %eq3A_54, %eq3A_55 : vector<632x64xi32>
    %convert_element_type3A_57 = arith.extui %eq3A_56 : vector<632x64xi1> to vector<632x64xi32>
    %convert_element_type3A_58 = arith.sitofp %convert_element_type3A_57 : vector<632x64xi32> to vector<632x64xf32>
    %slice3A_59 = vector.extract_strided_slice %add3A_18 {offsets = [0, 32], sizes = [632, 16], strides = [1, 1]} : vector<632x128xf32> to vector<632x16xf32>
    %dot_general3A_60 = arith.constant dense<0.000000e+00> : vector<64x16xf32>
    %dot_general3A_61 = tpu.matmul %convert_element_type3A_58, %slice3A_59, %dot_general3A_60 {dimension_numbers = #tpu.dot_dimension_numbers<[0], [0], [1], [1], [0, 1, 1, 1], [], []>, transpose_lhs_hint = false} : vector<632x64xf32>, vector<632x16xf32>, vector<64x16xf32> -> vector<64x16xf32>
    %add3A_62 = arith.addf %add3A_49, %dot_general3A_61 : vector<64x16xf32>
    %dot_general3A_63 = arith.constant dense<0.000000e+00> : vector<64x16xf32>
    %dot_general3A_64 = tpu.matmul %convert_element_type3A_58, %broadcast_in_dim3A_28, %dot_general3A_63 {dimension_numbers = #tpu.dot_dimension_numbers<[0], [0], [1], [1], [0, 1, 1, 1], [], []>, transpose_lhs_hint = false} : vector<632x64xf32>, vector<632x16xf32>, vector<64x16xf32> -> vector<64x16xf32>
    %add3A_65 = arith.addf %add3A_52, %dot_general3A_64 : vector<64x16xf32>
    %slice3A_66 = vector.extract_strided_slice %get3A_21 {offsets = [0, 3], sizes = [632, 1], strides = [1, 1]} : vector<632x8xi32> to vector<632x1xi32>
    %eq3A_67 = vector.broadcast %slice3A_66 : vector<632x1xi32> to vector<632x64xi32>
    %eq3A_68 = vector.broadcast %iota3A : vector<1x64xi32> to vector<632x64xi32>
    %eq3A_69 = arith.cmpi eq, %eq3A_67, %eq3A_68 : vector<632x64xi32>
    %convert_element_type3A_70 = arith.extui %eq3A_69 : vector<632x64xi1> to vector<632x64xi32>
    %convert_element_type3A_71 = arith.sitofp %convert_element_type3A_70 : vector<632x64xi32> to vector<632x64xf32>
    %slice3A_72 = vector.extract_strided_slice %add3A_18 {offsets = [0, 48], sizes = [632, 16], strides = [1, 1]} : vector<632x128xf32> to vector<632x16xf32>
    %dot_general3A_73 = arith.constant dense<0.000000e+00> : vector<64x16xf32>
    %dot_general3A_74 = tpu.matmul %convert_element_type3A_71, %slice3A_72, %dot_general3A_73 {dimension_numbers = #tpu.dot_dimension_numbers<[0], [0], [1], [1], [0, 1, 1, 1], [], []>, transpose_lhs_hint = false} : vector<632x64xf32>, vector<632x16xf32>, vector<64x16xf32> -> vector<64x16xf32>
    %add3A_75 = arith.addf %add3A_62, %dot_general3A_74 : vector<64x16xf32>
    %dot_general3A_76 = arith.constant dense<0.000000e+00> : vector<64x16xf32>
    %dot_general3A_77 = tpu.matmul %convert_element_type3A_71, %broadcast_in_dim3A_28, %dot_general3A_76 {dimension_numbers = #tpu.dot_dimension_numbers<[0], [0], [1], [1], [0, 1, 1, 1], [], []>, transpose_lhs_hint = false} : vector<632x64xf32>, vector<632x16xf32>, vector<64x16xf32> -> vector<64x16xf32>
    %add3A_78 = arith.addf %add3A_65, %dot_general3A_77 : vector<64x16xf32>
    %slice3A_79 = vector.extract_strided_slice %get3A_21 {offsets = [0, 4], sizes = [632, 1], strides = [1, 1]} : vector<632x8xi32> to vector<632x1xi32>
    %eq3A_80 = vector.broadcast %slice3A_79 : vector<632x1xi32> to vector<632x64xi32>
    %eq3A_81 = vector.broadcast %iota3A : vector<1x64xi32> to vector<632x64xi32>
    %eq3A_82 = arith.cmpi eq, %eq3A_80, %eq3A_81 : vector<632x64xi32>
    %convert_element_type3A_83 = arith.extui %eq3A_82 : vector<632x64xi1> to vector<632x64xi32>
    %convert_element_type3A_84 = arith.sitofp %convert_element_type3A_83 : vector<632x64xi32> to vector<632x64xf32>
    %slice3A_85 = vector.extract_strided_slice %add3A_18 {offsets = [0, 64], sizes = [632, 16], strides = [1, 1]} : vector<632x128xf32> to vector<632x16xf32>
    %dot_general3A_86 = arith.constant dense<0.000000e+00> : vector<64x16xf32>
    %dot_general3A_87 = tpu.matmul %convert_element_type3A_84, %slice3A_85, %dot_general3A_86 {dimension_numbers = #tpu.dot_dimension_numbers<[0], [0], [1], [1], [0, 1, 1, 1], [], []>, transpose_lhs_hint = false} : vector<632x64xf32>, vector<632x16xf32>, vector<64x16xf32> -> vector<64x16xf32>
    %add3A_88 = arith.addf %add3A_75, %dot_general3A_87 : vector<64x16xf32>
    %dot_general3A_89 = arith.constant dense<0.000000e+00> : vector<64x16xf32>
    %dot_general3A_90 = tpu.matmul %convert_element_type3A_84, %broadcast_in_dim3A_28, %dot_general3A_89 {dimension_numbers = #tpu.dot_dimension_numbers<[0], [0], [1], [1], [0, 1, 1, 1], [], []>, transpose_lhs_hint = false} : vector<632x64xf32>, vector<632x16xf32>, vector<64x16xf32> -> vector<64x16xf32>
    %add3A_91 = arith.addf %add3A_78, %dot_general3A_90 : vector<64x16xf32>
    %slice3A_92 = vector.extract_strided_slice %get3A_21 {offsets = [0, 5], sizes = [632, 1], strides = [1, 1]} : vector<632x8xi32> to vector<632x1xi32>
    %eq3A_93 = vector.broadcast %slice3A_92 : vector<632x1xi32> to vector<632x64xi32>
    %eq3A_94 = vector.broadcast %iota3A : vector<1x64xi32> to vector<632x64xi32>
    %eq3A_95 = arith.cmpi eq, %eq3A_93, %eq3A_94 : vector<632x64xi32>
    %convert_element_type3A_96 = arith.extui %eq3A_95 : vector<632x64xi1> to vector<632x64xi32>
    %convert_element_type3A_97 = arith.sitofp %convert_element_type3A_96 : vector<632x64xi32> to vector<632x64xf32>
    %slice3A_98 = vector.extract_strided_slice %add3A_18 {offsets = [0, 80], sizes = [632, 16], strides = [1, 1]} : vector<632x128xf32> to vector<632x16xf32>
    %dot_general3A_99 = arith.constant dense<0.000000e+00> : vector<64x16xf32>
    %dot_general3A_100 = tpu.matmul %convert_element_type3A_97, %slice3A_98, %dot_general3A_99 {dimension_numbers = #tpu.dot_dimension_numbers<[0], [0], [1], [1], [0, 1, 1, 1], [], []>, transpose_lhs_hint = false} : vector<632x64xf32>, vector<632x16xf32>, vector<64x16xf32> -> vector<64x16xf32>
    %add3A_101 = arith.addf %add3A_88, %dot_general3A_100 : vector<64x16xf32>
    %dot_general3A_102 = arith.constant dense<0.000000e+00> : vector<64x16xf32>
    %dot_general3A_103 = tpu.matmul %convert_element_type3A_97, %broadcast_in_dim3A_28, %dot_general3A_102 {dimension_numbers = #tpu.dot_dimension_numbers<[0], [0], [1], [1], [0, 1, 1, 1], [], []>, transpose_lhs_hint = false} : vector<632x64xf32>, vector<632x16xf32>, vector<64x16xf32> -> vector<64x16xf32>
    %add3A_104 = arith.addf %add3A_91, %dot_general3A_103 : vector<64x16xf32>
    %slice3A_105 = vector.extract_strided_slice %get3A_21 {offsets = [0, 6], sizes = [632, 1], strides = [1, 1]} : vector<632x8xi32> to vector<632x1xi32>
    %eq3A_106 = vector.broadcast %slice3A_105 : vector<632x1xi32> to vector<632x64xi32>
    %eq3A_107 = vector.broadcast %iota3A : vector<1x64xi32> to vector<632x64xi32>
    %eq3A_108 = arith.cmpi eq, %eq3A_106, %eq3A_107 : vector<632x64xi32>
    %convert_element_type3A_109 = arith.extui %eq3A_108 : vector<632x64xi1> to vector<632x64xi32>
    %convert_element_type3A_110 = arith.sitofp %convert_element_type3A_109 : vector<632x64xi32> to vector<632x64xf32>
    %slice3A_111 = vector.extract_strided_slice %add3A_18 {offsets = [0, 96], sizes = [632, 16], strides = [1, 1]} : vector<632x128xf32> to vector<632x16xf32>
    %dot_general3A_112 = arith.constant dense<0.000000e+00> : vector<64x16xf32>
    %dot_general3A_113 = tpu.matmul %convert_element_type3A_110, %slice3A_111, %dot_general3A_112 {dimension_numbers = #tpu.dot_dimension_numbers<[0], [0], [1], [1], [0, 1, 1, 1], [], []>, transpose_lhs_hint = false} : vector<632x64xf32>, vector<632x16xf32>, vector<64x16xf32> -> vector<64x16xf32>
    %add3A_114 = arith.addf %add3A_101, %dot_general3A_113 : vector<64x16xf32>
    %dot_general3A_115 = arith.constant dense<0.000000e+00> : vector<64x16xf32>
    %dot_general3A_116 = tpu.matmul %convert_element_type3A_110, %broadcast_in_dim3A_28, %dot_general3A_115 {dimension_numbers = #tpu.dot_dimension_numbers<[0], [0], [1], [1], [0, 1, 1, 1], [], []>, transpose_lhs_hint = false} : vector<632x64xf32>, vector<632x16xf32>, vector<64x16xf32> -> vector<64x16xf32>
    %add3A_117 = arith.addf %add3A_104, %dot_general3A_116 : vector<64x16xf32>
    %slice3A_118 = vector.extract_strided_slice %get3A_21 {offsets = [0, 7], sizes = [632, 1], strides = [1, 1]} : vector<632x8xi32> to vector<632x1xi32>
    %eq3A_119 = vector.broadcast %slice3A_118 : vector<632x1xi32> to vector<632x64xi32>
    %eq3A_120 = vector.broadcast %iota3A : vector<1x64xi32> to vector<632x64xi32>
    %eq3A_121 = arith.cmpi eq, %eq3A_119, %eq3A_120 : vector<632x64xi32>
    %convert_element_type3A_122 = arith.extui %eq3A_121 : vector<632x64xi1> to vector<632x64xi32>
    %convert_element_type3A_123 = arith.sitofp %convert_element_type3A_122 : vector<632x64xi32> to vector<632x64xf32>
    %slice3A_124 = vector.extract_strided_slice %add3A_18 {offsets = [0, 112], sizes = [632, 16], strides = [1, 1]} : vector<632x128xf32> to vector<632x16xf32>
    %dot_general3A_125 = arith.constant dense<0.000000e+00> : vector<64x16xf32>
    %dot_general3A_126 = tpu.matmul %convert_element_type3A_123, %slice3A_124, %dot_general3A_125 {dimension_numbers = #tpu.dot_dimension_numbers<[0], [0], [1], [1], [0, 1, 1, 1], [], []>, transpose_lhs_hint = false} : vector<632x64xf32>, vector<632x16xf32>, vector<64x16xf32> -> vector<64x16xf32>
    %add3A_127 = arith.addf %add3A_114, %dot_general3A_126 : vector<64x16xf32>
    %dot_general3A_128 = arith.constant dense<0.000000e+00> : vector<64x16xf32>
    %dot_general3A_129 = tpu.matmul %convert_element_type3A_123, %broadcast_in_dim3A_28, %dot_general3A_128 {dimension_numbers = #tpu.dot_dimension_numbers<[0], [0], [1], [1], [0, 1, 1, 1], [], []>, transpose_lhs_hint = false} : vector<632x64xf32>, vector<632x16xf32>, vector<64x16xf32> -> vector<64x16xf32>
    %add3A_130 = arith.addf %add3A_117, %dot_general3A_129 : vector<64x16xf32>
    %swap3A = arith.constant 0 : index
    %swap3A_131 = arith.constant 0 : index
    %swap3A_132 = vector.load %arg10[%swap3A, %swap3A_131] : memref<64x16xf32, #tpu.memory_space<vmem>>, vector<64x16xf32>
    tpu.vector_store %arg10[%swap3A, %swap3A_131], %add3A_127 {strides = array<i32>} : memref<64x16xf32, #tpu.memory_space<vmem>>, vector<64x16xf32>,
    %swap3A_133 = arith.constant 0 : index
    %swap3A_134 = arith.constant 0 : index
    %swap3A_135 = vector.load %arg11[%swap3A_133, %swap3A_134] : memref<64x16xf32, #tpu.memory_space<vmem>>, vector<64x16xf32>
    tpu.vector_store %arg11[%swap3A_133, %swap3A_134], %add3A_130 {strides = array<i32>} : memref<64x16xf32, #tpu.memory_space<vmem>>, vector<64x16xf32>,
    %eq3A_136 = arith.constant 1 : i32
    %eq3A_137 = arith.cmpi eq, %arg0, %eq3A_136 : i32
    %convert_element_type3A_138 = arith.extui %eq3A_137 : i1 to i32
    %cond3A_139 = arith.constant 0 : i32
    %cond3A_140 = arith.cmpi ne, %convert_element_type3A_138, %cond3A_139 : i32
    scf.if %cond3A_140 {
      %get3A_141 = arith.constant 0 : index
      %get3A_142 = arith.constant 0 : index
      %get3A_143 = vector.load %arg10[%get3A_141, %get3A_142] : memref<64x16xf32, #tpu.memory_space<vmem>>, vector<64x16xf32>
      %get3A_144 = arith.constant 0 : index
      %get3A_145 = arith.constant 0 : index
      %get3A_146 = vector.load %arg11[%get3A_144, %get3A_145] : memref<64x16xf32, #tpu.memory_space<vmem>>, vector<64x16xf32>
      %max3A = arith.constant 1.000000e+00 : f32
      %max3A_147 = vector.broadcast %max3A : f32 to vector<64x16xf32>
      %max3A_148 = arith.maximumf %get3A_146, %max3A_147 : vector<64x16xf32>
      %div3A = arith.divf %get3A_143, %max3A_148 : vector<64x16xf32>
      %get3A_149 = arith.constant 0 : index
      %get3A_150 = arith.constant 0 : index
      %get3A_151 = vector.load %arg7[%get3A_149, %get3A_150] : memref<16x2xf32, #tpu.memory_space<vmem>>, vector<16x2xf32>
      %dot_general3A_152 = arith.constant dense<0.000000e+00> : vector<64x2xf32>
      %dot_general3A_153 = tpu.matmul %div3A, %get3A_151, %dot_general3A_152 {dimension_numbers = #tpu.dot_dimension_numbers<[1], [0], [0], [1], [0, 0, 1, 1], [], []>, transpose_lhs_hint = false} : vector<64x16xf32>, vector<16x2xf32>, vector<64x2xf32> -> vector<64x2xf32>
      %get3A_154 = arith.constant 0 : index
      %get3A_155 = arith.constant 0 : index
      %get3A_156 = vector.load %arg8[%get3A_154, %get3A_155] : memref<1x2xf32, #tpu.memory_space<vmem>>, vector<1x2xf32>
      %add3A_157 = vector.broadcast %get3A_156 : vector<1x2xf32> to vector<64x2xf32>
      %add3A_158 = arith.addf %dot_general3A_153, %add3A_157 : vector<64x2xf32>
      %reduce_max3A = arith.constant dense<0xFF800000> : vector<64xf32>
      %reduce_max3A_159 = vector.multi_reduction <maximumf>, %add3A_158, %reduce_max3A [1] : vector<64x2xf32> to vector<64xf32>
      %broadcast_in_dim3A_160 = vector.shape_cast %reduce_max3A_159 : vector<64xf32> to vector<64x1xf32>
      %sub3A = vector.broadcast %broadcast_in_dim3A_160 : vector<64x1xf32> to vector<64x2xf32>
      %sub3A_161 = arith.subf %add3A_158, %sub3A : vector<64x2xf32>
      %exp3A = math.exp %sub3A_161 : vector<64x2xf32>
      %reduce_sum3A = arith.constant dense<0.000000e+00> : vector<64xf32>
      %reduce_sum3A_162 = vector.multi_reduction <add>, %exp3A, %reduce_sum3A [1] : vector<64x2xf32> to vector<64xf32>
      %broadcast_in_dim3A_163 = vector.shape_cast %reduce_sum3A_162 : vector<64xf32> to vector<64x1xf32>
      %log3A = math.log %broadcast_in_dim3A_163 : vector<64x1xf32>
      %add3A_164 = arith.addf %broadcast_in_dim3A_160, %log3A : vector<64x1xf32>
      %sub3A_165 = vector.broadcast %add3A_164 : vector<64x1xf32> to vector<64x2xf32>
      %sub3A_166 = arith.subf %add3A_158, %sub3A_165 : vector<64x2xf32>
      %swap3A_167 = arith.constant 0 : index
      %swap3A_168 = arith.constant 0 : index
      %swap3A_169 = vector.load %arg9[%swap3A_167, %swap3A_168] : memref<64x2xf32, #tpu.memory_space<vmem>>, vector<64x2xf32>
      tpu.vector_store %arg9[%swap3A_167, %swap3A_168], %sub3A_166 {strides = array<i32>} : memref<64x2xf32, #tpu.memory_space<vmem>>, vector<64x2xf32>,
    } else {
    }
    return
  }
  func.func @transform_0(%arg0: i32) -> (i32, i32) {
    %c0_i32 = arith.constant 0 : i32
    %c0_i32_0 = arith.constant 0 : i32
    return %arg0, %c0_i32 : i32, i32
  }
  func.func @transform_1(%arg0: i32) -> (i32, i32) {
    %c0_i32 = arith.constant 0 : i32
    %c0_i32_0 = arith.constant 0 : i32
    return %arg0, %c0_i32 : i32, i32
  }
  func.func @transform_2(%arg0: i32) -> (i32, i32) {
    %c0_i32 = arith.constant 0 : i32
    %c0_i32_0 = arith.constant 0 : i32
    return %arg0, %c0_i32 : i32, i32
  }
  func.func @transform_3(%arg0: i32) -> (i32, i32) {
    %c0_i32 = arith.constant 0 : i32
    %c0_i32_0 = arith.constant 0 : i32
    return %arg0, %c0_i32 : i32, i32
  }
  func.func @transform_4(%arg0: i32) -> (i32, i32) {
    %c0_i32 = arith.constant 0 : i32
    %c0_i32_0 = arith.constant 0 : i32
    %c0_i32_1 = arith.constant 0 : i32
    return %c0_i32, %c0_i32_0 : i32, i32
  }
  func.func @transform_5(%arg0: i32) -> (i32, i32) {
    %c0_i32 = arith.constant 0 : i32
    %c0_i32_0 = arith.constant 0 : i32
    return %arg0, %c0_i32 : i32, i32
  }
  func.func @transform_6(%arg0: i32) -> (i32, i32) {
    %c0_i32 = arith.constant 0 : i32
    %c0_i32_0 = arith.constant 0 : i32
    %c0_i32_1 = arith.constant 0 : i32
    return %c0_i32, %c0_i32_0 : i32, i32
  }
  func.func @transform_7(%arg0: i32) -> (i32, i32) {
    %c0_i32 = arith.constant 0 : i32
    %c0_i32_0 = arith.constant 0 : i32
    %c0_i32_1 = arith.constant 0 : i32
    return %c0_i32, %c0_i32_0 : i32, i32
  }
  func.func @transform_8(%arg0: i32) -> (i32, i32) {
    %c0_i32 = arith.constant 0 : i32
    %c0_i32_0 = arith.constant 0 : i32
    %c0_i32_1 = arith.constant 0 : i32
    return %c0_i32, %c0_i32_0 : i32, i32
  }
}

</mosaic_0001>

<sc_bundles>
// kernel: kernel.11.cloned.1.call-start
scs
__scs_entry_jumppad:
0x0: {  	(pc) =	sbr.rel $0x88, $3  }
0x1: {  	(tag) =	ssettag $0x0;
	lr =	simm.s32 $0x1  }
0x2: {  	[smem:$0x3F98] =	sst lr;
	_ =	strace $0xD0000000  }
0x3: {  	_ = 	snop  }
0x4: {  	_ = 	snop  }
0x5: {  	_ = 	snop  }
0x6: {  	_ = 	snop  }
0x7: {  	_ = 	snop  }
__scs_overlays_trampoline_lowered:
0x8: {  	[smem:$0x3FA7] =	sst s0  }
0x9: {  	[smem:$0x3FA8] =	sst s1  }
0xa: {  	[smem:$0x3FA9] =	sst s2  }
0xb: {  	[smem:$0x3FAA] =	sst s3  }
0xc: {  	[smem:$0x3FAB] =	sst s4  }
0xd: {  	[smem:$0x3FAC] =	sst s5  }
0xe: {  	[smem:$0x3FAD] =	sst s6  }
0xf: {  	[smem:$0x3FAE] =	sst s7  }
0x10: {  	[smem:$0x3FAF] =	sst s8  }
0x11: {  	[smem:$0x3FB0] =	sst s9;
	s0 =	simm.s32 @!p0 $0x0  }
0x12: {  	s1 =	sld [smem:$0x3F96];
	s0 =	simm.s32 @p0 $0x1  }
0x13: {  	[smem:$0x3FB1] =	sst s0;
	s0 =	simm.s32 @!p1 $0x0  }
0x14: {  	s2 =	sld [smem:$0x3F95];
	s0 =	simm.s32 @p1 $0x1  }
0x15: {  	[smem:$0x3FB2] =	sst s0;
	s0 =	simm.s32 @!p2 $0x0  }
0x16: {  	s3 =	sld [smem:$0x3FDB];
	s0 =	simm.s32 @p2 $0x1  }
0x17: {  	s4 =	simm.s32 $0x1BF5;
	[smem:$0x3FB4] =	sst s0  }
0x18: {  	s0 =	sld [smem:$0x3F97];
	_ =	swait.ge [sflag:s4], $0x0  }
0x19: {  	s7 =	sld [smem:$0x3F98]  }
0x1a: {  	s8 =	sadd.s32 $0xFFFFE003, lr  }
0x1b: {  	s9 =	sadd.s32 $0xFFFFFEF7, lr;
	s5 =	simm.s32 $0xFFFFFFFF;
	p2 =	slt.u32 s8, $0xFFFFF086  }
0x1c: {  	p1 =	slt.u32 s9, $0xF7A;
	s5 =	simm.s32 @!p2 $0x0  }
0x1d: {  	s5 =	simm.s32 @p1 $0x1;
	p0 =	seq.s32 s7, s2  }
0x1e: {  	s7 =	smul.u32 @!p0 $0xF7A, s2;
	p2 =	seq.s32 @!p0 s5, $0x0  }
0x1f: {  	s9 =	smul.u32 $0xF7A, s1;
	s8 =	simm.s32 @!p0 $0x1BF5;
	p2 =	por !p2, p0  }
0x20: {  	[sflag:s8] =	ssyncset.s32 @!p0 $0xFFFFF086;
	s6 =	sadd.s32 @!p0 s3, s7;
	s7 =	simm.s32 @!p0 $0x108  }
0x21: {  	s3 =	sadd.s32 s3, s9;
	s6 =	sadd.s32 @!p0 $0x88, s6;
	s7 =	simm.s32 @p2 $0x1082  }
0x22: {  	[simem:s7], [sflag:s8] =	dma.local @!p0 [hbm:s6], $0xF7A  }
0x23: {  	s9 =	sor.u32 $0xD0000000, s2;
	s6 =	simm.s32 $0x108;
	_ =	swait.ge @!p0 [sflag:s8], $0x0  }
0x24: {  	s3 =	sadd.s32 $0x88, s3;
	s6 =	simm.s32 @!p1 $0x1082;
	[sflag:s4] =	ssyncset.s32 $0xFFFFF086  }
0x25: {  	[simem:s6], [sflag:s4] =	dma.local [hbm:s3], $0xF7A  }
0x26: {  	[smem:$0x3F98] =	sst s1;
	(tag) =	ssettag s2;
	_ =	strace s9  }
0x27: {  	s1 =	sld [smem:$0x3FA8]  }
0x28: {  	s2 =	sld [smem:$0x3FA9]  }
0x29: {  	s4 =	sld [smem:$0x3FAB]  }
0x2a: {  	p0 =	seq.s32 s5, $0x0;
	s5 =	sld [smem:$0x3FAC]  }
0x2b: {  	s6 =	sld [smem:$0x3FAD]  }
0x2c: {  	s7 =	sld [smem:$0x3FAE]  }
0x2d: {  	s3 =	simm.s32 $0x108;
	s8 =	sld [smem:$0x3FAF]  }
0x2e: {  	s3 =	simm.s32 @!p0 $0x1082;
	s9 =	sld [smem:$0x3FB0]  }
0x2f: {  	lr =	sadd.s32 s0, s3;
	s0 =	sld [smem:$0x3FA7]  }
0x30: {  	s3 =	sld [smem:$0x3FAA]  }
0x31: {  	[smem:$0x3FB3] =	sst s10  }
0x32: {  	s10 =	sld [smem:$0x3FB1];
	_ =	sdelay $0x3  }
0x33: {  	p0 =	seq.s32 s10, $0x1;
	s10 =	sld [smem:$0x3FB3];
	_ =	sdelay $0x3  }
0x34: {  	[smem:$0x3FB3] =	sst s10  }
0x35: {  	s10 =	sld [smem:$0x3FB2];
	_ =	sdelay $0x3  }
0x36: {  	p1 =	seq.s32 s10, $0x1;
	s10 =	sld [smem:$0x3FB3];
	_ =	sdelay $0x3  }
0x37: {  	[smem:$0x3FB3] =	sst s10  }
0x38: {  	s10 =	sld [smem:$0x3FB4]  }
0x39: {  	_ = 	snop;
	(pc) =	sbr.ind lr, $3  }
0x3a: {  	_ = 	snop  }
0x3b: {  	_ = 	snop  }
0x3c: {  	p2 =	seq.s32 s10, $0x1;
	s10 =	sld [smem:$0x3FB3]  }
0x3d: {  	_ =	shalt  }
0x3e: {  	_ =	shalt  }
0x3f: {  	_ =	shalt  }
0x40: {  	_ =	shalt  }
0x41: {  	_ =	shalt  }
0x42: {  	_ =	shalt  }
0x43: {  	_ =	shalt  }
0x44: {  	_ =	shalt  }
0x45: {  	_ =	shalt  }
0x46: {  	_ =	shalt  }
0x47: {  	_ =	shalt  }
0x48: {  	_ =	shalt  }
0x49: {  	_ =	shalt  }
0x4a: {  	_ =	shalt  }
0x4b: {  	_ =	shalt  }
0x4c: {  	_ =	shalt  }
0x4d: {  	_ =	shalt  }
0x4e: {  	_ =	shalt  }
0x4f: {  	_ =	shalt  }
0x50: {  	_ =	shalt  }
0x51: {  	_ =	shalt  }
0x52: {  	_ =	shalt  }
0x53: {  	_ =	shalt  }
0x54: {  	_ =	shalt  }
0x55: {  	_ =	shalt  }
0x56: {  	_ =	shalt  }
0x57: {  	_ =	shalt  }
0x58: {  	_ =	shalt  }
0x59: {  	_ =	shalt  }
0x5a: {  	_ =	shalt  }
0x5b: {  	_ =	shalt  }
0x5c: {  	_ =	shalt  }
0x5d: {  	_ =	shalt  }
0x5e: {  	_ =	shalt  }
0x5f: {  	_ =	shalt  }
0x60: {  	_ =	shalt  }
0x61: {  	_ =	shalt  }
0x62: {  	_ =	shalt  }
0x63: {  	_ =	shalt  }
0x64: {  	_ =	shalt  }
0x65: {  	_ =	shalt  }
0x66: {  	_ =	shalt  }
0x67: {  	_ =	shalt  }
0x68: {  	_ =	shalt  }
0x69: {  	_ =	shalt  }
0x6a: {  	_ =	shalt  }
0x6b: {  	_ =	shalt  }
0x6c: {  	_ =	shalt  }
0x6d: {  	_ =	shalt  }
0x6e: {  	_ =	shalt  }
0x6f: {  	_ =	shalt  }
0x70: {  	_ =	shalt  }
0x71: {  	_ =	shalt  }
0x72: {  	_ =	shalt  }
0x73: {  	_ =	shalt  }
0x74: {  	_ =	shalt  }
0x75: {  	_ =	shalt  }
0x76: {  	_ =	shalt  }
0x77: {  	_ =	shalt  }
0x78: {  	_ =	shalt  }
0x79: {  	_ =	shalt  }
0x7a: {  	_ =	shalt  }
0x7b: {  	_ =	shalt  }
0x7c: {  	_ =	shalt  }
0x7d: {  	_ =	shalt  }
0x7e: {  	_ =	shalt  }
0x7f: {  	_ =	shalt  }
0x80: {  	_ =	shalt  }
0x81: {  	_ =	shalt  }
0x82: {  	_ =	shalt  }
0x83: {  	_ =	shalt  }
0x84: {  	_ =	shalt  }
0x85: {  	_ =	shalt  }
0x86: {  	_ =	shalt  }
0x87: {  	_ =	shalt  }
.Lfunc_end0:
.L_simem_size_0:
called_computation.1_lowered:
.L_overlay_start_0:
0x88: {  	s2 =	sld [smem:$0x3FD9]  }
0x89: {  	s3 =	sld [smem:$0x3FFE];
	_ =	sdelay $0x1  }
0x8a: {  	s1 =	srdreg.scid  }
0x8b: {  	s0 =	sand.u32 $0x1, s1  }
0x8c: {  	s16 =	sshll.u32 s0, $0xA;
	s2 =	sadd.s32 s3, s2  }
0x8d: {  	s2 =	sadd.s32 s2, s16  }
0x8e: {  	[smem:$0x3FBF] =	sst s2  }
0x8f: {  	_ = 	snop  }
0x90: {  	(tm) =	ssettm $0x1  }
0x91: {  	s17 =	sld [smem:$0x3FFB];
	_ =	sdelay $0x3  }
0x92: {  	_ =	strace s17  }
0x93: {  	s2 =	sld [smem:$0x3FFC];
	_ =	sdelay $0x3  }
0x94: {  	_ =	strace s2  }
0x95: {  	s2 =	sld [smem:$0x3FFD];
	_ =	sdelay $0x3  }
0x96: {  	_ =	strace s2  }
0x97: {  	_ =	strace $0x8FFFFFFF  }
0x98: {  	s18 =	sld [smem:$0x3FDB];
	_ =	sdelay $0x1  }
0x99: {  	s19 =	simm.s32 $_scs_section_size  }
0x9a: {  	s4 =	simm.s32 $_size__tile_overlayer_lowered;
	s5 =	simm.s32 $_tile_overlayer_lowered  }
0x9b: {  	s22 =	simm.s32 $0x1BFF;
	s21 =	sshll.u32 s5, $0x1;
	s2 =	sadd.s32 s19, s18  }
0x9c: {  	s6 =	simm.s32 $0x0;
	s20 =	sshll.u32 s4, $0x1;
	s4 =	sadd.s32 s21, s2  }
0x9d: {  	[timem:s6], [sflag:s22] =	dma.local [hbm:s4], s20  }
0x9e: {  	_ =	swait.ge [sflag:s22], s20  }
0x9f: {  	s3 =	ssub.s32 $0x0, s20;
	[sflag:s22] =	ssyncset.done $0x0  }
0xa0: {  	[sflag:s22] =	ssyncadd.s32 s3;
	_ =	sdelay $0x1  }
0xa1: {  	s23 =	simm.s32 $0x1B8B  }
0xa2: {  	_ =	swait.ge [sflag:s23], $0x1  }
0xa3: {  	[sflag:s23] =	ssyncset.done $0x0  }
0xa4: {  	s25 =	simm.s32 $0x1B8E;
	s24 =	sld [smem:$0x3FFE];
	[sflag:s23] =	ssyncadd.s32 $0xFFFFFFFF  }
0xa5: {  	s26 =	simm.s32 $execute0_lowered;
	[smem:$0x3FD2] =	sst s25  }
0xa6: {  	s4 =	sshll.u32 s26, $0x1;
	_ =	strace $0x80000049;
	[dreg:$0x1] =	wrdreg $0xFFFFFFFF  }
0xa7: {  	s28 =	simm.s32 $_size_execute0_lowered;
	s2 =	sadd.s32 s2, s4;
	[dreg:$0x0] =	wrdreg $0x0  }
0xa8: {  	s4 =	sshll.u32 s28, $0x1;
	[dreg:$0x2] =	wrdreg s2  }
0xa9: {  	[dreg:$0x3] =	wrdreg s4  }
0xaa: {  	[dreg:$0x4] =	wrdreg $0xC0  }
0xab: {  	_ =	task [dreg:s6], $0x5FFFF  }
0xac: {  	[dreg:$0x1] =	wrdreg $0xFFFFFFFF  }
0xad: {  	[dreg:$0x0] =	wrdreg $0x60  }
0xae: {  	[dreg:$0x2] =	wrdreg s24  }
0xaf: {  	[dreg:$0x3] =	wrdreg $0xB6800  }
0xb0: {  	[dreg:$0x4] =	wrdreg $0xDE000  }
0xb1: {  	[dreg:$0x5] =	wrdreg $0x9  }
0xb2: {  	_ =	task.clear_ibuf [dreg:s6], $0x6FFFF;
	_ =	strace $0x90000049  }
0xb3: {  	s29 =	simm.s32 $0x9;
	_ =	strace $0x8000004B  }
0xb4: {  	_ =	swait.ge [sflag:s29], $0x1  }
0xb5: {  	[sflag:s29] =	ssyncadd.s32 $0xFFFFFFFF  }
0xb6: {  	_ =	strace $0x9000004B  }
0xb7: {  	_ =	sfence  }
0xb8: {  	s30 =	sld [smem:$0x0];
	_ =	sdelay $0x2  }
0xb9: {  	s31 =	sshll.u32 s1, $0xD;
	s1 =	sshrl.u32 s1, $0x2  }
0xba: {  	s3 =	sand.u32 $0x4000, s31;
	s1 =	sadd.s32 s1, s30  }
0xbb: {  	s0 =	sor.u32 s3, s0;
	s1 =	sshll.u32 s1, $0x11  }
0xbc: {  	s0 =	sor.u32 s1, s0  }
0xbd: {  	s0 =	sadd.s32 $0x8F2B, s0  }
0xbe: {  	[sflag:s0] =	ssyncadd.remote.s32 $0x1  }
0xbf: {  	_ =	sfence.sel $0xFFFF  }
0xc0: {  	[dreg:$0x0] =	wrdreg $0xFFFFFFFF;
	(pc) =	sbr.abs _section_cstart, $3  }
0xc1: {  	[dreg:$0x1] =	wrdreg $0xFFFFFFFF  }
0xc2: {  	_ =	task.clear_ibuf [dreg:s6], $0x2FFFF;
	_ =	strace $0x9FFFFFFF  }
0xc3: {  	(tm) =	ssettm $0x7FFFFFFF  }
tec
execute0_lowered:
.L_overlay_start_1:
0x0: {  	(tag) =	ssettag $0x1  }
0x1: {  	s0 =	srdreg.scid;
	s1 =	rddreg [dreg:$0x0]  }
0x2: {  	s2 =	rddreg [dreg:$0x1];
	s8 =	stileid.u32  }
0x3: {  	s3 =	rddreg [dreg:$0x2];
	s15 =	simm.s32 $0x80;
	s16 =	simm.s32 $0x4F00  }
0x4: {  	s17 =	simm.s32 $0x5700;
	s19 =	simm.s32 $0x5F00;
	s28 =	simm.s32 $0x4  }
0x5: {  	s29 =	simm.s32 $0x5;
	s0 =	sand.u32 $0x1, s0;
	s9 =	smul.u32 $0x2780, s8  }
0x6: {  	s30 =	simm.s32 $0x6;
	s4 =	sshll.u32 s0, $0x4;
	s22 =	ssub.s32 $0x2, s0  }
0x7: {  	s6 =	sor.u32 s8, s4;
	s4 =	simm.s32 $0x0;
	s20 =	sshrl.u32 s9, $0x3  }
0x8: {  	s10 =	sshrl.u32 s22, $0x1;
	s11 =	sadd.s32 s9, s2;
	s9 =	sadd.s32 s9, s3  }
0x9: {  	s5 =	smul.u32 $0x4E, s6;
	s7 =	smin.u32 s6, $0x4;
	[smem:$0x7FF] =	sst s4  }
0xa: {  	p0 =	sgt.u32 s6, $0x3;
	s10 =	ssub.s32 s22, s10;
	s31 =	sshrl.u32 s9, $0x3  }
0xb: {  	s22 =	simm.s32 $0x1;
	_ =	strace $0x8000004A;
	[dreg:$0xa] =	wrdreg s31  }
0xc: {  	s26 =	smax.u32 s10, $0x1;
	[dreg:$0x6] =	wrdreg s11;
	s5 =	sadd.s32 s7, s5  }
0xd: {  	s10 =	simm.s32 $0x11;
	[dreg:$0x8] =	wrdreg s26;
	s5 =	sshll.u32 s5, $0x4  }
0xe: {  	s26 =	simm.s32 $0x3;
	s21 =	sadd.s32 s5, s1;
	s5 =	simm.s32 $0x4E  }
0xf: {  	s1 =	sadd.s32 s20, s1;
	s5 =	simm.s32 @!p0 $0x4F;
	s23 =	sadd.s32 $0x4400, s21  }
0x10: {  	s24 =	sadd.s32 $0xE040, s21;
	p0 =	seq.s32 s0, $0x1;
	[dreg:$0x4] =	wrdreg s23  }
0x11: {  	s0 =	simm.s32 $0x21E00;
	s25 =	sadd.s32 $0x17E00, s1;
	[dreg:$0x5] =	wrdreg s24  }
0x12: {  	s21 =	simm.s32 $0x6700;
	s0 =	simm.s32 @!p0 $0x1CE00;
	[dreg:$0x7] =	wrdreg s25  }
0x13: {  	p0 =	slt.u32 s6, $0x4;
	s23 =	simm.s32 $0x6F00;
	s0 =	sadd.s32 s0, s1  }
0x14: {  	v0 =	vimm.f32 $0.0e+00;
	s24 =	simm.s32 $0x2;
	s25 =	simm.s32 $0x7700;
	[dreg:$0x9] =	wrdreg s0  }
.LBB2_1:
0x15: {  	s0 =	simm.s32 @p0 $0x0;
	s7 =	rddreg [dreg:$0x4];
	s1 =	simm.s32 @p0 $0x11  }
0x16: {  	[tilespmem:s0], [sflag:$0x11] =	stream.linear.gather @p0 [hbm4b:s7+s0], $0x2780, $0x38;
	[tilespmem:$0x10580] =	vst v63  }
0x17: {  	_ =	swait.ge @p0 [sflag:s1], $0x2780  }
0x18: {  	[sflag:s1] =	ssyncset.done @p0 $0x0  }
0x19: {  	s6 =	simm.s32 @p0 $0x2780;
	s8 =	rddreg [dreg:$0x5];
	[sflag:s1] =	ssyncadd.s32 @p0 $0xFFFFD880  }
0x1a: {  	[tilespmem:s6], [sflag:$0x11] =	stream.linear.gather @p0 [hbm4b:s8+s0], $0x2780, $0x38;
	[tilespmem:$0x10580] =	vst v63  }
0x1b: {  	_ =	swait.ge @p0 [sflag:s1], $0x2780  }
0x1c: {  	[sflag:s1] =	ssyncset.done @p0 $0x0  }
0x1d: {  	s0 =	simm.s32 @!p0 $0x0;
	[sflag:s1] =	ssyncadd.s32 @p0 $0xFFFFD880;
	s1 =	simm.s32 @!p0 $0x11  }
0x1e: {  	[tilespmem:s0], [sflag:$0x11] =	stream.linear.gather @!p0 [hbm4b:s7+s0], $0x2700, $0x38;
	[tilespmem:$0x10580] =	vst v63  }
0x1f: {  	_ =	swait.ge @!p0 [sflag:s1], $0x2700  }
0x20: {  	[sflag:s1] =	ssyncset.done @!p0 $0x0  }
0x21: {  	s6 =	simm.s32 @!p0 $0x2780;
	[sflag:s1] =	ssyncadd.s32 @!p0 $0xFFFFD900  }
0x22: {  	[tilespmem:s6], [sflag:$0x11] =	stream.linear.gather @!p0 [hbm4b:s8+s0], $0x2700, $0x38;
	[tilespmem:$0x10580] =	vst v63  }
0x23: {  	_ =	swait.ge @!p0 [sflag:s1], $0x2700  }
0x24: {  	[sflag:s1] =	ssyncset.done @!p0 $0x0  }
0x25: {  	s0 =	simm.s32 $0x40;
	[sflag:s1] =	ssyncadd.s32 @!p0 $0xFFFFD900;
	s1 =	simm.s32 $0x0  }
.LBB2_2:
0x26: {  	p1 =	sne.s32 s0, $0x9DC0;
	[tilespmem:s1+$0x8F00] =	vst v0;
	s1 =	smov.u32 s0;
	s0 =	sadd.s32 $0x40, s0  }
.Ltmp0:
0x27: {  	(pc) =	sbr.rel @p1 .LBB2_2-.Ltmp0, $2  }
0x28: {  	_ =	sdelay $0x2  }
0x29: {  	s1 =	sshra.s32 s1, $0x2  }
0x2a: {  	[tilespmem:s1+$0x8F00] =	vst v0;
	s0 =	simm.s32 $0x8F00  }
0x2b: {  	[spmem:s11] =	stream.linear.scatter [tilespmem:s0], [sflag:$0x11], $0x2780, $0x38;
	[tilespmem:$0x10580] =	vst v63  }
0x2c: {  	s14 =	stileid.u32;
	_ =	swait.ge [sflag:s10], $0x2780  }
0x2d: {  	s0 =	sshll.u32 s14, $0x6;
	s18 =	rddreg [dreg:$0x7]  }
0x2e: {  	s6 =	sor.u32 $0x1C11, s0;
	[sflag:s10] =	ssyncset.done $0x0;
	s20 =	rddreg [dreg:$0xa]  }
0x2f: {  	[dreg:$0xb] =	wrdreg s6;
	[sflag:s10] =	ssyncadd.s32 $0xFFFFD880  }
0x30: {  	[spmem:s20], [sflag:s6] =	dma.local [hbm:s18], $0x4F0  }
0x31: {  	_ =	swait.ge [sflag:s10], $0x4F0  }
0x32: {  	[sflag:s10] =	ssyncset.done $0x0  }
0x33: {  	[sflag:s10] =	ssyncadd.s32 $0xFFFFFB10  }
0x34: {  	s6 =	simm.s32 $0x0;
	[bflag:$0x0] =	sbarrier.arrive $0xFFFF  }
0x35: {  	[tilespmem:s16], [sflag:$0x1] =	stream.indirect.gather [spmem:s3], $0x10, s6, s15, $0xb8;
	[tilespmem:$0x10580] =	vst v63  }
0x36: {  	_ = 	snop  }
0x37: {  	[tilespmem:s17], [sflag:$0x2] =	stream.indirect.gather [spmem:s3], $0x10, s15, s15, $0xb8;
	[tilespmem:$0x10580] =	vst v63  }
0x38: {  	s7 =	simm.s32 $0x100  }
0x39: {  	[tilespmem:s19], [sflag:$0x3] =	stream.indirect.gather [spmem:s3], $0x10, s7, s15, $0xb8;
	[tilespmem:$0x10580] =	vst v63  }
0x3a: {  	s8 =	simm.s32 $0x180  }
0x3b: {  	[tilespmem:s21], [sflag:$0x4] =	stream.indirect.gather [spmem:s3], $0x10, s8, s15, $0xb8;
	[tilespmem:$0x10580] =	vst v63  }
0x3c: {  	_ =	swait.ge [sflag:s22], $0x800  }
0x3d: {  	p1 =	por $0x1, $0x1;
	[sflag:s22] =	ssyncset.done $0x0  }
0x3e: {  	s9 =	simm.s32 $0x2780;
	s1 =	simm.s32 @!p1 $0xD;
	[sflag:s22] =	ssyncadd.s32 $0xFFFFF800  }
0x3f: {  	[spmem:s2] =	stream.indirect.scatter.add.f32 [tilespmem:s16], [sflag:$0x9], $0x10, s9, s15, $0xb8;
	[tilespmem:$0x10580] =	vst v63  }
0x40: {  	_ =	swait.ge @!p1 [sflag:s1], $0x800  }
0x41: {  	[sflag:s1] =	ssyncset.done @!p1 $0x0  }
0x42: {  	s10 =	simm.s32 $0x200;
	[sflag:s1] =	ssyncadd.s32 @!p1 $0xFFFFF800  }
0x43: {  	[tilespmem:s23], [sflag:$0x5] =	stream.indirect.gather [spmem:s3], $0x10, s10, s15, $0xb8;
	[tilespmem:$0x10580] =	vst v63  }
0x44: {  	_ =	swait.ge [sflag:s24], $0x800  }
0x45: {  	[sflag:s24] =	ssyncset.done $0x0  }
0x46: {  	s11 =	simm.s32 $0x2800;
	s1 =	simm.s32 @!p1 $0xE;
	[sflag:s24] =	ssyncadd.s32 $0xFFFFF800  }
0x47: {  	[spmem:s2] =	stream.indirect.scatter.add.f32 [tilespmem:s17], [sflag:$0xA], $0x10, s11, s15, $0xb8;
	[tilespmem:$0x10580] =	vst v63  }
0x48: {  	_ =	swait.ge @!p1 [sflag:s1], $0x800  }
0x49: {  	[sflag:s1] =	ssyncset.done @!p1 $0x0  }
0x4a: {  	s12 =	simm.s32 $0x280;
	p2 =	sle.u32 s5, $0x6;
	[sflag:s1] =	ssyncadd.s32 @!p1 $0xFFFFF800  }
0x4b: {  	[tilespmem:s25], [sflag:$0x6] =	stream.indirect.gather [spmem:s3], $0x10, s12, s15, $0xb8;
	[tilespmem:$0x10580] =	vst v63  }
0x4c: {  	p1 =	por @!p2 $0x1, $0x1;
	_ =	swait.ge [sflag:s26], $0x800  }
0x4d: {  	p3 =	por p1, p2;
	[sflag:s26] =	ssyncset.done $0x0  }
0x4e: {  	s13 =	simm.s32 $0x2880;
	s1 =	simm.s32 @!p3 $0xF;
	[sflag:s26] =	ssyncadd.s32 $0xFFFFF800  }
0x4f: {  	[spmem:s2] =	stream.indirect.scatter.add.f32 [tilespmem:s19], [sflag:$0xB], $0x10, s13, s15, $0xb8;
	[tilespmem:$0x10580] =	vst v63  }
0x50: {  	_ =	swait.ge @!p3 [sflag:s1], $0x800  }
0x51: {  	s0 =	simm.s32 @!p2 $0x300;
	s6 =	simm.s32 @!p2 $0x7F00;
	[sflag:s1] =	ssyncset.done @!p3 $0x0  }
0x52: {  	p1 =	sle.u32 s5, $0x7;
	[sflag:s1] =	ssyncadd.s32 @!p3 $0xFFFFF800;
	s1 =	simm.s32 @!p2 $0x80  }
0x53: {  	[tilespmem:s6], [sflag:$0x7] =	stream.indirect.gather @!p2 [spmem:s3], $0x10, s0, s1, $0xb8;
	[tilespmem:$0x10580] =	vst v63  }
0x54: {  	p3 =	por @!p1 $0x1, $0x1;
	_ =	swait.ge [sflag:s28], $0x800  }
0x55: {  	p3 =	por p3, p1;
	[sflag:s28] =	ssyncset.done $0x0  }
0x56: {  	s14 =	simm.s32 $0x2900;
	s9 =	simm.s32 @!p3 $0x10;
	[sflag:s28] =	ssyncadd.s32 $0xFFFFF800  }
0x57: {  	[spmem:s2] =	stream.indirect.scatter.add.f32 [tilespmem:s21], [sflag:$0xC], $0x10, s14, s15, $0xb8;
	[tilespmem:$0x10580] =	vst v63  }
0x58: {  	_ =	swait.ge @!p3 [sflag:s9], $0x800  }
0x59: {  	s10 =	simm.s32 @!p1 $0x380;
	[sflag:s9] =	ssyncset.done @!p3 $0x0  }
0x5a: {  	s12 =	simm.s32 @!p1 $0x80;
	s0 =	simm.s32 @!p1 $0x8700;
	[sflag:s9] =	ssyncadd.s32 @!p3 $0xFFFFF800  }
0x5b: {  	[tilespmem:s0], [sflag:$0x8] =	stream.indirect.gather @!p1 [spmem:s3], $0x10, s10, s12, $0xb8;
	[tilespmem:$0x10580] =	vst v63  }
0x5c: {  	_ =	swait.ge [sflag:s29], $0x800  }
0x5d: {  	p3 =	sle.u32 s5, $0x8;
	[sflag:s29] =	ssyncset.done $0x0  }
0x5e: {  	s18 =	simm.s32 $0x2980;
	s10 =	simm.s32 @!p3 $0x9;
	[sflag:s29] =	ssyncadd.s32 $0xFFFFF800  }
0x5f: {  	[spmem:s2] =	stream.indirect.scatter.add.f32 [tilespmem:s23], [sflag:$0xD], $0x10, s18, s15, $0xb8;
	[tilespmem:$0x10580] =	vst v63  }
0x60: {  	_ =	swait.ge @!p3 [sflag:s10], $0x800  }
0x61: {  	s9 =	simm.s32 @!p3 $0x400;
	[sflag:s10] =	ssyncset.done @!p3 $0x0  }
0x62: {  	s14 =	simm.s32 @!p3 $0x4F00;
	[sflag:s10] =	ssyncadd.s32 @!p3 $0xFFFFF800;
	s10 =	simm.s32 @!p3 $0x80  }
0x63: {  	[tilespmem:s14], [sflag:$0x1] =	stream.indirect.gather @!p3 [spmem:s3], $0x10, s9, s10, $0xb8;
	[tilespmem:$0x10580] =	vst v63  }
0x64: {  	_ =	swait.ge [sflag:s30], $0x800  }
0x65: {  	p3 =	sle.u32 s5, $0x9;
	[sflag:s30] =	ssyncset.done $0x0  }
0x66: {  	s20 =	simm.s32 $0x2A00;
	s9 =	simm.s32 @!p3 $0xA;
	[sflag:s30] =	ssyncadd.s32 $0xFFFFF800  }
0x67: {  	[spmem:s2] =	stream.indirect.scatter.add.f32 [tilespmem:s25], [sflag:$0xE], $0x10, s20, s15, $0xb8;
	[tilespmem:$0x10580] =	vst v63  }
0x68: {  	_ =	swait.ge @!p3 [sflag:s9], $0x800  }
0x69: {  	s18 =	simm.s32 @!p2 $0x7;
	s10 =	simm.s32 @!p3 $0x480;
	[sflag:s9] =	ssyncset.done @!p3 $0x0  }
0x6a: {  	s14 =	simm.s32 @!p3 $0x80;
	[sflag:s9] =	ssyncadd.s32 @!p3 $0xFFFFF800;
	s9 =	simm.s32 @!p3 $0x5700  }
0x6b: {  	[tilespmem:s9], [sflag:$0x2] =	stream.indirect.gather @!p3 [spmem:s3], $0x10, s10, s14, $0xb8;
	[tilespmem:$0x10580] =	vst v63  }
0x6c: {  	p3 =	sle.u32 @!p2 s5, $0xA;
	_ =	swait.ge @!p2 [sflag:s18], $0x800  }
0x6d: {  	s31 =	simm.s32 $0x1000;
	p3 =	por p3, p2;
	[sflag:s18] =	ssyncset.done @!p2 $0x0  }
0x6e: {  	s9 =	simm.s32 @!p2 $0x2A80;
	s10 =	simm.s32 @!p3 $0xB;
	[sflag:s18] =	ssyncadd.s32 @!p2 $0xFFFFF800  }
0x6f: {  	[spmem:s2] =	stream.indirect.scatter.add.f32 @!p2 [tilespmem:s6], [sflag:$0xF], $0x10, s9, s1, $0xb8;
	[tilespmem:$0x10580] =	vst v63  }
0x70: {  	s20 =	simm.s32 @!p1 $0x2B00;
	s1 =	simm.s32 @!p3 $0x500;
	_ =	swait.ge @!p3 [sflag:s10], $0x800  }
0x71: {  	s9 =	simm.s32 @!p3 $0x5F00;
	s6 =	simm.s32 @!p1 $0x8;
	[sflag:s10] =	ssyncset.done @!p3 $0x0  }
0x72: {  	p2 =	sle.u32 @!p1 s5, $0xB;
	[sflag:s10] =	ssyncadd.s32 @!p3 $0xFFFFF800;
	s10 =	simm.s32 @!p3 $0x80  }
0x73: {  	[tilespmem:s9], [sflag:$0x3] =	stream.indirect.gather @!p3 [spmem:s3], $0x10, s1, s10, $0xb8;
	[tilespmem:$0x10580] =	vst v63  }
0x74: {  	s14 =	simm.s32 $0xB;
	p3 =	por p2, p1;
	_ =	swait.ge @!p1 [sflag:s6], $0x800  }
0x75: {  	s9 =	simm.s32 @!p3 $0xC;
	s10 =	simm.s32 @!p3 $0x0;
	[sflag:s6] =	ssyncset.done @!p1 $0x0  }
.LBB2_4:
0x76: {  	[sflag:s6] =	ssyncadd.s32 @!p1 $0xFFFFF800  }
0x77: {  	s14 =	sadd.s32 $0x8, s14;
	s1 =	smov.u32 s31;
	s31 =	sadd.s32 $0x1000, s31  }
0x78: {  	[spmem:s2] =	stream.indirect.scatter.add.f32 @!p1 [tilespmem:s0], [sflag:$0x10], $0x10, s20, s12, $0xb8;
	[tilespmem:$0x10580] =	vst v63  }
0x79: {  	s18 =	sshra.s32 s1, $0x2;
	s0 =	simm.s32 @!p3 $0x80;
	_ =	swait.ge @!p3 [sflag:s9], $0x800  }
0x7a: {  	p1 =	seq.s32 s1, $0x0;
	p2 =	sne.s32 s31, $0xA000;
	[sflag:s9] =	ssyncset.done @!p3 $0x0  }
0x7b: {  	s6 =	sadd.s32 @!p3 $0x580, s10;
	[sflag:s9] =	ssyncadd.s32 @!p3 $0xFFFFF800;
	s9 =	simm.s32 @!p3 $0x6700  }
0x7c: {  	[tilespmem:s9], [sflag:$0x4] =	stream.indirect.gather @!p3 [spmem:s3], $0x10, s6, s0, $0xb8;
	[tilespmem:$0x10580] =	vst v63  }
0x7d: {  	_ =	swait.ge [sflag:s22], $0x800  }
0x7e: {  	s0 =	sadd.s32 $0x2780, s18;
	[sflag:s22] =	ssyncset.done $0x0  }
0x7f: {  	s6 =	simm.s32 @!p1 $0xD;
	[sflag:s22] =	ssyncadd.s32 $0xFFFFF800  }
0x80: {  	[spmem:s2] =	stream.indirect.scatter.add.f32 [tilespmem:s16], [sflag:$0x9], $0x10, s0, s15, $0xb8;
	[tilespmem:$0x10580] =	vst v63  }
0x81: {  	_ =	swait.ge @!p1 [sflag:s6], $0x800  }
0x82: {  	s0 =	sadd.s32 $0x200, s18;
	[sflag:s6] =	ssyncset.done @!p1 $0x0  }
0x83: {  	[sflag:s6] =	ssyncadd.s32 @!p1 $0xFFFFF800  }
0x84: {  	[tilespmem:s23], [sflag:$0x5] =	stream.indirect.gather [spmem:s3], $0x10, s0, s15, $0xb8;
	[tilespmem:$0x10580] =	vst v63  }
0x85: {  	_ =	swait.ge [sflag:s24], $0x800  }
0x86: {  	s0 =	sadd.s32 $0x2800, s18;
	[sflag:s24] =	ssyncset.done $0x0  }
0x87: {  	s9 =	sadd.s32 $0xFFFFFFFB, s14;
	s6 =	simm.s32 @!p1 $0xE;
	[sflag:s24] =	ssyncadd.s32 $0xFFFFF800  }
0x88: {  	[spmem:s2] =	stream.indirect.scatter.add.f32 [tilespmem:s17], [sflag:$0xA], $0x10, s0, s15, $0xb8;
	[tilespmem:$0x10580] =	vst v63  }
0x89: {  	p3 =	sge.u32 s9, s5;
	s0 =	sadd.s32 $0x280, s18;
	_ =	swait.ge @!p1 [sflag:s6], $0x800  }
0x8a: {  	p4 =	seq.s32 @!p3 s1, $0x0;
	s9 =	sshra.s32 @!p3 s1, $0x2;
	[sflag:s6] =	ssyncset.done @!p1 $0x0  }
0x8b: {  	p5 =	por p4, p3;
	s12 =	sadd.s32 @!p3 $0x300, s9;
	[sflag:s6] =	ssyncadd.s32 @!p1 $0xFFFFF800  }
0x8c: {  	[tilespmem:s25], [sflag:$0x6] =	stream.indirect.gather [spmem:s3], $0x10, s0, s15, $0xb8;
	[tilespmem:$0x10580] =	vst v63  }
0x8d: {  	s6 =	simm.s32 @!p5 $0xF;
	s0 =	sadd.s32 $0x2880, s18;
	_ =	swait.ge [sflag:s26], $0x800  }
0x8e: {  	s20 =	sadd.s32 @!p3 $0xFFFFFFFF, s14;
	s9 =	sadd.s32 @!p3 $0x2A80, s9;
	[sflag:s26] =	ssyncset.done $0x0  }
0x8f: {  	s10 =	simm.s32 @!p3 $0x7F00;
	[sflag:s26] =	ssyncadd.s32 $0xFFFFF800  }
0x90: {  	[spmem:s2] =	stream.indirect.scatter.add.f32 [tilespmem:s19], [sflag:$0xB], $0x10, s0, s15, $0xb8;
	[tilespmem:$0x10580] =	vst v63  }
0x91: {  	p4 =	sge.u32 @!p3 s20, s5;
	s0 =	sadd.s32 $0xFFFFFFFC, s14;
	_ =	swait.ge @!p5 [sflag:s6], $0x800  }
0x92: {  	p4 =	por p4, p3;
	p1 =	sge.u32 s0, s5;
	[sflag:s6] =	ssyncset.done @!p5 $0x0  }
0x93: {  	[sflag:s6] =	ssyncadd.s32 @!p5 $0xFFFFF800;
	s6 =	simm.s32 @!p3 $0x80;
	p5 =	seq.s32 @!p1 s1, $0x0  }
0x94: {  	[tilespmem:s10], [sflag:$0x7] =	stream.indirect.gather @!p3 [spmem:s3], $0x10, s12, s6, $0xb8;
	[tilespmem:$0x10580] =	vst v63  }
0x95: {  	s0 =	sshra.s32 @!p1 s1, $0x2;
	p5 =	por p5, p1;
	_ =	swait.ge [sflag:s28], $0x800  }
0x96: {  	s8 =	sadd.s32 @!p1 $0x380, s0;
	s7 =	simm.s32 @!p5 $0x10;
	[sflag:s28] =	ssyncset.done $0x0  }
0x97: {  	s20 =	sadd.s32 @!p1 $0x2B00, s0;
	s12 =	sadd.s32 $0x2900, s18;
	[sflag:s28] =	ssyncadd.s32 $0xFFFFF800  }
0x98: {  	[spmem:s2] =	stream.indirect.scatter.add.f32 [tilespmem:s21], [sflag:$0xC], $0x10, s12, s15, $0xb8;
	[tilespmem:$0x10580] =	vst v63  }
0x99: {  	s0 =	simm.s32 @!p1 $0x8700;
	s12 =	simm.s32 @!p1 $0x80;
	_ =	swait.ge @!p5 [sflag:s7], $0x800  }
0x9a: {  	[sflag:s7] =	ssyncset.done @!p5 $0x0  }
0x9b: {  	[sflag:s7] =	ssyncadd.s32 @!p5 $0xFFFFF800  }
0x9c: {  	[tilespmem:s0], [sflag:$0x8] =	stream.indirect.gather @!p1 [spmem:s3], $0x10, s8, s12, $0xb8;
	[tilespmem:$0x10580] =	vst v63  }
0x9d: {  	s7 =	sadd.s32 $0xFFFFFFFD, s14;
	_ =	swait.ge [sflag:s29], $0x800  }
0x9e: {  	s8 =	sadd.s32 $0x2980, s18;
	p5 =	sge.u32 s7, s5;
	[sflag:s29] =	ssyncset.done $0x0  }
0x9f: {  	s7 =	simm.s32 @!p5 $0x9;
	s11 =	sshra.s32 @!p5 s1, $0x2;
	[sflag:s29] =	ssyncadd.s32 $0xFFFFF800  }
0xa0: {  	[spmem:s2] =	stream.indirect.scatter.add.f32 [tilespmem:s23], [sflag:$0xD], $0x10, s8, s15, $0xb8;
	[tilespmem:$0x10580] =	vst v63  }
0xa1: {  	s8 =	sadd.s32 @!p5 $0x400, s11;
	_ =	swait.ge @!p5 [sflag:s7], $0x800  }
0xa2: {  	[sflag:s7] =	ssyncset.done @!p5 $0x0  }
0xa3: {  	s11 =	simm.s32 @!p5 $0x4F00;
	[sflag:s7] =	ssyncadd.s32 @!p5 $0xFFFFF800;
	s7 =	simm.s32 @!p5 $0x80  }
0xa4: {  	[tilespmem:s11], [sflag:$0x1] =	stream.indirect.gather @!p5 [spmem:s3], $0x10, s8, s7, $0xb8;
	[tilespmem:$0x10580] =	vst v63  }
0xa5: {  	_ =	swait.ge [sflag:s30], $0x800  }
0xa6: {  	s7 =	sadd.s32 $0xFFFFFFFE, s14;
	[sflag:s30] =	ssyncset.done $0x0  }
0xa7: {  	s8 =	sadd.s32 $0x2A00, s18;
	p5 =	sge.u32 s7, s5;
	[sflag:s30] =	ssyncadd.s32 $0xFFFFF800  }
0xa8: {  	[spmem:s2] =	stream.indirect.scatter.add.f32 [tilespmem:s25], [sflag:$0xE], $0x10, s8, s15, $0xb8;
	[tilespmem:$0x10580] =	vst v63  }
0xa9: {  	s7 =	simm.s32 @!p5 $0xA;
	s8 =	sshra.s32 @!p5 s1, $0x2  }
0xaa: {  	s11 =	simm.s32 @!p3 $0x7;
	s8 =	sadd.s32 @!p5 $0x480, s8;
	_ =	swait.ge @!p5 [sflag:s7], $0x800  }
0xab: {  	s18 =	simm.s32 @!p5 $0x80;
	s13 =	simm.s32 @!p5 $0x5700;
	[sflag:s7] =	ssyncset.done @!p5 $0x0  }
0xac: {  	[sflag:s7] =	ssyncadd.s32 @!p5 $0xFFFFF800  }
0xad: {  	[tilespmem:s13], [sflag:$0x2] =	stream.indirect.gather @!p5 [spmem:s3], $0x10, s8, s18, $0xb8;
	[tilespmem:$0x10580] =	vst v63  }
0xae: {  	s7 =	simm.s32 @!p4 $0xB;
	_ =	swait.ge @!p3 [sflag:s11], $0x800  }
0xaf: {  	s8 =	sshra.s32 @!p4 s1, $0x2;
	[sflag:s11] =	ssyncset.done @!p3 $0x0  }
0xb0: {  	s8 =	sadd.s32 @!p4 $0x500, s8;
	[sflag:s11] =	ssyncadd.s32 @!p3 $0xFFFFF800  }
0xb1: {  	[spmem:s2] =	stream.indirect.scatter.add.f32 @!p3 [tilespmem:s10], [sflag:$0xF], $0x10, s9, s6, $0xb8;
	[tilespmem:$0x10580] =	vst v63  }
0xb2: {  	s9 =	simm.s32 @!p4 $0x5F00;
	s6 =	simm.s32 @!p1 $0x8;
	_ =	swait.ge @!p4 [sflag:s7], $0x800  }
.Ltmp1:
0xb3: {  	[sflag:s7] =	ssyncset.done @!p4 $0x0;
	(pc) =	sbr.rel @p2 .LBB2_4-.Ltmp1, $4  }
0xb4: {  	p3 =	sge.u32 @!p1 s14, s5;
	[sflag:s7] =	ssyncadd.s32 @!p4 $0xFFFFF800;
	s7 =	simm.s32 @!p4 $0x80  }
0xb5: {  	[tilespmem:s9], [sflag:$0x3] =	stream.indirect.gather @!p4 [spmem:s3], $0x10, s8, s7, $0xb8;
	[tilespmem:$0x10580] =	vst v63  }
0xb6: {  	p3 =	por p3, p1;
	_ =	swait.ge @!p1 [sflag:s6], $0x800  }
0xb7: {  	s10 =	sshra.s32 @!p3 s1, $0x2;
	s9 =	simm.s32 @!p3 $0xC;
	[sflag:s6] =	ssyncset.done @!p1 $0x0  }
0xb8: {  	[sflag:s6] =	ssyncadd.s32 @!p1 $0xFFFFF800  }
0xb9: {  	[spmem:s2] =	stream.indirect.scatter.add.f32 @!p1 [tilespmem:s0], [sflag:$0x10], $0x10, s20, s12, $0xb8;
	[tilespmem:$0x10580] =	vst v63  }
0xba: {  	_ =	swait.ge @!p3 [sflag:s9], $0x800  }
0xbb: {  	s1 =	sadd.s32 @!p3 $0x580, s10;
	[sflag:s9] =	ssyncset.done @!p3 $0x0  }
0xbc: {  	s6 =	simm.s32 @!p3 $0x6700;
	s0 =	simm.s32 @!p3 $0x80;
	[sflag:s9] =	ssyncadd.s32 @!p3 $0xFFFFF800  }
0xbd: {  	[tilespmem:s6], [sflag:$0x4] =	stream.indirect.gather @!p3 [spmem:s3], $0x10, s1, s0, $0xb8;
	[tilespmem:$0x10580] =	vst v63  }
0xbe: {  	s6 =	simm.s32 $0x9  }
0xbf: {  	_ =	swait.ge [sflag:s6], $0x800  }
0xc0: {  	[sflag:s6] =	ssyncset.done $0x0  }
0xc1: {  	s7 =	simm.s32 $0xA;
	[sflag:s6] =	ssyncadd.s32 $0xFFFFF800  }
0xc2: {  	_ =	swait.ge [sflag:s7], $0x800  }
0xc3: {  	[sflag:s7] =	ssyncset.done $0x0  }
0xc4: {  	s8 =	simm.s32 $0xB;
	[sflag:s7] =	ssyncadd.s32 $0xFFFFF800  }
0xc5: {  	_ =	swait.ge [sflag:s8], $0x800  }
0xc6: {  	[sflag:s8] =	ssyncset.done $0x0  }
0xc7: {  	s9 =	simm.s32 $0xC;
	[sflag:s8] =	ssyncadd.s32 $0xFFFFF800  }
0xc8: {  	_ =	swait.ge [sflag:s9], $0x800  }
0xc9: {  	[sflag:s9] =	ssyncset.done $0x0  }
0xca: {  	s10 =	simm.s32 $0xD;
	[sflag:s9] =	ssyncadd.s32 $0xFFFFF800  }
0xcb: {  	_ =	swait.ge [sflag:s10], $0x800  }
0xcc: {  	[sflag:s10] =	ssyncset.done $0x0  }
0xcd: {  	s11 =	simm.s32 $0xE;
	[sflag:s10] =	ssyncadd.s32 $0xFFFFF800  }
0xce: {  	_ =	swait.ge [sflag:s11], $0x800  }
0xcf: {  	[sflag:s11] =	ssyncset.done $0x0  }
0xd0: {  	s12 =	simm.s32 $0xF;
	[sflag:s11] =	ssyncadd.s32 $0xFFFFF800  }
0xd1: {  	_ =	swait.ge [sflag:s12], $0x800  }
0xd2: {  	[sflag:s12] =	ssyncset.done $0x0  }
0xd3: {  	s13 =	simm.s32 $0x10;
	[sflag:s12] =	ssyncadd.s32 $0xFFFFF800  }
0xd4: {  	_ =	swait.ge [sflag:s13], $0x800  }
0xd5: {  	[sflag:s13] =	ssyncset.done $0x0  }
0xd6: {  	[sflag:s13] =	ssyncadd.s32 $0xFFFFF800  }
0xd7: {  	[bflag:$0x0] =	sbarrier.arrive $0xFFFF  }
0xd8: {  	s11 =	rddreg [dreg:$0x6]  }
0xd9: {  	s18 =	rddreg [dreg:$0x9]  }
0xda: {  	s10 =	simm.s32 $0x11;
	s20 =	rddreg [dreg:$0xb];
	s14 =	sshrl.u32 s11, $0x3  }
0xdb: {  	[hbm:s18], [sflag:s20] =	dma.local [spmem:s14], $0x4F0  }
0xdc: {  	_ =	swait.ge [sflag:s10], $0x4F0  }
0xdd: {  	s4 =	sadd.s32 $0x1, s4;
	s31 =	rddreg [dreg:$0x8]  }
0xde: {  	p1 =	sne.s32 s4, s31  }
.Ltmp2:
0xdf: {  	_ = 	snop;
	(pc) =	sbr.rel @p1 .LBB2_1-.Ltmp2, $3  }
0xe0: {  	_ =	sdelay $0x1  }
0xe1: {  	[sflag:s10] =	ssyncset.done $0x0  }
0xe2: {  	[sflag:s10] =	ssyncadd.s32 $0xFFFFFB10  }
0xe3: {  	_ =	sfence.sel $0x180000  }
0xe4: {  	[bflag:$0x0] =	sbarrier.arrive $0xFFFF  }
0xe5: {  	_ =	strace $0x9000004A  }
0xe6: {  	s0 =	stileid.u32;
	[bflag:$0x2] =	sbarrier.arrive $0xFFFF  }
0xe7: {  	p0 =	sne.s32 s0, $0x0;
	s0 =	rddreg [dreg:$0x3]  }
0xe8: {  	s0 =	sadd.s32 @!p0 $0x100000, s0  }
0xe9: {  	[sflag:s0] =	ssyncadd.tile.s32 @!p0 $0x1;
	_ =	shalt  }
.Lfunc_end2:
_tile_overlayer_lowered:
.L_overlay_start_2:
0xea: {  	(tag) =	ssettag $0x2  }
0xeb: {  	s0 =	rddreg [dreg:$0x0];
	s2 =	stileid.u32  }
0xec: {  	s1 =	rddreg [dreg:$0x1];
	p0 =	sne.s32 s2, $0x0  }
0xed: {  	s3 =	rddreg [dreg:$0x2];
	[bflag:$0x3] =	sbarrier.arrive $0xFFFF;
	s2 =	simm.s32 @!p0 $0x1C11  }
0xee: {  	[timem:s3], [sflag:s2] =	dma.local @!p0 [hbm:s0], s1  }
0xef: {  	s0 =	simm.s32 @!p0 $0x11  }
0xf0: {  	_ =	swait.ge @!p0 [sflag:s0], s1  }
0xf1: {  	s1 =	ssub.s32 @!p0 $0x0, s1;
	[sflag:s0] =	ssyncset.done @!p0 $0x0  }
0xf2: {  	[sflag:s0] =	ssyncadd.s32 @!p0 s1  }
0xf3: {  	[bflag:$0x3] =	sbarrier.arrive $0xFFFF  }
0xf4: {  	_ =	shalt  }

// kernel: kernel.14.cloned.1.call-start
scs
__scs_entry_jumppad:
0x0: {  	(pc) =	sbr.rel $0x88, $3  }
0x1: {  	(tag) =	ssettag $0x0;
	lr =	simm.s32 $0x1  }
0x2: {  	[smem:$0x3F98] =	sst lr;
	_ =	strace $0xD0000000  }
0x3: {  	_ = 	snop  }
0x4: {  	_ = 	snop  }
0x5: {  	_ = 	snop  }
0x6: {  	_ = 	snop  }
0x7: {  	_ = 	snop  }
__scs_overlays_trampoline_lowered:
0x8: {  	[smem:$0x3FA7] =	sst s0  }
0x9: {  	[smem:$0x3FA8] =	sst s1  }
0xa: {  	[smem:$0x3FA9] =	sst s2  }
0xb: {  	[smem:$0x3FAA] =	sst s3  }
0xc: {  	[smem:$0x3FAB] =	sst s4  }
0xd: {  	[smem:$0x3FAC] =	sst s5  }
0xe: {  	[smem:$0x3FAD] =	sst s6  }
0xf: {  	[smem:$0x3FAE] =	sst s7  }
0x10: {  	[smem:$0x3FAF] =	sst s8  }
0x11: {  	[smem:$0x3FB0] =	sst s9;
	s0 =	simm.s32 @!p0 $0x0  }
0x12: {  	s1 =	sld [smem:$0x3F96];
	s0 =	simm.s32 @p0 $0x1  }
0x13: {  	[smem:$0x3FB1] =	sst s0;
	s0 =	simm.s32 @!p1 $0x0  }
0x14: {  	s2 =	sld [smem:$0x3F95];
	s0 =	simm.s32 @p1 $0x1  }
0x15: {  	[smem:$0x3FB2] =	sst s0;
	s0 =	simm.s32 @!p2 $0x0  }
0x16: {  	s3 =	sld [smem:$0x3FDB];
	s0 =	simm.s32 @p2 $0x1  }
0x17: {  	s4 =	simm.s32 $0x1BF5;
	[smem:$0x3FB4] =	sst s0  }
0x18: {  	s0 =	sld [smem:$0x3F97];
	_ =	swait.ge [sflag:s4], $0x0  }
0x19: {  	s7 =	sld [smem:$0x3F98]  }
0x1a: {  	s8 =	sadd.s32 $0xFFFFE003, lr  }
0x1b: {  	s9 =	sadd.s32 $0xFFFFFEF7, lr;
	s5 =	simm.s32 $0xFFFFFFFF;
	p2 =	slt.u32 s8, $0xFFFFF086  }
0x1c: {  	p1 =	slt.u32 s9, $0xF7A;
	s5 =	simm.s32 @!p2 $0x0  }
0x1d: {  	s5 =	simm.s32 @p1 $0x1;
	p0 =	seq.s32 s7, s2  }
0x1e: {  	s7 =	smul.u32 @!p0 $0xF7A, s2;
	p2 =	seq.s32 @!p0 s5, $0x0  }
0x1f: {  	s9 =	smul.u32 $0xF7A, s1;
	s8 =	simm.s32 @!p0 $0x1BF5;
	p2 =	por !p2, p0  }
0x20: {  	[sflag:s8] =	ssyncset.s32 @!p0 $0xFFFFF086;
	s6 =	sadd.s32 @!p0 s3, s7;
	s7 =	simm.s32 @!p0 $0x108  }
0x21: {  	s3 =	sadd.s32 s3, s9;
	s6 =	sadd.s32 @!p0 $0x88, s6;
	s7 =	simm.s32 @p2 $0x1082  }
0x22: {  	[simem:s7], [sflag:s8] =	dma.local @!p0 [hbm:s6], $0xF7A  }
0x23: {  	s9 =	sor.u32 $0xD0000000, s2;
	s6 =	simm.s32 $0x108;
	_ =	swait.ge @!p0 [sflag:s8], $0x0  }
0x24: {  	s3 =	sadd.s32 $0x88, s3;
	s6 =	simm.s32 @!p1 $0x1082;
	[sflag:s4] =	ssyncset.s32 $0xFFFFF086  }
0x25: {  	[simem:s6], [sflag:s4] =	dma.local [hbm:s3], $0xF7A  }
0x26: {  	[smem:$0x3F98] =	sst s1;
	(tag) =	ssettag s2;
	_ =	strace s9  }
0x27: {  	s1 =	sld [smem:$0x3FA8]  }
0x28: {  	s2 =	sld [smem:$0x3FA9]  }
0x29: {  	s4 =	sld [smem:$0x3FAB]  }
0x2a: {  	p0 =	seq.s32 s5, $0x0;
	s5 =	sld [smem:$0x3FAC]  }
0x2b: {  	s6 =	sld [smem:$0x3FAD]  }
0x2c: {  	s7 =	sld [smem:$0x3FAE]  }
0x2d: {  	s3 =	simm.s32 $0x108;
	s8 =	sld [smem:$0x3FAF]  }
0x2e: {  	s3 =	simm.s32 @!p0 $0x1082;
	s9 =	sld [smem:$0x3FB0]  }
0x2f: {  	lr =	sadd.s32 s0, s3;
	s0 =	sld [smem:$0x3FA7]  }
0x30: {  	s3 =	sld [smem:$0x3FAA]  }
0x31: {  	[smem:$0x3FB3] =	sst s10  }
0x32: {  	s10 =	sld [smem:$0x3FB1];
	_ =	sdelay $0x3  }
0x33: {  	p0 =	seq.s32 s10, $0x1;
	s10 =	sld [smem:$0x3FB3];
	_ =	sdelay $0x3  }
0x34: {  	[smem:$0x3FB3] =	sst s10  }
0x35: {  	s10 =	sld [smem:$0x3FB2];
	_ =	sdelay $0x3  }
0x36: {  	p1 =	seq.s32 s10, $0x1;
	s10 =	sld [smem:$0x3FB3];
	_ =	sdelay $0x3  }
0x37: {  	[smem:$0x3FB3] =	sst s10  }
0x38: {  	s10 =	sld [smem:$0x3FB4]  }
0x39: {  	_ = 	snop;
	(pc) =	sbr.ind lr, $3  }
0x3a: {  	_ = 	snop  }
0x3b: {  	_ = 	snop  }
0x3c: {  	p2 =	seq.s32 s10, $0x1;
	s10 =	sld [smem:$0x3FB3]  }
0x3d: {  	_ =	shalt  }
0x3e: {  	_ =	shalt  }
0x3f: {  	_ =	shalt  }
0x40: {  	_ =	shalt  }
0x41: {  	_ =	shalt  }
0x42: {  	_ =	shalt  }
0x43: {  	_ =	shalt  }
0x44: {  	_ =	shalt  }
0x45: {  	_ =	shalt  }
0x46: {  	_ =	shalt  }
0x47: {  	_ =	shalt  }
0x48: {  	_ =	shalt  }
0x49: {  	_ =	shalt  }
0x4a: {  	_ =	shalt  }
0x4b: {  	_ =	shalt  }
0x4c: {  	_ =	shalt  }
0x4d: {  	_ =	shalt  }
0x4e: {  	_ =	shalt  }
0x4f: {  	_ =	shalt  }
0x50: {  	_ =	shalt  }
0x51: {  	_ =	shalt  }
0x52: {  	_ =	shalt  }
0x53: {  	_ =	shalt  }
0x54: {  	_ =	shalt  }
0x55: {  	_ =	shalt  }
0x56: {  	_ =	shalt  }
0x57: {  	_ =	shalt  }
0x58: {  	_ =	shalt  }
0x59: {  	_ =	shalt  }
0x5a: {  	_ =	shalt  }
0x5b: {  	_ =	shalt  }
0x5c: {  	_ =	shalt  }
0x5d: {  	_ =	shalt  }
0x5e: {  	_ =	shalt  }
0x5f: {  	_ =	shalt  }
0x60: {  	_ =	shalt  }
0x61: {  	_ =	shalt  }
0x62: {  	_ =	shalt  }
0x63: {  	_ =	shalt  }
0x64: {  	_ =	shalt  }
0x65: {  	_ =	shalt  }
0x66: {  	_ =	shalt  }
0x67: {  	_ =	shalt  }
0x68: {  	_ =	shalt  }
0x69: {  	_ =	shalt  }
0x6a: {  	_ =	shalt  }
0x6b: {  	_ =	shalt  }
0x6c: {  	_ =	shalt  }
0x6d: {  	_ =	shalt  }
0x6e: {  	_ =	shalt  }
0x6f: {  	_ =	shalt  }
0x70: {  	_ =	shalt  }
0x71: {  	_ =	shalt  }
0x72: {  	_ =	shalt  }
0x73: {  	_ =	shalt  }
0x74: {  	_ =	shalt  }
0x75: {  	_ =	shalt  }
0x76: {  	_ =	shalt  }
0x77: {  	_ =	shalt  }
0x78: {  	_ =	shalt  }
0x79: {  	_ =	shalt  }
0x7a: {  	_ =	shalt  }
0x7b: {  	_ =	shalt  }
0x7c: {  	_ =	shalt  }
0x7d: {  	_ =	shalt  }
0x7e: {  	_ =	shalt  }
0x7f: {  	_ =	shalt  }
0x80: {  	_ =	shalt  }
0x81: {  	_ =	shalt  }
0x82: {  	_ =	shalt  }
0x83: {  	_ =	shalt  }
0x84: {  	_ =	shalt  }
0x85: {  	_ =	shalt  }
0x86: {  	_ =	shalt  }
0x87: {  	_ =	shalt  }
.Lfunc_end0:
.L_simem_size_0:
called_computation.2_lowered:
.L_overlay_start_0:
0x88: {  	s2 =	sld [smem:$0x3FD9]  }
0x89: {  	s3 =	sld [smem:$0x3FFE];
	_ =	sdelay $0x1  }
0x8a: {  	s1 =	srdreg.scid  }
0x8b: {  	s0 =	sand.u32 $0x1, s1  }
0x8c: {  	s16 =	sshll.u32 s0, $0xA;
	s2 =	sadd.s32 s3, s2  }
0x8d: {  	s2 =	sadd.s32 s2, s16  }
0x8e: {  	[smem:$0x3FBF] =	sst s2  }
0x8f: {  	_ = 	snop  }
0x90: {  	(tm) =	ssettm $0x1  }
0x91: {  	s17 =	sld [smem:$0x3FFB];
	_ =	sdelay $0x3  }
0x92: {  	_ =	strace s17  }
0x93: {  	s2 =	sld [smem:$0x3FFC];
	_ =	sdelay $0x3  }
0x94: {  	_ =	strace s2  }
0x95: {  	s2 =	sld [smem:$0x3FFD];
	_ =	sdelay $0x3  }
0x96: {  	_ =	strace s2  }
0x97: {  	_ =	strace $0x8FFFFFFF  }
0x98: {  	s18 =	sld [smem:$0x3FDB];
	_ =	sdelay $0x1  }
0x99: {  	s19 =	simm.s32 $_scs_section_size  }
0x9a: {  	s4 =	simm.s32 $_size__tile_overlayer_lowered;
	s5 =	simm.s32 $_tile_overlayer_lowered  }
0x9b: {  	s22 =	simm.s32 $0x1BFF;
	s21 =	sshll.u32 s5, $0x1;
	s2 =	sadd.s32 s19, s18  }
0x9c: {  	s6 =	simm.s32 $0x0;
	s20 =	sshll.u32 s4, $0x1;
	s4 =	sadd.s32 s21, s2  }
0x9d: {  	[timem:s6], [sflag:s22] =	dma.local [hbm:s4], s20  }
0x9e: {  	_ =	swait.ge [sflag:s22], s20  }
0x9f: {  	s3 =	ssub.s32 $0x0, s20;
	[sflag:s22] =	ssyncset.done $0x0  }
0xa0: {  	[sflag:s22] =	ssyncadd.s32 s3;
	_ =	sdelay $0x1  }
0xa1: {  	s23 =	simm.s32 $0x1B8B  }
0xa2: {  	_ =	swait.ge [sflag:s23], $0x1  }
0xa3: {  	[sflag:s23] =	ssyncset.done $0x0  }
0xa4: {  	s25 =	simm.s32 $0x1B8E;
	s24 =	sld [smem:$0x3FFE];
	[sflag:s23] =	ssyncadd.s32 $0xFFFFFFFF  }
0xa5: {  	s26 =	simm.s32 $execute0_lowered;
	[smem:$0x3FD2] =	sst s25  }
0xa6: {  	s4 =	sshll.u32 s26, $0x1;
	_ =	strace $0x8000004C;
	[dreg:$0x1] =	wrdreg $0xFFFFFFFF  }
0xa7: {  	s28 =	simm.s32 $_size_execute0_lowered;
	s2 =	sadd.s32 s2, s4;
	[dreg:$0x0] =	wrdreg $0x0  }
0xa8: {  	s4 =	sshll.u32 s28, $0x1;
	[dreg:$0x2] =	wrdreg s2  }
0xa9: {  	[dreg:$0x3] =	wrdreg s4  }
0xaa: {  	[dreg:$0x4] =	wrdreg $0xC0  }
0xab: {  	_ =	task [dreg:s6], $0x5FFFF  }
0xac: {  	[dreg:$0x1] =	wrdreg $0xFFFFFFFF  }
0xad: {  	[dreg:$0x0] =	wrdreg $0x60  }
0xae: {  	[dreg:$0x2] =	wrdreg s24  }
0xaf: {  	[dreg:$0x3] =	wrdreg $0xB6800  }
0xb0: {  	[dreg:$0x4] =	wrdreg $0xDE000  }
0xb1: {  	[dreg:$0x5] =	wrdreg $0x9  }
0xb2: {  	_ =	task.clear_ibuf [dreg:s6], $0x6FFFF;
	_ =	strace $0x9000004C  }
0xb3: {  	s29 =	simm.s32 $0x9;
	_ =	strace $0x8000004E  }
0xb4: {  	_ =	swait.ge [sflag:s29], $0x1  }
0xb5: {  	[sflag:s29] =	ssyncadd.s32 $0xFFFFFFFF  }
0xb6: {  	_ =	strace $0x9000004E  }
0xb7: {  	_ =	sfence  }
0xb8: {  	s30 =	sld [smem:$0x0];
	_ =	sdelay $0x2  }
0xb9: {  	s31 =	sshll.u32 s1, $0xD;
	s1 =	sshrl.u32 s1, $0x2  }
0xba: {  	s3 =	sand.u32 $0x4000, s31;
	s1 =	sadd.s32 s1, s30  }
0xbb: {  	s0 =	sor.u32 s3, s0;
	s1 =	sshll.u32 s1, $0x11  }
0xbc: {  	s0 =	sor.u32 s1, s0  }
0xbd: {  	s0 =	sadd.s32 $0x8F2B, s0  }
0xbe: {  	[sflag:s0] =	ssyncadd.remote.s32 $0x1  }
0xbf: {  	_ =	sfence.sel $0xFFFF  }
0xc0: {  	[dreg:$0x0] =	wrdreg $0xFFFFFFFF;
	(pc) =	sbr.abs _section_cstart, $3  }
0xc1: {  	[dreg:$0x1] =	wrdreg $0xFFFFFFFF  }
0xc2: {  	_ =	task.clear_ibuf [dreg:s6], $0x2FFFF;
	_ =	strace $0x9FFFFFFF  }
0xc3: {  	(tm) =	ssettm $0x7FFFFFFF  }
tec
execute0_lowered:
.L_overlay_start_1:
0x0: {  	(tag) =	ssettag $0x1  }
0x1: {  	s0 =	srdreg.scid;
	s1 =	rddreg [dreg:$0x0]  }
0x2: {  	s2 =	rddreg [dreg:$0x1];
	s8 =	stileid.u32  }
0x3: {  	s3 =	rddreg [dreg:$0x2];
	s15 =	simm.s32 $0x80;
	s16 =	simm.s32 $0x4F00  }
0x4: {  	s17 =	simm.s32 $0x5700;
	s19 =	simm.s32 $0x5F00;
	s28 =	simm.s32 $0x4  }
0x5: {  	s29 =	simm.s32 $0x5;
	s0 =	sand.u32 $0x1, s0;
	s9 =	smul.u32 $0x2780, s8  }
0x6: {  	s30 =	simm.s32 $0x6;
	s4 =	sshll.u32 s0, $0x4;
	s22 =	ssub.s32 $0x2, s0  }
0x7: {  	s6 =	sor.u32 s8, s4;
	s4 =	simm.s32 $0x0;
	s20 =	sshrl.u32 s9, $0x3  }
0x8: {  	s10 =	sshrl.u32 s22, $0x1;
	s11 =	sadd.s32 s9, s2;
	s9 =	sadd.s32 s9, s3  }
0x9: {  	s5 =	smul.u32 $0x4E, s6;
	s7 =	smin.u32 s6, $0x4;
	[smem:$0x7FF] =	sst s4  }
0xa: {  	p0 =	sgt.u32 s6, $0x3;
	s10 =	ssub.s32 s22, s10;
	s31 =	sshrl.u32 s9, $0x3  }
0xb: {  	s22 =	simm.s32 $0x1;
	_ =	strace $0x8000004D;
	[dreg:$0xa] =	wrdreg s31  }
0xc: {  	s26 =	smax.u32 s10, $0x1;
	[dreg:$0x6] =	wrdreg s11;
	s5 =	sadd.s32 s7, s5  }
0xd: {  	s10 =	simm.s32 $0x11;
	[dreg:$0x8] =	wrdreg s26;
	s5 =	sshll.u32 s5, $0x4  }
0xe: {  	s26 =	simm.s32 $0x3;
	s21 =	sadd.s32 s5, s1;
	s5 =	simm.s32 $0x4E  }
0xf: {  	s1 =	sadd.s32 s20, s1;
	s5 =	simm.s32 @!p0 $0x4F;
	s23 =	sadd.s32 $0x4400, s21  }
0x10: {  	s24 =	sadd.s32 $0xE040, s21;
	p0 =	seq.s32 s0, $0x1;
	[dreg:$0x4] =	wrdreg s23  }
0x11: {  	s0 =	simm.s32 $0x21E00;
	s25 =	sadd.s32 $0x17E00, s1;
	[dreg:$0x5] =	wrdreg s24  }
0x12: {  	s21 =	simm.s32 $0x6700;
	s0 =	simm.s32 @!p0 $0x1CE00;
	[dreg:$0x7] =	wrdreg s25  }
0x13: {  	p0 =	slt.u32 s6, $0x4;
	s23 =	simm.s32 $0x6F00;
	s0 =	sadd.s32 s0, s1  }
0x14: {  	v0 =	vimm.f32 $0.0e+00;
	s24 =	simm.s32 $0x2;
	s25 =	simm.s32 $0x7700;
	[dreg:$0x9] =	wrdreg s0  }
.LBB2_1:
0x15: {  	s0 =	simm.s32 @p0 $0x0;
	s7 =	rddreg [dreg:$0x4];
	s1 =	simm.s32 @p0 $0x11  }
0x16: {  	[tilespmem:s0], [sflag:$0x11] =	stream.linear.gather @p0 [hbm4b:s7+s0], $0x2780, $0x38;
	[tilespmem:$0x10580] =	vst v63  }
0x17: {  	_ =	swait.ge @p0 [sflag:s1], $0x2780  }
0x18: {  	[sflag:s1] =	ssyncset.done @p0 $0x0  }
0x19: {  	s6 =	simm.s32 @p0 $0x2780;
	s8 =	rddreg [dreg:$0x5];
	[sflag:s1] =	ssyncadd.s32 @p0 $0xFFFFD880  }
0x1a: {  	[tilespmem:s6], [sflag:$0x11] =	stream.linear.gather @p0 [hbm4b:s8+s0], $0x2780, $0x38;
	[tilespmem:$0x10580] =	vst v63  }
0x1b: {  	_ =	swait.ge @p0 [sflag:s1], $0x2780  }
0x1c: {  	[sflag:s1] =	ssyncset.done @p0 $0x0  }
0x1d: {  	s0 =	simm.s32 @!p0 $0x0;
	[sflag:s1] =	ssyncadd.s32 @p0 $0xFFFFD880;
	s1 =	simm.s32 @!p0 $0x11  }
0x1e: {  	[tilespmem:s0], [sflag:$0x11] =	stream.linear.gather @!p0 [hbm4b:s7+s0], $0x2700, $0x38;
	[tilespmem:$0x10580] =	vst v63  }
0x1f: {  	_ =	swait.ge @!p0 [sflag:s1], $0x2700  }
0x20: {  	[sflag:s1] =	ssyncset.done @!p0 $0x0  }
0x21: {  	s6 =	simm.s32 @!p0 $0x2780;
	[sflag:s1] =	ssyncadd.s32 @!p0 $0xFFFFD900  }
0x22: {  	[tilespmem:s6], [sflag:$0x11] =	stream.linear.gather @!p0 [hbm4b:s8+s0], $0x2700, $0x38;
	[tilespmem:$0x10580] =	vst v63  }
0x23: {  	_ =	swait.ge @!p0 [sflag:s1], $0x2700  }
0x24: {  	[sflag:s1] =	ssyncset.done @!p0 $0x0  }
0x25: {  	s0 =	simm.s32 $0x40;
	[sflag:s1] =	ssyncadd.s32 @!p0 $0xFFFFD900;
	s1 =	simm.s32 $0x0  }
.LBB2_2:
0x26: {  	p1 =	sne.s32 s0, $0x9DC0;
	[tilespmem:s1+$0x8F00] =	vst v0;
	s1 =	smov.u32 s0;
	s0 =	sadd.s32 $0x40, s0  }
.Ltmp0:
0x27: {  	(pc) =	sbr.rel @p1 .LBB2_2-.Ltmp0, $2  }
0x28: {  	_ =	sdelay $0x2  }
0x29: {  	s1 =	sshra.s32 s1, $0x2  }
0x2a: {  	[tilespmem:s1+$0x8F00] =	vst v0;
	s0 =	simm.s32 $0x8F00  }
0x2b: {  	[spmem:s11] =	stream.linear.scatter [tilespmem:s0], [sflag:$0x11], $0x2780, $0x38;
	[tilespmem:$0x10580] =	vst v63  }
0x2c: {  	s14 =	stileid.u32;
	_ =	swait.ge [sflag:s10], $0x2780  }
0x2d: {  	s0 =	sshll.u32 s14, $0x6;
	s18 =	rddreg [dreg:$0x7]  }
0x2e: {  	s6 =	sor.u32 $0x1C11, s0;
	[sflag:s10] =	ssyncset.done $0x0;
	s20 =	rddreg [dreg:$0xa]  }
0x2f: {  	[dreg:$0xb] =	wrdreg s6;
	[sflag:s10] =	ssyncadd.s32 $0xFFFFD880  }
0x30: {  	[spmem:s20], [sflag:s6] =	dma.local [hbm:s18], $0x4F0  }
0x31: {  	_ =	swait.ge [sflag:s10], $0x4F0  }
0x32: {  	[sflag:s10] =	ssyncset.done $0x0  }
0x33: {  	[sflag:s10] =	ssyncadd.s32 $0xFFFFFB10  }
0x34: {  	s6 =	simm.s32 $0x0;
	[bflag:$0x0] =	sbarrier.arrive $0xFFFF  }
0x35: {  	[tilespmem:s16], [sflag:$0x1] =	stream.indirect.gather [spmem:s3], $0x10, s6, s15, $0xb8;
	[tilespmem:$0x10580] =	vst v63  }
0x36: {  	_ = 	snop  }
0x37: {  	[tilespmem:s17], [sflag:$0x2] =	stream.indirect.gather [spmem:s3], $0x10, s15, s15, $0xb8;
	[tilespmem:$0x10580] =	vst v63  }
0x38: {  	s7 =	simm.s32 $0x100  }
0x39: {  	[tilespmem:s19], [sflag:$0x3] =	stream.indirect.gather [spmem:s3], $0x10, s7, s15, $0xb8;
	[tilespmem:$0x10580] =	vst v63  }
0x3a: {  	s8 =	simm.s32 $0x180  }
0x3b: {  	[tilespmem:s21], [sflag:$0x4] =	stream.indirect.gather [spmem:s3], $0x10, s8, s15, $0xb8;
	[tilespmem:$0x10580] =	vst v63  }
0x3c: {  	_ =	swait.ge [sflag:s22], $0x800  }
0x3d: {  	p1 =	por $0x1, $0x1;
	[sflag:s22] =	ssyncset.done $0x0  }
0x3e: {  	s9 =	simm.s32 $0x2780;
	s1 =	simm.s32 @!p1 $0xD;
	[sflag:s22] =	ssyncadd.s32 $0xFFFFF800  }
0x3f: {  	[spmem:s2] =	stream.indirect.scatter.add.f32 [tilespmem:s16], [sflag:$0x9], $0x10, s9, s15, $0xb8;
	[tilespmem:$0x10580] =	vst v63  }
0x40: {  	_ =	swait.ge @!p1 [sflag:s1], $0x800  }
0x41: {  	[sflag:s1] =	ssyncset.done @!p1 $0x0  }
0x42: {  	s10 =	simm.s32 $0x200;
	[sflag:s1] =	ssyncadd.s32 @!p1 $0xFFFFF800  }
0x43: {  	[tilespmem:s23], [sflag:$0x5] =	stream.indirect.gather [spmem:s3], $0x10, s10, s15, $0xb8;
	[tilespmem:$0x10580] =	vst v63  }
0x44: {  	_ =	swait.ge [sflag:s24], $0x800  }
0x45: {  	[sflag:s24] =	ssyncset.done $0x0  }
0x46: {  	s11 =	simm.s32 $0x2800;
	s1 =	simm.s32 @!p1 $0xE;
	[sflag:s24] =	ssyncadd.s32 $0xFFFFF800  }
0x47: {  	[spmem:s2] =	stream.indirect.scatter.add.f32 [tilespmem:s17], [sflag:$0xA], $0x10, s11, s15, $0xb8;
	[tilespmem:$0x10580] =	vst v63  }
0x48: {  	_ =	swait.ge @!p1 [sflag:s1], $0x800  }
0x49: {  	[sflag:s1] =	ssyncset.done @!p1 $0x0  }
0x4a: {  	s12 =	simm.s32 $0x280;
	p2 =	sle.u32 s5, $0x6;
	[sflag:s1] =	ssyncadd.s32 @!p1 $0xFFFFF800  }
0x4b: {  	[tilespmem:s25], [sflag:$0x6] =	stream.indirect.gather [spmem:s3], $0x10, s12, s15, $0xb8;
	[tilespmem:$0x10580] =	vst v63  }
0x4c: {  	p1 =	por @!p2 $0x1, $0x1;
	_ =	swait.ge [sflag:s26], $0x800  }
0x4d: {  	p3 =	por p1, p2;
	[sflag:s26] =	ssyncset.done $0x0  }
0x4e: {  	s13 =	simm.s32 $0x2880;
	s1 =	simm.s32 @!p3 $0xF;
	[sflag:s26] =	ssyncadd.s32 $0xFFFFF800  }
0x4f: {  	[spmem:s2] =	stream.indirect.scatter.add.f32 [tilespmem:s19], [sflag:$0xB], $0x10, s13, s15, $0xb8;
	[tilespmem:$0x10580] =	vst v63  }
0x50: {  	_ =	swait.ge @!p3 [sflag:s1], $0x800  }
0x51: {  	s0 =	simm.s32 @!p2 $0x300;
	s6 =	simm.s32 @!p2 $0x7F00;
	[sflag:s1] =	ssyncset.done @!p3 $0x0  }
0x52: {  	p1 =	sle.u32 s5, $0x7;
	[sflag:s1] =	ssyncadd.s32 @!p3 $0xFFFFF800;
	s1 =	simm.s32 @!p2 $0x80  }
0x53: {  	[tilespmem:s6], [sflag:$0x7] =	stream.indirect.gather @!p2 [spmem:s3], $0x10, s0, s1, $0xb8;
	[tilespmem:$0x10580] =	vst v63  }
0x54: {  	p3 =	por @!p1 $0x1, $0x1;
	_ =	swait.ge [sflag:s28], $0x800  }
0x55: {  	p3 =	por p3, p1;
	[sflag:s28] =	ssyncset.done $0x0  }
0x56: {  	s14 =	simm.s32 $0x2900;
	s9 =	simm.s32 @!p3 $0x10;
	[sflag:s28] =	ssyncadd.s32 $0xFFFFF800  }
0x57: {  	[spmem:s2] =	stream.indirect.scatter.add.f32 [tilespmem:s21], [sflag:$0xC], $0x10, s14, s15, $0xb8;
	[tilespmem:$0x10580] =	vst v63  }
0x58: {  	_ =	swait.ge @!p3 [sflag:s9], $0x800  }
0x59: {  	s10 =	simm.s32 @!p1 $0x380;
	[sflag:s9] =	ssyncset.done @!p3 $0x0  }
0x5a: {  	s12 =	simm.s32 @!p1 $0x80;
	s0 =	simm.s32 @!p1 $0x8700;
	[sflag:s9] =	ssyncadd.s32 @!p3 $0xFFFFF800  }
0x5b: {  	[tilespmem:s0], [sflag:$0x8] =	stream.indirect.gather @!p1 [spmem:s3], $0x10, s10, s12, $0xb8;
	[tilespmem:$0x10580] =	vst v63  }
0x5c: {  	_ =	swait.ge [sflag:s29], $0x800  }
0x5d: {  	p3 =	sle.u32 s5, $0x8;
	[sflag:s29] =	ssyncset.done $0x0  }
0x5e: {  	s18 =	simm.s32 $0x2980;
	s10 =	simm.s32 @!p3 $0x9;
	[sflag:s29] =	ssyncadd.s32 $0xFFFFF800  }
0x5f: {  	[spmem:s2] =	stream.indirect.scatter.add.f32 [tilespmem:s23], [sflag:$0xD], $0x10, s18, s15, $0xb8;
	[tilespmem:$0x10580] =	vst v63  }
0x60: {  	_ =	swait.ge @!p3 [sflag:s10], $0x800  }
0x61: {  	s9 =	simm.s32 @!p3 $0x400;
	[sflag:s10] =	ssyncset.done @!p3 $0x0  }
0x62: {  	s14 =	simm.s32 @!p3 $0x4F00;
	[sflag:s10] =	ssyncadd.s32 @!p3 $0xFFFFF800;
	s10 =	simm.s32 @!p3 $0x80  }
0x63: {  	[tilespmem:s14], [sflag:$0x1] =	stream.indirect.gather @!p3 [spmem:s3], $0x10, s9, s10, $0xb8;
	[tilespmem:$0x10580] =	vst v63  }
0x64: {  	_ =	swait.ge [sflag:s30], $0x800  }
0x65: {  	p3 =	sle.u32 s5, $0x9;
	[sflag:s30] =	ssyncset.done $0x0  }
0x66: {  	s20 =	simm.s32 $0x2A00;
	s9 =	simm.s32 @!p3 $0xA;
	[sflag:s30] =	ssyncadd.s32 $0xFFFFF800  }
0x67: {  	[spmem:s2] =	stream.indirect.scatter.add.f32 [tilespmem:s25], [sflag:$0xE], $0x10, s20, s15, $0xb8;
	[tilespmem:$0x10580] =	vst v63  }
0x68: {  	_ =	swait.ge @!p3 [sflag:s9], $0x800  }
0x69: {  	s18 =	simm.s32 @!p2 $0x7;
	s10 =	simm.s32 @!p3 $0x480;
	[sflag:s9] =	ssyncset.done @!p3 $0x0  }
0x6a: {  	s14 =	simm.s32 @!p3 $0x80;
	[sflag:s9] =	ssyncadd.s32 @!p3 $0xFFFFF800;
	s9 =	simm.s32 @!p3 $0x5700  }
0x6b: {  	[tilespmem:s9], [sflag:$0x2] =	stream.indirect.gather @!p3 [spmem:s3], $0x10, s10, s14, $0xb8;
	[tilespmem:$0x10580] =	vst v63  }
0x6c: {  	p3 =	sle.u32 @!p2 s5, $0xA;
	_ =	swait.ge @!p2 [sflag:s18], $0x800  }
0x6d: {  	s31 =	simm.s32 $0x1000;
	p3 =	por p3, p2;
	[sflag:s18] =	ssyncset.done @!p2 $0x0  }
0x6e: {  	s9 =	simm.s32 @!p2 $0x2A80;
	s10 =	simm.s32 @!p3 $0xB;
	[sflag:s18] =	ssyncadd.s32 @!p2 $0xFFFFF800  }
0x6f: {  	[spmem:s2] =	stream.indirect.scatter.add.f32 @!p2 [tilespmem:s6], [sflag:$0xF], $0x10, s9, s1, $0xb8;
	[tilespmem:$0x10580] =	vst v63  }
0x70: {  	s20 =	simm.s32 @!p1 $0x2B00;
	s1 =	simm.s32 @!p3 $0x500;
	_ =	swait.ge @!p3 [sflag:s10], $0x800  }
0x71: {  	s9 =	simm.s32 @!p3 $0x5F00;
	s6 =	simm.s32 @!p1 $0x8;
	[sflag:s10] =	ssyncset.done @!p3 $0x0  }
0x72: {  	p2 =	sle.u32 @!p1 s5, $0xB;
	[sflag:s10] =	ssyncadd.s32 @!p3 $0xFFFFF800;
	s10 =	simm.s32 @!p3 $0x80  }
0x73: {  	[tilespmem:s9], [sflag:$0x3] =	stream.indirect.gather @!p3 [spmem:s3], $0x10, s1, s10, $0xb8;
	[tilespmem:$0x10580] =	vst v63  }
0x74: {  	s14 =	simm.s32 $0xB;
	p3 =	por p2, p1;
	_ =	swait.ge @!p1 [sflag:s6], $0x800  }
0x75: {  	s9 =	simm.s32 @!p3 $0xC;
	s10 =	simm.s32 @!p3 $0x0;
	[sflag:s6] =	ssyncset.done @!p1 $0x0  }
.LBB2_4:
0x76: {  	[sflag:s6] =	ssyncadd.s32 @!p1 $0xFFFFF800  }
0x77: {  	s14 =	sadd.s32 $0x8, s14;
	s1 =	smov.u32 s31;
	s31 =	sadd.s32 $0x1000, s31  }
0x78: {  	[spmem:s2] =	stream.indirect.scatter.add.f32 @!p1 [tilespmem:s0], [sflag:$0x10], $0x10, s20, s12, $0xb8;
	[tilespmem:$0x10580] =	vst v63  }
0x79: {  	s18 =	sshra.s32 s1, $0x2;
	s0 =	simm.s32 @!p3 $0x80;
	_ =	swait.ge @!p3 [sflag:s9], $0x800  }
0x7a: {  	p1 =	seq.s32 s1, $0x0;
	p2 =	sne.s32 s31, $0xA000;
	[sflag:s9] =	ssyncset.done @!p3 $0x0  }
0x7b: {  	s6 =	sadd.s32 @!p3 $0x580, s10;
	[sflag:s9] =	ssyncadd.s32 @!p3 $0xFFFFF800;
	s9 =	simm.s32 @!p3 $0x6700  }
0x7c: {  	[tilespmem:s9], [sflag:$0x4] =	stream.indirect.gather @!p3 [spmem:s3], $0x10, s6, s0, $0xb8;
	[tilespmem:$0x10580] =	vst v63  }
0x7d: {  	_ =	swait.ge [sflag:s22], $0x800  }
0x7e: {  	s0 =	sadd.s32 $0x2780, s18;
	[sflag:s22] =	ssyncset.done $0x0  }
0x7f: {  	s6 =	simm.s32 @!p1 $0xD;
	[sflag:s22] =	ssyncadd.s32 $0xFFFFF800  }
0x80: {  	[spmem:s2] =	stream.indirect.scatter.add.f32 [tilespmem:s16], [sflag:$0x9], $0x10, s0, s15, $0xb8;
	[tilespmem:$0x10580] =	vst v63  }
0x81: {  	_ =	swait.ge @!p1 [sflag:s6], $0x800  }
0x82: {  	s0 =	sadd.s32 $0x200, s18;
	[sflag:s6] =	ssyncset.done @!p1 $0x0  }
0x83: {  	[sflag:s6] =	ssyncadd.s32 @!p1 $0xFFFFF800  }
0x84: {  	[tilespmem:s23], [sflag:$0x5] =	stream.indirect.gather [spmem:s3], $0x10, s0, s15, $0xb8;
	[tilespmem:$0x10580] =	vst v63  }
0x85: {  	_ =	swait.ge [sflag:s24], $0x800  }
0x86: {  	s0 =	sadd.s32 $0x2800, s18;
	[sflag:s24] =	ssyncset.done $0x0  }
0x87: {  	s9 =	sadd.s32 $0xFFFFFFFB, s14;
	s6 =	simm.s32 @!p1 $0xE;
	[sflag:s24] =	ssyncadd.s32 $0xFFFFF800  }
0x88: {  	[spmem:s2] =	stream.indirect.scatter.add.f32 [tilespmem:s17], [sflag:$0xA], $0x10, s0, s15, $0xb8;
	[tilespmem:$0x10580] =	vst v63  }
0x89: {  	p3 =	sge.u32 s9, s5;
	s0 =	sadd.s32 $0x280, s18;
	_ =	swait.ge @!p1 [sflag:s6], $0x800  }
0x8a: {  	p4 =	seq.s32 @!p3 s1, $0x0;
	s9 =	sshra.s32 @!p3 s1, $0x2;
	[sflag:s6] =	ssyncset.done @!p1 $0x0  }
0x8b: {  	p5 =	por p4, p3;
	s12 =	sadd.s32 @!p3 $0x300, s9;
	[sflag:s6] =	ssyncadd.s32 @!p1 $0xFFFFF800  }
0x8c: {  	[tilespmem:s25], [sflag:$0x6] =	stream.indirect.gather [spmem:s3], $0x10, s0, s15, $0xb8;
	[tilespmem:$0x10580] =	vst v63  }
0x8d: {  	s6 =	simm.s32 @!p5 $0xF;
	s0 =	sadd.s32 $0x2880, s18;
	_ =	swait.ge [sflag:s26], $0x800  }
0x8e: {  	s20 =	sadd.s32 @!p3 $0xFFFFFFFF, s14;
	s9 =	sadd.s32 @!p3 $0x2A80, s9;
	[sflag:s26] =	ssyncset.done $0x0  }
0x8f: {  	s10 =	simm.s32 @!p3 $0x7F00;
	[sflag:s26] =	ssyncadd.s32 $0xFFFFF800  }
0x90: {  	[spmem:s2] =	stream.indirect.scatter.add.f32 [tilespmem:s19], [sflag:$0xB], $0x10, s0, s15, $0xb8;
	[tilespmem:$0x10580] =	vst v63  }
0x91: {  	p4 =	sge.u32 @!p3 s20, s5;
	s0 =	sadd.s32 $0xFFFFFFFC, s14;
	_ =	swait.ge @!p5 [sflag:s6], $0x800  }
0x92: {  	p4 =	por p4, p3;
	p1 =	sge.u32 s0, s5;
	[sflag:s6] =	ssyncset.done @!p5 $0x0  }
0x93: {  	[sflag:s6] =	ssyncadd.s32 @!p5 $0xFFFFF800;
	s6 =	simm.s32 @!p3 $0x80;
	p5 =	seq.s32 @!p1 s1, $0x0  }
0x94: {  	[tilespmem:s10], [sflag:$0x7] =	stream.indirect.gather @!p3 [spmem:s3], $0x10, s12, s6, $0xb8;
	[tilespmem:$0x10580] =	vst v63  }
0x95: {  	s0 =	sshra.s32 @!p1 s1, $0x2;
	p5 =	por p5, p1;
	_ =	swait.ge [sflag:s28], $0x800  }
0x96: {  	s8 =	sadd.s32 @!p1 $0x380, s0;
	s7 =	simm.s32 @!p5 $0x10;
	[sflag:s28] =	ssyncset.done $0x0  }
0x97: {  	s20 =	sadd.s32 @!p1 $0x2B00, s0;
	s12 =	sadd.s32 $0x2900, s18;
	[sflag:s28] =	ssyncadd.s32 $0xFFFFF800  }
0x98: {  	[spmem:s2] =	stream.indirect.scatter.add.f32 [tilespmem:s21], [sflag:$0xC], $0x10, s12, s15, $0xb8;
	[tilespmem:$0x10580] =	vst v63  }
0x99: {  	s0 =	simm.s32 @!p1 $0x8700;
	s12 =	simm.s32 @!p1 $0x80;
	_ =	swait.ge @!p5 [sflag:s7], $0x800  }
0x9a: {  	[sflag:s7] =	ssyncset.done @!p5 $0x0  }
0x9b: {  	[sflag:s7] =	ssyncadd.s32 @!p5 $0xFFFFF800  }
0x9c: {  	[tilespmem:s0], [sflag:$0x8] =	stream.indirect.gather @!p1 [spmem:s3], $0x10, s8, s12, $0xb8;
	[tilespmem:$0x10580] =	vst v63  }
0x9d: {  	s7 =	sadd.s32 $0xFFFFFFFD, s14;
	_ =	swait.ge [sflag:s29], $0x800  }
0x9e: {  	s8 =	sadd.s32 $0x2980, s18;
	p5 =	sge.u32 s7, s5;
	[sflag:s29] =	ssyncset.done $0x0  }
0x9f: {  	s7 =	simm.s32 @!p5 $0x9;
	s11 =	sshra.s32 @!p5 s1, $0x2;
	[sflag:s29] =	ssyncadd.s32 $0xFFFFF800  }
0xa0: {  	[spmem:s2] =	stream.indirect.scatter.add.f32 [tilespmem:s23], [sflag:$0xD], $0x10, s8, s15, $0xb8;
	[tilespmem:$0x10580] =	vst v63  }
0xa1: {  	s8 =	sadd.s32 @!p5 $0x400, s11;
	_ =	swait.ge @!p5 [sflag:s7], $0x800  }
0xa2: {  	[sflag:s7] =	ssyncset.done @!p5 $0x0  }
0xa3: {  	s11 =	simm.s32 @!p5 $0x4F00;
	[sflag:s7] =	ssyncadd.s32 @!p5 $0xFFFFF800;
	s7 =	simm.s32 @!p5 $0x80  }
0xa4: {  	[tilespmem:s11], [sflag:$0x1] =	stream.indirect.gather @!p5 [spmem:s3], $0x10, s8, s7, $0xb8;
	[tilespmem:$0x10580] =	vst v63  }
0xa5: {  	_ =	swait.ge [sflag:s30], $0x800  }
0xa6: {  	s7 =	sadd.s32 $0xFFFFFFFE, s14;
	[sflag:s30] =	ssyncset.done $0x0  }
0xa7: {  	s8 =	sadd.s32 $0x2A00, s18;
	p5 =	sge.u32 s7, s5;
	[sflag:s30] =	ssyncadd.s32 $0xFFFFF800  }
0xa8: {  	[spmem:s2] =	stream.indirect.scatter.add.f32 [tilespmem:s25], [sflag:$0xE], $0x10, s8, s15, $0xb8;
	[tilespmem:$0x10580] =	vst v63  }
0xa9: {  	s7 =	simm.s32 @!p5 $0xA;
	s8 =	sshra.s32 @!p5 s1, $0x2  }
0xaa: {  	s11 =	simm.s32 @!p3 $0x7;
	s8 =	sadd.s32 @!p5 $0x480, s8;
	_ =	swait.ge @!p5 [sflag:s7], $0x800  }
0xab: {  	s18 =	simm.s32 @!p5 $0x80;
	s13 =	simm.s32 @!p5 $0x5700;
	[sflag:s7] =	ssyncset.done @!p5 $0x0  }
0xac: {  	[sflag:s7] =	ssyncadd.s32 @!p5 $0xFFFFF800  }
0xad: {  	[tilespmem:s13], [sflag:$0x2] =	stream.indirect.gather @!p5 [spmem:s3], $0x10, s8, s18, $0xb8;
	[tilespmem:$0x10580] =	vst v63  }
0xae: {  	s7 =	simm.s32 @!p4 $0xB;
	_ =	swait.ge @!p3 [sflag:s11], $0x800  }
0xaf: {  	s8 =	sshra.s32 @!p4 s1, $0x2;
	[sflag:s11] =	ssyncset.done @!p3 $0x0  }
0xb0: {  	s8 =	sadd.s32 @!p4 $0x500, s8;
	[sflag:s11] =	ssyncadd.s32 @!p3 $0xFFFFF800  }
0xb1: {  	[spmem:s2] =	stream.indirect.scatter.add.f32 @!p3 [tilespmem:s10], [sflag:$0xF], $0x10, s9, s6, $0xb8;
	[tilespmem:$0x10580] =	vst v63  }
0xb2: {  	s9 =	simm.s32 @!p4 $0x5F00;
	s6 =	simm.s32 @!p1 $0x8;
	_ =	swait.ge @!p4 [sflag:s7], $0x800  }
.Ltmp1:
0xb3: {  	[sflag:s7] =	ssyncset.done @!p4 $0x0;
	(pc) =	sbr.rel @p2 .LBB2_4-.Ltmp1, $4  }
0xb4: {  	p3 =	sge.u32 @!p1 s14, s5;
	[sflag:s7] =	ssyncadd.s32 @!p4 $0xFFFFF800;
	s7 =	simm.s32 @!p4 $0x80  }
0xb5: {  	[tilespmem:s9], [sflag:$0x3] =	stream.indirect.gather @!p4 [spmem:s3], $0x10, s8, s7, $0xb8;
	[tilespmem:$0x10580] =	vst v63  }
0xb6: {  	p3 =	por p3, p1;
	_ =	swait.ge @!p1 [sflag:s6], $0x800  }
0xb7: {  	s10 =	sshra.s32 @!p3 s1, $0x2;
	s9 =	simm.s32 @!p3 $0xC;
	[sflag:s6] =	ssyncset.done @!p1 $0x0  }
0xb8: {  	[sflag:s6] =	ssyncadd.s32 @!p1 $0xFFFFF800  }
0xb9: {  	[spmem:s2] =	stream.indirect.scatter.add.f32 @!p1 [tilespmem:s0], [sflag:$0x10], $0x10, s20, s12, $0xb8;
	[tilespmem:$0x10580] =	vst v63  }
0xba: {  	_ =	swait.ge @!p3 [sflag:s9], $0x800  }
0xbb: {  	s1 =	sadd.s32 @!p3 $0x580, s10;
	[sflag:s9] =	ssyncset.done @!p3 $0x0  }
0xbc: {  	s6 =	simm.s32 @!p3 $0x6700;
	s0 =	simm.s32 @!p3 $0x80;
	[sflag:s9] =	ssyncadd.s32 @!p3 $0xFFFFF800  }
0xbd: {  	[tilespmem:s6], [sflag:$0x4] =	stream.indirect.gather @!p3 [spmem:s3], $0x10, s1, s0, $0xb8;
	[tilespmem:$0x10580] =	vst v63  }
0xbe: {  	s6 =	simm.s32 $0x9  }
0xbf: {  	_ =	swait.ge [sflag:s6], $0x800  }
0xc0: {  	[sflag:s6] =	ssyncset.done $0x0  }
0xc1: {  	s7 =	simm.s32 $0xA;
	[sflag:s6] =	ssyncadd.s32 $0xFFFFF800  }
0xc2: {  	_ =	swait.ge [sflag:s7], $0x800  }
0xc3: {  	[sflag:s7] =	ssyncset.done $0x0  }
0xc4: {  	s8 =	simm.s32 $0xB;
	[sflag:s7] =	ssyncadd.s32 $0xFFFFF800  }
0xc5: {  	_ =	swait.ge [sflag:s8], $0x800  }
0xc6: {  	[sflag:s8] =	ssyncset.done $0x0  }
0xc7: {  	s9 =	simm.s32 $0xC;
	[sflag:s8] =	ssyncadd.s32 $0xFFFFF800  }
0xc8: {  	_ =	swait.ge [sflag:s9], $0x800  }
0xc9: {  	[sflag:s9] =	ssyncset.done $0x0  }
0xca: {  	s10 =	simm.s32 $0xD;
	[sflag:s9] =	ssyncadd.s32 $0xFFFFF800  }
0xcb: {  	_ =	swait.ge [sflag:s10], $0x800  }
0xcc: {  	[sflag:s10] =	ssyncset.done $0x0  }
0xcd: {  	s11 =	simm.s32 $0xE;
	[sflag:s10] =	ssyncadd.s32 $0xFFFFF800  }
0xce: {  	_ =	swait.ge [sflag:s11], $0x800  }
0xcf: {  	[sflag:s11] =	ssyncset.done $0x0  }
0xd0: {  	s12 =	simm.s32 $0xF;
	[sflag:s11] =	ssyncadd.s32 $0xFFFFF800  }
0xd1: {  	_ =	swait.ge [sflag:s12], $0x800  }
0xd2: {  	[sflag:s12] =	ssyncset.done $0x0  }
0xd3: {  	s13 =	simm.s32 $0x10;
	[sflag:s12] =	ssyncadd.s32 $0xFFFFF800  }
0xd4: {  	_ =	swait.ge [sflag:s13], $0x800  }
0xd5: {  	[sflag:s13] =	ssyncset.done $0x0  }
0xd6: {  	[sflag:s13] =	ssyncadd.s32 $0xFFFFF800  }
0xd7: {  	[bflag:$0x0] =	sbarrier.arrive $0xFFFF  }
0xd8: {  	s11 =	rddreg [dreg:$0x6]  }
0xd9: {  	s18 =	rddreg [dreg:$0x9]  }
0xda: {  	s10 =	simm.s32 $0x11;
	s20 =	rddreg [dreg:$0xb];
	s14 =	sshrl.u32 s11, $0x3  }
0xdb: {  	[hbm:s18], [sflag:s20] =	dma.local [spmem:s14], $0x4F0  }
0xdc: {  	_ =	swait.ge [sflag:s10], $0x4F0  }
0xdd: {  	s4 =	sadd.s32 $0x1, s4;
	s31 =	rddreg [dreg:$0x8]  }
0xde: {  	p1 =	sne.s32 s4, s31  }
.Ltmp2:
0xdf: {  	_ = 	snop;
	(pc) =	sbr.rel @p1 .LBB2_1-.Ltmp2, $3  }
0xe0: {  	_ =	sdelay $0x1  }
0xe1: {  	[sflag:s10] =	ssyncset.done $0x0  }
0xe2: {  	[sflag:s10] =	ssyncadd.s32 $0xFFFFFB10  }
0xe3: {  	_ =	sfence.sel $0x180000  }
0xe4: {  	[bflag:$0x0] =	sbarrier.arrive $0xFFFF  }
0xe5: {  	_ =	strace $0x9000004D  }
0xe6: {  	s0 =	stileid.u32;
	[bflag:$0x2] =	sbarrier.arrive $0xFFFF  }
0xe7: {  	p0 =	sne.s32 s0, $0x0;
	s0 =	rddreg [dreg:$0x3]  }
0xe8: {  	s0 =	sadd.s32 @!p0 $0x100000, s0  }
0xe9: {  	[sflag:s0] =	ssyncadd.tile.s32 @!p0 $0x1;
	_ =	shalt  }
.Lfunc_end2:
_tile_overlayer_lowered:
.L_overlay_start_2:
0xea: {  	(tag) =	ssettag $0x2  }
0xeb: {  	s0 =	rddreg [dreg:$0x0];
	s2 =	stileid.u32  }
0xec: {  	s1 =	rddreg [dreg:$0x1];
	p0 =	sne.s32 s2, $0x0  }
0xed: {  	s3 =	rddreg [dreg:$0x2];
	[bflag:$0x3] =	sbarrier.arrive $0xFFFF;
	s2 =	simm.s32 @!p0 $0x1C11  }
0xee: {  	[timem:s3], [sflag:s2] =	dma.local @!p0 [hbm:s0], s1  }
0xef: {  	s0 =	simm.s32 @!p0 $0x11  }
0xf0: {  	_ =	swait.ge @!p0 [sflag:s0], s1  }
0xf1: {  	s1 =	ssub.s32 @!p0 $0x0, s1;
	[sflag:s0] =	ssyncset.done @!p0 $0x0  }
0xf2: {  	[sflag:s0] =	ssyncadd.s32 @!p0 s1  }
0xf3: {  	[bflag:$0x3] =	sbarrier.arrive $0xFFFF  }
0xf4: {  	_ =	shalt  }

// kernel: kernel.8.cloned.1.call-start
scs
__scs_entry_jumppad:
0x0: {  	(pc) =	sbr.rel $0x88, $3  }
0x1: {  	(tag) =	ssettag $0x0;
	lr =	simm.s32 $0x1  }
0x2: {  	[smem:$0x3F98] =	sst lr;
	_ =	strace $0xD0000000  }
0x3: {  	_ = 	snop  }
0x4: {  	_ = 	snop  }
0x5: {  	_ = 	snop  }
0x6: {  	_ = 	snop  }
0x7: {  	_ = 	snop  }
__scs_overlays_trampoline_lowered:
0x8: {  	[smem:$0x3FA7] =	sst s0  }
0x9: {  	[smem:$0x3FA8] =	sst s1  }
0xa: {  	[smem:$0x3FA9] =	sst s2  }
0xb: {  	[smem:$0x3FAA] =	sst s3  }
0xc: {  	[smem:$0x3FAB] =	sst s4  }
0xd: {  	[smem:$0x3FAC] =	sst s5  }
0xe: {  	[smem:$0x3FAD] =	sst s6  }
0xf: {  	[smem:$0x3FAE] =	sst s7  }
0x10: {  	[smem:$0x3FAF] =	sst s8  }
0x11: {  	[smem:$0x3FB0] =	sst s9;
	s0 =	simm.s32 @!p0 $0x0  }
0x12: {  	s1 =	sld [smem:$0x3F96];
	s0 =	simm.s32 @p0 $0x1  }
0x13: {  	[smem:$0x3FB1] =	sst s0;
	s0 =	simm.s32 @!p1 $0x0  }
0x14: {  	s2 =	sld [smem:$0x3F95];
	s0 =	simm.s32 @p1 $0x1  }
0x15: {  	[smem:$0x3FB2] =	sst s0;
	s0 =	simm.s32 @!p2 $0x0  }
0x16: {  	s3 =	sld [smem:$0x3FDB];
	s0 =	simm.s32 @p2 $0x1  }
0x17: {  	s4 =	simm.s32 $0x1BF5;
	[smem:$0x3FB4] =	sst s0  }
0x18: {  	s0 =	sld [smem:$0x3F97];
	_ =	swait.ge [sflag:s4], $0x0  }
0x19: {  	s7 =	sld [smem:$0x3F98]  }
0x1a: {  	s8 =	sadd.s32 $0xFFFFE003, lr  }
0x1b: {  	s9 =	sadd.s32 $0xFFFFFEF7, lr;
	s5 =	simm.s32 $0xFFFFFFFF;
	p2 =	slt.u32 s8, $0xFFFFF086  }
0x1c: {  	p1 =	slt.u32 s9, $0xF7A;
	s5 =	simm.s32 @!p2 $0x0  }
0x1d: {  	s5 =	simm.s32 @p1 $0x1;
	p0 =	seq.s32 s7, s2  }
0x1e: {  	s7 =	smul.u32 @!p0 $0xF7A, s2;
	p2 =	seq.s32 @!p0 s5, $0x0  }
0x1f: {  	s9 =	smul.u32 $0xF7A, s1;
	s8 =	simm.s32 @!p0 $0x1BF5;
	p2 =	por !p2, p0  }
0x20: {  	[sflag:s8] =	ssyncset.s32 @!p0 $0xFFFFF086;
	s6 =	sadd.s32 @!p0 s3, s7;
	s7 =	simm.s32 @!p0 $0x108  }
0x21: {  	s3 =	sadd.s32 s3, s9;
	s6 =	sadd.s32 @!p0 $0x88, s6;
	s7 =	simm.s32 @p2 $0x1082  }
0x22: {  	[simem:s7], [sflag:s8] =	dma.local @!p0 [hbm:s6], $0xF7A  }
0x23: {  	s9 =	sor.u32 $0xD0000000, s2;
	s6 =	simm.s32 $0x108;
	_ =	swait.ge @!p0 [sflag:s8], $0x0  }
0x24: {  	s3 =	sadd.s32 $0x88, s3;
	s6 =	simm.s32 @!p1 $0x1082;
	[sflag:s4] =	ssyncset.s32 $0xFFFFF086  }
0x25: {  	[simem:s6], [sflag:s4] =	dma.local [hbm:s3], $0xF7A  }
0x26: {  	[smem:$0x3F98] =	sst s1;
	(tag) =	ssettag s2;
	_ =	strace s9  }
0x27: {  	s1 =	sld [smem:$0x3FA8]  }
0x28: {  	s2 =	sld [smem:$0x3FA9]  }
0x29: {  	s4 =	sld [smem:$0x3FAB]  }
0x2a: {  	p0 =	seq.s32 s5, $0x0;
	s5 =	sld [smem:$0x3FAC]  }
0x2b: {  	s6 =	sld [smem:$0x3FAD]  }
0x2c: {  	s7 =	sld [smem:$0x3FAE]  }
0x2d: {  	s3 =	simm.s32 $0x108;
	s8 =	sld [smem:$0x3FAF]  }
0x2e: {  	s3 =	simm.s32 @!p0 $0x1082;
	s9 =	sld [smem:$0x3FB0]  }
0x2f: {  	lr =	sadd.s32 s0, s3;
	s0 =	sld [smem:$0x3FA7]  }
0x30: {  	s3 =	sld [smem:$0x3FAA]  }
0x31: {  	[smem:$0x3FB3] =	sst s10  }
0x32: {  	s10 =	sld [smem:$0x3FB1];
	_ =	sdelay $0x3  }
0x33: {  	p0 =	seq.s32 s10, $0x1;
	s10 =	sld [smem:$0x3FB3];
	_ =	sdelay $0x3  }
0x34: {  	[smem:$0x3FB3] =	sst s10  }
0x35: {  	s10 =	sld [smem:$0x3FB2];
	_ =	sdelay $0x3  }
0x36: {  	p1 =	seq.s32 s10, $0x1;
	s10 =	sld [smem:$0x3FB3];
	_ =	sdelay $0x3  }
0x37: {  	[smem:$0x3FB3] =	sst s10  }
0x38: {  	s10 =	sld [smem:$0x3FB4]  }
0x39: {  	_ = 	snop;
	(pc) =	sbr.ind lr, $3  }
0x3a: {  	_ = 	snop  }
0x3b: {  	_ = 	snop  }
0x3c: {  	p2 =	seq.s32 s10, $0x1;
	s10 =	sld [smem:$0x3FB3]  }
0x3d: {  	_ =	shalt  }
0x3e: {  	_ =	shalt  }
0x3f: {  	_ =	shalt  }
0x40: {  	_ =	shalt  }
0x41: {  	_ =	shalt  }
0x42: {  	_ =	shalt  }
0x43: {  	_ =	shalt  }
0x44: {  	_ =	shalt  }
0x45: {  	_ =	shalt  }
0x46: {  	_ =	shalt  }
0x47: {  	_ =	shalt  }
0x48: {  	_ =	shalt  }
0x49: {  	_ =	shalt  }
0x4a: {  	_ =	shalt  }
0x4b: {  	_ =	shalt  }
0x4c: {  	_ =	shalt  }
0x4d: {  	_ =	shalt  }
0x4e: {  	_ =	shalt  }
0x4f: {  	_ =	shalt  }
0x50: {  	_ =	shalt  }
0x51: {  	_ =	shalt  }
0x52: {  	_ =	shalt  }
0x53: {  	_ =	shalt  }
0x54: {  	_ =	shalt  }
0x55: {  	_ =	shalt  }
0x56: {  	_ =	shalt  }
0x57: {  	_ =	shalt  }
0x58: {  	_ =	shalt  }
0x59: {  	_ =	shalt  }
0x5a: {  	_ =	shalt  }
0x5b: {  	_ =	shalt  }
0x5c: {  	_ =	shalt  }
0x5d: {  	_ =	shalt  }
0x5e: {  	_ =	shalt  }
0x5f: {  	_ =	shalt  }
0x60: {  	_ =	shalt  }
0x61: {  	_ =	shalt  }
0x62: {  	_ =	shalt  }
0x63: {  	_ =	shalt  }
0x64: {  	_ =	shalt  }
0x65: {  	_ =	shalt  }
0x66: {  	_ =	shalt  }
0x67: {  	_ =	shalt  }
0x68: {  	_ =	shalt  }
0x69: {  	_ =	shalt  }
0x6a: {  	_ =	shalt  }
0x6b: {  	_ =	shalt  }
0x6c: {  	_ =	shalt  }
0x6d: {  	_ =	shalt  }
0x6e: {  	_ =	shalt  }
0x6f: {  	_ =	shalt  }
0x70: {  	_ =	shalt  }
0x71: {  	_ =	shalt  }
0x72: {  	_ =	shalt  }
0x73: {  	_ =	shalt  }
0x74: {  	_ =	shalt  }
0x75: {  	_ =	shalt  }
0x76: {  	_ =	shalt  }
0x77: {  	_ =	shalt  }
0x78: {  	_ =	shalt  }
0x79: {  	_ =	shalt  }
0x7a: {  	_ =	shalt  }
0x7b: {  	_ =	shalt  }
0x7c: {  	_ =	shalt  }
0x7d: {  	_ =	shalt  }
0x7e: {  	_ =	shalt  }
0x7f: {  	_ =	shalt  }
0x80: {  	_ =	shalt  }
0x81: {  	_ =	shalt  }
0x82: {  	_ =	shalt  }
0x83: {  	_ =	shalt  }
0x84: {  	_ =	shalt  }
0x85: {  	_ =	shalt  }
0x86: {  	_ =	shalt  }
0x87: {  	_ =	shalt  }
.Lfunc_end0:
.L_simem_size_0:
called_computation_lowered:
.L_overlay_start_0:
0x88: {  	s2 =	sld [smem:$0x3FD9]  }
0x89: {  	s3 =	sld [smem:$0x3FFE];
	_ =	sdelay $0x1  }
0x8a: {  	s1 =	srdreg.scid  }
0x8b: {  	s0 =	sand.u32 $0x1, s1  }
0x8c: {  	s16 =	sshll.u32 s0, $0xA;
	s2 =	sadd.s32 s3, s2  }
0x8d: {  	s2 =	sadd.s32 s2, s16  }
0x8e: {  	[smem:$0x3FBF] =	sst s2  }
0x8f: {  	_ = 	snop  }
0x90: {  	(tm) =	ssettm $0x1  }
0x91: {  	s17 =	sld [smem:$0x3FFB];
	_ =	sdelay $0x3  }
0x92: {  	_ =	strace s17  }
0x93: {  	s2 =	sld [smem:$0x3FFC];
	_ =	sdelay $0x3  }
0x94: {  	_ =	strace s2  }
0x95: {  	s2 =	sld [smem:$0x3FFD];
	_ =	sdelay $0x3  }
0x96: {  	_ =	strace s2  }
0x97: {  	_ =	strace $0x8FFFFFFF  }
0x98: {  	s18 =	sld [smem:$0x3FDB];
	_ =	sdelay $0x1  }
0x99: {  	s19 =	simm.s32 $_scs_section_size  }
0x9a: {  	s4 =	simm.s32 $_size__tile_overlayer_lowered;
	s5 =	simm.s32 $_tile_overlayer_lowered  }
0x9b: {  	s22 =	simm.s32 $0x1BFF;
	s21 =	sshll.u32 s5, $0x1;
	s2 =	sadd.s32 s19, s18  }
0x9c: {  	s6 =	simm.s32 $0x0;
	s20 =	sshll.u32 s4, $0x1;
	s4 =	sadd.s32 s21, s2  }
0x9d: {  	[timem:s6], [sflag:s22] =	dma.local [hbm:s4], s20  }
0x9e: {  	_ =	swait.ge [sflag:s22], s20  }
0x9f: {  	s3 =	ssub.s32 $0x0, s20;
	[sflag:s22] =	ssyncset.done $0x0  }
0xa0: {  	[sflag:s22] =	ssyncadd.s32 s3;
	_ =	sdelay $0x1  }
0xa1: {  	s23 =	simm.s32 $0x1B8B  }
0xa2: {  	_ =	swait.ge [sflag:s23], $0x1  }
0xa3: {  	[sflag:s23] =	ssyncset.done $0x0  }
0xa4: {  	s25 =	simm.s32 $0x1B8E;
	s24 =	sld [smem:$0x3FFE];
	[sflag:s23] =	ssyncadd.s32 $0xFFFFFFFF  }
0xa5: {  	s26 =	simm.s32 $execute0_lowered;
	[smem:$0x3FD2] =	sst s25  }
0xa6: {  	s4 =	sshll.u32 s26, $0x1;
	_ =	strace $0x80000046;
	[dreg:$0x1] =	wrdreg $0xFFFFFFFF  }
0xa7: {  	s28 =	simm.s32 $_size_execute0_lowered;
	s2 =	sadd.s32 s2, s4;
	[dreg:$0x0] =	wrdreg $0x0  }
0xa8: {  	s4 =	sshll.u32 s28, $0x1;
	[dreg:$0x2] =	wrdreg s2  }
0xa9: {  	[dreg:$0x3] =	wrdreg s4  }
0xaa: {  	[dreg:$0x4] =	wrdreg $0xC0  }
0xab: {  	_ =	task [dreg:s6], $0x5FFFF  }
0xac: {  	[dreg:$0x1] =	wrdreg $0xFFFFFFFF  }
0xad: {  	[dreg:$0x0] =	wrdreg $0x60  }
0xae: {  	[dreg:$0x2] =	wrdreg s24  }
0xaf: {  	[dreg:$0x3] =	wrdreg $0x57000  }
0xb0: {  	[dreg:$0x4] =	wrdreg $0x9  }
0xb1: {  	_ =	task.clear_ibuf [dreg:s6], $0x5FFFF;
	_ =	strace $0x90000046  }
0xb2: {  	s29 =	simm.s32 $0x9;
	_ =	strace $0x80000048  }
0xb3: {  	_ =	swait.ge [sflag:s29], $0x1  }
0xb4: {  	[sflag:s29] =	ssyncadd.s32 $0xFFFFFFFF  }
0xb5: {  	_ =	strace $0x90000048  }
0xb6: {  	_ =	sfence  }
0xb7: {  	s30 =	sld [smem:$0x0];
	_ =	sdelay $0x2  }
0xb8: {  	s31 =	sshll.u32 s1, $0xD;
	s1 =	sshrl.u32 s1, $0x2  }
0xb9: {  	s3 =	sand.u32 $0x4000, s31;
	s1 =	sadd.s32 s1, s30  }
0xba: {  	s0 =	sor.u32 s3, s0;
	s1 =	sshll.u32 s1, $0x11  }
0xbb: {  	s0 =	sor.u32 s1, s0  }
0xbc: {  	s0 =	sadd.s32 $0x8F2B, s0  }
0xbd: {  	[sflag:s0] =	ssyncadd.remote.s32 $0x1  }
0xbe: {  	_ =	sfence.sel $0xFFFF  }
0xbf: {  	[dreg:$0x0] =	wrdreg $0xFFFFFFFF;
	(pc) =	sbr.abs _section_cstart, $3  }
0xc0: {  	[dreg:$0x1] =	wrdreg $0xFFFFFFFF  }
0xc1: {  	_ =	task.clear_ibuf [dreg:s6], $0x2FFFF;
	_ =	strace $0x9FFFFFFF  }
0xc2: {  	(tm) =	ssettm $0x7FFFFFFF  }
0xc3: {  	_ =	shalt  }
tec
execute0_lowered:
.L_overlay_start_1:
0x0: {  	(tag) =	ssettag $0x1  }
0x1: {  	s8 =	rddreg [dreg:$0x0]  }
0x2: {  	s0 =	srdreg.scid;
	s2 =	rddreg [dreg:$0x1];
	s3 =	simm.s32 $0x0  }
0x3: {  	s10 =	simm.s32 $0x1CE00;
	s11 =	simm.s32 $0x80;
	s12 =	simm.s32 $0x2780  }
0x4: {  	s13 =	simm.s32 $0x1;
	s5 =	sand.u32 $0x1, s0;
	s0 =	stileid.u32  }
0x5: {  	[smem:$0x7FF] =	sst s3;
	s1 =	sshll.u32 s5, $0x4;
	s30 =	ssub.s32 $0x2, s5  }
0x6: {  	s31 =	smul.u32 $0x2780, s0;
	p1 =	seq.s32 s5, $0x1;
	s4 =	sor.u32 s0, s1  }
0x7: {  	s1 =	rddreg [dreg:$0x2];
	s9 =	sshrl.u32 s30, $0x1;
	s6 =	smul.u32 $0x4E, s4  }
0x8: {  	_ =	strace $0x80000047;
	s10 =	simm.s32 @!p1 $0x17E00;
	s7 =	smin.u32 s4, $0x4  }
0x9: {  	p0 =	slt.u32 s4, $0x4;
	s4 =	simm.s32 $0x4F;
	s6 =	sadd.s32 s7, s6  }
0xa: {  	s4 =	simm.s32 @!p0 $0x4E;
	s7 =	ssub.s32 s30, s9;
	s6 =	sshll.u32 s6, $0x4  }
0xb: {  	s9 =	sshrl.u32 s31, $0x3;
	s7 =	smax.u32 s7, $0x1;
	s6 =	sadd.s32 s6, s8  }
0xc: {  	s8 =	sadd.s32 s10, s8;
	s10 =	simm.s32 $0x2;
	s5 =	sadd.s32 $0xE040, s6  }
0xd: {  	v0 =	vimm.f32 $1.000000000e+00;
	v1 =	vimm.f32 $0.0e+00;
	s6 =	sadd.s32 s31, s2;
	s8 =	sadd.s32 s8, s9;
	s9 =	simm.s32 $0x2F80  }
.LBB2_1:
0xe: {  	s14 =	simm.s32 @p0 $0x0  }
0xf: {  	[tilespmem:s14], [sflag:$0x2] =	stream.linear.gather @p0 [hbm4b:s5+s14], $0x2780, $0x38;
	[tilespmem:$0x7E80] =	vst v63  }
0x10: {  	s14 =	simm.s32 @p0 $0x2  }
0x11: {  	_ =	swait.ge @p0 [sflag:s14], $0x2780  }
0x12: {  	[sflag:s14] =	ssyncset.done @p0 $0x0  }
0x13: {  	[sflag:s14] =	ssyncadd.s32 @p0 $0xFFFFD880;
	s14 =	simm.s32 @!p0 $0x0  }
0x14: {  	[tilespmem:s14], [sflag:$0x2] =	stream.linear.gather @!p0 [hbm4b:s5+s14], $0x2700, $0x38;
	[tilespmem:$0x7E80] =	vst v63  }
0x15: {  	s14 =	simm.s32 @!p0 $0x2  }
0x16: {  	_ =	swait.ge @!p0 [sflag:s14], $0x2700  }
0x17: {  	[sflag:s14] =	ssyncset.done @!p0 $0x0  }
0x18: {  	[sflag:s14] =	ssyncadd.s32 @!p0 $0xFFFFD900;
	s14 =	simm.s32 $0x0  }
.LBB2_2:
0x19: {  	p1 =	sne.s32 s14, $0x1FC0  }
.Ltmp0:
0x1a: {  	_ = 	snop;
	(pc) =	sbr.rel @p1 .LBB2_2-.Ltmp0, $3  }
0x1b: {  	_ =	sdelay $0x1  }
0x1c: {  	s15 =	sshra.s32 s14, $0x2  }
0x1d: {  	s14 =	sadd.s32 $0x40, s14;
	[tilespmem:s15+$0x2780] =	vst v0  }
0x1e: {  	s14 =	simm.s32 $0x40;
	s15 =	simm.s32 $0x0  }
.LBB2_4:
0x1f: {  	p1 =	sne.s32 s14, $0x9DC0;
	[tilespmem:s15+$0x2F80] =	vst v1;
	s15 =	smov.u32 s14;
	s14 =	sadd.s32 $0x40, s14  }
.Ltmp1:
0x20: {  	(pc) =	sbr.rel @p1 .LBB2_4-.Ltmp1, $2  }
0x21: {  	_ =	sdelay $0x2  }
0x22: {  	s15 =	sshra.s32 s15, $0x2  }
0x23: {  	[tilespmem:s15+$0x2F80] =	vst v1;
	p1 =	sne.s32 s4, $0x1  }
0x24: {  	[spmem:s6] =	stream.linear.scatter [tilespmem:s9], [sflag:$0x2], $0x2780, $0x38;
	[tilespmem:$0x7E80] =	vst v63  }
.Ltmp2:
0x25: {  	_ =	swait.ge [sflag:s10], $0x2780;
	(pc) =	sbr.rel @!p1 .LBB2_7-.Ltmp2, $4  }
0x26: {  	[sflag:s10] =	ssyncset.done $0x0  }
0x27: {  	[sflag:s10] =	ssyncadd.s32 $0xFFFFD880  }
0x28: {  	s14 =	simm.s32 $0x0;
	s15 =	sadd.s32 $0xFFFFFFFF, s4;
	[bflag:$0x0] =	sbarrier.arrive $0xFFFF  }
0x29: {  	[spmem:s2] =	stream.indirect.scatter.add.f32 [tilespmem:s12], [sflag:$0x1], $0x10, s14, s11, $0xb8;
	[tilespmem:$0x7E80] =	vst v63  }
.LBB2_6:
0x2a: {  	p2 =	sne.s32 s15, $0x1  }
.Ltmp3:
0x2b: {  	_ = 	snop;
	(pc) =	sbr.rel @p2 .LBB2_6-.Ltmp3, $3  }
0x2c: {  	_ = 	snop  }
0x2d: {  	s15 =	sadd.s32 $0xFFFFFFFF, s15;
	s14 =	sadd.s32 $0x80, s14;
	_ =	sdelay $0x1  }
0x2e: {  	[spmem:s2] =	stream.indirect.scatter.add.f32 [tilespmem:s12], [sflag:$0x1], $0x10, s14, s11, $0xb8;
	[tilespmem:$0x7E80] =	vst v63  }
.LBB2_7:
.Ltmp4:
0x2f: {  	(pc) =	sbr.rel @!p1 .LBB2_9-.Ltmp4, $3  }
0x30: {  	_ =	sdelay $0x1  }
0x31: {  	_ =	swait.ge [sflag:s13], $0x800  }
0x32: {  	s14 =	sadd.s32 $0xFFFFFFFF, s4;
	[sflag:s13] =	ssyncset.done $0x0  }
.LBB2_8:
0x33: {  	p1 =	sne.s32 s14, $0x1;
	s14 =	sadd.s32 $0xFFFFFFFF, s14;
	[sflag:s13] =	ssyncadd.s32 $0xFFFFF800  }
.Ltmp5:
0x34: {  	(pc) =	sbr.rel @p1 .LBB2_8-.Ltmp5, $3  }
0x35: {  	_ =	sdelay $0x1  }
0x36: {  	_ =	swait.ge [sflag:s13], $0x800  }
0x37: {  	[sflag:s13] =	ssyncset.done $0x0  }
.LBB2_9:
0x38: {  	[sflag:s13] =	ssyncadd.s32 $0xFFFFF800;
	s3 =	sadd.s32 $0x1, s3  }
0x39: {  	s14 =	sshll.u32 s0, $0x6;
	s15 =	sshrl.u32 s6, $0x3;
	p1 =	sne.s32 s3, s7  }
.Ltmp6:
0x3a: {  	[bflag:$0x0] =	sbarrier.arrive $0xFFFF;
	s14 =	sor.u32 $0x1C02, s14;
	(pc) =	sbr.rel @p1 .LBB2_1-.Ltmp6, $4  }
0x3b: {  	[hbm:s8], [sflag:s14] =	dma.local [spmem:s15], $0x4F0  }
0x3c: {  	_ =	swait.ge [sflag:s10], $0x4F0  }
0x3d: {  	[sflag:s10] =	ssyncset.done $0x0  }
0x3e: {  	[sflag:s10] =	ssyncadd.s32 $0xFFFFFB10  }
0x3f: {  	_ =	sfence.sel $0x180000  }
0x40: {  	[bflag:$0x0] =	sbarrier.arrive $0xFFFF  }
0x41: {  	p0 =	sne.s32 s0, $0x0;
	_ =	strace $0x90000047  }
0x42: {  	s0 =	sadd.s32 @!p0 $0x100000, s1;
	[bflag:$0x2] =	sbarrier.arrive $0xFFFF  }
0x43: {  	[sflag:s0] =	ssyncadd.tile.s32 @!p0 $0x1;
	_ =	shalt  }
.Lfunc_end2:
_tile_overlayer_lowered:
.L_overlay_start_2:
0x44: {  	(tag) =	ssettag $0x2  }
0x45: {  	s0 =	rddreg [dreg:$0x0];
	s2 =	stileid.u32  }
0x46: {  	s1 =	rddreg [dreg:$0x1];
	p0 =	sne.s32 s2, $0x0  }
0x47: {  	s3 =	rddreg [dreg:$0x2];
	[bflag:$0x3] =	sbarrier.arrive $0xFFFF;
	s2 =	simm.s32 @!p0 $0x1C02  }
0x48: {  	[timem:s3], [sflag:s2] =	dma.local @!p0 [hbm:s0], s1  }
0x49: {  	s0 =	simm.s32 @!p0 $0x2  }
0x4a: {  	_ =	swait.ge @!p0 [sflag:s0], s1  }
0x4b: {  	s1 =	ssub.s32 @!p0 $0x0, s1;
	[sflag:s0] =	ssyncset.done @!p0 $0x0  }
0x4c: {  	[sflag:s0] =	ssyncadd.s32 @!p0 s1  }
0x4d: {  	[bflag:$0x3] =	sbarrier.arrive $0xFFFF  }
0x4e: {  	_ =	shalt  }

</sc_bundles>
